<compile_context>
chip_gen: v7x
topology: tpu7x:2x2x1
jax: 0.10.2.dev20260603
libtpu: 0.0.44.dev20260713+nightly
codegen_flags: <defaults>
</compile_context>

<pallas_src>
import functools

import jax
import jax.numpy as jnp
from jax import lax
from jax.experimental import pallas as pl
from jax.experimental.pallas import tpu as pltpu
from jax.experimental.pallas import tpu_sc as plsc

_N = 10000
_E = 320000
_NC = 2
_NS = 16
_NW = _NC * _NS
_EPW = _E // _NW
_CH = 125
_NCH = _EPW // _CH
_RPT = 624
_RTAIL = _N - _NS * _RPT
_DEGW = 8


def _sc_mesh():
    return plsc.VectorSubcoreMesh(core_axis_name="c", subcore_axis_name="s")


@functools.cache
def _make_prop(D: int):

    @functools.partial(
        pl.kernel,
        mesh=_sc_mesh(),
        out_type=jax.ShapeDtypeStruct((_NC, _N, D), jnp.float32),
        compiler_params=pltpu.CompilerParams(use_tc_tiling_on_sc=False),
        scratch_types=[
            pltpu.VMEM((_NCH, _CH), jnp.int32),
            pltpu.VMEM((_NCH, _CH), jnp.int32),
            [pltpu.VMEM((_CH, D), jnp.float32) for _ in range(4)],
            [pltpu.SemaphoreType.DMA for _ in range(4)],
            [pltpu.SemaphoreType.DMA for _ in range(4)],
            pltpu.VMEM_SHARED((_N, D), jnp.float32),
        ],
    )
    def prop(y_hbm, em_hbm, zero_hbm, out_hbm,
             srcm_v, dstm_v, rows, gsem, ssem, acc_sh):
        c = lax.axis_index("c")
        s = lax.axis_index("s")
        wid = s * _NC + c
        rbase = s * _RPT
        pltpu.sync_copy(zero_hbm.at[pl.ds(rbase, _RPT)],
                        acc_sh.at[pl.ds(rbase, _RPT)])

        @pl.when(s == _NS - 1)
        def _():
            pltpu.sync_copy(zero_hbm.at[pl.ds(_NS * _RPT, _RTAIL)],
                            acc_sh.at[pl.ds(_NS * _RPT, _RTAIL)])

        pltpu.sync_copy(em_hbm.at[0, pl.ds(wid * _NCH, _NCH)], srcm_v)
        pltpu.sync_copy(em_hbm.at[1, pl.ds(wid * _NCH, _NCH)], dstm_v)
        plsc.subcore_barrier()

        def gather(ci, b):
            pltpu.async_copy(y_hbm.at[srcm_v.at[ci]], rows[b], gsem[b])

        def wait_gather(ci, b):
            pltpu.make_async_copy(y_hbm.at[srcm_v.at[ci]], rows[b],
                                  gsem[b]).wait()

        def scatter(ci, b):
            pltpu.async_copy(rows[b], acc_sh.at[dstm_v.at[ci]], ssem[b],
                             add=True)

        def wait_scatter(ci, b):
            pltpu.make_async_copy(rows[b], acc_sh.at[dstm_v.at[ci]],
                                  ssem[b]).wait()

        gather(0, 0)
        gather(1, 1)
        NB = _NCH // 4

        def body(j, carry):
            c0 = 4 * j

            for b in range(4):
                ci = c0 + b
                wait_gather(ci, b)
                scatter(ci, b)
                if b < 2:
                    @pl.when(j > 0)
                    def _(b=b, ci=ci):
                        wait_scatter(ci - 2, (b + 2) % 4)
                    gather(ci + 2, (b + 2) % 4)
                else:
                    @pl.when(j < NB - 1)
                    def _(b=b, ci=ci):
                        wait_scatter(ci - 2, (b + 2) % 4)
                        gather(ci + 2, (b + 2) % 4)
            return carry

        lax.fori_loop(0, NB, body, 0)
        wait_scatter(_NCH - 4, 0)
        wait_scatter(_NCH - 3, 1)
        wait_scatter(_NCH - 2, 2)
        wait_scatter(_NCH - 1, 3)

        plsc.subcore_barrier()
        pltpu.sync_copy(acc_sh.at[pl.ds(rbase, _RPT)],
                        out_hbm.at[c, pl.ds(rbase, _RPT)])

        @pl.when(s == _NS - 1)
        def _():
            pltpu.sync_copy(acc_sh.at[pl.ds(_NS * _RPT, _RTAIL)],
                            out_hbm.at[c, pl.ds(_NS * _RPT, _RTAIL)])

    return prop


@functools.cache
def _make_deg():

    @functools.partial(
        pl.kernel,
        mesh=_sc_mesh(),
        out_type=jax.ShapeDtypeStruct((_NC, _N, _DEGW), jnp.float32),
        compiler_params=pltpu.CompilerParams(use_tc_tiling_on_sc=False),
        scratch_types=[
            pltpu.VMEM((_NCH, _CH), jnp.int32),
            pltpu.VMEM((_CH, _DEGW), jnp.float32),
            pltpu.VMEM_SHARED((_N, _DEGW), jnp.float32),
            pltpu.SemaphoreType.DMA,
        ],
    )
    def degk(em_hbm, ones_hbm, zero_hbm, out_hbm, dstm_v, ones_v, acc_sh, sem):
        c = lax.axis_index("c")
        s = lax.axis_index("s")
        wid = s * _NC + c
        rbase = s * _RPT
        pltpu.sync_copy(zero_hbm.at[pl.ds(rbase, _RPT)],
                        acc_sh.at[pl.ds(rbase, _RPT)])

        @pl.when(s == _NS - 1)
        def _():
            pltpu.sync_copy(zero_hbm.at[pl.ds(_NS * _RPT, _RTAIL)],
                            acc_sh.at[pl.ds(_NS * _RPT, _RTAIL)])

        pltpu.sync_copy(ones_hbm, ones_v)
        pltpu.sync_copy(em_hbm.at[1, pl.ds(wid * _NCH, _NCH)], dstm_v)
        plsc.subcore_barrier()

        def body(i, carry):
            pltpu.async_copy(ones_v, acc_sh.at[dstm_v.at[i]], sem, add=True)
            return carry

        lax.fori_loop(0, _NCH, body, 0)

        def drain(i, carry):
            pltpu.make_async_copy(ones_v, acc_sh.at[dstm_v.at[i]], sem).wait()
            return carry

        lax.fori_loop(0, _NCH, drain, 0)
        plsc.subcore_barrier()
        pltpu.sync_copy(acc_sh.at[pl.ds(rbase, _RPT)],
                        out_hbm.at[c, pl.ds(rbase, _RPT)])

        @pl.when(s == _NS - 1)
        def _():
            pltpu.sync_copy(acc_sh.at[pl.ds(_NS * _RPT, _RTAIL)],
                            out_hbm.at[c, pl.ds(_NS * _RPT, _RTAIL)])

    return degk


def _deg_call(em):
    ones = jnp.ones((_CH, _DEGW), jnp.float32)
    zero = jnp.zeros((_N, _DEGW), jnp.float32)
    return _make_deg()(em, ones, zero)


def _prop_call(y, em):
    D = y.shape[1]
    zero = jnp.zeros((_N, D), jnp.float32)
    return _make_prop(D)(y, em, zero)


_R = 2000


def _kA1(x, W1):
    Din, Dh = W1.shape

    def body(x_ref, w_ref, xw_ref):
        xw_ref[...] = jnp.dot(x_ref[...], w_ref[...],
                              preferred_element_type=jnp.float32)

    return pl.pallas_call(
        body,
        grid=(_N // _R,),
        in_specs=[
            pl.BlockSpec((_R, Din), lambda i: (i, 0)),
            pl.BlockSpec((Din, Dh), lambda i: (0, 0)),
        ],
        out_specs=pl.BlockSpec((_R, Dh), lambda i: (i, 0)),
        out_shape=jax.ShapeDtypeStruct((_N, Dh), jnp.float32),
    )(x, W1)


def _kA2(degp, xw1):
    Dh = xw1.shape[1]

    def body(degp_ref, xw_ref, dis_ref, y_ref):
        deg = degp_ref[0, :, 0:1] + degp_ref[1, :, 0:1] + 1.0
        dis = lax.rsqrt(deg)
        dis_ref[...] = dis
        y_ref[...] = dis * xw_ref[...]

    return pl.pallas_call(
        body,
        grid=(_N // _R,),
        in_specs=[
            pl.BlockSpec((_NC, _R, _DEGW), lambda i: (0, i, 0)),
            pl.BlockSpec((_R, Dh), lambda i: (i, 0)),
        ],
        out_specs=[
            pl.BlockSpec((_R, 1), lambda i: (i, 0)),
            pl.BlockSpec((_R, Dh), lambda i: (i, 0)),
        ],
        out_shape=[
            jax.ShapeDtypeStruct((_N, 1), jnp.float32),
            jax.ShapeDtypeStruct((_N, Dh), jnp.float32),
        ],
    )(degp, xw1)


def _kB(p, xw, dis, b, Wn):
    Dh = xw.shape[1]
    Dn = Wn.shape[1]

    def body(p_ref, xw_ref, dis_ref, b_ref, w_ref, xwn_ref, yn_ref):
        dis = dis_ref[...]
        h = jnp.maximum(
            dis * (p_ref[0] + p_ref[1]) + dis * dis * xw_ref[...] + b_ref[...],
            0.0)
        xwn = jnp.dot(h, w_ref[...], preferred_element_type=jnp.float32)
        xwn_ref[...] = xwn
        yn_ref[...] = dis * xwn

    return pl.pallas_call(
        body,
        grid=(_N // _R,),
        in_specs=[
            pl.BlockSpec((_NC, _R, Dh), lambda i: (0, i, 0)),
            pl.BlockSpec((_R, Dh), lambda i: (i, 0)),
            pl.BlockSpec((_R, 1), lambda i: (i, 0)),
            pl.BlockSpec((Dh,), lambda i: (0,)),
            pl.BlockSpec((Dh, Dn), lambda i: (0, 0)),
        ],
        out_specs=[
            pl.BlockSpec((_R, Dn), lambda i: (i, 0)),
            pl.BlockSpec((_R, Dn), lambda i: (i, 0)),
        ],
        out_shape=[
            jax.ShapeDtypeStruct((_N, Dn), jnp.float32),
            jax.ShapeDtypeStruct((_N, Dn), jnp.float32),
        ],
    )(p, xw, dis, b, Wn)


def _kC(p, xw, dis, b):
    Dz = xw.shape[1]

    def body(p_ref, xw_ref, dis_ref, b_ref, z_ref, y_ref):
        dis = dis_ref[...]
        z = jnp.maximum(
            dis * (p_ref[0] + p_ref[1]) + dis * dis * xw_ref[...] + b_ref[...],
            0.0)
        z_ref[...] = z
        y_ref[...] = dis * z

    return pl.pallas_call(
        body,
        grid=(_N // _R,),
        in_specs=[
            pl.BlockSpec((_NC, _R, Dz), lambda i: (0, i, 0)),
            pl.BlockSpec((_R, Dz), lambda i: (i, 0)),
            pl.BlockSpec((_R, 1), lambda i: (i, 0)),
            pl.BlockSpec((Dz,), lambda i: (0,)),
        ],
        out_specs=[
            pl.BlockSpec((_R, Dz), lambda i: (i, 0)),
            pl.BlockSpec((_R, Dz), lambda i: (i, 0)),
        ],
        out_shape=[
            jax.ShapeDtypeStruct((_N, Dz), jnp.float32),
            jax.ShapeDtypeStruct((_N, Dz), jnp.float32),
        ],
    )(p, xw, dis, b)


def _kD(q, z, dis, W3, b3, W5, b5):
    Dz = z.shape[1]
    Dh = W3.shape[1]

    def body(q_ref, z_ref, dis_ref, w3_ref, b3_ref, w5_ref, b5_ref,
             a_ref, y4_ref, s5_ref):
        dis = dis_ref[...]
        t = dis * (q_ref[0] + q_ref[1]) + dis * dis * z_ref[...]
        a = jnp.maximum(
            jnp.dot(t, w3_ref[...], preferred_element_type=jnp.float32)
            + b3_ref[...], 0.0)
        a_ref[...] = a
        y4_ref[...] = dis * a
        s5_ref[...] = jnp.maximum(
            jnp.dot(t, w5_ref[...], preferred_element_type=jnp.float32)
            + b5_ref[...], 0.0)

    return pl.pallas_call(
        body,
        grid=(_N // _R,),
        in_specs=[
            pl.BlockSpec((_NC, _R, Dz), lambda i: (0, i, 0)),
            pl.BlockSpec((_R, Dz), lambda i: (i, 0)),
            pl.BlockSpec((_R, 1), lambda i: (i, 0)),
            pl.BlockSpec((Dz, Dh), lambda i: (0, 0)),
            pl.BlockSpec((Dh,), lambda i: (0,)),
            pl.BlockSpec((Dz, Dh), lambda i: (0, 0)),
            pl.BlockSpec((Dh,), lambda i: (0,)),
        ],
        out_specs=[
            pl.BlockSpec((_R, Dh), lambda i: (i, 0)),
            pl.BlockSpec((_R, Dh), lambda i: (i, 0)),
            pl.BlockSpec((_R, Dh), lambda i: (i, 0)),
        ],
        out_shape=[
            jax.ShapeDtypeStruct((_N, Dh), jnp.float32),
            jax.ShapeDtypeStruct((_N, Dh), jnp.float32),
            jax.ShapeDtypeStruct((_N, Dh), jnp.float32),
        ],
    )(q, z, dis, W3, b3, W5, b5)


def _kE(r, a, dis, W4, b4):
    Dh, Dout = W4.shape

    def body(r_ref, a_ref, dis_ref, w_ref, b_ref, o_ref):
        dis = dis_ref[...]
        u = dis * (r_ref[0] + r_ref[1]) + dis * dis * a_ref[...]
        o_ref[...] = jnp.maximum(
            jnp.dot(u, w_ref[...], preferred_element_type=jnp.float32)
            + b_ref[...], 0.0)

    return pl.pallas_call(
        body,
        grid=(_N // _R,),
        in_specs=[
            pl.BlockSpec((_NC, _R, Dh), lambda i: (0, i, 0)),
            pl.BlockSpec((_R, Dh), lambda i: (i, 0)),
            pl.BlockSpec((_R, 1), lambda i: (i, 0)),
            pl.BlockSpec((Dh, Dout), lambda i: (0, 0)),
            pl.BlockSpec((Dout,), lambda i: (0,)),
        ],
        out_specs=pl.BlockSpec((_R, Dout), lambda i: (i, 0)),
        out_shape=jax.ShapeDtypeStruct((_N, Dout), jnp.float32),
    )(r, a, dis, W4, b4)


_RB = 400


def _kF(s5):
    Dh = s5.shape[1]

    def body(a_ref, b_ref, o_ref):
        logits = lax.dot_general(
            a_ref[...], b_ref[...],
            dimension_numbers=(((1,), (1,)), ((), ())),
            preferred_element_type=jnp.float32)
        o_ref[...] = jax.nn.sigmoid(logits)

    return pl.pallas_call(
        body,
        grid=(_N // _RB,),
        in_specs=[
            pl.BlockSpec((_RB, Dh), lambda i: (i, 0)),
            pl.BlockSpec((_N, Dh), lambda i: (0, 0)),
        ],
        out_specs=pl.BlockSpec((_RB, _N), lambda i: (i, 0)),
        out_shape=jax.ShapeDtypeStruct((_N, _N), jnp.float32),
    )(s5, s5)


def kernel(x, edge_index, W1, b1, W2, b2, W3, b3, W4, b4, W5, b5):
    em = edge_index.astype(jnp.int32).reshape(2, _E // _CH, _CH)

    xw1 = _kA1(x, W1)
    degp = _deg_call(em)
    dis, y1 = _kA2(degp, xw1)
    p1 = _prop_call(y1, em)
    xw2, y2 = _kB(p1, xw1, dis, b1, W2)
    p2 = _prop_call(y2, em)
    z, y3 = _kC(p2, xw2, dis, b2)
    q = _prop_call(y3, em)
    a, y4, s5 = _kD(q, z, dis, W3, b3, W5, b5)
    r = _prop_call(y4, em)
    adj_recon = _kF(s5)
    x_recon = _kE(r, a, dis, W4, b4)
    return (x_recon, adj_recon, z)

# --- scband reference (transcript-rebuilt; emitter-appended) ---
"""Pipeline reference for scband-gcnmodel-ae-87316685127960 (READ-ONLY COPY).

The authoritative reference and input builder live on the scoring server;
editing this copy changes nothing except your own understanding.
"""

import jax, jax.numpy as jnp
import numpy as np

N_NODES = 10000


def gcn_conv(x, src, dst, W, b, num_nodes):
    # x' = D^{-1/2} (A + I) D^{-1/2} x W + b  (PyG GCNConv, source_to_target)
    loop = jnp.arange(num_nodes, dtype=src.dtype)
    s = jnp.concatenate([src, loop])
    d = jnp.concatenate([dst, loop])
    xw = x @ W
    deg = jax.ops.segment_sum(jnp.ones_like(d, dtype=xw.dtype), d, num_segments=num_nodes)
    dis = jnp.where(deg > 0, 1.0 / jnp.sqrt(deg), 0.0)
    norm = dis[s] * dis[d]
    msgs = norm[:, None] * jnp.take(xw, s, axis=0)
    out = jax.ops.segment_sum(msgs, d, num_segments=num_nodes)
    return out + b


def setup_inputs(seed: int = 0) -> dict:
    key = jax.random.key(seed)
    ks = jax.random.split(key, 16)
    d_in, d_h, d_z = 128, 64, 32
    E = 320000
    x = jax.random.normal(ks[0], (N_NODES, d_in), dtype=jnp.float32)
    edge_index = jax.random.randint(ks[1], (2, E), 0, N_NODES, dtype=jnp.int64)

    def glorot(k, fan_in, fan_out):
        lim = jnp.sqrt(6.0 / (fan_in + fan_out))
        return jax.random.uniform(k, (fan_in, fan_out), dtype=jnp.float32, minval=-lim, maxval=lim)

    return {
        "x": x,
        "edge_index": edge_index,
        "W1": glorot(ks[2], d_in, d_h), "b1": jnp.zeros((d_h,), jnp.float32),
        "W2": glorot(ks[3], d_h, d_z), "b2": jnp.zeros((d_z,), jnp.float32),
        "W3": glorot(ks[4], d_z, d_h), "b3": jnp.zeros((d_h,), jnp.float32),
        "W4": glorot(ks[5], d_h, d_in), "b4": jnp.zeros((d_in,), jnp.float32),
        "W5": glorot(ks[6], d_z, d_h), "b5": jnp.zeros((d_h,), jnp.float32),
    }


def reference(x, edge_index, W1, b1, W2, b2, W3, b3, W4, b4, W5, b5):
    num_nodes = x.shape[0]
    src, dst = edge_index[0], edge_index[1]
    # encode (dropout p=0.0 -> identity in eval)
    h = jax.nn.relu(gcn_conv(x, src, dst, W1, b1, num_nodes))
    z = jax.nn.relu(gcn_conv(h, src, dst, W2, b2, num_nodes))
    # decode attributes
    a = jax.nn.relu(gcn_conv(z, src, dst, W3, b3, num_nodes))
    x_recon = jax.nn.relu(gcn_conv(a, src, dst, W4, b4, num_nodes))
    # decode structure
    s = jax.nn.relu(gcn_conv(z, src, dst, W5, b5, num_nodes))
    adj_recon = jax.nn.sigmoid(s @ s.T)
    return (x_recon, adj_recon, z)

if __name__ == "__main__":
    import jax
    _d = setup_inputs()
    print(jax.jit(kernel)(*tuple(_d.values())))

</pallas_src>

<mosaic_0001>
#map = affine_map<(d0, d1) -> (0, 0, 0)>
#map1 = affine_map<(d0, d1) -> (0, 0)>
module attributes {stable_mosaic.version = 14 : i64} {
  func.func @degk(%arg0: i32, %arg1: i32, %arg2: memref<2x2560x125xi32, #tpu.memory_space<hbm>>, %arg3: memref<125x8xf32, #tpu.memory_space<hbm>>, %arg4: memref<10000x8xf32, #tpu.memory_space<hbm>>, %arg5: memref<2x10000x8xf32, #tpu.memory_space<hbm>>, %arg6: memref<80x125xi32, #tpu.memory_space<vmem>>, %arg7: memref<125x8xf32, #tpu.memory_space<vmem>>, %arg8: memref<10000x8xf32, #tpu.memory_space<vmem_shared>>, %arg9: memref<!tpu.dma_semaphore, #tpu.memory_space<semaphore_mem>>) attributes {dimension_semantics = [#tpu.dimension_semantics<core_parallel>, #tpu.dimension_semantics<subcore_parallel>], iteration_bounds = array<i64: 2, 16>, scalar_prefetch = 0 : i64, scratch_operands = 4 : i64, tpu.core_type = #tpu.core_type<sc_vector_subcore>, window_params = [{transform_indices = #map}, {transform_indices = #map1}, {transform_indices = #map1}, {transform_indices = #map}]} {
    %mul3A = arith.constant 2 : i32
    %mul3A_0 = arith.muli %arg1, %mul3A : i32
    %add3A = arith.addi %mul3A_0, %arg0 : i32
    %mul3A_1 = arith.constant 624 : i32
    %mul3A_2 = arith.muli %arg1, %mul3A_1 : i32
    "tpu.region"() ({
      %run_scoped3A_24 = tpu.sem_alloc : memref<!tpu.dma_semaphore, #tpu.memory_space<semaphore_mem>>
      %dma_start3A = arith.constant 0 : i32
      %dma_start3A_25 = tpu.memref_slice %arg8[%mul3A_2, %dma_start3A] : memref<10000x8xf32, #tpu.memory_space<vmem_shared>> -> memref<624x8xf32, #tpu.memory_space<vmem_shared>>
      %dma_start3A_26 = arith.constant 0 : i32
      %dma_start3A_27 = tpu.memref_slice %arg4[%mul3A_2, %dma_start3A_26] : memref<10000x8xf32, #tpu.memory_space<hbm>> -> memref<624x8xf32, #tpu.memory_space<hbm>>
      tpu.enqueue_dma source(%dma_start3A_27 : memref<624x8xf32, #tpu.memory_space<hbm>>) target(%dma_start3A_25 : memref<624x8xf32, #tpu.memory_space<vmem_shared>>) target_semaphore(%run_scoped3A_24 : memref<!tpu.dma_semaphore, #tpu.memory_space<semaphore_mem>>)
      %dma_wait3A = arith.constant 0 : i32
      %dma_wait3A_28 = tpu.memref_slice %arg8[%mul3A_2, %dma_wait3A] : memref<10000x8xf32, #tpu.memory_space<vmem_shared>> -> memref<624x8xf32, #tpu.memory_space<vmem_shared>>
      %dma_wait3A_29 = arith.constant 0 : i32
      %dma_wait3A_30 = tpu.memref_slice %arg4[%mul3A_2, %dma_wait3A_29] : memref<10000x8xf32, #tpu.memory_space<hbm>> -> memref<624x8xf32, #tpu.memory_space<hbm>>
      tpu.wait_dma2 semaphore(%run_scoped3A_24 : memref<!tpu.dma_semaphore, #tpu.memory_space<semaphore_mem>>) src(%dma_wait3A_30 : memref<624x8xf32, #tpu.memory_space<hbm>>) dst(%dma_wait3A_28 : memref<624x8xf32, #tpu.memory_space<vmem_shared>>)
      tpu.yield
    }) : () -> ()
    %eq3A = arith.constant 15 : i32
    %eq3A_3 = arith.cmpi eq, %arg1, %eq3A : i32
    %convert_element_type3A = arith.extui %eq3A_3 : i1 to i32
    %cond3A = arith.constant 0 : i32
    %cond3A_4 = arith.cmpi ne, %convert_element_type3A, %cond3A : i32
    scf.if %cond3A_4 {
      "tpu.region"() ({
        %run_scoped3A_24 = tpu.sem_alloc : memref<!tpu.dma_semaphore, #tpu.memory_space<semaphore_mem>>
        %dma_start3A = arith.constant 9984 : i32
        %dma_start3A_25 = arith.constant 0 : i32
        %dma_start3A_26 = tpu.memref_slice %arg8[%dma_start3A, %dma_start3A_25] : memref<10000x8xf32, #tpu.memory_space<vmem_shared>> -> memref<16x8xf32, #tpu.memory_space<vmem_shared>>
        %dma_start3A_27 = arith.constant 9984 : i32
        %dma_start3A_28 = arith.constant 0 : i32
        %dma_start3A_29 = tpu.memref_slice %arg4[%dma_start3A_27, %dma_start3A_28] : memref<10000x8xf32, #tpu.memory_space<hbm>> -> memref<16x8xf32, #tpu.memory_space<hbm>>
        tpu.enqueue_dma source(%dma_start3A_29 : memref<16x8xf32, #tpu.memory_space<hbm>>) target(%dma_start3A_26 : memref<16x8xf32, #tpu.memory_space<vmem_shared>>) target_semaphore(%run_scoped3A_24 : memref<!tpu.dma_semaphore, #tpu.memory_space<semaphore_mem>>)
        %dma_wait3A = arith.constant 9984 : i32
        %dma_wait3A_30 = arith.constant 0 : i32
        %dma_wait3A_31 = tpu.memref_slice %arg8[%dma_wait3A, %dma_wait3A_30] : memref<10000x8xf32, #tpu.memory_space<vmem_shared>> -> memref<16x8xf32, #tpu.memory_space<vmem_shared>>
        %dma_wait3A_32 = arith.constant 9984 : i32
        %dma_wait3A_33 = arith.constant 0 : i32
        %dma_wait3A_34 = tpu.memref_slice %arg4[%dma_wait3A_32, %dma_wait3A_33] : memref<10000x8xf32, #tpu.memory_space<hbm>> -> memref<16x8xf32, #tpu.memory_space<hbm>>
        tpu.wait_dma2 semaphore(%run_scoped3A_24 : memref<!tpu.dma_semaphore, #tpu.memory_space<semaphore_mem>>) src(%dma_wait3A_34 : memref<16x8xf32, #tpu.memory_space<hbm>>) dst(%dma_wait3A_31 : memref<16x8xf32, #tpu.memory_space<vmem_shared>>)
        tpu.yield
      }) : () -> ()
    } else {
    }
    "tpu.region"() ({
      %run_scoped3A_24 = tpu.sem_alloc : memref<!tpu.dma_semaphore, #tpu.memory_space<semaphore_mem>>
      tpu.enqueue_dma source(%arg3 : memref<125x8xf32, #tpu.memory_space<hbm>>) target(%arg7 : memref<125x8xf32, #tpu.memory_space<vmem>>) target_semaphore(%run_scoped3A_24 : memref<!tpu.dma_semaphore, #tpu.memory_space<semaphore_mem>>)
      tpu.wait_dma2 semaphore(%run_scoped3A_24 : memref<!tpu.dma_semaphore, #tpu.memory_space<semaphore_mem>>) src(%arg3 : memref<125x8xf32, #tpu.memory_space<hbm>>) dst(%arg7 : memref<125x8xf32, #tpu.memory_space<vmem>>)
      tpu.yield
    }) : () -> ()
    %mul3A_5 = arith.constant 80 : i32
    %mul3A_6 = arith.muli %add3A, %mul3A_5 : i32
    %run_scoped3A = arith.constant 1 : i32
    "tpu.region"() ({
      %run_scoped3A_24 = tpu.sem_alloc : memref<!tpu.dma_semaphore, #tpu.memory_space<semaphore_mem>>
      %dma_start3A = arith.constant 0 : i32
      %dma_start3A_25 = tpu.memref_slice %arg2[%run_scoped3A, %mul3A_6, %dma_start3A] : memref<2x2560x125xi32, #tpu.memory_space<hbm>> -> memref<1x80x125xi32, #tpu.memory_space<hbm>>
      %dma_start3A_26 = tpu.memref_squeeze %dma_start3A_25 : memref<1x80x125xi32, #tpu.memory_space<hbm>> -> memref<80x125xi32, #tpu.memory_space<hbm>>
      %dma_start3A_27 = arith.constant 0 : i32
      %dma_start3A_28 = tpu.memref_slice %arg2[%run_scoped3A, %mul3A_6, %dma_start3A_27] : memref<2x2560x125xi32, #tpu.memory_space<hbm>> -> memref<1x80x125xi32, #tpu.memory_space<hbm>>
      %dma_start3A_29 = tpu.memref_squeeze %dma_start3A_28 : memref<1x80x125xi32, #tpu.memory_space<hbm>> -> memref<80x125xi32, #tpu.memory_space<hbm>>
      tpu.enqueue_dma source(%dma_start3A_29 : memref<80x125xi32, #tpu.memory_space<hbm>>) target(%arg6 : memref<80x125xi32, #tpu.memory_space<vmem>>) target_semaphore(%run_scoped3A_24 : memref<!tpu.dma_semaphore, #tpu.memory_space<semaphore_mem>>)
      %dma_wait3A = arith.constant 0 : i32
      %dma_wait3A_30 = tpu.memref_slice %arg2[%run_scoped3A, %mul3A_6, %dma_wait3A] : memref<2x2560x125xi32, #tpu.memory_space<hbm>> -> memref<1x80x125xi32, #tpu.memory_space<hbm>>
      %dma_wait3A_31 = tpu.memref_squeeze %dma_wait3A_30 : memref<1x80x125xi32, #tpu.memory_space<hbm>> -> memref<80x125xi32, #tpu.memory_space<hbm>>
      %dma_wait3A_32 = arith.constant 0 : i32
      %dma_wait3A_33 = tpu.memref_slice %arg2[%run_scoped3A, %mul3A_6, %dma_wait3A_32] : memref<2x2560x125xi32, #tpu.memory_space<hbm>> -> memref<1x80x125xi32, #tpu.memory_space<hbm>>
      %dma_wait3A_34 = tpu.memref_squeeze %dma_wait3A_33 : memref<1x80x125xi32, #tpu.memory_space<hbm>> -> memref<80x125xi32, #tpu.memory_space<hbm>>
      tpu.wait_dma2 semaphore(%run_scoped3A_24 : memref<!tpu.dma_semaphore, #tpu.memory_space<semaphore_mem>>) src(%dma_wait3A_34 : memref<80x125xi32, #tpu.memory_space<hbm>>) dst(%arg6 : memref<80x125xi32, #tpu.memory_space<vmem>>)
      tpu.yield
    }) : () -> ()
    %barrier3A = arith.constant 0 : index
    tpu.barrier barrier_id(%barrier3A)
    %scan3A = arith.constant 0 : i32
    %scan3A_7 = arith.constant 0 : i32
    %scan3A_8 = arith.constant 80 : i32
    %scan3A_9 = arith.addi %scan3A_7, %scan3A_8 : i32
    %scan3A_10 = arith.constant 1 : i32
    scf.for %scan3A_24 = %scan3A_7 to %scan3A_9 step %scan3A_10  : i32 {
      %dma_start3A = arith.constant 0 : i32
      %dma_start3A_25 = tpu.memref_slice %arg6[%scan3A_24, %dma_start3A] : memref<80x125xi32, #tpu.memory_space<vmem>> -> memref<1x125xi32, #tpu.memory_space<vmem>>
      %dma_start3A_26 = tpu.memref_squeeze %dma_start3A_25 : memref<1x125xi32, #tpu.memory_space<vmem>> -> memref<125xi32, #tpu.memory_space<vmem>>
      %dma_start3A_27 = arith.constant 0 : i32
      %dma_start3A_28 = arith.constant 0 : i32
      %dma_start3A_29 = tpu.memref_slice %arg8[%dma_start3A_27, %dma_start3A_28] : memref<10000x8xf32, #tpu.memory_space<vmem_shared>> -> memref<10000x8xf32, #tpu.memory_space<vmem_shared>>
      tpu.enqueue_indirect_dma source(%arg7 : memref<125x8xf32, #tpu.memory_space<vmem>>) target(%dma_start3A_29 : memref<10000x8xf32, #tpu.memory_space<vmem_shared>>) offsets(%dma_start3A_26 : memref<125xi32, #tpu.memory_space<vmem>>) semaphore(%arg9 : memref<!tpu.dma_semaphore, #tpu.memory_space<semaphore_mem>>) {add = true}
    }
    %scan3A_11 = arith.constant 80 : i32
    %scan3A_12 = arith.constant 0 : i32
    %scan3A_13 = arith.constant 0 : i32
    %scan3A_14 = arith.constant 80 : i32
    %scan3A_15 = arith.addi %scan3A_13, %scan3A_14 : i32
    %scan3A_16 = arith.constant 1 : i32
    scf.for %scan3A_24 = %scan3A_13 to %scan3A_15 step %scan3A_16  : i32 {
      %dma_wait3A = arith.constant 0 : i32
      %dma_wait3A_25 = tpu.memref_slice %arg6[%scan3A_24, %dma_wait3A] : memref<80x125xi32, #tpu.memory_space<vmem>> -> memref<1x125xi32, #tpu.memory_space<vmem>>
      %dma_wait3A_26 = tpu.memref_squeeze %dma_wait3A_25 : memref<1x125xi32, #tpu.memory_space<vmem>> -> memref<125xi32, #tpu.memory_space<vmem>>
      %dma_wait3A_27 = arith.constant 0 : i32
      %dma_wait3A_28 = arith.constant 0 : i32
      %dma_wait3A_29 = tpu.memref_slice %arg8[%dma_wait3A_27, %dma_wait3A_28] : memref<10000x8xf32, #tpu.memory_space<vmem_shared>> -> memref<10000x8xf32, #tpu.memory_space<vmem_shared>>
      tpu.wait_indirect_dma semaphore(%arg9 : memref<!tpu.dma_semaphore, #tpu.memory_space<semaphore_mem>>) src(%arg7 : memref<125x8xf32, #tpu.memory_space<vmem>>) dst(%dma_wait3A_29 : memref<10000x8xf32, #tpu.memory_space<vmem_shared>>)
    }
    %scan3A_17 = arith.constant 80 : i32
    %barrier3A_18 = arith.constant 0 : index
    tpu.barrier barrier_id(%barrier3A_18)
    "tpu.region"() ({
      %run_scoped3A_24 = tpu.sem_alloc : memref<!tpu.dma_semaphore, #tpu.memory_space<semaphore_mem>>
      %dma_start3A = arith.constant 0 : i32
      %dma_start3A_25 = tpu.memref_slice %arg5[%arg0, %mul3A_2, %dma_start3A] : memref<2x10000x8xf32, #tpu.memory_space<hbm>> -> memref<1x624x8xf32, #tpu.memory_space<hbm>>
      %dma_start3A_26 = tpu.memref_squeeze %dma_start3A_25 : memref<1x624x8xf32, #tpu.memory_space<hbm>> -> memref<624x8xf32, #tpu.memory_space<hbm>>
      %dma_start3A_27 = arith.constant 0 : i32
      %dma_start3A_28 = tpu.memref_slice %arg8[%mul3A_2, %dma_start3A_27] : memref<10000x8xf32, #tpu.memory_space<vmem_shared>> -> memref<624x8xf32, #tpu.memory_space<vmem_shared>>
      tpu.enqueue_dma source(%dma_start3A_28 : memref<624x8xf32, #tpu.memory_space<vmem_shared>>) target(%dma_start3A_26 : memref<624x8xf32, #tpu.memory_space<hbm>>) target_semaphore(%run_scoped3A_24 : memref<!tpu.dma_semaphore, #tpu.memory_space<semaphore_mem>>)
      %dma_wait3A = arith.constant 0 : i32
      %dma_wait3A_29 = tpu.memref_slice %arg5[%arg0, %mul3A_2, %dma_wait3A] : memref<2x10000x8xf32, #tpu.memory_space<hbm>> -> memref<1x624x8xf32, #tpu.memory_space<hbm>>
      %dma_wait3A_30 = tpu.memref_squeeze %dma_wait3A_29 : memref<1x624x8xf32, #tpu.memory_space<hbm>> -> memref<624x8xf32, #tpu.memory_space<hbm>>
      %dma_wait3A_31 = arith.constant 0 : i32
      %dma_wait3A_32 = tpu.memref_slice %arg8[%mul3A_2, %dma_wait3A_31] : memref<10000x8xf32, #tpu.memory_space<vmem_shared>> -> memref<624x8xf32, #tpu.memory_space<vmem_shared>>
      tpu.wait_dma2 semaphore(%run_scoped3A_24 : memref<!tpu.dma_semaphore, #tpu.memory_space<semaphore_mem>>) src(%dma_wait3A_32 : memref<624x8xf32, #tpu.memory_space<vmem_shared>>) dst(%dma_wait3A_30 : memref<624x8xf32, #tpu.memory_space<hbm>>)
      tpu.yield
    }) : () -> ()
    %eq3A_19 = arith.constant 15 : i32
    %eq3A_20 = arith.cmpi eq, %arg1, %eq3A_19 : i32
    %convert_element_type3A_21 = arith.extui %eq3A_20 : i1 to i32
    %cond3A_22 = arith.constant 0 : i32
    %cond3A_23 = arith.cmpi ne, %convert_element_type3A_21, %cond3A_22 : i32
    scf.if %cond3A_23 {
      "tpu.region"() ({
        %run_scoped3A_24 = tpu.sem_alloc : memref<!tpu.dma_semaphore, #tpu.memory_space<semaphore_mem>>
        %dma_start3A = arith.constant 9984 : i32
        %dma_start3A_25 = arith.constant 0 : i32
        %dma_start3A_26 = tpu.memref_slice %arg5[%arg0, %dma_start3A, %dma_start3A_25] : memref<2x10000x8xf32, #tpu.memory_space<hbm>> -> memref<1x16x8xf32, #tpu.memory_space<hbm>>
        %dma_start3A_27 = tpu.memref_squeeze %dma_start3A_26 : memref<1x16x8xf32, #tpu.memory_space<hbm>> -> memref<16x8xf32, #tpu.memory_space<hbm>>
        %dma_start3A_28 = arith.constant 9984 : i32
        %dma_start3A_29 = arith.constant 0 : i32
        %dma_start3A_30 = tpu.memref_slice %arg8[%dma_start3A_28, %dma_start3A_29] : memref<10000x8xf32, #tpu.memory_space<vmem_shared>> -> memref<16x8xf32, #tpu.memory_space<vmem_shared>>
        tpu.enqueue_dma source(%dma_start3A_30 : memref<16x8xf32, #tpu.memory_space<vmem_shared>>) target(%dma_start3A_27 : memref<16x8xf32, #tpu.memory_space<hbm>>) target_semaphore(%run_scoped3A_24 : memref<!tpu.dma_semaphore, #tpu.memory_space<semaphore_mem>>)
        %dma_wait3A = arith.constant 9984 : i32
        %dma_wait3A_31 = arith.constant 0 : i32
        %dma_wait3A_32 = tpu.memref_slice %arg5[%arg0, %dma_wait3A, %dma_wait3A_31] : memref<2x10000x8xf32, #tpu.memory_space<hbm>> -> memref<1x16x8xf32, #tpu.memory_space<hbm>>
        %dma_wait3A_33 = tpu.memref_squeeze %dma_wait3A_32 : memref<1x16x8xf32, #tpu.memory_space<hbm>> -> memref<16x8xf32, #tpu.memory_space<hbm>>
        %dma_wait3A_34 = arith.constant 9984 : i32
        %dma_wait3A_35 = arith.constant 0 : i32
        %dma_wait3A_36 = tpu.memref_slice %arg8[%dma_wait3A_34, %dma_wait3A_35] : memref<10000x8xf32, #tpu.memory_space<vmem_shared>> -> memref<16x8xf32, #tpu.memory_space<vmem_shared>>
        tpu.wait_dma2 semaphore(%run_scoped3A_24 : memref<!tpu.dma_semaphore, #tpu.memory_space<semaphore_mem>>) src(%dma_wait3A_36 : memref<16x8xf32, #tpu.memory_space<vmem_shared>>) dst(%dma_wait3A_33 : memref<16x8xf32, #tpu.memory_space<hbm>>)
        tpu.yield
      }) : () -> ()
    } else {
    }
    return
  }
}

#map = affine_map<(d0, d1) -> (0, 0)>
#map1 = affine_map<(d0, d1) -> (0, 0, 0)>
module attributes {stable_mosaic.version = 14 : i64} {
  func.func @prop(%arg0: i32, %arg1: i32, %arg2: memref<10000x64xf32, #tpu.memory_space<hbm>>, %arg3: memref<2x2560x125xi32, #tpu.memory_space<hbm>>, %arg4: memref<10000x64xf32, #tpu.memory_space<hbm>>, %arg5: memref<2x10000x64xf32, #tpu.memory_space<hbm>>, %arg6: memref<80x125xi32, #tpu.memory_space<vmem>>, %arg7: memref<80x125xi32, #tpu.memory_space<vmem>>, %arg8: memref<125x64xf32, #tpu.memory_space<vmem>>, %arg9: memref<125x64xf32, #tpu.memory_space<vmem>>, %arg10: memref<125x64xf32, #tpu.memory_space<vmem>>, %arg11: memref<125x64xf32, #tpu.memory_space<vmem>>, %arg12: memref<!tpu.dma_semaphore, #tpu.memory_space<semaphore_mem>>, %arg13: memref<!tpu.dma_semaphore, #tpu.memory_space<semaphore_mem>>, %arg14: memref<!tpu.dma_semaphore, #tpu.memory_space<semaphore_mem>>, %arg15: memref<!tpu.dma_semaphore, #tpu.memory_space<semaphore_mem>>, %arg16: memref<!tpu.dma_semaphore, #tpu.memory_space<semaphore_mem>>, %arg17: memref<!tpu.dma_semaphore, #tpu.memory_space<semaphore_mem>>, %arg18: memref<!tpu.dma_semaphore, #tpu.memory_space<semaphore_mem>>, %arg19: memref<!tpu.dma_semaphore, #tpu.memory_space<semaphore_mem>>, %arg20: memref<10000x64xf32, #tpu.memory_space<vmem_shared>>) attributes {dimension_semantics = [#tpu.dimension_semantics<core_parallel>, #tpu.dimension_semantics<subcore_parallel>], iteration_bounds = array<i64: 2, 16>, scalar_prefetch = 0 : i64, scratch_operands = 15 : i64, tpu.core_type = #tpu.core_type<sc_vector_subcore>, window_params = [{transform_indices = #map}, {transform_indices = #map1}, {transform_indices = #map}, {transform_indices = #map1}]} {
    %mul3A = arith.constant 2 : i32
    %mul3A_0 = arith.muli %arg1, %mul3A : i32
    %add3A = arith.addi %mul3A_0, %arg0 : i32
    %mul3A_1 = arith.constant 624 : i32
    %mul3A_2 = arith.muli %arg1, %mul3A_1 : i32
    "tpu.region"() ({
      %run_scoped3A_61 = tpu.sem_alloc : memref<!tpu.dma_semaphore, #tpu.memory_space<semaphore_mem>>
      %dma_start3A_62 = arith.constant 0 : i32
      %dma_start3A_63 = tpu.memref_slice %arg20[%mul3A_2, %dma_start3A_62] : memref<10000x64xf32, #tpu.memory_space<vmem_shared>> -> memref<624x64xf32, #tpu.memory_space<vmem_shared>>
      %dma_start3A_64 = arith.constant 0 : i32
      %dma_start3A_65 = tpu.memref_slice %arg4[%mul3A_2, %dma_start3A_64] : memref<10000x64xf32, #tpu.memory_space<hbm>> -> memref<624x64xf32, #tpu.memory_space<hbm>>
      tpu.enqueue_dma source(%dma_start3A_65 : memref<624x64xf32, #tpu.memory_space<hbm>>) target(%dma_start3A_63 : memref<624x64xf32, #tpu.memory_space<vmem_shared>>) target_semaphore(%run_scoped3A_61 : memref<!tpu.dma_semaphore, #tpu.memory_space<semaphore_mem>>)
      %dma_wait3A_66 = arith.constant 0 : i32
      %dma_wait3A_67 = tpu.memref_slice %arg20[%mul3A_2, %dma_wait3A_66] : memref<10000x64xf32, #tpu.memory_space<vmem_shared>> -> memref<624x64xf32, #tpu.memory_space<vmem_shared>>
      %dma_wait3A_68 = arith.constant 0 : i32
      %dma_wait3A_69 = tpu.memref_slice %arg4[%mul3A_2, %dma_wait3A_68] : memref<10000x64xf32, #tpu.memory_space<hbm>> -> memref<624x64xf32, #tpu.memory_space<hbm>>
      tpu.wait_dma2 semaphore(%run_scoped3A_61 : memref<!tpu.dma_semaphore, #tpu.memory_space<semaphore_mem>>) src(%dma_wait3A_69 : memref<624x64xf32, #tpu.memory_space<hbm>>) dst(%dma_wait3A_67 : memref<624x64xf32, #tpu.memory_space<vmem_shared>>)
      tpu.yield
    }) : () -> ()
    %eq3A = arith.constant 15 : i32
    %eq3A_3 = arith.cmpi eq, %arg1, %eq3A : i32
    %convert_element_type3A = arith.extui %eq3A_3 : i1 to i32
    %cond3A = arith.constant 0 : i32
    %cond3A_4 = arith.cmpi ne, %convert_element_type3A, %cond3A : i32
    scf.if %cond3A_4 {
      "tpu.region"() ({
        %run_scoped3A_61 = tpu.sem_alloc : memref<!tpu.dma_semaphore, #tpu.memory_space<semaphore_mem>>
        %dma_start3A_62 = arith.constant 9984 : i32
        %dma_start3A_63 = arith.constant 0 : i32
        %dma_start3A_64 = tpu.memref_slice %arg20[%dma_start3A_62, %dma_start3A_63] : memref<10000x64xf32, #tpu.memory_space<vmem_shared>> -> memref<16x64xf32, #tpu.memory_space<vmem_shared>>
        %dma_start3A_65 = arith.constant 9984 : i32
        %dma_start3A_66 = arith.constant 0 : i32
        %dma_start3A_67 = tpu.memref_slice %arg4[%dma_start3A_65, %dma_start3A_66] : memref<10000x64xf32, #tpu.memory_space<hbm>> -> memref<16x64xf32, #tpu.memory_space<hbm>>
        tpu.enqueue_dma source(%dma_start3A_67 : memref<16x64xf32, #tpu.memory_space<hbm>>) target(%dma_start3A_64 : memref<16x64xf32, #tpu.memory_space<vmem_shared>>) target_semaphore(%run_scoped3A_61 : memref<!tpu.dma_semaphore, #tpu.memory_space<semaphore_mem>>)
        %dma_wait3A_68 = arith.constant 9984 : i32
        %dma_wait3A_69 = arith.constant 0 : i32
        %dma_wait3A_70 = tpu.memref_slice %arg20[%dma_wait3A_68, %dma_wait3A_69] : memref<10000x64xf32, #tpu.memory_space<vmem_shared>> -> memref<16x64xf32, #tpu.memory_space<vmem_shared>>
        %dma_wait3A_71 = arith.constant 9984 : i32
        %dma_wait3A_72 = arith.constant 0 : i32
        %dma_wait3A_73 = tpu.memref_slice %arg4[%dma_wait3A_71, %dma_wait3A_72] : memref<10000x64xf32, #tpu.memory_space<hbm>> -> memref<16x64xf32, #tpu.memory_space<hbm>>
        tpu.wait_dma2 semaphore(%run_scoped3A_61 : memref<!tpu.dma_semaphore, #tpu.memory_space<semaphore_mem>>) src(%dma_wait3A_73 : memref<16x64xf32, #tpu.memory_space<hbm>>) dst(%dma_wait3A_70 : memref<16x64xf32, #tpu.memory_space<vmem_shared>>)
        tpu.yield
      }) : () -> ()
    } else {
    }
    %mul3A_5 = arith.constant 80 : i32
    %mul3A_6 = arith.muli %add3A, %mul3A_5 : i32
    %run_scoped3A = arith.constant 0 : i32
    "tpu.region"() ({
      %run_scoped3A_61 = tpu.sem_alloc : memref<!tpu.dma_semaphore, #tpu.memory_space<semaphore_mem>>
      %dma_start3A_62 = arith.constant 0 : i32
      %dma_start3A_63 = tpu.memref_slice %arg3[%run_scoped3A, %mul3A_6, %dma_start3A_62] : memref<2x2560x125xi32, #tpu.memory_space<hbm>> -> memref<1x80x125xi32, #tpu.memory_space<hbm>>
      %dma_start3A_64 = tpu.memref_squeeze %dma_start3A_63 : memref<1x80x125xi32, #tpu.memory_space<hbm>> -> memref<80x125xi32, #tpu.memory_space<hbm>>
      %dma_start3A_65 = arith.constant 0 : i32
      %dma_start3A_66 = tpu.memref_slice %arg3[%run_scoped3A, %mul3A_6, %dma_start3A_65] : memref<2x2560x125xi32, #tpu.memory_space<hbm>> -> memref<1x80x125xi32, #tpu.memory_space<hbm>>
      %dma_start3A_67 = tpu.memref_squeeze %dma_start3A_66 : memref<1x80x125xi32, #tpu.memory_space<hbm>> -> memref<80x125xi32, #tpu.memory_space<hbm>>
      tpu.enqueue_dma source(%dma_start3A_67 : memref<80x125xi32, #tpu.memory_space<hbm>>) target(%arg6 : memref<80x125xi32, #tpu.memory_space<vmem>>) target_semaphore(%run_scoped3A_61 : memref<!tpu.dma_semaphore, #tpu.memory_space<semaphore_mem>>)
      %dma_wait3A_68 = arith.constant 0 : i32
      %dma_wait3A_69 = tpu.memref_slice %arg3[%run_scoped3A, %mul3A_6, %dma_wait3A_68] : memref<2x2560x125xi32, #tpu.memory_space<hbm>> -> memref<1x80x125xi32, #tpu.memory_space<hbm>>
      %dma_wait3A_70 = tpu.memref_squeeze %dma_wait3A_69 : memref<1x80x125xi32, #tpu.memory_space<hbm>> -> memref<80x125xi32, #tpu.memory_space<hbm>>
      %dma_wait3A_71 = arith.constant 0 : i32
      %dma_wait3A_72 = tpu.memref_slice %arg3[%run_scoped3A, %mul3A_6, %dma_wait3A_71] : memref<2x2560x125xi32, #tpu.memory_space<hbm>> -> memref<1x80x125xi32, #tpu.memory_space<hbm>>
      %dma_wait3A_73 = tpu.memref_squeeze %dma_wait3A_72 : memref<1x80x125xi32, #tpu.memory_space<hbm>> -> memref<80x125xi32, #tpu.memory_space<hbm>>
      tpu.wait_dma2 semaphore(%run_scoped3A_61 : memref<!tpu.dma_semaphore, #tpu.memory_space<semaphore_mem>>) src(%dma_wait3A_73 : memref<80x125xi32, #tpu.memory_space<hbm>>) dst(%arg6 : memref<80x125xi32, #tpu.memory_space<vmem>>)
      tpu.yield
    }) : () -> ()
    %mul3A_7 = arith.constant 80 : i32
    %mul3A_8 = arith.muli %add3A, %mul3A_7 : i32
    %run_scoped3A_9 = arith.constant 1 : i32
    "tpu.region"() ({
      %run_scoped3A_61 = tpu.sem_alloc : memref<!tpu.dma_semaphore, #tpu.memory_space<semaphore_mem>>
      %dma_start3A_62 = arith.constant 0 : i32
      %dma_start3A_63 = tpu.memref_slice %arg3[%run_scoped3A_9, %mul3A_8, %dma_start3A_62] : memref<2x2560x125xi32, #tpu.memory_space<hbm>> -> memref<1x80x125xi32, #tpu.memory_space<hbm>>
      %dma_start3A_64 = tpu.memref_squeeze %dma_start3A_63 : memref<1x80x125xi32, #tpu.memory_space<hbm>> -> memref<80x125xi32, #tpu.memory_space<hbm>>
      %dma_start3A_65 = arith.constant 0 : i32
      %dma_start3A_66 = tpu.memref_slice %arg3[%run_scoped3A_9, %mul3A_8, %dma_start3A_65] : memref<2x2560x125xi32, #tpu.memory_space<hbm>> -> memref<1x80x125xi32, #tpu.memory_space<hbm>>
      %dma_start3A_67 = tpu.memref_squeeze %dma_start3A_66 : memref<1x80x125xi32, #tpu.memory_space<hbm>> -> memref<80x125xi32, #tpu.memory_space<hbm>>
      tpu.enqueue_dma source(%dma_start3A_67 : memref<80x125xi32, #tpu.memory_space<hbm>>) target(%arg7 : memref<80x125xi32, #tpu.memory_space<vmem>>) target_semaphore(%run_scoped3A_61 : memref<!tpu.dma_semaphore, #tpu.memory_space<semaphore_mem>>)
      %dma_wait3A_68 = arith.constant 0 : i32
      %dma_wait3A_69 = tpu.memref_slice %arg3[%run_scoped3A_9, %mul3A_8, %dma_wait3A_68] : memref<2x2560x125xi32, #tpu.memory_space<hbm>> -> memref<1x80x125xi32, #tpu.memory_space<hbm>>
      %dma_wait3A_70 = tpu.memref_squeeze %dma_wait3A_69 : memref<1x80x125xi32, #tpu.memory_space<hbm>> -> memref<80x125xi32, #tpu.memory_space<hbm>>
      %dma_wait3A_71 = arith.constant 0 : i32
      %dma_wait3A_72 = tpu.memref_slice %arg3[%run_scoped3A_9, %mul3A_8, %dma_wait3A_71] : memref<2x2560x125xi32, #tpu.memory_space<hbm>> -> memref<1x80x125xi32, #tpu.memory_space<hbm>>
      %dma_wait3A_73 = tpu.memref_squeeze %dma_wait3A_72 : memref<1x80x125xi32, #tpu.memory_space<hbm>> -> memref<80x125xi32, #tpu.memory_space<hbm>>
      tpu.wait_dma2 semaphore(%run_scoped3A_61 : memref<!tpu.dma_semaphore, #tpu.memory_space<semaphore_mem>>) src(%dma_wait3A_73 : memref<80x125xi32, #tpu.memory_space<hbm>>) dst(%arg7 : memref<80x125xi32, #tpu.memory_space<vmem>>)
      tpu.yield
    }) : () -> ()
    %barrier3A = arith.constant 0 : index
    tpu.barrier barrier_id(%barrier3A)
    %dma_start3A = arith.constant 0 : i32
    %dma_start3A_10 = arith.constant 0 : i32
    %dma_start3A_11 = tpu.memref_slice %arg6[%dma_start3A, %dma_start3A_10] : memref<80x125xi32, #tpu.memory_space<vmem>> -> memref<1x125xi32, #tpu.memory_space<vmem>>
    %dma_start3A_12 = tpu.memref_squeeze %dma_start3A_11 : memref<1x125xi32, #tpu.memory_space<vmem>> -> memref<125xi32, #tpu.memory_space<vmem>>
    %dma_start3A_13 = arith.constant 0 : i32
    %dma_start3A_14 = arith.constant 0 : i32
    %dma_start3A_15 = tpu.memref_slice %arg2[%dma_start3A_13, %dma_start3A_14] : memref<10000x64xf32, #tpu.memory_space<hbm>> -> memref<10000x64xf32, #tpu.memory_space<hbm>>
    tpu.enqueue_indirect_dma source(%dma_start3A_15 : memref<10000x64xf32, #tpu.memory_space<hbm>>) target(%arg8 : memref<125x64xf32, #tpu.memory_space<vmem>>) offsets(%dma_start3A_12 : memref<125xi32, #tpu.memory_space<vmem>>) semaphore(%arg12 : memref<!tpu.dma_semaphore, #tpu.memory_space<semaphore_mem>>)
    %dma_start3A_16 = arith.constant 1 : i32
    %dma_start3A_17 = arith.constant 0 : i32
    %dma_start3A_18 = tpu.memref_slice %arg6[%dma_start3A_16, %dma_start3A_17] : memref<80x125xi32, #tpu.memory_space<vmem>> -> memref<1x125xi32, #tpu.memory_space<vmem>>
    %dma_start3A_19 = tpu.memref_squeeze %dma_start3A_18 : memref<1x125xi32, #tpu.memory_space<vmem>> -> memref<125xi32, #tpu.memory_space<vmem>>
    %dma_start3A_20 = arith.constant 0 : i32
    %dma_start3A_21 = arith.constant 0 : i32
    %dma_start3A_22 = tpu.memref_slice %arg2[%dma_start3A_20, %dma_start3A_21] : memref<10000x64xf32, #tpu.memory_space<hbm>> -> memref<10000x64xf32, #tpu.memory_space<hbm>>
    tpu.enqueue_indirect_dma source(%dma_start3A_22 : memref<10000x64xf32, #tpu.memory_space<hbm>>) target(%arg9 : memref<125x64xf32, #tpu.memory_space<vmem>>) offsets(%dma_start3A_19 : memref<125xi32, #tpu.memory_space<vmem>>) semaphore(%arg13 : memref<!tpu.dma_semaphore, #tpu.memory_space<semaphore_mem>>)
    %scan3A = arith.constant 0 : i32
    %scan3A_23 = arith.constant 0 : i32
    %scan3A_24 = arith.constant 20 : i32
    %scan3A_25 = arith.addi %scan3A_23, %scan3A_24 : i32
    %scan3A_26 = arith.constant 1 : i32
    scf.for %scan3A_61 = %scan3A_23 to %scan3A_25 step %scan3A_26  : i32 {
      %mul3A_62 = arith.constant 4 : i32
      %mul3A_63 = arith.muli %mul3A_62, %scan3A_61 : i32
      %add3A_64 = arith.constant 0 : i32
      %add3A_65 = arith.addi %mul3A_63, %add3A_64 : i32
      %dma_wait3A_66 = arith.constant 0 : i32
      %dma_wait3A_67 = tpu.memref_slice %arg6[%add3A_65, %dma_wait3A_66] : memref<80x125xi32, #tpu.memory_space<vmem>> -> memref<1x125xi32, #tpu.memory_space<vmem>>
      %dma_wait3A_68 = tpu.memref_squeeze %dma_wait3A_67 : memref<1x125xi32, #tpu.memory_space<vmem>> -> memref<125xi32, #tpu.memory_space<vmem>>
      %dma_wait3A_69 = arith.constant 0 : i32
      %dma_wait3A_70 = arith.constant 0 : i32
      %dma_wait3A_71 = tpu.memref_slice %arg2[%dma_wait3A_69, %dma_wait3A_70] : memref<10000x64xf32, #tpu.memory_space<hbm>> -> memref<10000x64xf32, #tpu.memory_space<hbm>>
      tpu.wait_indirect_dma semaphore(%arg12 : memref<!tpu.dma_semaphore, #tpu.memory_space<semaphore_mem>>) src(%dma_wait3A_71 : memref<10000x64xf32, #tpu.memory_space<hbm>>) dst(%arg8 : memref<125x64xf32, #tpu.memory_space<vmem>>)
      %dma_start3A_72 = arith.constant 0 : i32
      %dma_start3A_73 = tpu.memref_slice %arg7[%add3A_65, %dma_start3A_72] : memref<80x125xi32, #tpu.memory_space<vmem>> -> memref<1x125xi32, #tpu.memory_space<vmem>>
      %dma_start3A_74 = tpu.memref_squeeze %dma_start3A_73 : memref<1x125xi32, #tpu.memory_space<vmem>> -> memref<125xi32, #tpu.memory_space<vmem>>
      %dma_start3A_75 = arith.constant 0 : i32
      %dma_start3A_76 = arith.constant 0 : i32
      %dma_start3A_77 = tpu.memref_slice %arg20[%dma_start3A_75, %dma_start3A_76] : memref<10000x64xf32, #tpu.memory_space<vmem_shared>> -> memref<10000x64xf32, #tpu.memory_space<vmem_shared>>
      tpu.enqueue_indirect_dma source(%arg8 : memref<125x64xf32, #tpu.memory_space<vmem>>) target(%dma_start3A_77 : memref<10000x64xf32, #tpu.memory_space<vmem_shared>>) offsets(%dma_start3A_74 : memref<125xi32, #tpu.memory_space<vmem>>) semaphore(%arg16 : memref<!tpu.dma_semaphore, #tpu.memory_space<semaphore_mem>>) {add = true}
      %gt3A = arith.constant 0 : i32
      %gt3A_78 = arith.cmpi sgt, %scan3A_61, %gt3A : i32
      %convert_element_type3A_79 = arith.extui %gt3A_78 : i1 to i32
      %cond3A_80 = arith.constant 0 : i32
      %cond3A_81 = arith.cmpi ne, %convert_element_type3A_79, %cond3A_80 : i32
      scf.if %cond3A_81 {
        %sub3A = arith.constant 2 : i32
        %sub3A_154 = arith.subi %add3A_65, %sub3A : i32
        %dma_wait3A_155 = arith.constant 0 : i32
        %dma_wait3A_156 = tpu.memref_slice %arg7[%sub3A_154, %dma_wait3A_155] : memref<80x125xi32, #tpu.memory_space<vmem>> -> memref<1x125xi32, #tpu.memory_space<vmem>>
        %dma_wait3A_157 = tpu.memref_squeeze %dma_wait3A_156 : memref<1x125xi32, #tpu.memory_space<vmem>> -> memref<125xi32, #tpu.memory_space<vmem>>
        %dma_wait3A_158 = arith.constant 0 : i32
        %dma_wait3A_159 = arith.constant 0 : i32
        %dma_wait3A_160 = tpu.memref_slice %arg20[%dma_wait3A_158, %dma_wait3A_159] : memref<10000x64xf32, #tpu.memory_space<vmem_shared>> -> memref<10000x64xf32, #tpu.memory_space<vmem_shared>>
        tpu.wait_indirect_dma semaphore(%arg18 : memref<!tpu.dma_semaphore, #tpu.memory_space<semaphore_mem>>) src(%arg10 : memref<125x64xf32, #tpu.memory_space<vmem>>) dst(%dma_wait3A_160 : memref<10000x64xf32, #tpu.memory_space<vmem_shared>>)
      } else {
      }
      %add3A_82 = arith.constant 2 : i32
      %add3A_83 = arith.addi %add3A_65, %add3A_82 : i32
      %dma_start3A_84 = arith.constant 0 : i32
      %dma_start3A_85 = tpu.memref_slice %arg6[%add3A_83, %dma_start3A_84] : memref<80x125xi32, #tpu.memory_space<vmem>> -> memref<1x125xi32, #tpu.memory_space<vmem>>
      %dma_start3A_86 = tpu.memref_squeeze %dma_start3A_85 : memref<1x125xi32, #tpu.memory_space<vmem>> -> memref<125xi32, #tpu.memory_space<vmem>>
      %dma_start3A_87 = arith.constant 0 : i32
      %dma_start3A_88 = arith.constant 0 : i32
      %dma_start3A_89 = tpu.memref_slice %arg2[%dma_start3A_87, %dma_start3A_88] : memref<10000x64xf32, #tpu.memory_space<hbm>> -> memref<10000x64xf32, #tpu.memory_space<hbm>>
      tpu.enqueue_indirect_dma source(%dma_start3A_89 : memref<10000x64xf32, #tpu.memory_space<hbm>>) target(%arg10 : memref<125x64xf32, #tpu.memory_space<vmem>>) offsets(%dma_start3A_86 : memref<125xi32, #tpu.memory_space<vmem>>) semaphore(%arg14 : memref<!tpu.dma_semaphore, #tpu.memory_space<semaphore_mem>>)
      %add3A_90 = arith.constant 1 : i32
      %add3A_91 = arith.addi %mul3A_63, %add3A_90 : i32
      %dma_wait3A_92 = arith.constant 0 : i32
      %dma_wait3A_93 = tpu.memref_slice %arg6[%add3A_91, %dma_wait3A_92] : memref<80x125xi32, #tpu.memory_space<vmem>> -> memref<1x125xi32, #tpu.memory_space<vmem>>
      %dma_wait3A_94 = tpu.memref_squeeze %dma_wait3A_93 : memref<1x125xi32, #tpu.memory_space<vmem>> -> memref<125xi32, #tpu.memory_space<vmem>>
      %dma_wait3A_95 = arith.constant 0 : i32
      %dma_wait3A_96 = arith.constant 0 : i32
      %dma_wait3A_97 = tpu.memref_slice %arg2[%dma_wait3A_95, %dma_wait3A_96] : memref<10000x64xf32, #tpu.memory_space<hbm>> -> memref<10000x64xf32, #tpu.memory_space<hbm>>
      tpu.wait_indirect_dma semaphore(%arg13 : memref<!tpu.dma_semaphore, #tpu.memory_space<semaphore_mem>>) src(%dma_wait3A_97 : memref<10000x64xf32, #tpu.memory_space<hbm>>) dst(%arg9 : memref<125x64xf32, #tpu.memory_space<vmem>>)
      %dma_start3A_98 = arith.constant 0 : i32
      %dma_start3A_99 = tpu.memref_slice %arg7[%add3A_91, %dma_start3A_98] : memref<80x125xi32, #tpu.memory_space<vmem>> -> memref<1x125xi32, #tpu.memory_space<vmem>>
      %dma_start3A_100 = tpu.memref_squeeze %dma_start3A_99 : memref<1x125xi32, #tpu.memory_space<vmem>> -> memref<125xi32, #tpu.memory_space<vmem>>
      %dma_start3A_101 = arith.constant 0 : i32
      %dma_start3A_102 = arith.constant 0 : i32
      %dma_start3A_103 = tpu.memref_slice %arg20[%dma_start3A_101, %dma_start3A_102] : memref<10000x64xf32, #tpu.memory_space<vmem_shared>> -> memref<10000x64xf32, #tpu.memory_space<vmem_shared>>
      tpu.enqueue_indirect_dma source(%arg9 : memref<125x64xf32, #tpu.memory_space<vmem>>) target(%dma_start3A_103 : memref<10000x64xf32, #tpu.memory_space<vmem_shared>>) offsets(%dma_start3A_100 : memref<125xi32, #tpu.memory_space<vmem>>) semaphore(%arg17 : memref<!tpu.dma_semaphore, #tpu.memory_space<semaphore_mem>>) {add = true}
      %gt3A_104 = arith.constant 0 : i32
      %gt3A_105 = arith.cmpi sgt, %scan3A_61, %gt3A_104 : i32
      %convert_element_type3A_106 = arith.extui %gt3A_105 : i1 to i32
      %cond3A_107 = arith.constant 0 : i32
      %cond3A_108 = arith.cmpi ne, %convert_element_type3A_106, %cond3A_107 : i32
      scf.if %cond3A_108 {
        %sub3A = arith.constant 2 : i32
        %sub3A_154 = arith.subi %add3A_91, %sub3A : i32
        %dma_wait3A_155 = arith.constant 0 : i32
        %dma_wait3A_156 = tpu.memref_slice %arg7[%sub3A_154, %dma_wait3A_155] : memref<80x125xi32, #tpu.memory_space<vmem>> -> memref<1x125xi32, #tpu.memory_space<vmem>>
        %dma_wait3A_157 = tpu.memref_squeeze %dma_wait3A_156 : memref<1x125xi32, #tpu.memory_space<vmem>> -> memref<125xi32, #tpu.memory_space<vmem>>
        %dma_wait3A_158 = arith.constant 0 : i32
        %dma_wait3A_159 = arith.constant 0 : i32
        %dma_wait3A_160 = tpu.memref_slice %arg20[%dma_wait3A_158, %dma_wait3A_159] : memref<10000x64xf32, #tpu.memory_space<vmem_shared>> -> memref<10000x64xf32, #tpu.memory_space<vmem_shared>>
        tpu.wait_indirect_dma semaphore(%arg19 : memref<!tpu.dma_semaphore, #tpu.memory_space<semaphore_mem>>) src(%arg11 : memref<125x64xf32, #tpu.memory_space<vmem>>) dst(%dma_wait3A_160 : memref<10000x64xf32, #tpu.memory_space<vmem_shared>>)
      } else {
      }
      %add3A_109 = arith.constant 2 : i32
      %add3A_110 = arith.addi %add3A_91, %add3A_109 : i32
      %dma_start3A_111 = arith.constant 0 : i32
      %dma_start3A_112 = tpu.memref_slice %arg6[%add3A_110, %dma_start3A_111] : memref<80x125xi32, #tpu.memory_space<vmem>> -> memref<1x125xi32, #tpu.memory_space<vmem>>
      %dma_start3A_113 = tpu.memref_squeeze %dma_start3A_112 : memref<1x125xi32, #tpu.memory_space<vmem>> -> memref<125xi32, #tpu.memory_space<vmem>>
      %dma_start3A_114 = arith.constant 0 : i32
      %dma_start3A_115 = arith.constant 0 : i32
      %dma_start3A_116 = tpu.memref_slice %arg2[%dma_start3A_114, %dma_start3A_115] : memref<10000x64xf32, #tpu.memory_space<hbm>> -> memref<10000x64xf32, #tpu.memory_space<hbm>>
      tpu.enqueue_indirect_dma source(%dma_start3A_116 : memref<10000x64xf32, #tpu.memory_space<hbm>>) target(%arg11 : memref<125x64xf32, #tpu.memory_space<vmem>>) offsets(%dma_start3A_113 : memref<125xi32, #tpu.memory_space<vmem>>) semaphore(%arg15 : memref<!tpu.dma_semaphore, #tpu.memory_space<semaphore_mem>>)
      %add3A_117 = arith.constant 2 : i32
      %add3A_118 = arith.addi %mul3A_63, %add3A_117 : i32
      %dma_wait3A_119 = arith.constant 0 : i32
      %dma_wait3A_120 = tpu.memref_slice %arg6[%add3A_118, %dma_wait3A_119] : memref<80x125xi32, #tpu.memory_space<vmem>> -> memref<1x125xi32, #tpu.memory_space<vmem>>
      %dma_wait3A_121 = tpu.memref_squeeze %dma_wait3A_120 : memref<1x125xi32, #tpu.memory_space<vmem>> -> memref<125xi32, #tpu.memory_space<vmem>>
      %dma_wait3A_122 = arith.constant 0 : i32
      %dma_wait3A_123 = arith.constant 0 : i32
      %dma_wait3A_124 = tpu.memref_slice %arg2[%dma_wait3A_122, %dma_wait3A_123] : memref<10000x64xf32, #tpu.memory_space<hbm>> -> memref<10000x64xf32, #tpu.memory_space<hbm>>
      tpu.wait_indirect_dma semaphore(%arg14 : memref<!tpu.dma_semaphore, #tpu.memory_space<semaphore_mem>>) src(%dma_wait3A_124 : memref<10000x64xf32, #tpu.memory_space<hbm>>) dst(%arg10 : memref<125x64xf32, #tpu.memory_space<vmem>>)
      %dma_start3A_125 = arith.constant 0 : i32
      %dma_start3A_126 = tpu.memref_slice %arg7[%add3A_118, %dma_start3A_125] : memref<80x125xi32, #tpu.memory_space<vmem>> -> memref<1x125xi32, #tpu.memory_space<vmem>>
      %dma_start3A_127 = tpu.memref_squeeze %dma_start3A_126 : memref<1x125xi32, #tpu.memory_space<vmem>> -> memref<125xi32, #tpu.memory_space<vmem>>
      %dma_start3A_128 = arith.constant 0 : i32
      %dma_start3A_129 = arith.constant 0 : i32
      %dma_start3A_130 = tpu.memref_slice %arg20[%dma_start3A_128, %dma_start3A_129] : memref<10000x64xf32, #tpu.memory_space<vmem_shared>> -> memref<10000x64xf32, #tpu.memory_space<vmem_shared>>
      tpu.enqueue_indirect_dma source(%arg10 : memref<125x64xf32, #tpu.memory_space<vmem>>) target(%dma_start3A_130 : memref<10000x64xf32, #tpu.memory_space<vmem_shared>>) offsets(%dma_start3A_127 : memref<125xi32, #tpu.memory_space<vmem>>) semaphore(%arg18 : memref<!tpu.dma_semaphore, #tpu.memory_space<semaphore_mem>>) {add = true}
      %lt3A = arith.constant 19 : i32
      %lt3A_131 = arith.cmpi slt, %scan3A_61, %lt3A : i32
      %convert_element_type3A_132 = arith.extui %lt3A_131 : i1 to i32
      %cond3A_133 = arith.constant 0 : i32
      %cond3A_134 = arith.cmpi ne, %convert_element_type3A_132, %cond3A_133 : i32
      scf.if %cond3A_134 {
        %sub3A = arith.constant 2 : i32
        %sub3A_154 = arith.subi %add3A_118, %sub3A : i32
        %dma_wait3A_155 = arith.constant 0 : i32
        %dma_wait3A_156 = tpu.memref_slice %arg7[%sub3A_154, %dma_wait3A_155] : memref<80x125xi32, #tpu.memory_space<vmem>> -> memref<1x125xi32, #tpu.memory_space<vmem>>
        %dma_wait3A_157 = tpu.memref_squeeze %dma_wait3A_156 : memref<1x125xi32, #tpu.memory_space<vmem>> -> memref<125xi32, #tpu.memory_space<vmem>>
        %dma_wait3A_158 = arith.constant 0 : i32
        %dma_wait3A_159 = arith.constant 0 : i32
        %dma_wait3A_160 = tpu.memref_slice %arg20[%dma_wait3A_158, %dma_wait3A_159] : memref<10000x64xf32, #tpu.memory_space<vmem_shared>> -> memref<10000x64xf32, #tpu.memory_space<vmem_shared>>
        tpu.wait_indirect_dma semaphore(%arg16 : memref<!tpu.dma_semaphore, #tpu.memory_space<semaphore_mem>>) src(%arg8 : memref<125x64xf32, #tpu.memory_space<vmem>>) dst(%dma_wait3A_160 : memref<10000x64xf32, #tpu.memory_space<vmem_shared>>)
        %add3A_161 = arith.constant 2 : i32
        %add3A_162 = arith.addi %add3A_118, %add3A_161 : i32
        %dma_start3A_163 = arith.constant 0 : i32
        %dma_start3A_164 = tpu.memref_slice %arg6[%add3A_162, %dma_start3A_163] : memref<80x125xi32, #tpu.memory_space<vmem>> -> memref<1x125xi32, #tpu.memory_space<vmem>>
        %dma_start3A_165 = tpu.memref_squeeze %dma_start3A_164 : memref<1x125xi32, #tpu.memory_space<vmem>> -> memref<125xi32, #tpu.memory_space<vmem>>
        %dma_start3A_166 = arith.constant 0 : i32
        %dma_start3A_167 = arith.constant 0 : i32
        %dma_start3A_168 = tpu.memref_slice %arg2[%dma_start3A_166, %dma_start3A_167] : memref<10000x64xf32, #tpu.memory_space<hbm>> -> memref<10000x64xf32, #tpu.memory_space<hbm>>
        tpu.enqueue_indirect_dma source(%dma_start3A_168 : memref<10000x64xf32, #tpu.memory_space<hbm>>) target(%arg8 : memref<125x64xf32, #tpu.memory_space<vmem>>) offsets(%dma_start3A_165 : memref<125xi32, #tpu.memory_space<vmem>>) semaphore(%arg12 : memref<!tpu.dma_semaphore, #tpu.memory_space<semaphore_mem>>)
      } else {
      }
      %add3A_135 = arith.constant 3 : i32
      %add3A_136 = arith.addi %mul3A_63, %add3A_135 : i32
      %dma_wait3A_137 = arith.constant 0 : i32
      %dma_wait3A_138 = tpu.memref_slice %arg6[%add3A_136, %dma_wait3A_137] : memref<80x125xi32, #tpu.memory_space<vmem>> -> memref<1x125xi32, #tpu.memory_space<vmem>>
      %dma_wait3A_139 = tpu.memref_squeeze %dma_wait3A_138 : memref<1x125xi32, #tpu.memory_space<vmem>> -> memref<125xi32, #tpu.memory_space<vmem>>
      %dma_wait3A_140 = arith.constant 0 : i32
      %dma_wait3A_141 = arith.constant 0 : i32
      %dma_wait3A_142 = tpu.memref_slice %arg2[%dma_wait3A_140, %dma_wait3A_141] : memref<10000x64xf32, #tpu.memory_space<hbm>> -> memref<10000x64xf32, #tpu.memory_space<hbm>>
      tpu.wait_indirect_dma semaphore(%arg15 : memref<!tpu.dma_semaphore, #tpu.memory_space<semaphore_mem>>) src(%dma_wait3A_142 : memref<10000x64xf32, #tpu.memory_space<hbm>>) dst(%arg11 : memref<125x64xf32, #tpu.memory_space<vmem>>)
      %dma_start3A_143 = arith.constant 0 : i32
      %dma_start3A_144 = tpu.memref_slice %arg7[%add3A_136, %dma_start3A_143] : memref<80x125xi32, #tpu.memory_space<vmem>> -> memref<1x125xi32, #tpu.memory_space<vmem>>
      %dma_start3A_145 = tpu.memref_squeeze %dma_start3A_144 : memref<1x125xi32, #tpu.memory_space<vmem>> -> memref<125xi32, #tpu.memory_space<vmem>>
      %dma_start3A_146 = arith.constant 0 : i32
      %dma_start3A_147 = arith.constant 0 : i32
      %dma_start3A_148 = tpu.memref_slice %arg20[%dma_start3A_146, %dma_start3A_147] : memref<10000x64xf32, #tpu.memory_space<vmem_shared>> -> memref<10000x64xf32, #tpu.memory_space<vmem_shared>>
      tpu.enqueue_indirect_dma source(%arg11 : memref<125x64xf32, #tpu.memory_space<vmem>>) target(%dma_start3A_148 : memref<10000x64xf32, #tpu.memory_space<vmem_shared>>) offsets(%dma_start3A_145 : memref<125xi32, #tpu.memory_space<vmem>>) semaphore(%arg19 : memref<!tpu.dma_semaphore, #tpu.memory_space<semaphore_mem>>) {add = true}
      %lt3A_149 = arith.constant 19 : i32
      %lt3A_150 = arith.cmpi slt, %scan3A_61, %lt3A_149 : i32
      %convert_element_type3A_151 = arith.extui %lt3A_150 : i1 to i32
      %cond3A_152 = arith.constant 0 : i32
      %cond3A_153 = arith.cmpi ne, %convert_element_type3A_151, %cond3A_152 : i32
      scf.if %cond3A_153 {
        %sub3A = arith.constant 2 : i32
        %sub3A_154 = arith.subi %add3A_136, %sub3A : i32
        %dma_wait3A_155 = arith.constant 0 : i32
        %dma_wait3A_156 = tpu.memref_slice %arg7[%sub3A_154, %dma_wait3A_155] : memref<80x125xi32, #tpu.memory_space<vmem>> -> memref<1x125xi32, #tpu.memory_space<vmem>>
        %dma_wait3A_157 = tpu.memref_squeeze %dma_wait3A_156 : memref<1x125xi32, #tpu.memory_space<vmem>> -> memref<125xi32, #tpu.memory_space<vmem>>
        %dma_wait3A_158 = arith.constant 0 : i32
        %dma_wait3A_159 = arith.constant 0 : i32
        %dma_wait3A_160 = tpu.memref_slice %arg20[%dma_wait3A_158, %dma_wait3A_159] : memref<10000x64xf32, #tpu.memory_space<vmem_shared>> -> memref<10000x64xf32, #tpu.memory_space<vmem_shared>>
        tpu.wait_indirect_dma semaphore(%arg17 : memref<!tpu.dma_semaphore, #tpu.memory_space<semaphore_mem>>) src(%arg9 : memref<125x64xf32, #tpu.memory_space<vmem>>) dst(%dma_wait3A_160 : memref<10000x64xf32, #tpu.memory_space<vmem_shared>>)
        %add3A_161 = arith.constant 2 : i32
        %add3A_162 = arith.addi %add3A_136, %add3A_161 : i32
        %dma_start3A_163 = arith.constant 0 : i32
        %dma_start3A_164 = tpu.memref_slice %arg6[%add3A_162, %dma_start3A_163] : memref<80x125xi32, #tpu.memory_space<vmem>> -> memref<1x125xi32, #tpu.memory_space<vmem>>
        %dma_start3A_165 = tpu.memref_squeeze %dma_start3A_164 : memref<1x125xi32, #tpu.memory_space<vmem>> -> memref<125xi32, #tpu.memory_space<vmem>>
        %dma_start3A_166 = arith.constant 0 : i32
        %dma_start3A_167 = arith.constant 0 : i32
        %dma_start3A_168 = tpu.memref_slice %arg2[%dma_start3A_166, %dma_start3A_167] : memref<10000x64xf32, #tpu.memory_space<hbm>> -> memref<10000x64xf32, #tpu.memory_space<hbm>>
        tpu.enqueue_indirect_dma source(%dma_start3A_168 : memref<10000x64xf32, #tpu.memory_space<hbm>>) target(%arg9 : memref<125x64xf32, #tpu.memory_space<vmem>>) offsets(%dma_start3A_165 : memref<125xi32, #tpu.memory_space<vmem>>) semaphore(%arg13 : memref<!tpu.dma_semaphore, #tpu.memory_space<semaphore_mem>>)
      } else {
      }
    }
    %scan3A_27 = arith.constant 20 : i32
    %dma_wait3A = arith.constant 76 : i32
    %dma_wait3A_28 = arith.constant 0 : i32
    %dma_wait3A_29 = tpu.memref_slice %arg7[%dma_wait3A, %dma_wait3A_28] : memref<80x125xi32, #tpu.memory_space<vmem>> -> memref<1x125xi32, #tpu.memory_space<vmem>>
    %dma_wait3A_30 = tpu.memref_squeeze %dma_wait3A_29 : memref<1x125xi32, #tpu.memory_space<vmem>> -> memref<125xi32, #tpu.memory_space<vmem>>
    %dma_wait3A_31 = arith.constant 0 : i32
    %dma_wait3A_32 = arith.constant 0 : i32
    %dma_wait3A_33 = tpu.memref_slice %arg20[%dma_wait3A_31, %dma_wait3A_32] : memref<10000x64xf32, #tpu.memory_space<vmem_shared>> -> memref<10000x64xf32, #tpu.memory_space<vmem_shared>>
    tpu.wait_indirect_dma semaphore(%arg16 : memref<!tpu.dma_semaphore, #tpu.memory_space<semaphore_mem>>) src(%arg8 : memref<125x64xf32, #tpu.memory_space<vmem>>) dst(%dma_wait3A_33 : memref<10000x64xf32, #tpu.memory_space<vmem_shared>>)
    %dma_wait3A_34 = arith.constant 77 : i32
    %dma_wait3A_35 = arith.constant 0 : i32
    %dma_wait3A_36 = tpu.memref_slice %arg7[%dma_wait3A_34, %dma_wait3A_35] : memref<80x125xi32, #tpu.memory_space<vmem>> -> memref<1x125xi32, #tpu.memory_space<vmem>>
    %dma_wait3A_37 = tpu.memref_squeeze %dma_wait3A_36 : memref<1x125xi32, #tpu.memory_space<vmem>> -> memref<125xi32, #tpu.memory_space<vmem>>
    %dma_wait3A_38 = arith.constant 0 : i32
    %dma_wait3A_39 = arith.constant 0 : i32
    %dma_wait3A_40 = tpu.memref_slice %arg20[%dma_wait3A_38, %dma_wait3A_39] : memref<10000x64xf32, #tpu.memory_space<vmem_shared>> -> memref<10000x64xf32, #tpu.memory_space<vmem_shared>>
    tpu.wait_indirect_dma semaphore(%arg17 : memref<!tpu.dma_semaphore, #tpu.memory_space<semaphore_mem>>) src(%arg9 : memref<125x64xf32, #tpu.memory_space<vmem>>) dst(%dma_wait3A_40 : memref<10000x64xf32, #tpu.memory_space<vmem_shared>>)
    %dma_wait3A_41 = arith.constant 78 : i32
    %dma_wait3A_42 = arith.constant 0 : i32
    %dma_wait3A_43 = tpu.memref_slice %arg7[%dma_wait3A_41, %dma_wait3A_42] : memref<80x125xi32, #tpu.memory_space<vmem>> -> memref<1x125xi32, #tpu.memory_space<vmem>>
    %dma_wait3A_44 = tpu.memref_squeeze %dma_wait3A_43 : memref<1x125xi32, #tpu.memory_space<vmem>> -> memref<125xi32, #tpu.memory_space<vmem>>
    %dma_wait3A_45 = arith.constant 0 : i32
    %dma_wait3A_46 = arith.constant 0 : i32
    %dma_wait3A_47 = tpu.memref_slice %arg20[%dma_wait3A_45, %dma_wait3A_46] : memref<10000x64xf32, #tpu.memory_space<vmem_shared>> -> memref<10000x64xf32, #tpu.memory_space<vmem_shared>>
    tpu.wait_indirect_dma semaphore(%arg18 : memref<!tpu.dma_semaphore, #tpu.memory_space<semaphore_mem>>) src(%arg10 : memref<125x64xf32, #tpu.memory_space<vmem>>) dst(%dma_wait3A_47 : memref<10000x64xf32, #tpu.memory_space<vmem_shared>>)
    %dma_wait3A_48 = arith.constant 79 : i32
    %dma_wait3A_49 = arith.constant 0 : i32
    %dma_wait3A_50 = tpu.memref_slice %arg7[%dma_wait3A_48, %dma_wait3A_49] : memref<80x125xi32, #tpu.memory_space<vmem>> -> memref<1x125xi32, #tpu.memory_space<vmem>>
    %dma_wait3A_51 = tpu.memref_squeeze %dma_wait3A_50 : memref<1x125xi32, #tpu.memory_space<vmem>> -> memref<125xi32, #tpu.memory_space<vmem>>
    %dma_wait3A_52 = arith.constant 0 : i32
    %dma_wait3A_53 = arith.constant 0 : i32
    %dma_wait3A_54 = tpu.memref_slice %arg20[%dma_wait3A_52, %dma_wait3A_53] : memref<10000x64xf32, #tpu.memory_space<vmem_shared>> -> memref<10000x64xf32, #tpu.memory_space<vmem_shared>>
    tpu.wait_indirect_dma semaphore(%arg19 : memref<!tpu.dma_semaphore, #tpu.memory_space<semaphore_mem>>) src(%arg11 : memref<125x64xf32, #tpu.memory_space<vmem>>) dst(%dma_wait3A_54 : memref<10000x64xf32, #tpu.memory_space<vmem_shared>>)
    %barrier3A_55 = arith.constant 0 : index
    tpu.barrier barrier_id(%barrier3A_55)
    "tpu.region"() ({
      %run_scoped3A_61 = tpu.sem_alloc : memref<!tpu.dma_semaphore, #tpu.memory_space<semaphore_mem>>
      %dma_start3A_62 = arith.constant 0 : i32
      %dma_start3A_63 = tpu.memref_slice %arg5[%arg0, %mul3A_2, %dma_start3A_62] : memref<2x10000x64xf32, #tpu.memory_space<hbm>> -> memref<1x624x64xf32, #tpu.memory_space<hbm>>
      %dma_start3A_64 = tpu.memref_squeeze %dma_start3A_63 : memref<1x624x64xf32, #tpu.memory_space<hbm>> -> memref<624x64xf32, #tpu.memory_space<hbm>>
      %dma_start3A_65 = arith.constant 0 : i32
      %dma_start3A_66 = tpu.memref_slice %arg20[%mul3A_2, %dma_start3A_65] : memref<10000x64xf32, #tpu.memory_space<vmem_shared>> -> memref<624x64xf32, #tpu.memory_space<vmem_shared>>
      tpu.enqueue_dma source(%dma_start3A_66 : memref<624x64xf32, #tpu.memory_space<vmem_shared>>) target(%dma_start3A_64 : memref<624x64xf32, #tpu.memory_space<hbm>>) target_semaphore(%run_scoped3A_61 : memref<!tpu.dma_semaphore, #tpu.memory_space<semaphore_mem>>)
      %dma_wait3A_67 = arith.constant 0 : i32
      %dma_wait3A_68 = tpu.memref_slice %arg5[%arg0, %mul3A_2, %dma_wait3A_67] : memref<2x10000x64xf32, #tpu.memory_space<hbm>> -> memref<1x624x64xf32, #tpu.memory_space<hbm>>
      %dma_wait3A_69 = tpu.memref_squeeze %dma_wait3A_68 : memref<1x624x64xf32, #tpu.memory_space<hbm>> -> memref<624x64xf32, #tpu.memory_space<hbm>>
      %dma_wait3A_70 = arith.constant 0 : i32
      %dma_wait3A_71 = tpu.memref_slice %arg20[%mul3A_2, %dma_wait3A_70] : memref<10000x64xf32, #tpu.memory_space<vmem_shared>> -> memref<624x64xf32, #tpu.memory_space<vmem_shared>>
      tpu.wait_dma2 semaphore(%run_scoped3A_61 : memref<!tpu.dma_semaphore, #tpu.memory_space<semaphore_mem>>) src(%dma_wait3A_71 : memref<624x64xf32, #tpu.memory_space<vmem_shared>>) dst(%dma_wait3A_69 : memref<624x64xf32, #tpu.memory_space<hbm>>)
      tpu.yield
    }) : () -> ()
    %eq3A_56 = arith.constant 15 : i32
    %eq3A_57 = arith.cmpi eq, %arg1, %eq3A_56 : i32
    %convert_element_type3A_58 = arith.extui %eq3A_57 : i1 to i32
    %cond3A_59 = arith.constant 0 : i32
    %cond3A_60 = arith.cmpi ne, %convert_element_type3A_58, %cond3A_59 : i32
    scf.if %cond3A_60 {
      "tpu.region"() ({
        %run_scoped3A_61 = tpu.sem_alloc : memref<!tpu.dma_semaphore, #tpu.memory_space<semaphore_mem>>
        %dma_start3A_62 = arith.constant 9984 : i32
        %dma_start3A_63 = arith.constant 0 : i32
        %dma_start3A_64 = tpu.memref_slice %arg5[%arg0, %dma_start3A_62, %dma_start3A_63] : memref<2x10000x64xf32, #tpu.memory_space<hbm>> -> memref<1x16x64xf32, #tpu.memory_space<hbm>>
        %dma_start3A_65 = tpu.memref_squeeze %dma_start3A_64 : memref<1x16x64xf32, #tpu.memory_space<hbm>> -> memref<16x64xf32, #tpu.memory_space<hbm>>
        %dma_start3A_66 = arith.constant 9984 : i32
        %dma_start3A_67 = arith.constant 0 : i32
        %dma_start3A_68 = tpu.memref_slice %arg20[%dma_start3A_66, %dma_start3A_67] : memref<10000x64xf32, #tpu.memory_space<vmem_shared>> -> memref<16x64xf32, #tpu.memory_space<vmem_shared>>
        tpu.enqueue_dma source(%dma_start3A_68 : memref<16x64xf32, #tpu.memory_space<vmem_shared>>) target(%dma_start3A_65 : memref<16x64xf32, #tpu.memory_space<hbm>>) target_semaphore(%run_scoped3A_61 : memref<!tpu.dma_semaphore, #tpu.memory_space<semaphore_mem>>)
        %dma_wait3A_69 = arith.constant 9984 : i32
        %dma_wait3A_70 = arith.constant 0 : i32
        %dma_wait3A_71 = tpu.memref_slice %arg5[%arg0, %dma_wait3A_69, %dma_wait3A_70] : memref<2x10000x64xf32, #tpu.memory_space<hbm>> -> memref<1x16x64xf32, #tpu.memory_space<hbm>>
        %dma_wait3A_72 = tpu.memref_squeeze %dma_wait3A_71 : memref<1x16x64xf32, #tpu.memory_space<hbm>> -> memref<16x64xf32, #tpu.memory_space<hbm>>
        %dma_wait3A_73 = arith.constant 9984 : i32
        %dma_wait3A_74 = arith.constant 0 : i32
        %dma_wait3A_75 = tpu.memref_slice %arg20[%dma_wait3A_73, %dma_wait3A_74] : memref<10000x64xf32, #tpu.memory_space<vmem_shared>> -> memref<16x64xf32, #tpu.memory_space<vmem_shared>>
        tpu.wait_dma2 semaphore(%run_scoped3A_61 : memref<!tpu.dma_semaphore, #tpu.memory_space<semaphore_mem>>) src(%dma_wait3A_75 : memref<16x64xf32, #tpu.memory_space<vmem_shared>>) dst(%dma_wait3A_72 : memref<16x64xf32, #tpu.memory_space<hbm>>)
        tpu.yield
      }) : () -> ()
    } else {
    }
    return
  }
}

#map = affine_map<(d0, d1) -> (0, 0)>
#map1 = affine_map<(d0, d1) -> (0, 0, 0)>
module attributes {stable_mosaic.version = 14 : i64} {
  func.func @prop(%arg0: i32, %arg1: i32, %arg2: memref<10000x32xf32, #tpu.memory_space<hbm>>, %arg3: memref<2x2560x125xi32, #tpu.memory_space<hbm>>, %arg4: memref<10000x32xf32, #tpu.memory_space<hbm>>, %arg5: memref<2x10000x32xf32, #tpu.memory_space<hbm>>, %arg6: memref<80x125xi32, #tpu.memory_space<vmem>>, %arg7: memref<80x125xi32, #tpu.memory_space<vmem>>, %arg8: memref<125x32xf32, #tpu.memory_space<vmem>>, %arg9: memref<125x32xf32, #tpu.memory_space<vmem>>, %arg10: memref<125x32xf32, #tpu.memory_space<vmem>>, %arg11: memref<125x32xf32, #tpu.memory_space<vmem>>, %arg12: memref<!tpu.dma_semaphore, #tpu.memory_space<semaphore_mem>>, %arg13: memref<!tpu.dma_semaphore, #tpu.memory_space<semaphore_mem>>, %arg14: memref<!tpu.dma_semaphore, #tpu.memory_space<semaphore_mem>>, %arg15: memref<!tpu.dma_semaphore, #tpu.memory_space<semaphore_mem>>, %arg16: memref<!tpu.dma_semaphore, #tpu.memory_space<semaphore_mem>>, %arg17: memref<!tpu.dma_semaphore, #tpu.memory_space<semaphore_mem>>, %arg18: memref<!tpu.dma_semaphore, #tpu.memory_space<semaphore_mem>>, %arg19: memref<!tpu.dma_semaphore, #tpu.memory_space<semaphore_mem>>, %arg20: memref<10000x32xf32, #tpu.memory_space<vmem_shared>>) attributes {dimension_semantics = [#tpu.dimension_semantics<core_parallel>, #tpu.dimension_semantics<subcore_parallel>], iteration_bounds = array<i64: 2, 16>, scalar_prefetch = 0 : i64, scratch_operands = 15 : i64, tpu.core_type = #tpu.core_type<sc_vector_subcore>, window_params = [{transform_indices = #map}, {transform_indices = #map1}, {transform_indices = #map}, {transform_indices = #map1}]} {
    %mul3A = arith.constant 2 : i32
    %mul3A_0 = arith.muli %arg1, %mul3A : i32
    %add3A = arith.addi %mul3A_0, %arg0 : i32
    %mul3A_1 = arith.constant 624 : i32
    %mul3A_2 = arith.muli %arg1, %mul3A_1 : i32
    "tpu.region"() ({
      %run_scoped3A_61 = tpu.sem_alloc : memref<!tpu.dma_semaphore, #tpu.memory_space<semaphore_mem>>
      %dma_start3A_62 = arith.constant 0 : i32
      %dma_start3A_63 = tpu.memref_slice %arg20[%mul3A_2, %dma_start3A_62] : memref<10000x32xf32, #tpu.memory_space<vmem_shared>> -> memref<624x32xf32, #tpu.memory_space<vmem_shared>>
      %dma_start3A_64 = arith.constant 0 : i32
      %dma_start3A_65 = tpu.memref_slice %arg4[%mul3A_2, %dma_start3A_64] : memref<10000x32xf32, #tpu.memory_space<hbm>> -> memref<624x32xf32, #tpu.memory_space<hbm>>
      tpu.enqueue_dma source(%dma_start3A_65 : memref<624x32xf32, #tpu.memory_space<hbm>>) target(%dma_start3A_63 : memref<624x32xf32, #tpu.memory_space<vmem_shared>>) target_semaphore(%run_scoped3A_61 : memref<!tpu.dma_semaphore, #tpu.memory_space<semaphore_mem>>)
      %dma_wait3A_66 = arith.constant 0 : i32
      %dma_wait3A_67 = tpu.memref_slice %arg20[%mul3A_2, %dma_wait3A_66] : memref<10000x32xf32, #tpu.memory_space<vmem_shared>> -> memref<624x32xf32, #tpu.memory_space<vmem_shared>>
      %dma_wait3A_68 = arith.constant 0 : i32
      %dma_wait3A_69 = tpu.memref_slice %arg4[%mul3A_2, %dma_wait3A_68] : memref<10000x32xf32, #tpu.memory_space<hbm>> -> memref<624x32xf32, #tpu.memory_space<hbm>>
      tpu.wait_dma2 semaphore(%run_scoped3A_61 : memref<!tpu.dma_semaphore, #tpu.memory_space<semaphore_mem>>) src(%dma_wait3A_69 : memref<624x32xf32, #tpu.memory_space<hbm>>) dst(%dma_wait3A_67 : memref<624x32xf32, #tpu.memory_space<vmem_shared>>)
      tpu.yield
    }) : () -> ()
    %eq3A = arith.constant 15 : i32
    %eq3A_3 = arith.cmpi eq, %arg1, %eq3A : i32
    %convert_element_type3A = arith.extui %eq3A_3 : i1 to i32
    %cond3A = arith.constant 0 : i32
    %cond3A_4 = arith.cmpi ne, %convert_element_type3A, %cond3A : i32
    scf.if %cond3A_4 {
      "tpu.region"() ({
        %run_scoped3A_61 = tpu.sem_alloc : memref<!tpu.dma_semaphore, #tpu.memory_space<semaphore_mem>>
        %dma_start3A_62 = arith.constant 9984 : i32
        %dma_start3A_63 = arith.constant 0 : i32
        %dma_start3A_64 = tpu.memref_slice %arg20[%dma_start3A_62, %dma_start3A_63] : memref<10000x32xf32, #tpu.memory_space<vmem_shared>> -> memref<16x32xf32, #tpu.memory_space<vmem_shared>>
        %dma_start3A_65 = arith.constant 9984 : i32
        %dma_start3A_66 = arith.constant 0 : i32
        %dma_start3A_67 = tpu.memref_slice %arg4[%dma_start3A_65, %dma_start3A_66] : memref<10000x32xf32, #tpu.memory_space<hbm>> -> memref<16x32xf32, #tpu.memory_space<hbm>>
        tpu.enqueue_dma source(%dma_start3A_67 : memref<16x32xf32, #tpu.memory_space<hbm>>) target(%dma_start3A_64 : memref<16x32xf32, #tpu.memory_space<vmem_shared>>) target_semaphore(%run_scoped3A_61 : memref<!tpu.dma_semaphore, #tpu.memory_space<semaphore_mem>>)
        %dma_wait3A_68 = arith.constant 9984 : i32
        %dma_wait3A_69 = arith.constant 0 : i32
        %dma_wait3A_70 = tpu.memref_slice %arg20[%dma_wait3A_68, %dma_wait3A_69] : memref<10000x32xf32, #tpu.memory_space<vmem_shared>> -> memref<16x32xf32, #tpu.memory_space<vmem_shared>>
        %dma_wait3A_71 = arith.constant 9984 : i32
        %dma_wait3A_72 = arith.constant 0 : i32
        %dma_wait3A_73 = tpu.memref_slice %arg4[%dma_wait3A_71, %dma_wait3A_72] : memref<10000x32xf32, #tpu.memory_space<hbm>> -> memref<16x32xf32, #tpu.memory_space<hbm>>
        tpu.wait_dma2 semaphore(%run_scoped3A_61 : memref<!tpu.dma_semaphore, #tpu.memory_space<semaphore_mem>>) src(%dma_wait3A_73 : memref<16x32xf32, #tpu.memory_space<hbm>>) dst(%dma_wait3A_70 : memref<16x32xf32, #tpu.memory_space<vmem_shared>>)
        tpu.yield
      }) : () -> ()
    } else {
    }
    %mul3A_5 = arith.constant 80 : i32
    %mul3A_6 = arith.muli %add3A, %mul3A_5 : i32
    %run_scoped3A = arith.constant 0 : i32
    "tpu.region"() ({
      %run_scoped3A_61 = tpu.sem_alloc : memref<!tpu.dma_semaphore, #tpu.memory_space<semaphore_mem>>
      %dma_start3A_62 = arith.constant 0 : i32
      %dma_start3A_63 = tpu.memref_slice %arg3[%run_scoped3A, %mul3A_6, %dma_start3A_62] : memref<2x2560x125xi32, #tpu.memory_space<hbm>> -> memref<1x80x125xi32, #tpu.memory_space<hbm>>
      %dma_start3A_64 = tpu.memref_squeeze %dma_start3A_63 : memref<1x80x125xi32, #tpu.memory_space<hbm>> -> memref<80x125xi32, #tpu.memory_space<hbm>>
      %dma_start3A_65 = arith.constant 0 : i32
      %dma_start3A_66 = tpu.memref_slice %arg3[%run_scoped3A, %mul3A_6, %dma_start3A_65] : memref<2x2560x125xi32, #tpu.memory_space<hbm>> -> memref<1x80x125xi32, #tpu.memory_space<hbm>>
      %dma_start3A_67 = tpu.memref_squeeze %dma_start3A_66 : memref<1x80x125xi32, #tpu.memory_space<hbm>> -> memref<80x125xi32, #tpu.memory_space<hbm>>
      tpu.enqueue_dma source(%dma_start3A_67 : memref<80x125xi32, #tpu.memory_space<hbm>>) target(%arg6 : memref<80x125xi32, #tpu.memory_space<vmem>>) target_semaphore(%run_scoped3A_61 : memref<!tpu.dma_semaphore, #tpu.memory_space<semaphore_mem>>)
      %dma_wait3A_68 = arith.constant 0 : i32
      %dma_wait3A_69 = tpu.memref_slice %arg3[%run_scoped3A, %mul3A_6, %dma_wait3A_68] : memref<2x2560x125xi32, #tpu.memory_space<hbm>> -> memref<1x80x125xi32, #tpu.memory_space<hbm>>
      %dma_wait3A_70 = tpu.memref_squeeze %dma_wait3A_69 : memref<1x80x125xi32, #tpu.memory_space<hbm>> -> memref<80x125xi32, #tpu.memory_space<hbm>>
      %dma_wait3A_71 = arith.constant 0 : i32
      %dma_wait3A_72 = tpu.memref_slice %arg3[%run_scoped3A, %mul3A_6, %dma_wait3A_71] : memref<2x2560x125xi32, #tpu.memory_space<hbm>> -> memref<1x80x125xi32, #tpu.memory_space<hbm>>
      %dma_wait3A_73 = tpu.memref_squeeze %dma_wait3A_72 : memref<1x80x125xi32, #tpu.memory_space<hbm>> -> memref<80x125xi32, #tpu.memory_space<hbm>>
      tpu.wait_dma2 semaphore(%run_scoped3A_61 : memref<!tpu.dma_semaphore, #tpu.memory_space<semaphore_mem>>) src(%dma_wait3A_73 : memref<80x125xi32, #tpu.memory_space<hbm>>) dst(%arg6 : memref<80x125xi32, #tpu.memory_space<vmem>>)
      tpu.yield
    }) : () -> ()
    %mul3A_7 = arith.constant 80 : i32
    %mul3A_8 = arith.muli %add3A, %mul3A_7 : i32
    %run_scoped3A_9 = arith.constant 1 : i32
    "tpu.region"() ({
      %run_scoped3A_61 = tpu.sem_alloc : memref<!tpu.dma_semaphore, #tpu.memory_space<semaphore_mem>>
      %dma_start3A_62 = arith.constant 0 : i32
      %dma_start3A_63 = tpu.memref_slice %arg3[%run_scoped3A_9, %mul3A_8, %dma_start3A_62] : memref<2x2560x125xi32, #tpu.memory_space<hbm>> -> memref<1x80x125xi32, #tpu.memory_space<hbm>>
      %dma_start3A_64 = tpu.memref_squeeze %dma_start3A_63 : memref<1x80x125xi32, #tpu.memory_space<hbm>> -> memref<80x125xi32, #tpu.memory_space<hbm>>
      %dma_start3A_65 = arith.constant 0 : i32
      %dma_start3A_66 = tpu.memref_slice %arg3[%run_scoped3A_9, %mul3A_8, %dma_start3A_65] : memref<2x2560x125xi32, #tpu.memory_space<hbm>> -> memref<1x80x125xi32, #tpu.memory_space<hbm>>
      %dma_start3A_67 = tpu.memref_squeeze %dma_start3A_66 : memref<1x80x125xi32, #tpu.memory_space<hbm>> -> memref<80x125xi32, #tpu.memory_space<hbm>>
      tpu.enqueue_dma source(%dma_start3A_67 : memref<80x125xi32, #tpu.memory_space<hbm>>) target(%arg7 : memref<80x125xi32, #tpu.memory_space<vmem>>) target_semaphore(%run_scoped3A_61 : memref<!tpu.dma_semaphore, #tpu.memory_space<semaphore_mem>>)
      %dma_wait3A_68 = arith.constant 0 : i32
      %dma_wait3A_69 = tpu.memref_slice %arg3[%run_scoped3A_9, %mul3A_8, %dma_wait3A_68] : memref<2x2560x125xi32, #tpu.memory_space<hbm>> -> memref<1x80x125xi32, #tpu.memory_space<hbm>>
      %dma_wait3A_70 = tpu.memref_squeeze %dma_wait3A_69 : memref<1x80x125xi32, #tpu.memory_space<hbm>> -> memref<80x125xi32, #tpu.memory_space<hbm>>
      %dma_wait3A_71 = arith.constant 0 : i32
      %dma_wait3A_72 = tpu.memref_slice %arg3[%run_scoped3A_9, %mul3A_8, %dma_wait3A_71] : memref<2x2560x125xi32, #tpu.memory_space<hbm>> -> memref<1x80x125xi32, #tpu.memory_space<hbm>>
      %dma_wait3A_73 = tpu.memref_squeeze %dma_wait3A_72 : memref<1x80x125xi32, #tpu.memory_space<hbm>> -> memref<80x125xi32, #tpu.memory_space<hbm>>
      tpu.wait_dma2 semaphore(%run_scoped3A_61 : memref<!tpu.dma_semaphore, #tpu.memory_space<semaphore_mem>>) src(%dma_wait3A_73 : memref<80x125xi32, #tpu.memory_space<hbm>>) dst(%arg7 : memref<80x125xi32, #tpu.memory_space<vmem>>)
      tpu.yield
    }) : () -> ()
    %barrier3A = arith.constant 0 : index
    tpu.barrier barrier_id(%barrier3A)
    %dma_start3A = arith.constant 0 : i32
    %dma_start3A_10 = arith.constant 0 : i32
    %dma_start3A_11 = tpu.memref_slice %arg6[%dma_start3A, %dma_start3A_10] : memref<80x125xi32, #tpu.memory_space<vmem>> -> memref<1x125xi32, #tpu.memory_space<vmem>>
    %dma_start3A_12 = tpu.memref_squeeze %dma_start3A_11 : memref<1x125xi32, #tpu.memory_space<vmem>> -> memref<125xi32, #tpu.memory_space<vmem>>
    %dma_start3A_13 = arith.constant 0 : i32
    %dma_start3A_14 = arith.constant 0 : i32
    %dma_start3A_15 = tpu.memref_slice %arg2[%dma_start3A_13, %dma_start3A_14] : memref<10000x32xf32, #tpu.memory_space<hbm>> -> memref<10000x32xf32, #tpu.memory_space<hbm>>
    tpu.enqueue_indirect_dma source(%dma_start3A_15 : memref<10000x32xf32, #tpu.memory_space<hbm>>) target(%arg8 : memref<125x32xf32, #tpu.memory_space<vmem>>) offsets(%dma_start3A_12 : memref<125xi32, #tpu.memory_space<vmem>>) semaphore(%arg12 : memref<!tpu.dma_semaphore, #tpu.memory_space<semaphore_mem>>)
    %dma_start3A_16 = arith.constant 1 : i32
    %dma_start3A_17 = arith.constant 0 : i32
    %dma_start3A_18 = tpu.memref_slice %arg6[%dma_start3A_16, %dma_start3A_17] : memref<80x125xi32, #tpu.memory_space<vmem>> -> memref<1x125xi32, #tpu.memory_space<vmem>>
    %dma_start3A_19 = tpu.memref_squeeze %dma_start3A_18 : memref<1x125xi32, #tpu.memory_space<vmem>> -> memref<125xi32, #tpu.memory_space<vmem>>
    %dma_start3A_20 = arith.constant 0 : i32
    %dma_start3A_21 = arith.constant 0 : i32
    %dma_start3A_22 = tpu.memref_slice %arg2[%dma_start3A_20, %dma_start3A_21] : memref<10000x32xf32, #tpu.memory_space<hbm>> -> memref<10000x32xf32, #tpu.memory_space<hbm>>
    tpu.enqueue_indirect_dma source(%dma_start3A_22 : memref<10000x32xf32, #tpu.memory_space<hbm>>) target(%arg9 : memref<125x32xf32, #tpu.memory_space<vmem>>) offsets(%dma_start3A_19 : memref<125xi32, #tpu.memory_space<vmem>>) semaphore(%arg13 : memref<!tpu.dma_semaphore, #tpu.memory_space<semaphore_mem>>)
    %scan3A = arith.constant 0 : i32
    %scan3A_23 = arith.constant 0 : i32
    %scan3A_24 = arith.constant 20 : i32
    %scan3A_25 = arith.addi %scan3A_23, %scan3A_24 : i32
    %scan3A_26 = arith.constant 1 : i32
    scf.for %scan3A_61 = %scan3A_23 to %scan3A_25 step %scan3A_26  : i32 {
      %mul3A_62 = arith.constant 4 : i32
      %mul3A_63 = arith.muli %mul3A_62, %scan3A_61 : i32
      %add3A_64 = arith.constant 0 : i32
      %add3A_65 = arith.addi %mul3A_63, %add3A_64 : i32
      %dma_wait3A_66 = arith.constant 0 : i32
      %dma_wait3A_67 = tpu.memref_slice %arg6[%add3A_65, %dma_wait3A_66] : memref<80x125xi32, #tpu.memory_space<vmem>> -> memref<1x125xi32, #tpu.memory_space<vmem>>
      %dma_wait3A_68 = tpu.memref_squeeze %dma_wait3A_67 : memref<1x125xi32, #tpu.memory_space<vmem>> -> memref<125xi32, #tpu.memory_space<vmem>>
      %dma_wait3A_69 = arith.constant 0 : i32
      %dma_wait3A_70 = arith.constant 0 : i32
      %dma_wait3A_71 = tpu.memref_slice %arg2[%dma_wait3A_69, %dma_wait3A_70] : memref<10000x32xf32, #tpu.memory_space<hbm>> -> memref<10000x32xf32, #tpu.memory_space<hbm>>
      tpu.wait_indirect_dma semaphore(%arg12 : memref<!tpu.dma_semaphore, #tpu.memory_space<semaphore_mem>>) src(%dma_wait3A_71 : memref<10000x32xf32, #tpu.memory_space<hbm>>) dst(%arg8 : memref<125x32xf32, #tpu.memory_space<vmem>>)
      %dma_start3A_72 = arith.constant 0 : i32
      %dma_start3A_73 = tpu.memref_slice %arg7[%add3A_65, %dma_start3A_72] : memref<80x125xi32, #tpu.memory_space<vmem>> -> memref<1x125xi32, #tpu.memory_space<vmem>>
      %dma_start3A_74 = tpu.memref_squeeze %dma_start3A_73 : memref<1x125xi32, #tpu.memory_space<vmem>> -> memref<125xi32, #tpu.memory_space<vmem>>
      %dma_start3A_75 = arith.constant 0 : i32
      %dma_start3A_76 = arith.constant 0 : i32
      %dma_start3A_77 = tpu.memref_slice %arg20[%dma_start3A_75, %dma_start3A_76] : memref<10000x32xf32, #tpu.memory_space<vmem_shared>> -> memref<10000x32xf32, #tpu.memory_space<vmem_shared>>
      tpu.enqueue_indirect_dma source(%arg8 : memref<125x32xf32, #tpu.memory_space<vmem>>) target(%dma_start3A_77 : memref<10000x32xf32, #tpu.memory_space<vmem_shared>>) offsets(%dma_start3A_74 : memref<125xi32, #tpu.memory_space<vmem>>) semaphore(%arg16 : memref<!tpu.dma_semaphore, #tpu.memory_space<semaphore_mem>>) {add = true}
      %gt3A = arith.constant 0 : i32
      %gt3A_78 = arith.cmpi sgt, %scan3A_61, %gt3A : i32
      %convert_element_type3A_79 = arith.extui %gt3A_78 : i1 to i32
      %cond3A_80 = arith.constant 0 : i32
      %cond3A_81 = arith.cmpi ne, %convert_element_type3A_79, %cond3A_80 : i32
      scf.if %cond3A_81 {
        %sub3A = arith.constant 2 : i32
        %sub3A_154 = arith.subi %add3A_65, %sub3A : i32
        %dma_wait3A_155 = arith.constant 0 : i32
        %dma_wait3A_156 = tpu.memref_slice %arg7[%sub3A_154, %dma_wait3A_155] : memref<80x125xi32, #tpu.memory_space<vmem>> -> memref<1x125xi32, #tpu.memory_space<vmem>>
        %dma_wait3A_157 = tpu.memref_squeeze %dma_wait3A_156 : memref<1x125xi32, #tpu.memory_space<vmem>> -> memref<125xi32, #tpu.memory_space<vmem>>
        %dma_wait3A_158 = arith.constant 0 : i32
        %dma_wait3A_159 = arith.constant 0 : i32
        %dma_wait3A_160 = tpu.memref_slice %arg20[%dma_wait3A_158, %dma_wait3A_159] : memref<10000x32xf32, #tpu.memory_space<vmem_shared>> -> memref<10000x32xf32, #tpu.memory_space<vmem_shared>>
        tpu.wait_indirect_dma semaphore(%arg18 : memref<!tpu.dma_semaphore, #tpu.memory_space<semaphore_mem>>) src(%arg10 : memref<125x32xf32, #tpu.memory_space<vmem>>) dst(%dma_wait3A_160 : memref<10000x32xf32, #tpu.memory_space<vmem_shared>>)
      } else {
      }
      %add3A_82 = arith.constant 2 : i32
      %add3A_83 = arith.addi %add3A_65, %add3A_82 : i32
      %dma_start3A_84 = arith.constant 0 : i32
      %dma_start3A_85 = tpu.memref_slice %arg6[%add3A_83, %dma_start3A_84] : memref<80x125xi32, #tpu.memory_space<vmem>> -> memref<1x125xi32, #tpu.memory_space<vmem>>
      %dma_start3A_86 = tpu.memref_squeeze %dma_start3A_85 : memref<1x125xi32, #tpu.memory_space<vmem>> -> memref<125xi32, #tpu.memory_space<vmem>>
      %dma_start3A_87 = arith.constant 0 : i32
      %dma_start3A_88 = arith.constant 0 : i32
      %dma_start3A_89 = tpu.memref_slice %arg2[%dma_start3A_87, %dma_start3A_88] : memref<10000x32xf32, #tpu.memory_space<hbm>> -> memref<10000x32xf32, #tpu.memory_space<hbm>>
      tpu.enqueue_indirect_dma source(%dma_start3A_89 : memref<10000x32xf32, #tpu.memory_space<hbm>>) target(%arg10 : memref<125x32xf32, #tpu.memory_space<vmem>>) offsets(%dma_start3A_86 : memref<125xi32, #tpu.memory_space<vmem>>) semaphore(%arg14 : memref<!tpu.dma_semaphore, #tpu.memory_space<semaphore_mem>>)
      %add3A_90 = arith.constant 1 : i32
      %add3A_91 = arith.addi %mul3A_63, %add3A_90 : i32
      %dma_wait3A_92 = arith.constant 0 : i32
      %dma_wait3A_93 = tpu.memref_slice %arg6[%add3A_91, %dma_wait3A_92] : memref<80x125xi32, #tpu.memory_space<vmem>> -> memref<1x125xi32, #tpu.memory_space<vmem>>
      %dma_wait3A_94 = tpu.memref_squeeze %dma_wait3A_93 : memref<1x125xi32, #tpu.memory_space<vmem>> -> memref<125xi32, #tpu.memory_space<vmem>>
      %dma_wait3A_95 = arith.constant 0 : i32
      %dma_wait3A_96 = arith.constant 0 : i32
      %dma_wait3A_97 = tpu.memref_slice %arg2[%dma_wait3A_95, %dma_wait3A_96] : memref<10000x32xf32, #tpu.memory_space<hbm>> -> memref<10000x32xf32, #tpu.memory_space<hbm>>
      tpu.wait_indirect_dma semaphore(%arg13 : memref<!tpu.dma_semaphore, #tpu.memory_space<semaphore_mem>>) src(%dma_wait3A_97 : memref<10000x32xf32, #tpu.memory_space<hbm>>) dst(%arg9 : memref<125x32xf32, #tpu.memory_space<vmem>>)
      %dma_start3A_98 = arith.constant 0 : i32
      %dma_start3A_99 = tpu.memref_slice %arg7[%add3A_91, %dma_start3A_98] : memref<80x125xi32, #tpu.memory_space<vmem>> -> memref<1x125xi32, #tpu.memory_space<vmem>>
      %dma_start3A_100 = tpu.memref_squeeze %dma_start3A_99 : memref<1x125xi32, #tpu.memory_space<vmem>> -> memref<125xi32, #tpu.memory_space<vmem>>
      %dma_start3A_101 = arith.constant 0 : i32
      %dma_start3A_102 = arith.constant 0 : i32
      %dma_start3A_103 = tpu.memref_slice %arg20[%dma_start3A_101, %dma_start3A_102] : memref<10000x32xf32, #tpu.memory_space<vmem_shared>> -> memref<10000x32xf32, #tpu.memory_space<vmem_shared>>
      tpu.enqueue_indirect_dma source(%arg9 : memref<125x32xf32, #tpu.memory_space<vmem>>) target(%dma_start3A_103 : memref<10000x32xf32, #tpu.memory_space<vmem_shared>>) offsets(%dma_start3A_100 : memref<125xi32, #tpu.memory_space<vmem>>) semaphore(%arg17 : memref<!tpu.dma_semaphore, #tpu.memory_space<semaphore_mem>>) {add = true}
      %gt3A_104 = arith.constant 0 : i32
      %gt3A_105 = arith.cmpi sgt, %scan3A_61, %gt3A_104 : i32
      %convert_element_type3A_106 = arith.extui %gt3A_105 : i1 to i32
      %cond3A_107 = arith.constant 0 : i32
      %cond3A_108 = arith.cmpi ne, %convert_element_type3A_106, %cond3A_107 : i32
      scf.if %cond3A_108 {
        %sub3A = arith.constant 2 : i32
        %sub3A_154 = arith.subi %add3A_91, %sub3A : i32
        %dma_wait3A_155 = arith.constant 0 : i32
        %dma_wait3A_156 = tpu.memref_slice %arg7[%sub3A_154, %dma_wait3A_155] : memref<80x125xi32, #tpu.memory_space<vmem>> -> memref<1x125xi32, #tpu.memory_space<vmem>>
        %dma_wait3A_157 = tpu.memref_squeeze %dma_wait3A_156 : memref<1x125xi32, #tpu.memory_space<vmem>> -> memref<125xi32, #tpu.memory_space<vmem>>
        %dma_wait3A_158 = arith.constant 0 : i32
        %dma_wait3A_159 = arith.constant 0 : i32
        %dma_wait3A_160 = tpu.memref_slice %arg20[%dma_wait3A_158, %dma_wait3A_159] : memref<10000x32xf32, #tpu.memory_space<vmem_shared>> -> memref<10000x32xf32, #tpu.memory_space<vmem_shared>>
        tpu.wait_indirect_dma semaphore(%arg19 : memref<!tpu.dma_semaphore, #tpu.memory_space<semaphore_mem>>) src(%arg11 : memref<125x32xf32, #tpu.memory_space<vmem>>) dst(%dma_wait3A_160 : memref<10000x32xf32, #tpu.memory_space<vmem_shared>>)
      } else {
      }
      %add3A_109 = arith.constant 2 : i32
      %add3A_110 = arith.addi %add3A_91, %add3A_109 : i32
      %dma_start3A_111 = arith.constant 0 : i32
      %dma_start3A_112 = tpu.memref_slice %arg6[%add3A_110, %dma_start3A_111] : memref<80x125xi32, #tpu.memory_space<vmem>> -> memref<1x125xi32, #tpu.memory_space<vmem>>
      %dma_start3A_113 = tpu.memref_squeeze %dma_start3A_112 : memref<1x125xi32, #tpu.memory_space<vmem>> -> memref<125xi32, #tpu.memory_space<vmem>>
      %dma_start3A_114 = arith.constant 0 : i32
      %dma_start3A_115 = arith.constant 0 : i32
      %dma_start3A_116 = tpu.memref_slice %arg2[%dma_start3A_114, %dma_start3A_115] : memref<10000x32xf32, #tpu.memory_space<hbm>> -> memref<10000x32xf32, #tpu.memory_space<hbm>>
      tpu.enqueue_indirect_dma source(%dma_start3A_116 : memref<10000x32xf32, #tpu.memory_space<hbm>>) target(%arg11 : memref<125x32xf32, #tpu.memory_space<vmem>>) offsets(%dma_start3A_113 : memref<125xi32, #tpu.memory_space<vmem>>) semaphore(%arg15 : memref<!tpu.dma_semaphore, #tpu.memory_space<semaphore_mem>>)
      %add3A_117 = arith.constant 2 : i32
      %add3A_118 = arith.addi %mul3A_63, %add3A_117 : i32
      %dma_wait3A_119 = arith.constant 0 : i32
      %dma_wait3A_120 = tpu.memref_slice %arg6[%add3A_118, %dma_wait3A_119] : memref<80x125xi32, #tpu.memory_space<vmem>> -> memref<1x125xi32, #tpu.memory_space<vmem>>
      %dma_wait3A_121 = tpu.memref_squeeze %dma_wait3A_120 : memref<1x125xi32, #tpu.memory_space<vmem>> -> memref<125xi32, #tpu.memory_space<vmem>>
      %dma_wait3A_122 = arith.constant 0 : i32
      %dma_wait3A_123 = arith.constant 0 : i32
      %dma_wait3A_124 = tpu.memref_slice %arg2[%dma_wait3A_122, %dma_wait3A_123] : memref<10000x32xf32, #tpu.memory_space<hbm>> -> memref<10000x32xf32, #tpu.memory_space<hbm>>
      tpu.wait_indirect_dma semaphore(%arg14 : memref<!tpu.dma_semaphore, #tpu.memory_space<semaphore_mem>>) src(%dma_wait3A_124 : memref<10000x32xf32, #tpu.memory_space<hbm>>) dst(%arg10 : memref<125x32xf32, #tpu.memory_space<vmem>>)
      %dma_start3A_125 = arith.constant 0 : i32
      %dma_start3A_126 = tpu.memref_slice %arg7[%add3A_118, %dma_start3A_125] : memref<80x125xi32, #tpu.memory_space<vmem>> -> memref<1x125xi32, #tpu.memory_space<vmem>>
      %dma_start3A_127 = tpu.memref_squeeze %dma_start3A_126 : memref<1x125xi32, #tpu.memory_space<vmem>> -> memref<125xi32, #tpu.memory_space<vmem>>
      %dma_start3A_128 = arith.constant 0 : i32
      %dma_start3A_129 = arith.constant 0 : i32
      %dma_start3A_130 = tpu.memref_slice %arg20[%dma_start3A_128, %dma_start3A_129] : memref<10000x32xf32, #tpu.memory_space<vmem_shared>> -> memref<10000x32xf32, #tpu.memory_space<vmem_shared>>
      tpu.enqueue_indirect_dma source(%arg10 : memref<125x32xf32, #tpu.memory_space<vmem>>) target(%dma_start3A_130 : memref<10000x32xf32, #tpu.memory_space<vmem_shared>>) offsets(%dma_start3A_127 : memref<125xi32, #tpu.memory_space<vmem>>) semaphore(%arg18 : memref<!tpu.dma_semaphore, #tpu.memory_space<semaphore_mem>>) {add = true}
      %lt3A = arith.constant 19 : i32
      %lt3A_131 = arith.cmpi slt, %scan3A_61, %lt3A : i32
      %convert_element_type3A_132 = arith.extui %lt3A_131 : i1 to i32
      %cond3A_133 = arith.constant 0 : i32
      %cond3A_134 = arith.cmpi ne, %convert_element_type3A_132, %cond3A_133 : i32
      scf.if %cond3A_134 {
        %sub3A = arith.constant 2 : i32
        %sub3A_154 = arith.subi %add3A_118, %sub3A : i32
        %dma_wait3A_155 = arith.constant 0 : i32
        %dma_wait3A_156 = tpu.memref_slice %arg7[%sub3A_154, %dma_wait3A_155] : memref<80x125xi32, #tpu.memory_space<vmem>> -> memref<1x125xi32, #tpu.memory_space<vmem>>
        %dma_wait3A_157 = tpu.memref_squeeze %dma_wait3A_156 : memref<1x125xi32, #tpu.memory_space<vmem>> -> memref<125xi32, #tpu.memory_space<vmem>>
        %dma_wait3A_158 = arith.constant 0 : i32
        %dma_wait3A_159 = arith.constant 0 : i32
        %dma_wait3A_160 = tpu.memref_slice %arg20[%dma_wait3A_158, %dma_wait3A_159] : memref<10000x32xf32, #tpu.memory_space<vmem_shared>> -> memref<10000x32xf32, #tpu.memory_space<vmem_shared>>
        tpu.wait_indirect_dma semaphore(%arg16 : memref<!tpu.dma_semaphore, #tpu.memory_space<semaphore_mem>>) src(%arg8 : memref<125x32xf32, #tpu.memory_space<vmem>>) dst(%dma_wait3A_160 : memref<10000x32xf32, #tpu.memory_space<vmem_shared>>)
        %add3A_161 = arith.constant 2 : i32
        %add3A_162 = arith.addi %add3A_118, %add3A_161 : i32
        %dma_start3A_163 = arith.constant 0 : i32
        %dma_start3A_164 = tpu.memref_slice %arg6[%add3A_162, %dma_start3A_163] : memref<80x125xi32, #tpu.memory_space<vmem>> -> memref<1x125xi32, #tpu.memory_space<vmem>>
        %dma_start3A_165 = tpu.memref_squeeze %dma_start3A_164 : memref<1x125xi32, #tpu.memory_space<vmem>> -> memref<125xi32, #tpu.memory_space<vmem>>
        %dma_start3A_166 = arith.constant 0 : i32
        %dma_start3A_167 = arith.constant 0 : i32
        %dma_start3A_168 = tpu.memref_slice %arg2[%dma_start3A_166, %dma_start3A_167] : memref<10000x32xf32, #tpu.memory_space<hbm>> -> memref<10000x32xf32, #tpu.memory_space<hbm>>
        tpu.enqueue_indirect_dma source(%dma_start3A_168 : memref<10000x32xf32, #tpu.memory_space<hbm>>) target(%arg8 : memref<125x32xf32, #tpu.memory_space<vmem>>) offsets(%dma_start3A_165 : memref<125xi32, #tpu.memory_space<vmem>>) semaphore(%arg12 : memref<!tpu.dma_semaphore, #tpu.memory_space<semaphore_mem>>)
      } else {
      }
      %add3A_135 = arith.constant 3 : i32
      %add3A_136 = arith.addi %mul3A_63, %add3A_135 : i32
      %dma_wait3A_137 = arith.constant 0 : i32
      %dma_wait3A_138 = tpu.memref_slice %arg6[%add3A_136, %dma_wait3A_137] : memref<80x125xi32, #tpu.memory_space<vmem>> -> memref<1x125xi32, #tpu.memory_space<vmem>>
      %dma_wait3A_139 = tpu.memref_squeeze %dma_wait3A_138 : memref<1x125xi32, #tpu.memory_space<vmem>> -> memref<125xi32, #tpu.memory_space<vmem>>
      %dma_wait3A_140 = arith.constant 0 : i32
      %dma_wait3A_141 = arith.constant 0 : i32
      %dma_wait3A_142 = tpu.memref_slice %arg2[%dma_wait3A_140, %dma_wait3A_141] : memref<10000x32xf32, #tpu.memory_space<hbm>> -> memref<10000x32xf32, #tpu.memory_space<hbm>>
      tpu.wait_indirect_dma semaphore(%arg15 : memref<!tpu.dma_semaphore, #tpu.memory_space<semaphore_mem>>) src(%dma_wait3A_142 : memref<10000x32xf32, #tpu.memory_space<hbm>>) dst(%arg11 : memref<125x32xf32, #tpu.memory_space<vmem>>)
      %dma_start3A_143 = arith.constant 0 : i32
      %dma_start3A_144 = tpu.memref_slice %arg7[%add3A_136, %dma_start3A_143] : memref<80x125xi32, #tpu.memory_space<vmem>> -> memref<1x125xi32, #tpu.memory_space<vmem>>
      %dma_start3A_145 = tpu.memref_squeeze %dma_start3A_144 : memref<1x125xi32, #tpu.memory_space<vmem>> -> memref<125xi32, #tpu.memory_space<vmem>>
      %dma_start3A_146 = arith.constant 0 : i32
      %dma_start3A_147 = arith.constant 0 : i32
      %dma_start3A_148 = tpu.memref_slice %arg20[%dma_start3A_146, %dma_start3A_147] : memref<10000x32xf32, #tpu.memory_space<vmem_shared>> -> memref<10000x32xf32, #tpu.memory_space<vmem_shared>>
      tpu.enqueue_indirect_dma source(%arg11 : memref<125x32xf32, #tpu.memory_space<vmem>>) target(%dma_start3A_148 : memref<10000x32xf32, #tpu.memory_space<vmem_shared>>) offsets(%dma_start3A_145 : memref<125xi32, #tpu.memory_space<vmem>>) semaphore(%arg19 : memref<!tpu.dma_semaphore, #tpu.memory_space<semaphore_mem>>) {add = true}
      %lt3A_149 = arith.constant 19 : i32
      %lt3A_150 = arith.cmpi slt, %scan3A_61, %lt3A_149 : i32
      %convert_element_type3A_151 = arith.extui %lt3A_150 : i1 to i32
      %cond3A_152 = arith.constant 0 : i32
      %cond3A_153 = arith.cmpi ne, %convert_element_type3A_151, %cond3A_152 : i32
      scf.if %cond3A_153 {
        %sub3A = arith.constant 2 : i32
        %sub3A_154 = arith.subi %add3A_136, %sub3A : i32
        %dma_wait3A_155 = arith.constant 0 : i32
        %dma_wait3A_156 = tpu.memref_slice %arg7[%sub3A_154, %dma_wait3A_155] : memref<80x125xi32, #tpu.memory_space<vmem>> -> memref<1x125xi32, #tpu.memory_space<vmem>>
        %dma_wait3A_157 = tpu.memref_squeeze %dma_wait3A_156 : memref<1x125xi32, #tpu.memory_space<vmem>> -> memref<125xi32, #tpu.memory_space<vmem>>
        %dma_wait3A_158 = arith.constant 0 : i32
        %dma_wait3A_159 = arith.constant 0 : i32
        %dma_wait3A_160 = tpu.memref_slice %arg20[%dma_wait3A_158, %dma_wait3A_159] : memref<10000x32xf32, #tpu.memory_space<vmem_shared>> -> memref<10000x32xf32, #tpu.memory_space<vmem_shared>>
        tpu.wait_indirect_dma semaphore(%arg17 : memref<!tpu.dma_semaphore, #tpu.memory_space<semaphore_mem>>) src(%arg9 : memref<125x32xf32, #tpu.memory_space<vmem>>) dst(%dma_wait3A_160 : memref<10000x32xf32, #tpu.memory_space<vmem_shared>>)
        %add3A_161 = arith.constant 2 : i32
        %add3A_162 = arith.addi %add3A_136, %add3A_161 : i32
        %dma_start3A_163 = arith.constant 0 : i32
        %dma_start3A_164 = tpu.memref_slice %arg6[%add3A_162, %dma_start3A_163] : memref<80x125xi32, #tpu.memory_space<vmem>> -> memref<1x125xi32, #tpu.memory_space<vmem>>
        %dma_start3A_165 = tpu.memref_squeeze %dma_start3A_164 : memref<1x125xi32, #tpu.memory_space<vmem>> -> memref<125xi32, #tpu.memory_space<vmem>>
        %dma_start3A_166 = arith.constant 0 : i32
        %dma_start3A_167 = arith.constant 0 : i32
        %dma_start3A_168 = tpu.memref_slice %arg2[%dma_start3A_166, %dma_start3A_167] : memref<10000x32xf32, #tpu.memory_space<hbm>> -> memref<10000x32xf32, #tpu.memory_space<hbm>>
        tpu.enqueue_indirect_dma source(%dma_start3A_168 : memref<10000x32xf32, #tpu.memory_space<hbm>>) target(%arg9 : memref<125x32xf32, #tpu.memory_space<vmem>>) offsets(%dma_start3A_165 : memref<125xi32, #tpu.memory_space<vmem>>) semaphore(%arg13 : memref<!tpu.dma_semaphore, #tpu.memory_space<semaphore_mem>>)
      } else {
      }
    }
    %scan3A_27 = arith.constant 20 : i32
    %dma_wait3A = arith.constant 76 : i32
    %dma_wait3A_28 = arith.constant 0 : i32
    %dma_wait3A_29 = tpu.memref_slice %arg7[%dma_wait3A, %dma_wait3A_28] : memref<80x125xi32, #tpu.memory_space<vmem>> -> memref<1x125xi32, #tpu.memory_space<vmem>>
    %dma_wait3A_30 = tpu.memref_squeeze %dma_wait3A_29 : memref<1x125xi32, #tpu.memory_space<vmem>> -> memref<125xi32, #tpu.memory_space<vmem>>
    %dma_wait3A_31 = arith.constant 0 : i32
    %dma_wait3A_32 = arith.constant 0 : i32
    %dma_wait3A_33 = tpu.memref_slice %arg20[%dma_wait3A_31, %dma_wait3A_32] : memref<10000x32xf32, #tpu.memory_space<vmem_shared>> -> memref<10000x32xf32, #tpu.memory_space<vmem_shared>>
    tpu.wait_indirect_dma semaphore(%arg16 : memref<!tpu.dma_semaphore, #tpu.memory_space<semaphore_mem>>) src(%arg8 : memref<125x32xf32, #tpu.memory_space<vmem>>) dst(%dma_wait3A_33 : memref<10000x32xf32, #tpu.memory_space<vmem_shared>>)
    %dma_wait3A_34 = arith.constant 77 : i32
    %dma_wait3A_35 = arith.constant 0 : i32
    %dma_wait3A_36 = tpu.memref_slice %arg7[%dma_wait3A_34, %dma_wait3A_35] : memref<80x125xi32, #tpu.memory_space<vmem>> -> memref<1x125xi32, #tpu.memory_space<vmem>>
    %dma_wait3A_37 = tpu.memref_squeeze %dma_wait3A_36 : memref<1x125xi32, #tpu.memory_space<vmem>> -> memref<125xi32, #tpu.memory_space<vmem>>
    %dma_wait3A_38 = arith.constant 0 : i32
    %dma_wait3A_39 = arith.constant 0 : i32
    %dma_wait3A_40 = tpu.memref_slice %arg20[%dma_wait3A_38, %dma_wait3A_39] : memref<10000x32xf32, #tpu.memory_space<vmem_shared>> -> memref<10000x32xf32, #tpu.memory_space<vmem_shared>>
    tpu.wait_indirect_dma semaphore(%arg17 : memref<!tpu.dma_semaphore, #tpu.memory_space<semaphore_mem>>) src(%arg9 : memref<125x32xf32, #tpu.memory_space<vmem>>) dst(%dma_wait3A_40 : memref<10000x32xf32, #tpu.memory_space<vmem_shared>>)
    %dma_wait3A_41 = arith.constant 78 : i32
    %dma_wait3A_42 = arith.constant 0 : i32
    %dma_wait3A_43 = tpu.memref_slice %arg7[%dma_wait3A_41, %dma_wait3A_42] : memref<80x125xi32, #tpu.memory_space<vmem>> -> memref<1x125xi32, #tpu.memory_space<vmem>>
    %dma_wait3A_44 = tpu.memref_squeeze %dma_wait3A_43 : memref<1x125xi32, #tpu.memory_space<vmem>> -> memref<125xi32, #tpu.memory_space<vmem>>
    %dma_wait3A_45 = arith.constant 0 : i32
    %dma_wait3A_46 = arith.constant 0 : i32
    %dma_wait3A_47 = tpu.memref_slice %arg20[%dma_wait3A_45, %dma_wait3A_46] : memref<10000x32xf32, #tpu.memory_space<vmem_shared>> -> memref<10000x32xf32, #tpu.memory_space<vmem_shared>>
    tpu.wait_indirect_dma semaphore(%arg18 : memref<!tpu.dma_semaphore, #tpu.memory_space<semaphore_mem>>) src(%arg10 : memref<125x32xf32, #tpu.memory_space<vmem>>) dst(%dma_wait3A_47 : memref<10000x32xf32, #tpu.memory_space<vmem_shared>>)
    %dma_wait3A_48 = arith.constant 79 : i32
    %dma_wait3A_49 = arith.constant 0 : i32
    %dma_wait3A_50 = tpu.memref_slice %arg7[%dma_wait3A_48, %dma_wait3A_49] : memref<80x125xi32, #tpu.memory_space<vmem>> -> memref<1x125xi32, #tpu.memory_space<vmem>>
    %dma_wait3A_51 = tpu.memref_squeeze %dma_wait3A_50 : memref<1x125xi32, #tpu.memory_space<vmem>> -> memref<125xi32, #tpu.memory_space<vmem>>
    %dma_wait3A_52 = arith.constant 0 : i32
    %dma_wait3A_53 = arith.constant 0 : i32
    %dma_wait3A_54 = tpu.memref_slice %arg20[%dma_wait3A_52, %dma_wait3A_53] : memref<10000x32xf32, #tpu.memory_space<vmem_shared>> -> memref<10000x32xf32, #tpu.memory_space<vmem_shared>>
    tpu.wait_indirect_dma semaphore(%arg19 : memref<!tpu.dma_semaphore, #tpu.memory_space<semaphore_mem>>) src(%arg11 : memref<125x32xf32, #tpu.memory_space<vmem>>) dst(%dma_wait3A_54 : memref<10000x32xf32, #tpu.memory_space<vmem_shared>>)
    %barrier3A_55 = arith.constant 0 : index
    tpu.barrier barrier_id(%barrier3A_55)
    "tpu.region"() ({
      %run_scoped3A_61 = tpu.sem_alloc : memref<!tpu.dma_semaphore, #tpu.memory_space<semaphore_mem>>
      %dma_start3A_62 = arith.constant 0 : i32
      %dma_start3A_63 = tpu.memref_slice %arg5[%arg0, %mul3A_2, %dma_start3A_62] : memref<2x10000x32xf32, #tpu.memory_space<hbm>> -> memref<1x624x32xf32, #tpu.memory_space<hbm>>
      %dma_start3A_64 = tpu.memref_squeeze %dma_start3A_63 : memref<1x624x32xf32, #tpu.memory_space<hbm>> -> memref<624x32xf32, #tpu.memory_space<hbm>>
      %dma_start3A_65 = arith.constant 0 : i32
      %dma_start3A_66 = tpu.memref_slice %arg20[%mul3A_2, %dma_start3A_65] : memref<10000x32xf32, #tpu.memory_space<vmem_shared>> -> memref<624x32xf32, #tpu.memory_space<vmem_shared>>
      tpu.enqueue_dma source(%dma_start3A_66 : memref<624x32xf32, #tpu.memory_space<vmem_shared>>) target(%dma_start3A_64 : memref<624x32xf32, #tpu.memory_space<hbm>>) target_semaphore(%run_scoped3A_61 : memref<!tpu.dma_semaphore, #tpu.memory_space<semaphore_mem>>)
      %dma_wait3A_67 = arith.constant 0 : i32
      %dma_wait3A_68 = tpu.memref_slice %arg5[%arg0, %mul3A_2, %dma_wait3A_67] : memref<2x10000x32xf32, #tpu.memory_space<hbm>> -> memref<1x624x32xf32, #tpu.memory_space<hbm>>
      %dma_wait3A_69 = tpu.memref_squeeze %dma_wait3A_68 : memref<1x624x32xf32, #tpu.memory_space<hbm>> -> memref<624x32xf32, #tpu.memory_space<hbm>>
      %dma_wait3A_70 = arith.constant 0 : i32
      %dma_wait3A_71 = tpu.memref_slice %arg20[%mul3A_2, %dma_wait3A_70] : memref<10000x32xf32, #tpu.memory_space<vmem_shared>> -> memref<624x32xf32, #tpu.memory_space<vmem_shared>>
      tpu.wait_dma2 semaphore(%run_scoped3A_61 : memref<!tpu.dma_semaphore, #tpu.memory_space<semaphore_mem>>) src(%dma_wait3A_71 : memref<624x32xf32, #tpu.memory_space<vmem_shared>>) dst(%dma_wait3A_69 : memref<624x32xf32, #tpu.memory_space<hbm>>)
      tpu.yield
    }) : () -> ()
    %eq3A_56 = arith.constant 15 : i32
    %eq3A_57 = arith.cmpi eq, %arg1, %eq3A_56 : i32
    %convert_element_type3A_58 = arith.extui %eq3A_57 : i1 to i32
    %cond3A_59 = arith.constant 0 : i32
    %cond3A_60 = arith.cmpi ne, %convert_element_type3A_58, %cond3A_59 : i32
    scf.if %cond3A_60 {
      "tpu.region"() ({
        %run_scoped3A_61 = tpu.sem_alloc : memref<!tpu.dma_semaphore, #tpu.memory_space<semaphore_mem>>
        %dma_start3A_62 = arith.constant 9984 : i32
        %dma_start3A_63 = arith.constant 0 : i32
        %dma_start3A_64 = tpu.memref_slice %arg5[%arg0, %dma_start3A_62, %dma_start3A_63] : memref<2x10000x32xf32, #tpu.memory_space<hbm>> -> memref<1x16x32xf32, #tpu.memory_space<hbm>>
        %dma_start3A_65 = tpu.memref_squeeze %dma_start3A_64 : memref<1x16x32xf32, #tpu.memory_space<hbm>> -> memref<16x32xf32, #tpu.memory_space<hbm>>
        %dma_start3A_66 = arith.constant 9984 : i32
        %dma_start3A_67 = arith.constant 0 : i32
        %dma_start3A_68 = tpu.memref_slice %arg20[%dma_start3A_66, %dma_start3A_67] : memref<10000x32xf32, #tpu.memory_space<vmem_shared>> -> memref<16x32xf32, #tpu.memory_space<vmem_shared>>
        tpu.enqueue_dma source(%dma_start3A_68 : memref<16x32xf32, #tpu.memory_space<vmem_shared>>) target(%dma_start3A_65 : memref<16x32xf32, #tpu.memory_space<hbm>>) target_semaphore(%run_scoped3A_61 : memref<!tpu.dma_semaphore, #tpu.memory_space<semaphore_mem>>)
        %dma_wait3A_69 = arith.constant 9984 : i32
        %dma_wait3A_70 = arith.constant 0 : i32
        %dma_wait3A_71 = tpu.memref_slice %arg5[%arg0, %dma_wait3A_69, %dma_wait3A_70] : memref<2x10000x32xf32, #tpu.memory_space<hbm>> -> memref<1x16x32xf32, #tpu.memory_space<hbm>>
        %dma_wait3A_72 = tpu.memref_squeeze %dma_wait3A_71 : memref<1x16x32xf32, #tpu.memory_space<hbm>> -> memref<16x32xf32, #tpu.memory_space<hbm>>
        %dma_wait3A_73 = arith.constant 9984 : i32
        %dma_wait3A_74 = arith.constant 0 : i32
        %dma_wait3A_75 = tpu.memref_slice %arg20[%dma_wait3A_73, %dma_wait3A_74] : memref<10000x32xf32, #tpu.memory_space<vmem_shared>> -> memref<16x32xf32, #tpu.memory_space<vmem_shared>>
        tpu.wait_dma2 semaphore(%run_scoped3A_61 : memref<!tpu.dma_semaphore, #tpu.memory_space<semaphore_mem>>) src(%dma_wait3A_75 : memref<16x32xf32, #tpu.memory_space<vmem_shared>>) dst(%dma_wait3A_72 : memref<16x32xf32, #tpu.memory_space<hbm>>)
        tpu.yield
      }) : () -> ()
    } else {
    }
    return
  }
}

#map = affine_map<(d0, d1) -> (0, 0)>
#map1 = affine_map<(d0, d1) -> (0, 0, 0)>
module attributes {stable_mosaic.version = 14 : i64} {
  func.func @prop(%arg0: i32, %arg1: i32, %arg2: memref<10000x32xf32, #tpu.memory_space<hbm>>, %arg3: memref<2x2560x125xi32, #tpu.memory_space<hbm>>, %arg4: memref<10000x32xf32, #tpu.memory_space<hbm>>, %arg5: memref<2x10000x32xf32, #tpu.memory_space<hbm>>, %arg6: memref<80x125xi32, #tpu.memory_space<vmem>>, %arg7: memref<80x125xi32, #tpu.memory_space<vmem>>, %arg8: memref<125x32xf32, #tpu.memory_space<vmem>>, %arg9: memref<125x32xf32, #tpu.memory_space<vmem>>, %arg10: memref<125x32xf32, #tpu.memory_space<vmem>>, %arg11: memref<125x32xf32, #tpu.memory_space<vmem>>, %arg12: memref<!tpu.dma_semaphore, #tpu.memory_space<semaphore_mem>>, %arg13: memref<!tpu.dma_semaphore, #tpu.memory_space<semaphore_mem>>, %arg14: memref<!tpu.dma_semaphore, #tpu.memory_space<semaphore_mem>>, %arg15: memref<!tpu.dma_semaphore, #tpu.memory_space<semaphore_mem>>, %arg16: memref<!tpu.dma_semaphore, #tpu.memory_space<semaphore_mem>>, %arg17: memref<!tpu.dma_semaphore, #tpu.memory_space<semaphore_mem>>, %arg18: memref<!tpu.dma_semaphore, #tpu.memory_space<semaphore_mem>>, %arg19: memref<!tpu.dma_semaphore, #tpu.memory_space<semaphore_mem>>, %arg20: memref<10000x32xf32, #tpu.memory_space<vmem_shared>>) attributes {dimension_semantics = [#tpu.dimension_semantics<core_parallel>, #tpu.dimension_semantics<subcore_parallel>], iteration_bounds = array<i64: 2, 16>, scalar_prefetch = 0 : i64, scratch_operands = 15 : i64, tpu.core_type = #tpu.core_type<sc_vector_subcore>, window_params = [{transform_indices = #map}, {transform_indices = #map1}, {transform_indices = #map}, {transform_indices = #map1}]} {
    %mul3A = arith.constant 2 : i32
    %mul3A_0 = arith.muli %arg1, %mul3A : i32
    %add3A = arith.addi %mul3A_0, %arg0 : i32
    %mul3A_1 = arith.constant 624 : i32
    %mul3A_2 = arith.muli %arg1, %mul3A_1 : i32
    "tpu.region"() ({
      %run_scoped3A_61 = tpu.sem_alloc : memref<!tpu.dma_semaphore, #tpu.memory_space<semaphore_mem>>
      %dma_start3A_62 = arith.constant 0 : i32
      %dma_start3A_63 = tpu.memref_slice %arg20[%mul3A_2, %dma_start3A_62] : memref<10000x32xf32, #tpu.memory_space<vmem_shared>> -> memref<624x32xf32, #tpu.memory_space<vmem_shared>>
      %dma_start3A_64 = arith.constant 0 : i32
      %dma_start3A_65 = tpu.memref_slice %arg4[%mul3A_2, %dma_start3A_64] : memref<10000x32xf32, #tpu.memory_space<hbm>> -> memref<624x32xf32, #tpu.memory_space<hbm>>
      tpu.enqueue_dma source(%dma_start3A_65 : memref<624x32xf32, #tpu.memory_space<hbm>>) target(%dma_start3A_63 : memref<624x32xf32, #tpu.memory_space<vmem_shared>>) target_semaphore(%run_scoped3A_61 : memref<!tpu.dma_semaphore, #tpu.memory_space<semaphore_mem>>)
      %dma_wait3A_66 = arith.constant 0 : i32
      %dma_wait3A_67 = tpu.memref_slice %arg20[%mul3A_2, %dma_wait3A_66] : memref<10000x32xf32, #tpu.memory_space<vmem_shared>> -> memref<624x32xf32, #tpu.memory_space<vmem_shared>>
      %dma_wait3A_68 = arith.constant 0 : i32
      %dma_wait3A_69 = tpu.memref_slice %arg4[%mul3A_2, %dma_wait3A_68] : memref<10000x32xf32, #tpu.memory_space<hbm>> -> memref<624x32xf32, #tpu.memory_space<hbm>>
      tpu.wait_dma2 semaphore(%run_scoped3A_61 : memref<!tpu.dma_semaphore, #tpu.memory_space<semaphore_mem>>) src(%dma_wait3A_69 : memref<624x32xf32, #tpu.memory_space<hbm>>) dst(%dma_wait3A_67 : memref<624x32xf32, #tpu.memory_space<vmem_shared>>)
      tpu.yield
    }) : () -> ()
    %eq3A = arith.constant 15 : i32
    %eq3A_3 = arith.cmpi eq, %arg1, %eq3A : i32
    %convert_element_type3A = arith.extui %eq3A_3 : i1 to i32
    %cond3A = arith.constant 0 : i32
    %cond3A_4 = arith.cmpi ne, %convert_element_type3A, %cond3A : i32
    scf.if %cond3A_4 {
      "tpu.region"() ({
        %run_scoped3A_61 = tpu.sem_alloc : memref<!tpu.dma_semaphore, #tpu.memory_space<semaphore_mem>>
        %dma_start3A_62 = arith.constant 9984 : i32
        %dma_start3A_63 = arith.constant 0 : i32
        %dma_start3A_64 = tpu.memref_slice %arg20[%dma_start3A_62, %dma_start3A_63] : memref<10000x32xf32, #tpu.memory_space<vmem_shared>> -> memref<16x32xf32, #tpu.memory_space<vmem_shared>>
        %dma_start3A_65 = arith.constant 9984 : i32
        %dma_start3A_66 = arith.constant 0 : i32
        %dma_start3A_67 = tpu.memref_slice %arg4[%dma_start3A_65, %dma_start3A_66] : memref<10000x32xf32, #tpu.memory_space<hbm>> -> memref<16x32xf32, #tpu.memory_space<hbm>>
        tpu.enqueue_dma source(%dma_start3A_67 : memref<16x32xf32, #tpu.memory_space<hbm>>) target(%dma_start3A_64 : memref<16x32xf32, #tpu.memory_space<vmem_shared>>) target_semaphore(%run_scoped3A_61 : memref<!tpu.dma_semaphore, #tpu.memory_space<semaphore_mem>>)
        %dma_wait3A_68 = arith.constant 9984 : i32
        %dma_wait3A_69 = arith.constant 0 : i32
        %dma_wait3A_70 = tpu.memref_slice %arg20[%dma_wait3A_68, %dma_wait3A_69] : memref<10000x32xf32, #tpu.memory_space<vmem_shared>> -> memref<16x32xf32, #tpu.memory_space<vmem_shared>>
        %dma_wait3A_71 = arith.constant 9984 : i32
        %dma_wait3A_72 = arith.constant 0 : i32
        %dma_wait3A_73 = tpu.memref_slice %arg4[%dma_wait3A_71, %dma_wait3A_72] : memref<10000x32xf32, #tpu.memory_space<hbm>> -> memref<16x32xf32, #tpu.memory_space<hbm>>
        tpu.wait_dma2 semaphore(%run_scoped3A_61 : memref<!tpu.dma_semaphore, #tpu.memory_space<semaphore_mem>>) src(%dma_wait3A_73 : memref<16x32xf32, #tpu.memory_space<hbm>>) dst(%dma_wait3A_70 : memref<16x32xf32, #tpu.memory_space<vmem_shared>>)
        tpu.yield
      }) : () -> ()
    } else {
    }
    %mul3A_5 = arith.constant 80 : i32
    %mul3A_6 = arith.muli %add3A, %mul3A_5 : i32
    %run_scoped3A = arith.constant 0 : i32
    "tpu.region"() ({
      %run_scoped3A_61 = tpu.sem_alloc : memref<!tpu.dma_semaphore, #tpu.memory_space<semaphore_mem>>
      %dma_start3A_62 = arith.constant 0 : i32
      %dma_start3A_63 = tpu.memref_slice %arg3[%run_scoped3A, %mul3A_6, %dma_start3A_62] : memref<2x2560x125xi32, #tpu.memory_space<hbm>> -> memref<1x80x125xi32, #tpu.memory_space<hbm>>
      %dma_start3A_64 = tpu.memref_squeeze %dma_start3A_63 : memref<1x80x125xi32, #tpu.memory_space<hbm>> -> memref<80x125xi32, #tpu.memory_space<hbm>>
      %dma_start3A_65 = arith.constant 0 : i32
      %dma_start3A_66 = tpu.memref_slice %arg3[%run_scoped3A, %mul3A_6, %dma_start3A_65] : memref<2x2560x125xi32, #tpu.memory_space<hbm>> -> memref<1x80x125xi32, #tpu.memory_space<hbm>>
      %dma_start3A_67 = tpu.memref_squeeze %dma_start3A_66 : memref<1x80x125xi32, #tpu.memory_space<hbm>> -> memref<80x125xi32, #tpu.memory_space<hbm>>
      tpu.enqueue_dma source(%dma_start3A_67 : memref<80x125xi32, #tpu.memory_space<hbm>>) target(%arg6 : memref<80x125xi32, #tpu.memory_space<vmem>>) target_semaphore(%run_scoped3A_61 : memref<!tpu.dma_semaphore, #tpu.memory_space<semaphore_mem>>)
      %dma_wait3A_68 = arith.constant 0 : i32
      %dma_wait3A_69 = tpu.memref_slice %arg3[%run_scoped3A, %mul3A_6, %dma_wait3A_68] : memref<2x2560x125xi32, #tpu.memory_space<hbm>> -> memref<1x80x125xi32, #tpu.memory_space<hbm>>
      %dma_wait3A_70 = tpu.memref_squeeze %dma_wait3A_69 : memref<1x80x125xi32, #tpu.memory_space<hbm>> -> memref<80x125xi32, #tpu.memory_space<hbm>>
      %dma_wait3A_71 = arith.constant 0 : i32
      %dma_wait3A_72 = tpu.memref_slice %arg3[%run_scoped3A, %mul3A_6, %dma_wait3A_71] : memref<2x2560x125xi32, #tpu.memory_space<hbm>> -> memref<1x80x125xi32, #tpu.memory_space<hbm>>
      %dma_wait3A_73 = tpu.memref_squeeze %dma_wait3A_72 : memref<1x80x125xi32, #tpu.memory_space<hbm>> -> memref<80x125xi32, #tpu.memory_space<hbm>>
      tpu.wait_dma2 semaphore(%run_scoped3A_61 : memref<!tpu.dma_semaphore, #tpu.memory_space<semaphore_mem>>) src(%dma_wait3A_73 : memref<80x125xi32, #tpu.memory_space<hbm>>) dst(%arg6 : memref<80x125xi32, #tpu.memory_space<vmem>>)
      tpu.yield
    }) : () -> ()
    %mul3A_7 = arith.constant 80 : i32
    %mul3A_8 = arith.muli %add3A, %mul3A_7 : i32
    %run_scoped3A_9 = arith.constant 1 : i32
    "tpu.region"() ({
      %run_scoped3A_61 = tpu.sem_alloc : memref<!tpu.dma_semaphore, #tpu.memory_space<semaphore_mem>>
      %dma_start3A_62 = arith.constant 0 : i32
      %dma_start3A_63 = tpu.memref_slice %arg3[%run_scoped3A_9, %mul3A_8, %dma_start3A_62] : memref<2x2560x125xi32, #tpu.memory_space<hbm>> -> memref<1x80x125xi32, #tpu.memory_space<hbm>>
      %dma_start3A_64 = tpu.memref_squeeze %dma_start3A_63 : memref<1x80x125xi32, #tpu.memory_space<hbm>> -> memref<80x125xi32, #tpu.memory_space<hbm>>
      %dma_start3A_65 = arith.constant 0 : i32
      %dma_start3A_66 = tpu.memref_slice %arg3[%run_scoped3A_9, %mul3A_8, %dma_start3A_65] : memref<2x2560x125xi32, #tpu.memory_space<hbm>> -> memref<1x80x125xi32, #tpu.memory_space<hbm>>
      %dma_start3A_67 = tpu.memref_squeeze %dma_start3A_66 : memref<1x80x125xi32, #tpu.memory_space<hbm>> -> memref<80x125xi32, #tpu.memory_space<hbm>>
      tpu.enqueue_dma source(%dma_start3A_67 : memref<80x125xi32, #tpu.memory_space<hbm>>) target(%arg7 : memref<80x125xi32, #tpu.memory_space<vmem>>) target_semaphore(%run_scoped3A_61 : memref<!tpu.dma_semaphore, #tpu.memory_space<semaphore_mem>>)
      %dma_wait3A_68 = arith.constant 0 : i32
      %dma_wait3A_69 = tpu.memref_slice %arg3[%run_scoped3A_9, %mul3A_8, %dma_wait3A_68] : memref<2x2560x125xi32, #tpu.memory_space<hbm>> -> memref<1x80x125xi32, #tpu.memory_space<hbm>>
      %dma_wait3A_70 = tpu.memref_squeeze %dma_wait3A_69 : memref<1x80x125xi32, #tpu.memory_space<hbm>> -> memref<80x125xi32, #tpu.memory_space<hbm>>
      %dma_wait3A_71 = arith.constant 0 : i32
      %dma_wait3A_72 = tpu.memref_slice %arg3[%run_scoped3A_9, %mul3A_8, %dma_wait3A_71] : memref<2x2560x125xi32, #tpu.memory_space<hbm>> -> memref<1x80x125xi32, #tpu.memory_space<hbm>>
      %dma_wait3A_73 = tpu.memref_squeeze %dma_wait3A_72 : memref<1x80x125xi32, #tpu.memory_space<hbm>> -> memref<80x125xi32, #tpu.memory_space<hbm>>
      tpu.wait_dma2 semaphore(%run_scoped3A_61 : memref<!tpu.dma_semaphore, #tpu.memory_space<semaphore_mem>>) src(%dma_wait3A_73 : memref<80x125xi32, #tpu.memory_space<hbm>>) dst(%arg7 : memref<80x125xi32, #tpu.memory_space<vmem>>)
      tpu.yield
    }) : () -> ()
    %barrier3A = arith.constant 0 : index
    tpu.barrier barrier_id(%barrier3A)
    %dma_start3A = arith.constant 0 : i32
    %dma_start3A_10 = arith.constant 0 : i32
    %dma_start3A_11 = tpu.memref_slice %arg6[%dma_start3A, %dma_start3A_10] : memref<80x125xi32, #tpu.memory_space<vmem>> -> memref<1x125xi32, #tpu.memory_space<vmem>>
    %dma_start3A_12 = tpu.memref_squeeze %dma_start3A_11 : memref<1x125xi32, #tpu.memory_space<vmem>> -> memref<125xi32, #tpu.memory_space<vmem>>
    %dma_start3A_13 = arith.constant 0 : i32
    %dma_start3A_14 = arith.constant 0 : i32
    %dma_start3A_15 = tpu.memref_slice %arg2[%dma_start3A_13, %dma_start3A_14] : memref<10000x32xf32, #tpu.memory_space<hbm>> -> memref<10000x32xf32, #tpu.memory_space<hbm>>
    tpu.enqueue_indirect_dma source(%dma_start3A_15 : memref<10000x32xf32, #tpu.memory_space<hbm>>) target(%arg8 : memref<125x32xf32, #tpu.memory_space<vmem>>) offsets(%dma_start3A_12 : memref<125xi32, #tpu.memory_space<vmem>>) semaphore(%arg12 : memref<!tpu.dma_semaphore, #tpu.memory_space<semaphore_mem>>)
    %dma_start3A_16 = arith.constant 1 : i32
    %dma_start3A_17 = arith.constant 0 : i32
    %dma_start3A_18 = tpu.memref_slice %arg6[%dma_start3A_16, %dma_start3A_17] : memref<80x125xi32, #tpu.memory_space<vmem>> -> memref<1x125xi32, #tpu.memory_space<vmem>>
    %dma_start3A_19 = tpu.memref_squeeze %dma_start3A_18 : memref<1x125xi32, #tpu.memory_space<vmem>> -> memref<125xi32, #tpu.memory_space<vmem>>
    %dma_start3A_20 = arith.constant 0 : i32
    %dma_start3A_21 = arith.constant 0 : i32
    %dma_start3A_22 = tpu.memref_slice %arg2[%dma_start3A_20, %dma_start3A_21] : memref<10000x32xf32, #tpu.memory_space<hbm>> -> memref<10000x32xf32, #tpu.memory_space<hbm>>
    tpu.enqueue_indirect_dma source(%dma_start3A_22 : memref<10000x32xf32, #tpu.memory_space<hbm>>) target(%arg9 : memref<125x32xf32, #tpu.memory_space<vmem>>) offsets(%dma_start3A_19 : memref<125xi32, #tpu.memory_space<vmem>>) semaphore(%arg13 : memref<!tpu.dma_semaphore, #tpu.memory_space<semaphore_mem>>)
    %scan3A = arith.constant 0 : i32
    %scan3A_23 = arith.constant 0 : i32
    %scan3A_24 = arith.constant 20 : i32
    %scan3A_25 = arith.addi %scan3A_23, %scan3A_24 : i32
    %scan3A_26 = arith.constant 1 : i32
    scf.for %scan3A_61 = %scan3A_23 to %scan3A_25 step %scan3A_26  : i32 {
      %mul3A_62 = arith.constant 4 : i32
      %mul3A_63 = arith.muli %mul3A_62, %scan3A_61 : i32
      %add3A_64 = arith.constant 0 : i32
      %add3A_65 = arith.addi %mul3A_63, %add3A_64 : i32
      %dma_wait3A_66 = arith.constant 0 : i32
      %dma_wait3A_67 = tpu.memref_slice %arg6[%add3A_65, %dma_wait3A_66] : memref<80x125xi32, #tpu.memory_space<vmem>> -> memref<1x125xi32, #tpu.memory_space<vmem>>
      %dma_wait3A_68 = tpu.memref_squeeze %dma_wait3A_67 : memref<1x125xi32, #tpu.memory_space<vmem>> -> memref<125xi32, #tpu.memory_space<vmem>>
      %dma_wait3A_69 = arith.constant 0 : i32
      %dma_wait3A_70 = arith.constant 0 : i32
      %dma_wait3A_71 = tpu.memref_slice %arg2[%dma_wait3A_69, %dma_wait3A_70] : memref<10000x32xf32, #tpu.memory_space<hbm>> -> memref<10000x32xf32, #tpu.memory_space<hbm>>
      tpu.wait_indirect_dma semaphore(%arg12 : memref<!tpu.dma_semaphore, #tpu.memory_space<semaphore_mem>>) src(%dma_wait3A_71 : memref<10000x32xf32, #tpu.memory_space<hbm>>) dst(%arg8 : memref<125x32xf32, #tpu.memory_space<vmem>>)
      %dma_start3A_72 = arith.constant 0 : i32
      %dma_start3A_73 = tpu.memref_slice %arg7[%add3A_65, %dma_start3A_72] : memref<80x125xi32, #tpu.memory_space<vmem>> -> memref<1x125xi32, #tpu.memory_space<vmem>>
      %dma_start3A_74 = tpu.memref_squeeze %dma_start3A_73 : memref<1x125xi32, #tpu.memory_space<vmem>> -> memref<125xi32, #tpu.memory_space<vmem>>
      %dma_start3A_75 = arith.constant 0 : i32
      %dma_start3A_76 = arith.constant 0 : i32
      %dma_start3A_77 = tpu.memref_slice %arg20[%dma_start3A_75, %dma_start3A_76] : memref<10000x32xf32, #tpu.memory_space<vmem_shared>> -> memref<10000x32xf32, #tpu.memory_space<vmem_shared>>
      tpu.enqueue_indirect_dma source(%arg8 : memref<125x32xf32, #tpu.memory_space<vmem>>) target(%dma_start3A_77 : memref<10000x32xf32, #tpu.memory_space<vmem_shared>>) offsets(%dma_start3A_74 : memref<125xi32, #tpu.memory_space<vmem>>) semaphore(%arg16 : memref<!tpu.dma_semaphore, #tpu.memory_space<semaphore_mem>>) {add = true}
      %gt3A = arith.constant 0 : i32
      %gt3A_78 = arith.cmpi sgt, %scan3A_61, %gt3A : i32
      %convert_element_type3A_79 = arith.extui %gt3A_78 : i1 to i32
      %cond3A_80 = arith.constant 0 : i32
      %cond3A_81 = arith.cmpi ne, %convert_element_type3A_79, %cond3A_80 : i32
      scf.if %cond3A_81 {
        %sub3A = arith.constant 2 : i32
        %sub3A_154 = arith.subi %add3A_65, %sub3A : i32
        %dma_wait3A_155 = arith.constant 0 : i32
        %dma_wait3A_156 = tpu.memref_slice %arg7[%sub3A_154, %dma_wait3A_155] : memref<80x125xi32, #tpu.memory_space<vmem>> -> memref<1x125xi32, #tpu.memory_space<vmem>>
        %dma_wait3A_157 = tpu.memref_squeeze %dma_wait3A_156 : memref<1x125xi32, #tpu.memory_space<vmem>> -> memref<125xi32, #tpu.memory_space<vmem>>
        %dma_wait3A_158 = arith.constant 0 : i32
        %dma_wait3A_159 = arith.constant 0 : i32
        %dma_wait3A_160 = tpu.memref_slice %arg20[%dma_wait3A_158, %dma_wait3A_159] : memref<10000x32xf32, #tpu.memory_space<vmem_shared>> -> memref<10000x32xf32, #tpu.memory_space<vmem_shared>>
        tpu.wait_indirect_dma semaphore(%arg18 : memref<!tpu.dma_semaphore, #tpu.memory_space<semaphore_mem>>) src(%arg10 : memref<125x32xf32, #tpu.memory_space<vmem>>) dst(%dma_wait3A_160 : memref<10000x32xf32, #tpu.memory_space<vmem_shared>>)
      } else {
      }
      %add3A_82 = arith.constant 2 : i32
      %add3A_83 = arith.addi %add3A_65, %add3A_82 : i32
      %dma_start3A_84 = arith.constant 0 : i32
      %dma_start3A_85 = tpu.memref_slice %arg6[%add3A_83, %dma_start3A_84] : memref<80x125xi32, #tpu.memory_space<vmem>> -> memref<1x125xi32, #tpu.memory_space<vmem>>
      %dma_start3A_86 = tpu.memref_squeeze %dma_start3A_85 : memref<1x125xi32, #tpu.memory_space<vmem>> -> memref<125xi32, #tpu.memory_space<vmem>>
      %dma_start3A_87 = arith.constant 0 : i32
      %dma_start3A_88 = arith.constant 0 : i32
      %dma_start3A_89 = tpu.memref_slice %arg2[%dma_start3A_87, %dma_start3A_88] : memref<10000x32xf32, #tpu.memory_space<hbm>> -> memref<10000x32xf32, #tpu.memory_space<hbm>>
      tpu.enqueue_indirect_dma source(%dma_start3A_89 : memref<10000x32xf32, #tpu.memory_space<hbm>>) target(%arg10 : memref<125x32xf32, #tpu.memory_space<vmem>>) offsets(%dma_start3A_86 : memref<125xi32, #tpu.memory_space<vmem>>) semaphore(%arg14 : memref<!tpu.dma_semaphore, #tpu.memory_space<semaphore_mem>>)
      %add3A_90 = arith.constant 1 : i32
      %add3A_91 = arith.addi %mul3A_63, %add3A_90 : i32
      %dma_wait3A_92 = arith.constant 0 : i32
      %dma_wait3A_93 = tpu.memref_slice %arg6[%add3A_91, %dma_wait3A_92] : memref<80x125xi32, #tpu.memory_space<vmem>> -> memref<1x125xi32, #tpu.memory_space<vmem>>
      %dma_wait3A_94 = tpu.memref_squeeze %dma_wait3A_93 : memref<1x125xi32, #tpu.memory_space<vmem>> -> memref<125xi32, #tpu.memory_space<vmem>>
      %dma_wait3A_95 = arith.constant 0 : i32
      %dma_wait3A_96 = arith.constant 0 : i32
      %dma_wait3A_97 = tpu.memref_slice %arg2[%dma_wait3A_95, %dma_wait3A_96] : memref<10000x32xf32, #tpu.memory_space<hbm>> -> memref<10000x32xf32, #tpu.memory_space<hbm>>
      tpu.wait_indirect_dma semaphore(%arg13 : memref<!tpu.dma_semaphore, #tpu.memory_space<semaphore_mem>>) src(%dma_wait3A_97 : memref<10000x32xf32, #tpu.memory_space<hbm>>) dst(%arg9 : memref<125x32xf32, #tpu.memory_space<vmem>>)
      %dma_start3A_98 = arith.constant 0 : i32
      %dma_start3A_99 = tpu.memref_slice %arg7[%add3A_91, %dma_start3A_98] : memref<80x125xi32, #tpu.memory_space<vmem>> -> memref<1x125xi32, #tpu.memory_space<vmem>>
      %dma_start3A_100 = tpu.memref_squeeze %dma_start3A_99 : memref<1x125xi32, #tpu.memory_space<vmem>> -> memref<125xi32, #tpu.memory_space<vmem>>
      %dma_start3A_101 = arith.constant 0 : i32
      %dma_start3A_102 = arith.constant 0 : i32
      %dma_start3A_103 = tpu.memref_slice %arg20[%dma_start3A_101, %dma_start3A_102] : memref<10000x32xf32, #tpu.memory_space<vmem_shared>> -> memref<10000x32xf32, #tpu.memory_space<vmem_shared>>
      tpu.enqueue_indirect_dma source(%arg9 : memref<125x32xf32, #tpu.memory_space<vmem>>) target(%dma_start3A_103 : memref<10000x32xf32, #tpu.memory_space<vmem_shared>>) offsets(%dma_start3A_100 : memref<125xi32, #tpu.memory_space<vmem>>) semaphore(%arg17 : memref<!tpu.dma_semaphore, #tpu.memory_space<semaphore_mem>>) {add = true}
      %gt3A_104 = arith.constant 0 : i32
      %gt3A_105 = arith.cmpi sgt, %scan3A_61, %gt3A_104 : i32
      %convert_element_type3A_106 = arith.extui %gt3A_105 : i1 to i32
      %cond3A_107 = arith.constant 0 : i32
      %cond3A_108 = arith.cmpi ne, %convert_element_type3A_106, %cond3A_107 : i32
      scf.if %cond3A_108 {
        %sub3A = arith.constant 2 : i32
        %sub3A_154 = arith.subi %add3A_91, %sub3A : i32
        %dma_wait3A_155 = arith.constant 0 : i32
        %dma_wait3A_156 = tpu.memref_slice %arg7[%sub3A_154, %dma_wait3A_155] : memref<80x125xi32, #tpu.memory_space<vmem>> -> memref<1x125xi32, #tpu.memory_space<vmem>>
        %dma_wait3A_157 = tpu.memref_squeeze %dma_wait3A_156 : memref<1x125xi32, #tpu.memory_space<vmem>> -> memref<125xi32, #tpu.memory_space<vmem>>
        %dma_wait3A_158 = arith.constant 0 : i32
        %dma_wait3A_159 = arith.constant 0 : i32
        %dma_wait3A_160 = tpu.memref_slice %arg20[%dma_wait3A_158, %dma_wait3A_159] : memref<10000x32xf32, #tpu.memory_space<vmem_shared>> -> memref<10000x32xf32, #tpu.memory_space<vmem_shared>>
        tpu.wait_indirect_dma semaphore(%arg19 : memref<!tpu.dma_semaphore, #tpu.memory_space<semaphore_mem>>) src(%arg11 : memref<125x32xf32, #tpu.memory_space<vmem>>) dst(%dma_wait3A_160 : memref<10000x32xf32, #tpu.memory_space<vmem_shared>>)
      } else {
      }
      %add3A_109 = arith.constant 2 : i32
      %add3A_110 = arith.addi %add3A_91, %add3A_109 : i32
      %dma_start3A_111 = arith.constant 0 : i32
      %dma_start3A_112 = tpu.memref_slice %arg6[%add3A_110, %dma_start3A_111] : memref<80x125xi32, #tpu.memory_space<vmem>> -> memref<1x125xi32, #tpu.memory_space<vmem>>
      %dma_start3A_113 = tpu.memref_squeeze %dma_start3A_112 : memref<1x125xi32, #tpu.memory_space<vmem>> -> memref<125xi32, #tpu.memory_space<vmem>>
      %dma_start3A_114 = arith.constant 0 : i32
      %dma_start3A_115 = arith.constant 0 : i32
      %dma_start3A_116 = tpu.memref_slice %arg2[%dma_start3A_114, %dma_start3A_115] : memref<10000x32xf32, #tpu.memory_space<hbm>> -> memref<10000x32xf32, #tpu.memory_space<hbm>>
      tpu.enqueue_indirect_dma source(%dma_start3A_116 : memref<10000x32xf32, #tpu.memory_space<hbm>>) target(%arg11 : memref<125x32xf32, #tpu.memory_space<vmem>>) offsets(%dma_start3A_113 : memref<125xi32, #tpu.memory_space<vmem>>) semaphore(%arg15 : memref<!tpu.dma_semaphore, #tpu.memory_space<semaphore_mem>>)
      %add3A_117 = arith.constant 2 : i32
      %add3A_118 = arith.addi %mul3A_63, %add3A_117 : i32
      %dma_wait3A_119 = arith.constant 0 : i32
      %dma_wait3A_120 = tpu.memref_slice %arg6[%add3A_118, %dma_wait3A_119] : memref<80x125xi32, #tpu.memory_space<vmem>> -> memref<1x125xi32, #tpu.memory_space<vmem>>
      %dma_wait3A_121 = tpu.memref_squeeze %dma_wait3A_120 : memref<1x125xi32, #tpu.memory_space<vmem>> -> memref<125xi32, #tpu.memory_space<vmem>>
      %dma_wait3A_122 = arith.constant 0 : i32
      %dma_wait3A_123 = arith.constant 0 : i32
      %dma_wait3A_124 = tpu.memref_slice %arg2[%dma_wait3A_122, %dma_wait3A_123] : memref<10000x32xf32, #tpu.memory_space<hbm>> -> memref<10000x32xf32, #tpu.memory_space<hbm>>
      tpu.wait_indirect_dma semaphore(%arg14 : memref<!tpu.dma_semaphore, #tpu.memory_space<semaphore_mem>>) src(%dma_wait3A_124 : memref<10000x32xf32, #tpu.memory_space<hbm>>) dst(%arg10 : memref<125x32xf32, #tpu.memory_space<vmem>>)
      %dma_start3A_125 = arith.constant 0 : i32
      %dma_start3A_126 = tpu.memref_slice %arg7[%add3A_118, %dma_start3A_125] : memref<80x125xi32, #tpu.memory_space<vmem>> -> memref<1x125xi32, #tpu.memory_space<vmem>>
      %dma_start3A_127 = tpu.memref_squeeze %dma_start3A_126 : memref<1x125xi32, #tpu.memory_space<vmem>> -> memref<125xi32, #tpu.memory_space<vmem>>
      %dma_start3A_128 = arith.constant 0 : i32
      %dma_start3A_129 = arith.constant 0 : i32
      %dma_start3A_130 = tpu.memref_slice %arg20[%dma_start3A_128, %dma_start3A_129] : memref<10000x32xf32, #tpu.memory_space<vmem_shared>> -> memref<10000x32xf32, #tpu.memory_space<vmem_shared>>
      tpu.enqueue_indirect_dma source(%arg10 : memref<125x32xf32, #tpu.memory_space<vmem>>) target(%dma_start3A_130 : memref<10000x32xf32, #tpu.memory_space<vmem_shared>>) offsets(%dma_start3A_127 : memref<125xi32, #tpu.memory_space<vmem>>) semaphore(%arg18 : memref<!tpu.dma_semaphore, #tpu.memory_space<semaphore_mem>>) {add = true}
      %lt3A = arith.constant 19 : i32
      %lt3A_131 = arith.cmpi slt, %scan3A_61, %lt3A : i32
      %convert_element_type3A_132 = arith.extui %lt3A_131 : i1 to i32
      %cond3A_133 = arith.constant 0 : i32
      %cond3A_134 = arith.cmpi ne, %convert_element_type3A_132, %cond3A_133 : i32
      scf.if %cond3A_134 {
        %sub3A = arith.constant 2 : i32
        %sub3A_154 = arith.subi %add3A_118, %sub3A : i32
        %dma_wait3A_155 = arith.constant 0 : i32
        %dma_wait3A_156 = tpu.memref_slice %arg7[%sub3A_154, %dma_wait3A_155] : memref<80x125xi32, #tpu.memory_space<vmem>> -> memref<1x125xi32, #tpu.memory_space<vmem>>
        %dma_wait3A_157 = tpu.memref_squeeze %dma_wait3A_156 : memref<1x125xi32, #tpu.memory_space<vmem>> -> memref<125xi32, #tpu.memory_space<vmem>>
        %dma_wait3A_158 = arith.constant 0 : i32
        %dma_wait3A_159 = arith.constant 0 : i32
        %dma_wait3A_160 = tpu.memref_slice %arg20[%dma_wait3A_158, %dma_wait3A_159] : memref<10000x32xf32, #tpu.memory_space<vmem_shared>> -> memref<10000x32xf32, #tpu.memory_space<vmem_shared>>
        tpu.wait_indirect_dma semaphore(%arg16 : memref<!tpu.dma_semaphore, #tpu.memory_space<semaphore_mem>>) src(%arg8 : memref<125x32xf32, #tpu.memory_space<vmem>>) dst(%dma_wait3A_160 : memref<10000x32xf32, #tpu.memory_space<vmem_shared>>)
        %add3A_161 = arith.constant 2 : i32
        %add3A_162 = arith.addi %add3A_118, %add3A_161 : i32
        %dma_start3A_163 = arith.constant 0 : i32
        %dma_start3A_164 = tpu.memref_slice %arg6[%add3A_162, %dma_start3A_163] : memref<80x125xi32, #tpu.memory_space<vmem>> -> memref<1x125xi32, #tpu.memory_space<vmem>>
        %dma_start3A_165 = tpu.memref_squeeze %dma_start3A_164 : memref<1x125xi32, #tpu.memory_space<vmem>> -> memref<125xi32, #tpu.memory_space<vmem>>
        %dma_start3A_166 = arith.constant 0 : i32
        %dma_start3A_167 = arith.constant 0 : i32
        %dma_start3A_168 = tpu.memref_slice %arg2[%dma_start3A_166, %dma_start3A_167] : memref<10000x32xf32, #tpu.memory_space<hbm>> -> memref<10000x32xf32, #tpu.memory_space<hbm>>
        tpu.enqueue_indirect_dma source(%dma_start3A_168 : memref<10000x32xf32, #tpu.memory_space<hbm>>) target(%arg8 : memref<125x32xf32, #tpu.memory_space<vmem>>) offsets(%dma_start3A_165 : memref<125xi32, #tpu.memory_space<vmem>>) semaphore(%arg12 : memref<!tpu.dma_semaphore, #tpu.memory_space<semaphore_mem>>)
      } else {
      }
      %add3A_135 = arith.constant 3 : i32
      %add3A_136 = arith.addi %mul3A_63, %add3A_135 : i32
      %dma_wait3A_137 = arith.constant 0 : i32
      %dma_wait3A_138 = tpu.memref_slice %arg6[%add3A_136, %dma_wait3A_137] : memref<80x125xi32, #tpu.memory_space<vmem>> -> memref<1x125xi32, #tpu.memory_space<vmem>>
      %dma_wait3A_139 = tpu.memref_squeeze %dma_wait3A_138 : memref<1x125xi32, #tpu.memory_space<vmem>> -> memref<125xi32, #tpu.memory_space<vmem>>
      %dma_wait3A_140 = arith.constant 0 : i32
      %dma_wait3A_141 = arith.constant 0 : i32
      %dma_wait3A_142 = tpu.memref_slice %arg2[%dma_wait3A_140, %dma_wait3A_141] : memref<10000x32xf32, #tpu.memory_space<hbm>> -> memref<10000x32xf32, #tpu.memory_space<hbm>>
      tpu.wait_indirect_dma semaphore(%arg15 : memref<!tpu.dma_semaphore, #tpu.memory_space<semaphore_mem>>) src(%dma_wait3A_142 : memref<10000x32xf32, #tpu.memory_space<hbm>>) dst(%arg11 : memref<125x32xf32, #tpu.memory_space<vmem>>)
      %dma_start3A_143 = arith.constant 0 : i32
      %dma_start3A_144 = tpu.memref_slice %arg7[%add3A_136, %dma_start3A_143] : memref<80x125xi32, #tpu.memory_space<vmem>> -> memref<1x125xi32, #tpu.memory_space<vmem>>
      %dma_start3A_145 = tpu.memref_squeeze %dma_start3A_144 : memref<1x125xi32, #tpu.memory_space<vmem>> -> memref<125xi32, #tpu.memory_space<vmem>>
      %dma_start3A_146 = arith.constant 0 : i32
      %dma_start3A_147 = arith.constant 0 : i32
      %dma_start3A_148 = tpu.memref_slice %arg20[%dma_start3A_146, %dma_start3A_147] : memref<10000x32xf32, #tpu.memory_space<vmem_shared>> -> memref<10000x32xf32, #tpu.memory_space<vmem_shared>>
      tpu.enqueue_indirect_dma source(%arg11 : memref<125x32xf32, #tpu.memory_space<vmem>>) target(%dma_start3A_148 : memref<10000x32xf32, #tpu.memory_space<vmem_shared>>) offsets(%dma_start3A_145 : memref<125xi32, #tpu.memory_space<vmem>>) semaphore(%arg19 : memref<!tpu.dma_semaphore, #tpu.memory_space<semaphore_mem>>) {add = true}
      %lt3A_149 = arith.constant 19 : i32
      %lt3A_150 = arith.cmpi slt, %scan3A_61, %lt3A_149 : i32
      %convert_element_type3A_151 = arith.extui %lt3A_150 : i1 to i32
      %cond3A_152 = arith.constant 0 : i32
      %cond3A_153 = arith.cmpi ne, %convert_element_type3A_151, %cond3A_152 : i32
      scf.if %cond3A_153 {
        %sub3A = arith.constant 2 : i32
        %sub3A_154 = arith.subi %add3A_136, %sub3A : i32
        %dma_wait3A_155 = arith.constant 0 : i32
        %dma_wait3A_156 = tpu.memref_slice %arg7[%sub3A_154, %dma_wait3A_155] : memref<80x125xi32, #tpu.memory_space<vmem>> -> memref<1x125xi32, #tpu.memory_space<vmem>>
        %dma_wait3A_157 = tpu.memref_squeeze %dma_wait3A_156 : memref<1x125xi32, #tpu.memory_space<vmem>> -> memref<125xi32, #tpu.memory_space<vmem>>
        %dma_wait3A_158 = arith.constant 0 : i32
        %dma_wait3A_159 = arith.constant 0 : i32
        %dma_wait3A_160 = tpu.memref_slice %arg20[%dma_wait3A_158, %dma_wait3A_159] : memref<10000x32xf32, #tpu.memory_space<vmem_shared>> -> memref<10000x32xf32, #tpu.memory_space<vmem_shared>>
        tpu.wait_indirect_dma semaphore(%arg17 : memref<!tpu.dma_semaphore, #tpu.memory_space<semaphore_mem>>) src(%arg9 : memref<125x32xf32, #tpu.memory_space<vmem>>) dst(%dma_wait3A_160 : memref<10000x32xf32, #tpu.memory_space<vmem_shared>>)
        %add3A_161 = arith.constant 2 : i32
        %add3A_162 = arith.addi %add3A_136, %add3A_161 : i32
        %dma_start3A_163 = arith.constant 0 : i32
        %dma_start3A_164 = tpu.memref_slice %arg6[%add3A_162, %dma_start3A_163] : memref<80x125xi32, #tpu.memory_space<vmem>> -> memref<1x125xi32, #tpu.memory_space<vmem>>
        %dma_start3A_165 = tpu.memref_squeeze %dma_start3A_164 : memref<1x125xi32, #tpu.memory_space<vmem>> -> memref<125xi32, #tpu.memory_space<vmem>>
        %dma_start3A_166 = arith.constant 0 : i32
        %dma_start3A_167 = arith.constant 0 : i32
        %dma_start3A_168 = tpu.memref_slice %arg2[%dma_start3A_166, %dma_start3A_167] : memref<10000x32xf32, #tpu.memory_space<hbm>> -> memref<10000x32xf32, #tpu.memory_space<hbm>>
        tpu.enqueue_indirect_dma source(%dma_start3A_168 : memref<10000x32xf32, #tpu.memory_space<hbm>>) target(%arg9 : memref<125x32xf32, #tpu.memory_space<vmem>>) offsets(%dma_start3A_165 : memref<125xi32, #tpu.memory_space<vmem>>) semaphore(%arg13 : memref<!tpu.dma_semaphore, #tpu.memory_space<semaphore_mem>>)
      } else {
      }
    }
    %scan3A_27 = arith.constant 20 : i32
    %dma_wait3A = arith.constant 76 : i32
    %dma_wait3A_28 = arith.constant 0 : i32
    %dma_wait3A_29 = tpu.memref_slice %arg7[%dma_wait3A, %dma_wait3A_28] : memref<80x125xi32, #tpu.memory_space<vmem>> -> memref<1x125xi32, #tpu.memory_space<vmem>>
    %dma_wait3A_30 = tpu.memref_squeeze %dma_wait3A_29 : memref<1x125xi32, #tpu.memory_space<vmem>> -> memref<125xi32, #tpu.memory_space<vmem>>
    %dma_wait3A_31 = arith.constant 0 : i32
    %dma_wait3A_32 = arith.constant 0 : i32
    %dma_wait3A_33 = tpu.memref_slice %arg20[%dma_wait3A_31, %dma_wait3A_32] : memref<10000x32xf32, #tpu.memory_space<vmem_shared>> -> memref<10000x32xf32, #tpu.memory_space<vmem_shared>>
    tpu.wait_indirect_dma semaphore(%arg16 : memref<!tpu.dma_semaphore, #tpu.memory_space<semaphore_mem>>) src(%arg8 : memref<125x32xf32, #tpu.memory_space<vmem>>) dst(%dma_wait3A_33 : memref<10000x32xf32, #tpu.memory_space<vmem_shared>>)
    %dma_wait3A_34 = arith.constant 77 : i32
    %dma_wait3A_35 = arith.constant 0 : i32
    %dma_wait3A_36 = tpu.memref_slice %arg7[%dma_wait3A_34, %dma_wait3A_35] : memref<80x125xi32, #tpu.memory_space<vmem>> -> memref<1x125xi32, #tpu.memory_space<vmem>>
    %dma_wait3A_37 = tpu.memref_squeeze %dma_wait3A_36 : memref<1x125xi32, #tpu.memory_space<vmem>> -> memref<125xi32, #tpu.memory_space<vmem>>
    %dma_wait3A_38 = arith.constant 0 : i32
    %dma_wait3A_39 = arith.constant 0 : i32
    %dma_wait3A_40 = tpu.memref_slice %arg20[%dma_wait3A_38, %dma_wait3A_39] : memref<10000x32xf32, #tpu.memory_space<vmem_shared>> -> memref<10000x32xf32, #tpu.memory_space<vmem_shared>>
    tpu.wait_indirect_dma semaphore(%arg17 : memref<!tpu.dma_semaphore, #tpu.memory_space<semaphore_mem>>) src(%arg9 : memref<125x32xf32, #tpu.memory_space<vmem>>) dst(%dma_wait3A_40 : memref<10000x32xf32, #tpu.memory_space<vmem_shared>>)
    %dma_wait3A_41 = arith.constant 78 : i32
    %dma_wait3A_42 = arith.constant 0 : i32
    %dma_wait3A_43 = tpu.memref_slice %arg7[%dma_wait3A_41, %dma_wait3A_42] : memref<80x125xi32, #tpu.memory_space<vmem>> -> memref<1x125xi32, #tpu.memory_space<vmem>>
    %dma_wait3A_44 = tpu.memref_squeeze %dma_wait3A_43 : memref<1x125xi32, #tpu.memory_space<vmem>> -> memref<125xi32, #tpu.memory_space<vmem>>
    %dma_wait3A_45 = arith.constant 0 : i32
    %dma_wait3A_46 = arith.constant 0 : i32
    %dma_wait3A_47 = tpu.memref_slice %arg20[%dma_wait3A_45, %dma_wait3A_46] : memref<10000x32xf32, #tpu.memory_space<vmem_shared>> -> memref<10000x32xf32, #tpu.memory_space<vmem_shared>>
    tpu.wait_indirect_dma semaphore(%arg18 : memref<!tpu.dma_semaphore, #tpu.memory_space<semaphore_mem>>) src(%arg10 : memref<125x32xf32, #tpu.memory_space<vmem>>) dst(%dma_wait3A_47 : memref<10000x32xf32, #tpu.memory_space<vmem_shared>>)
    %dma_wait3A_48 = arith.constant 79 : i32
    %dma_wait3A_49 = arith.constant 0 : i32
    %dma_wait3A_50 = tpu.memref_slice %arg7[%dma_wait3A_48, %dma_wait3A_49] : memref<80x125xi32, #tpu.memory_space<vmem>> -> memref<1x125xi32, #tpu.memory_space<vmem>>
    %dma_wait3A_51 = tpu.memref_squeeze %dma_wait3A_50 : memref<1x125xi32, #tpu.memory_space<vmem>> -> memref<125xi32, #tpu.memory_space<vmem>>
    %dma_wait3A_52 = arith.constant 0 : i32
    %dma_wait3A_53 = arith.constant 0 : i32
    %dma_wait3A_54 = tpu.memref_slice %arg20[%dma_wait3A_52, %dma_wait3A_53] : memref<10000x32xf32, #tpu.memory_space<vmem_shared>> -> memref<10000x32xf32, #tpu.memory_space<vmem_shared>>
    tpu.wait_indirect_dma semaphore(%arg19 : memref<!tpu.dma_semaphore, #tpu.memory_space<semaphore_mem>>) src(%arg11 : memref<125x32xf32, #tpu.memory_space<vmem>>) dst(%dma_wait3A_54 : memref<10000x32xf32, #tpu.memory_space<vmem_shared>>)
    %barrier3A_55 = arith.constant 0 : index
    tpu.barrier barrier_id(%barrier3A_55)
    "tpu.region"() ({
      %run_scoped3A_61 = tpu.sem_alloc : memref<!tpu.dma_semaphore, #tpu.memory_space<semaphore_mem>>
      %dma_start3A_62 = arith.constant 0 : i32
      %dma_start3A_63 = tpu.memref_slice %arg5[%arg0, %mul3A_2, %dma_start3A_62] : memref<2x10000x32xf32, #tpu.memory_space<hbm>> -> memref<1x624x32xf32, #tpu.memory_space<hbm>>
      %dma_start3A_64 = tpu.memref_squeeze %dma_start3A_63 : memref<1x624x32xf32, #tpu.memory_space<hbm>> -> memref<624x32xf32, #tpu.memory_space<hbm>>
      %dma_start3A_65 = arith.constant 0 : i32
      %dma_start3A_66 = tpu.memref_slice %arg20[%mul3A_2, %dma_start3A_65] : memref<10000x32xf32, #tpu.memory_space<vmem_shared>> -> memref<624x32xf32, #tpu.memory_space<vmem_shared>>
      tpu.enqueue_dma source(%dma_start3A_66 : memref<624x32xf32, #tpu.memory_space<vmem_shared>>) target(%dma_start3A_64 : memref<624x32xf32, #tpu.memory_space<hbm>>) target_semaphore(%run_scoped3A_61 : memref<!tpu.dma_semaphore, #tpu.memory_space<semaphore_mem>>)
      %dma_wait3A_67 = arith.constant 0 : i32
      %dma_wait3A_68 = tpu.memref_slice %arg5[%arg0, %mul3A_2, %dma_wait3A_67] : memref<2x10000x32xf32, #tpu.memory_space<hbm>> -> memref<1x624x32xf32, #tpu.memory_space<hbm>>
      %dma_wait3A_69 = tpu.memref_squeeze %dma_wait3A_68 : memref<1x624x32xf32, #tpu.memory_space<hbm>> -> memref<624x32xf32, #tpu.memory_space<hbm>>
      %dma_wait3A_70 = arith.constant 0 : i32
      %dma_wait3A_71 = tpu.memref_slice %arg20[%mul3A_2, %dma_wait3A_70] : memref<10000x32xf32, #tpu.memory_space<vmem_shared>> -> memref<624x32xf32, #tpu.memory_space<vmem_shared>>
      tpu.wait_dma2 semaphore(%run_scoped3A_61 : memref<!tpu.dma_semaphore, #tpu.memory_space<semaphore_mem>>) src(%dma_wait3A_71 : memref<624x32xf32, #tpu.memory_space<vmem_shared>>) dst(%dma_wait3A_69 : memref<624x32xf32, #tpu.memory_space<hbm>>)
      tpu.yield
    }) : () -> ()
    %eq3A_56 = arith.constant 15 : i32
    %eq3A_57 = arith.cmpi eq, %arg1, %eq3A_56 : i32
    %convert_element_type3A_58 = arith.extui %eq3A_57 : i1 to i32
    %cond3A_59 = arith.constant 0 : i32
    %cond3A_60 = arith.cmpi ne, %convert_element_type3A_58, %cond3A_59 : i32
    scf.if %cond3A_60 {
      "tpu.region"() ({
        %run_scoped3A_61 = tpu.sem_alloc : memref<!tpu.dma_semaphore, #tpu.memory_space<semaphore_mem>>
        %dma_start3A_62 = arith.constant 9984 : i32
        %dma_start3A_63 = arith.constant 0 : i32
        %dma_start3A_64 = tpu.memref_slice %arg5[%arg0, %dma_start3A_62, %dma_start3A_63] : memref<2x10000x32xf32, #tpu.memory_space<hbm>> -> memref<1x16x32xf32, #tpu.memory_space<hbm>>
        %dma_start3A_65 = tpu.memref_squeeze %dma_start3A_64 : memref<1x16x32xf32, #tpu.memory_space<hbm>> -> memref<16x32xf32, #tpu.memory_space<hbm>>
        %dma_start3A_66 = arith.constant 9984 : i32
        %dma_start3A_67 = arith.constant 0 : i32
        %dma_start3A_68 = tpu.memref_slice %arg20[%dma_start3A_66, %dma_start3A_67] : memref<10000x32xf32, #tpu.memory_space<vmem_shared>> -> memref<16x32xf32, #tpu.memory_space<vmem_shared>>
        tpu.enqueue_dma source(%dma_start3A_68 : memref<16x32xf32, #tpu.memory_space<vmem_shared>>) target(%dma_start3A_65 : memref<16x32xf32, #tpu.memory_space<hbm>>) target_semaphore(%run_scoped3A_61 : memref<!tpu.dma_semaphore, #tpu.memory_space<semaphore_mem>>)
        %dma_wait3A_69 = arith.constant 9984 : i32
        %dma_wait3A_70 = arith.constant 0 : i32
        %dma_wait3A_71 = tpu.memref_slice %arg5[%arg0, %dma_wait3A_69, %dma_wait3A_70] : memref<2x10000x32xf32, #tpu.memory_space<hbm>> -> memref<1x16x32xf32, #tpu.memory_space<hbm>>
        %dma_wait3A_72 = tpu.memref_squeeze %dma_wait3A_71 : memref<1x16x32xf32, #tpu.memory_space<hbm>> -> memref<16x32xf32, #tpu.memory_space<hbm>>
        %dma_wait3A_73 = arith.constant 9984 : i32
        %dma_wait3A_74 = arith.constant 0 : i32
        %dma_wait3A_75 = tpu.memref_slice %arg20[%dma_wait3A_73, %dma_wait3A_74] : memref<10000x32xf32, #tpu.memory_space<vmem_shared>> -> memref<16x32xf32, #tpu.memory_space<vmem_shared>>
        tpu.wait_dma2 semaphore(%run_scoped3A_61 : memref<!tpu.dma_semaphore, #tpu.memory_space<semaphore_mem>>) src(%dma_wait3A_75 : memref<16x32xf32, #tpu.memory_space<vmem_shared>>) dst(%dma_wait3A_72 : memref<16x32xf32, #tpu.memory_space<hbm>>)
        tpu.yield
      }) : () -> ()
    } else {
    }
    return
  }
}

#map = affine_map<(d0, d1) -> (0, 0)>
#map1 = affine_map<(d0, d1) -> (0, 0, 0)>
module attributes {stable_mosaic.version = 14 : i64} {
  func.func @prop(%arg0: i32, %arg1: i32, %arg2: memref<10000x64xf32, #tpu.memory_space<hbm>>, %arg3: memref<2x2560x125xi32, #tpu.memory_space<hbm>>, %arg4: memref<10000x64xf32, #tpu.memory_space<hbm>>, %arg5: memref<2x10000x64xf32, #tpu.memory_space<hbm>>, %arg6: memref<80x125xi32, #tpu.memory_space<vmem>>, %arg7: memref<80x125xi32, #tpu.memory_space<vmem>>, %arg8: memref<125x64xf32, #tpu.memory_space<vmem>>, %arg9: memref<125x64xf32, #tpu.memory_space<vmem>>, %arg10: memref<125x64xf32, #tpu.memory_space<vmem>>, %arg11: memref<125x64xf32, #tpu.memory_space<vmem>>, %arg12: memref<!tpu.dma_semaphore, #tpu.memory_space<semaphore_mem>>, %arg13: memref<!tpu.dma_semaphore, #tpu.memory_space<semaphore_mem>>, %arg14: memref<!tpu.dma_semaphore, #tpu.memory_space<semaphore_mem>>, %arg15: memref<!tpu.dma_semaphore, #tpu.memory_space<semaphore_mem>>, %arg16: memref<!tpu.dma_semaphore, #tpu.memory_space<semaphore_mem>>, %arg17: memref<!tpu.dma_semaphore, #tpu.memory_space<semaphore_mem>>, %arg18: memref<!tpu.dma_semaphore, #tpu.memory_space<semaphore_mem>>, %arg19: memref<!tpu.dma_semaphore, #tpu.memory_space<semaphore_mem>>, %arg20: memref<10000x64xf32, #tpu.memory_space<vmem_shared>>) attributes {dimension_semantics = [#tpu.dimension_semantics<core_parallel>, #tpu.dimension_semantics<subcore_parallel>], iteration_bounds = array<i64: 2, 16>, scalar_prefetch = 0 : i64, scratch_operands = 15 : i64, tpu.core_type = #tpu.core_type<sc_vector_subcore>, window_params = [{transform_indices = #map}, {transform_indices = #map1}, {transform_indices = #map}, {transform_indices = #map1}]} {
    %mul3A = arith.constant 2 : i32
    %mul3A_0 = arith.muli %arg1, %mul3A : i32
    %add3A = arith.addi %mul3A_0, %arg0 : i32
    %mul3A_1 = arith.constant 624 : i32
    %mul3A_2 = arith.muli %arg1, %mul3A_1 : i32
    "tpu.region"() ({
      %run_scoped3A_61 = tpu.sem_alloc : memref<!tpu.dma_semaphore, #tpu.memory_space<semaphore_mem>>
      %dma_start3A_62 = arith.constant 0 : i32
      %dma_start3A_63 = tpu.memref_slice %arg20[%mul3A_2, %dma_start3A_62] : memref<10000x64xf32, #tpu.memory_space<vmem_shared>> -> memref<624x64xf32, #tpu.memory_space<vmem_shared>>
      %dma_start3A_64 = arith.constant 0 : i32
      %dma_start3A_65 = tpu.memref_slice %arg4[%mul3A_2, %dma_start3A_64] : memref<10000x64xf32, #tpu.memory_space<hbm>> -> memref<624x64xf32, #tpu.memory_space<hbm>>
      tpu.enqueue_dma source(%dma_start3A_65 : memref<624x64xf32, #tpu.memory_space<hbm>>) target(%dma_start3A_63 : memref<624x64xf32, #tpu.memory_space<vmem_shared>>) target_semaphore(%run_scoped3A_61 : memref<!tpu.dma_semaphore, #tpu.memory_space<semaphore_mem>>)
      %dma_wait3A_66 = arith.constant 0 : i32
      %dma_wait3A_67 = tpu.memref_slice %arg20[%mul3A_2, %dma_wait3A_66] : memref<10000x64xf32, #tpu.memory_space<vmem_shared>> -> memref<624x64xf32, #tpu.memory_space<vmem_shared>>
      %dma_wait3A_68 = arith.constant 0 : i32
      %dma_wait3A_69 = tpu.memref_slice %arg4[%mul3A_2, %dma_wait3A_68] : memref<10000x64xf32, #tpu.memory_space<hbm>> -> memref<624x64xf32, #tpu.memory_space<hbm>>
      tpu.wait_dma2 semaphore(%run_scoped3A_61 : memref<!tpu.dma_semaphore, #tpu.memory_space<semaphore_mem>>) src(%dma_wait3A_69 : memref<624x64xf32, #tpu.memory_space<hbm>>) dst(%dma_wait3A_67 : memref<624x64xf32, #tpu.memory_space<vmem_shared>>)
      tpu.yield
    }) : () -> ()
    %eq3A = arith.constant 15 : i32
    %eq3A_3 = arith.cmpi eq, %arg1, %eq3A : i32
    %convert_element_type3A = arith.extui %eq3A_3 : i1 to i32
    %cond3A = arith.constant 0 : i32
    %cond3A_4 = arith.cmpi ne, %convert_element_type3A, %cond3A : i32
    scf.if %cond3A_4 {
      "tpu.region"() ({
        %run_scoped3A_61 = tpu.sem_alloc : memref<!tpu.dma_semaphore, #tpu.memory_space<semaphore_mem>>
        %dma_start3A_62 = arith.constant 9984 : i32
        %dma_start3A_63 = arith.constant 0 : i32
        %dma_start3A_64 = tpu.memref_slice %arg20[%dma_start3A_62, %dma_start3A_63] : memref<10000x64xf32, #tpu.memory_space<vmem_shared>> -> memref<16x64xf32, #tpu.memory_space<vmem_shared>>
        %dma_start3A_65 = arith.constant 9984 : i32
        %dma_start3A_66 = arith.constant 0 : i32
        %dma_start3A_67 = tpu.memref_slice %arg4[%dma_start3A_65, %dma_start3A_66] : memref<10000x64xf32, #tpu.memory_space<hbm>> -> memref<16x64xf32, #tpu.memory_space<hbm>>
        tpu.enqueue_dma source(%dma_start3A_67 : memref<16x64xf32, #tpu.memory_space<hbm>>) target(%dma_start3A_64 : memref<16x64xf32, #tpu.memory_space<vmem_shared>>) target_semaphore(%run_scoped3A_61 : memref<!tpu.dma_semaphore, #tpu.memory_space<semaphore_mem>>)
        %dma_wait3A_68 = arith.constant 9984 : i32
        %dma_wait3A_69 = arith.constant 0 : i32
        %dma_wait3A_70 = tpu.memref_slice %arg20[%dma_wait3A_68, %dma_wait3A_69] : memref<10000x64xf32, #tpu.memory_space<vmem_shared>> -> memref<16x64xf32, #tpu.memory_space<vmem_shared>>
        %dma_wait3A_71 = arith.constant 9984 : i32
        %dma_wait3A_72 = arith.constant 0 : i32
        %dma_wait3A_73 = tpu.memref_slice %arg4[%dma_wait3A_71, %dma_wait3A_72] : memref<10000x64xf32, #tpu.memory_space<hbm>> -> memref<16x64xf32, #tpu.memory_space<hbm>>
        tpu.wait_dma2 semaphore(%run_scoped3A_61 : memref<!tpu.dma_semaphore, #tpu.memory_space<semaphore_mem>>) src(%dma_wait3A_73 : memref<16x64xf32, #tpu.memory_space<hbm>>) dst(%dma_wait3A_70 : memref<16x64xf32, #tpu.memory_space<vmem_shared>>)
        tpu.yield
      }) : () -> ()
    } else {
    }
    %mul3A_5 = arith.constant 80 : i32
    %mul3A_6 = arith.muli %add3A, %mul3A_5 : i32
    %run_scoped3A = arith.constant 0 : i32
    "tpu.region"() ({
      %run_scoped3A_61 = tpu.sem_alloc : memref<!tpu.dma_semaphore, #tpu.memory_space<semaphore_mem>>
      %dma_start3A_62 = arith.constant 0 : i32
      %dma_start3A_63 = tpu.memref_slice %arg3[%run_scoped3A, %mul3A_6, %dma_start3A_62] : memref<2x2560x125xi32, #tpu.memory_space<hbm>> -> memref<1x80x125xi32, #tpu.memory_space<hbm>>
      %dma_start3A_64 = tpu.memref_squeeze %dma_start3A_63 : memref<1x80x125xi32, #tpu.memory_space<hbm>> -> memref<80x125xi32, #tpu.memory_space<hbm>>
      %dma_start3A_65 = arith.constant 0 : i32
      %dma_start3A_66 = tpu.memref_slice %arg3[%run_scoped3A, %mul3A_6, %dma_start3A_65] : memref<2x2560x125xi32, #tpu.memory_space<hbm>> -> memref<1x80x125xi32, #tpu.memory_space<hbm>>
      %dma_start3A_67 = tpu.memref_squeeze %dma_start3A_66 : memref<1x80x125xi32, #tpu.memory_space<hbm>> -> memref<80x125xi32, #tpu.memory_space<hbm>>
      tpu.enqueue_dma source(%dma_start3A_67 : memref<80x125xi32, #tpu.memory_space<hbm>>) target(%arg6 : memref<80x125xi32, #tpu.memory_space<vmem>>) target_semaphore(%run_scoped3A_61 : memref<!tpu.dma_semaphore, #tpu.memory_space<semaphore_mem>>)
      %dma_wait3A_68 = arith.constant 0 : i32
      %dma_wait3A_69 = tpu.memref_slice %arg3[%run_scoped3A, %mul3A_6, %dma_wait3A_68] : memref<2x2560x125xi32, #tpu.memory_space<hbm>> -> memref<1x80x125xi32, #tpu.memory_space<hbm>>
      %dma_wait3A_70 = tpu.memref_squeeze %dma_wait3A_69 : memref<1x80x125xi32, #tpu.memory_space<hbm>> -> memref<80x125xi32, #tpu.memory_space<hbm>>
      %dma_wait3A_71 = arith.constant 0 : i32
      %dma_wait3A_72 = tpu.memref_slice %arg3[%run_scoped3A, %mul3A_6, %dma_wait3A_71] : memref<2x2560x125xi32, #tpu.memory_space<hbm>> -> memref<1x80x125xi32, #tpu.memory_space<hbm>>
      %dma_wait3A_73 = tpu.memref_squeeze %dma_wait3A_72 : memref<1x80x125xi32, #tpu.memory_space<hbm>> -> memref<80x125xi32, #tpu.memory_space<hbm>>
      tpu.wait_dma2 semaphore(%run_scoped3A_61 : memref<!tpu.dma_semaphore, #tpu.memory_space<semaphore_mem>>) src(%dma_wait3A_73 : memref<80x125xi32, #tpu.memory_space<hbm>>) dst(%arg6 : memref<80x125xi32, #tpu.memory_space<vmem>>)
      tpu.yield
    }) : () -> ()
    %mul3A_7 = arith.constant 80 : i32
    %mul3A_8 = arith.muli %add3A, %mul3A_7 : i32
    %run_scoped3A_9 = arith.constant 1 : i32
    "tpu.region"() ({
      %run_scoped3A_61 = tpu.sem_alloc : memref<!tpu.dma_semaphore, #tpu.memory_space<semaphore_mem>>
      %dma_start3A_62 = arith.constant 0 : i32
      %dma_start3A_63 = tpu.memref_slice %arg3[%run_scoped3A_9, %mul3A_8, %dma_start3A_62] : memref<2x2560x125xi32, #tpu.memory_space<hbm>> -> memref<1x80x125xi32, #tpu.memory_space<hbm>>
      %dma_start3A_64 = tpu.memref_squeeze %dma_start3A_63 : memref<1x80x125xi32, #tpu.memory_space<hbm>> -> memref<80x125xi32, #tpu.memory_space<hbm>>
      %dma_start3A_65 = arith.constant 0 : i32
      %dma_start3A_66 = tpu.memref_slice %arg3[%run_scoped3A_9, %mul3A_8, %dma_start3A_65] : memref<2x2560x125xi32, #tpu.memory_space<hbm>> -> memref<1x80x125xi32, #tpu.memory_space<hbm>>
      %dma_start3A_67 = tpu.memref_squeeze %dma_start3A_66 : memref<1x80x125xi32, #tpu.memory_space<hbm>> -> memref<80x125xi32, #tpu.memory_space<hbm>>
      tpu.enqueue_dma source(%dma_start3A_67 : memref<80x125xi32, #tpu.memory_space<hbm>>) target(%arg7 : memref<80x125xi32, #tpu.memory_space<vmem>>) target_semaphore(%run_scoped3A_61 : memref<!tpu.dma_semaphore, #tpu.memory_space<semaphore_mem>>)
      %dma_wait3A_68 = arith.constant 0 : i32
      %dma_wait3A_69 = tpu.memref_slice %arg3[%run_scoped3A_9, %mul3A_8, %dma_wait3A_68] : memref<2x2560x125xi32, #tpu.memory_space<hbm>> -> memref<1x80x125xi32, #tpu.memory_space<hbm>>
      %dma_wait3A_70 = tpu.memref_squeeze %dma_wait3A_69 : memref<1x80x125xi32, #tpu.memory_space<hbm>> -> memref<80x125xi32, #tpu.memory_space<hbm>>
      %dma_wait3A_71 = arith.constant 0 : i32
      %dma_wait3A_72 = tpu.memref_slice %arg3[%run_scoped3A_9, %mul3A_8, %dma_wait3A_71] : memref<2x2560x125xi32, #tpu.memory_space<hbm>> -> memref<1x80x125xi32, #tpu.memory_space<hbm>>
      %dma_wait3A_73 = tpu.memref_squeeze %dma_wait3A_72 : memref<1x80x125xi32, #tpu.memory_space<hbm>> -> memref<80x125xi32, #tpu.memory_space<hbm>>
      tpu.wait_dma2 semaphore(%run_scoped3A_61 : memref<!tpu.dma_semaphore, #tpu.memory_space<semaphore_mem>>) src(%dma_wait3A_73 : memref<80x125xi32, #tpu.memory_space<hbm>>) dst(%arg7 : memref<80x125xi32, #tpu.memory_space<vmem>>)
      tpu.yield
    }) : () -> ()
    %barrier3A = arith.constant 0 : index
    tpu.barrier barrier_id(%barrier3A)
    %dma_start3A = arith.constant 0 : i32
    %dma_start3A_10 = arith.constant 0 : i32
    %dma_start3A_11 = tpu.memref_slice %arg6[%dma_start3A, %dma_start3A_10] : memref<80x125xi32, #tpu.memory_space<vmem>> -> memref<1x125xi32, #tpu.memory_space<vmem>>
    %dma_start3A_12 = tpu.memref_squeeze %dma_start3A_11 : memref<1x125xi32, #tpu.memory_space<vmem>> -> memref<125xi32, #tpu.memory_space<vmem>>
    %dma_start3A_13 = arith.constant 0 : i32
    %dma_start3A_14 = arith.constant 0 : i32
    %dma_start3A_15 = tpu.memref_slice %arg2[%dma_start3A_13, %dma_start3A_14] : memref<10000x64xf32, #tpu.memory_space<hbm>> -> memref<10000x64xf32, #tpu.memory_space<hbm>>
    tpu.enqueue_indirect_dma source(%dma_start3A_15 : memref<10000x64xf32, #tpu.memory_space<hbm>>) target(%arg8 : memref<125x64xf32, #tpu.memory_space<vmem>>) offsets(%dma_start3A_12 : memref<125xi32, #tpu.memory_space<vmem>>) semaphore(%arg12 : memref<!tpu.dma_semaphore, #tpu.memory_space<semaphore_mem>>)
    %dma_start3A_16 = arith.constant 1 : i32
    %dma_start3A_17 = arith.constant 0 : i32
    %dma_start3A_18 = tpu.memref_slice %arg6[%dma_start3A_16, %dma_start3A_17] : memref<80x125xi32, #tpu.memory_space<vmem>> -> memref<1x125xi32, #tpu.memory_space<vmem>>
    %dma_start3A_19 = tpu.memref_squeeze %dma_start3A_18 : memref<1x125xi32, #tpu.memory_space<vmem>> -> memref<125xi32, #tpu.memory_space<vmem>>
    %dma_start3A_20 = arith.constant 0 : i32
    %dma_start3A_21 = arith.constant 0 : i32
    %dma_start3A_22 = tpu.memref_slice %arg2[%dma_start3A_20, %dma_start3A_21] : memref<10000x64xf32, #tpu.memory_space<hbm>> -> memref<10000x64xf32, #tpu.memory_space<hbm>>
    tpu.enqueue_indirect_dma source(%dma_start3A_22 : memref<10000x64xf32, #tpu.memory_space<hbm>>) target(%arg9 : memref<125x64xf32, #tpu.memory_space<vmem>>) offsets(%dma_start3A_19 : memref<125xi32, #tpu.memory_space<vmem>>) semaphore(%arg13 : memref<!tpu.dma_semaphore, #tpu.memory_space<semaphore_mem>>)
    %scan3A = arith.constant 0 : i32
    %scan3A_23 = arith.constant 0 : i32
    %scan3A_24 = arith.constant 20 : i32
    %scan3A_25 = arith.addi %scan3A_23, %scan3A_24 : i32
    %scan3A_26 = arith.constant 1 : i32
    scf.for %scan3A_61 = %scan3A_23 to %scan3A_25 step %scan3A_26  : i32 {
      %mul3A_62 = arith.constant 4 : i32
      %mul3A_63 = arith.muli %mul3A_62, %scan3A_61 : i32
      %add3A_64 = arith.constant 0 : i32
      %add3A_65 = arith.addi %mul3A_63, %add3A_64 : i32
      %dma_wait3A_66 = arith.constant 0 : i32
      %dma_wait3A_67 = tpu.memref_slice %arg6[%add3A_65, %dma_wait3A_66] : memref<80x125xi32, #tpu.memory_space<vmem>> -> memref<1x125xi32, #tpu.memory_space<vmem>>
      %dma_wait3A_68 = tpu.memref_squeeze %dma_wait3A_67 : memref<1x125xi32, #tpu.memory_space<vmem>> -> memref<125xi32, #tpu.memory_space<vmem>>
      %dma_wait3A_69 = arith.constant 0 : i32
      %dma_wait3A_70 = arith.constant 0 : i32
      %dma_wait3A_71 = tpu.memref_slice %arg2[%dma_wait3A_69, %dma_wait3A_70] : memref<10000x64xf32, #tpu.memory_space<hbm>> -> memref<10000x64xf32, #tpu.memory_space<hbm>>
      tpu.wait_indirect_dma semaphore(%arg12 : memref<!tpu.dma_semaphore, #tpu.memory_space<semaphore_mem>>) src(%dma_wait3A_71 : memref<10000x64xf32, #tpu.memory_space<hbm>>) dst(%arg8 : memref<125x64xf32, #tpu.memory_space<vmem>>)
      %dma_start3A_72 = arith.constant 0 : i32
      %dma_start3A_73 = tpu.memref_slice %arg7[%add3A_65, %dma_start3A_72] : memref<80x125xi32, #tpu.memory_space<vmem>> -> memref<1x125xi32, #tpu.memory_space<vmem>>
      %dma_start3A_74 = tpu.memref_squeeze %dma_start3A_73 : memref<1x125xi32, #tpu.memory_space<vmem>> -> memref<125xi32, #tpu.memory_space<vmem>>
      %dma_start3A_75 = arith.constant 0 : i32
      %dma_start3A_76 = arith.constant 0 : i32
      %dma_start3A_77 = tpu.memref_slice %arg20[%dma_start3A_75, %dma_start3A_76] : memref<10000x64xf32, #tpu.memory_space<vmem_shared>> -> memref<10000x64xf32, #tpu.memory_space<vmem_shared>>
      tpu.enqueue_indirect_dma source(%arg8 : memref<125x64xf32, #tpu.memory_space<vmem>>) target(%dma_start3A_77 : memref<10000x64xf32, #tpu.memory_space<vmem_shared>>) offsets(%dma_start3A_74 : memref<125xi32, #tpu.memory_space<vmem>>) semaphore(%arg16 : memref<!tpu.dma_semaphore, #tpu.memory_space<semaphore_mem>>) {add = true}
      %gt3A = arith.constant 0 : i32
      %gt3A_78 = arith.cmpi sgt, %scan3A_61, %gt3A : i32
      %convert_element_type3A_79 = arith.extui %gt3A_78 : i1 to i32
      %cond3A_80 = arith.constant 0 : i32
      %cond3A_81 = arith.cmpi ne, %convert_element_type3A_79, %cond3A_80 : i32
      scf.if %cond3A_81 {
        %sub3A = arith.constant 2 : i32
        %sub3A_154 = arith.subi %add3A_65, %sub3A : i32
        %dma_wait3A_155 = arith.constant 0 : i32
        %dma_wait3A_156 = tpu.memref_slice %arg7[%sub3A_154, %dma_wait3A_155] : memref<80x125xi32, #tpu.memory_space<vmem>> -> memref<1x125xi32, #tpu.memory_space<vmem>>
        %dma_wait3A_157 = tpu.memref_squeeze %dma_wait3A_156 : memref<1x125xi32, #tpu.memory_space<vmem>> -> memref<125xi32, #tpu.memory_space<vmem>>
        %dma_wait3A_158 = arith.constant 0 : i32
        %dma_wait3A_159 = arith.constant 0 : i32
        %dma_wait3A_160 = tpu.memref_slice %arg20[%dma_wait3A_158, %dma_wait3A_159] : memref<10000x64xf32, #tpu.memory_space<vmem_shared>> -> memref<10000x64xf32, #tpu.memory_space<vmem_shared>>
        tpu.wait_indirect_dma semaphore(%arg18 : memref<!tpu.dma_semaphore, #tpu.memory_space<semaphore_mem>>) src(%arg10 : memref<125x64xf32, #tpu.memory_space<vmem>>) dst(%dma_wait3A_160 : memref<10000x64xf32, #tpu.memory_space<vmem_shared>>)
      } else {
      }
      %add3A_82 = arith.constant 2 : i32
      %add3A_83 = arith.addi %add3A_65, %add3A_82 : i32
      %dma_start3A_84 = arith.constant 0 : i32
      %dma_start3A_85 = tpu.memref_slice %arg6[%add3A_83, %dma_start3A_84] : memref<80x125xi32, #tpu.memory_space<vmem>> -> memref<1x125xi32, #tpu.memory_space<vmem>>
      %dma_start3A_86 = tpu.memref_squeeze %dma_start3A_85 : memref<1x125xi32, #tpu.memory_space<vmem>> -> memref<125xi32, #tpu.memory_space<vmem>>
      %dma_start3A_87 = arith.constant 0 : i32
      %dma_start3A_88 = arith.constant 0 : i32
      %dma_start3A_89 = tpu.memref_slice %arg2[%dma_start3A_87, %dma_start3A_88] : memref<10000x64xf32, #tpu.memory_space<hbm>> -> memref<10000x64xf32, #tpu.memory_space<hbm>>
      tpu.enqueue_indirect_dma source(%dma_start3A_89 : memref<10000x64xf32, #tpu.memory_space<hbm>>) target(%arg10 : memref<125x64xf32, #tpu.memory_space<vmem>>) offsets(%dma_start3A_86 : memref<125xi32, #tpu.memory_space<vmem>>) semaphore(%arg14 : memref<!tpu.dma_semaphore, #tpu.memory_space<semaphore_mem>>)
      %add3A_90 = arith.constant 1 : i32
      %add3A_91 = arith.addi %mul3A_63, %add3A_90 : i32
      %dma_wait3A_92 = arith.constant 0 : i32
      %dma_wait3A_93 = tpu.memref_slice %arg6[%add3A_91, %dma_wait3A_92] : memref<80x125xi32, #tpu.memory_space<vmem>> -> memref<1x125xi32, #tpu.memory_space<vmem>>
      %dma_wait3A_94 = tpu.memref_squeeze %dma_wait3A_93 : memref<1x125xi32, #tpu.memory_space<vmem>> -> memref<125xi32, #tpu.memory_space<vmem>>
      %dma_wait3A_95 = arith.constant 0 : i32
      %dma_wait3A_96 = arith.constant 0 : i32
      %dma_wait3A_97 = tpu.memref_slice %arg2[%dma_wait3A_95, %dma_wait3A_96] : memref<10000x64xf32, #tpu.memory_space<hbm>> -> memref<10000x64xf32, #tpu.memory_space<hbm>>
      tpu.wait_indirect_dma semaphore(%arg13 : memref<!tpu.dma_semaphore, #tpu.memory_space<semaphore_mem>>) src(%dma_wait3A_97 : memref<10000x64xf32, #tpu.memory_space<hbm>>) dst(%arg9 : memref<125x64xf32, #tpu.memory_space<vmem>>)
      %dma_start3A_98 = arith.constant 0 : i32
      %dma_start3A_99 = tpu.memref_slice %arg7[%add3A_91, %dma_start3A_98] : memref<80x125xi32, #tpu.memory_space<vmem>> -> memref<1x125xi32, #tpu.memory_space<vmem>>
      %dma_start3A_100 = tpu.memref_squeeze %dma_start3A_99 : memref<1x125xi32, #tpu.memory_space<vmem>> -> memref<125xi32, #tpu.memory_space<vmem>>
      %dma_start3A_101 = arith.constant 0 : i32
      %dma_start3A_102 = arith.constant 0 : i32
      %dma_start3A_103 = tpu.memref_slice %arg20[%dma_start3A_101, %dma_start3A_102] : memref<10000x64xf32, #tpu.memory_space<vmem_shared>> -> memref<10000x64xf32, #tpu.memory_space<vmem_shared>>
      tpu.enqueue_indirect_dma source(%arg9 : memref<125x64xf32, #tpu.memory_space<vmem>>) target(%dma_start3A_103 : memref<10000x64xf32, #tpu.memory_space<vmem_shared>>) offsets(%dma_start3A_100 : memref<125xi32, #tpu.memory_space<vmem>>) semaphore(%arg17 : memref<!tpu.dma_semaphore, #tpu.memory_space<semaphore_mem>>) {add = true}
      %gt3A_104 = arith.constant 0 : i32
      %gt3A_105 = arith.cmpi sgt, %scan3A_61, %gt3A_104 : i32
      %convert_element_type3A_106 = arith.extui %gt3A_105 : i1 to i32
      %cond3A_107 = arith.constant 0 : i32
      %cond3A_108 = arith.cmpi ne, %convert_element_type3A_106, %cond3A_107 : i32
      scf.if %cond3A_108 {
        %sub3A = arith.constant 2 : i32
        %sub3A_154 = arith.subi %add3A_91, %sub3A : i32
        %dma_wait3A_155 = arith.constant 0 : i32
        %dma_wait3A_156 = tpu.memref_slice %arg7[%sub3A_154, %dma_wait3A_155] : memref<80x125xi32, #tpu.memory_space<vmem>> -> memref<1x125xi32, #tpu.memory_space<vmem>>
        %dma_wait3A_157 = tpu.memref_squeeze %dma_wait3A_156 : memref<1x125xi32, #tpu.memory_space<vmem>> -> memref<125xi32, #tpu.memory_space<vmem>>
        %dma_wait3A_158 = arith.constant 0 : i32
        %dma_wait3A_159 = arith.constant 0 : i32
        %dma_wait3A_160 = tpu.memref_slice %arg20[%dma_wait3A_158, %dma_wait3A_159] : memref<10000x64xf32, #tpu.memory_space<vmem_shared>> -> memref<10000x64xf32, #tpu.memory_space<vmem_shared>>
        tpu.wait_indirect_dma semaphore(%arg19 : memref<!tpu.dma_semaphore, #tpu.memory_space<semaphore_mem>>) src(%arg11 : memref<125x64xf32, #tpu.memory_space<vmem>>) dst(%dma_wait3A_160 : memref<10000x64xf32, #tpu.memory_space<vmem_shared>>)
      } else {
      }
      %add3A_109 = arith.constant 2 : i32
      %add3A_110 = arith.addi %add3A_91, %add3A_109 : i32
      %dma_start3A_111 = arith.constant 0 : i32
      %dma_start3A_112 = tpu.memref_slice %arg6[%add3A_110, %dma_start3A_111] : memref<80x125xi32, #tpu.memory_space<vmem>> -> memref<1x125xi32, #tpu.memory_space<vmem>>
      %dma_start3A_113 = tpu.memref_squeeze %dma_start3A_112 : memref<1x125xi32, #tpu.memory_space<vmem>> -> memref<125xi32, #tpu.memory_space<vmem>>
      %dma_start3A_114 = arith.constant 0 : i32
      %dma_start3A_115 = arith.constant 0 : i32
      %dma_start3A_116 = tpu.memref_slice %arg2[%dma_start3A_114, %dma_start3A_115] : memref<10000x64xf32, #tpu.memory_space<hbm>> -> memref<10000x64xf32, #tpu.memory_space<hbm>>
      tpu.enqueue_indirect_dma source(%dma_start3A_116 : memref<10000x64xf32, #tpu.memory_space<hbm>>) target(%arg11 : memref<125x64xf32, #tpu.memory_space<vmem>>) offsets(%dma_start3A_113 : memref<125xi32, #tpu.memory_space<vmem>>) semaphore(%arg15 : memref<!tpu.dma_semaphore, #tpu.memory_space<semaphore_mem>>)
      %add3A_117 = arith.constant 2 : i32
      %add3A_118 = arith.addi %mul3A_63, %add3A_117 : i32
      %dma_wait3A_119 = arith.constant 0 : i32
      %dma_wait3A_120 = tpu.memref_slice %arg6[%add3A_118, %dma_wait3A_119] : memref<80x125xi32, #tpu.memory_space<vmem>> -> memref<1x125xi32, #tpu.memory_space<vmem>>
      %dma_wait3A_121 = tpu.memref_squeeze %dma_wait3A_120 : memref<1x125xi32, #tpu.memory_space<vmem>> -> memref<125xi32, #tpu.memory_space<vmem>>
      %dma_wait3A_122 = arith.constant 0 : i32
      %dma_wait3A_123 = arith.constant 0 : i32
      %dma_wait3A_124 = tpu.memref_slice %arg2[%dma_wait3A_122, %dma_wait3A_123] : memref<10000x64xf32, #tpu.memory_space<hbm>> -> memref<10000x64xf32, #tpu.memory_space<hbm>>
      tpu.wait_indirect_dma semaphore(%arg14 : memref<!tpu.dma_semaphore, #tpu.memory_space<semaphore_mem>>) src(%dma_wait3A_124 : memref<10000x64xf32, #tpu.memory_space<hbm>>) dst(%arg10 : memref<125x64xf32, #tpu.memory_space<vmem>>)
      %dma_start3A_125 = arith.constant 0 : i32
      %dma_start3A_126 = tpu.memref_slice %arg7[%add3A_118, %dma_start3A_125] : memref<80x125xi32, #tpu.memory_space<vmem>> -> memref<1x125xi32, #tpu.memory_space<vmem>>
      %dma_start3A_127 = tpu.memref_squeeze %dma_start3A_126 : memref<1x125xi32, #tpu.memory_space<vmem>> -> memref<125xi32, #tpu.memory_space<vmem>>
      %dma_start3A_128 = arith.constant 0 : i32
      %dma_start3A_129 = arith.constant 0 : i32
      %dma_start3A_130 = tpu.memref_slice %arg20[%dma_start3A_128, %dma_start3A_129] : memref<10000x64xf32, #tpu.memory_space<vmem_shared>> -> memref<10000x64xf32, #tpu.memory_space<vmem_shared>>
      tpu.enqueue_indirect_dma source(%arg10 : memref<125x64xf32, #tpu.memory_space<vmem>>) target(%dma_start3A_130 : memref<10000x64xf32, #tpu.memory_space<vmem_shared>>) offsets(%dma_start3A_127 : memref<125xi32, #tpu.memory_space<vmem>>) semaphore(%arg18 : memref<!tpu.dma_semaphore, #tpu.memory_space<semaphore_mem>>) {add = true}
      %lt3A = arith.constant 19 : i32
      %lt3A_131 = arith.cmpi slt, %scan3A_61, %lt3A : i32
      %convert_element_type3A_132 = arith.extui %lt3A_131 : i1 to i32
      %cond3A_133 = arith.constant 0 : i32
      %cond3A_134 = arith.cmpi ne, %convert_element_type3A_132, %cond3A_133 : i32
      scf.if %cond3A_134 {
        %sub3A = arith.constant 2 : i32
        %sub3A_154 = arith.subi %add3A_118, %sub3A : i32
        %dma_wait3A_155 = arith.constant 0 : i32
        %dma_wait3A_156 = tpu.memref_slice %arg7[%sub3A_154, %dma_wait3A_155] : memref<80x125xi32, #tpu.memory_space<vmem>> -> memref<1x125xi32, #tpu.memory_space<vmem>>
        %dma_wait3A_157 = tpu.memref_squeeze %dma_wait3A_156 : memref<1x125xi32, #tpu.memory_space<vmem>> -> memref<125xi32, #tpu.memory_space<vmem>>
        %dma_wait3A_158 = arith.constant 0 : i32
        %dma_wait3A_159 = arith.constant 0 : i32
        %dma_wait3A_160 = tpu.memref_slice %arg20[%dma_wait3A_158, %dma_wait3A_159] : memref<10000x64xf32, #tpu.memory_space<vmem_shared>> -> memref<10000x64xf32, #tpu.memory_space<vmem_shared>>
        tpu.wait_indirect_dma semaphore(%arg16 : memref<!tpu.dma_semaphore, #tpu.memory_space<semaphore_mem>>) src(%arg8 : memref<125x64xf32, #tpu.memory_space<vmem>>) dst(%dma_wait3A_160 : memref<10000x64xf32, #tpu.memory_space<vmem_shared>>)
        %add3A_161 = arith.constant 2 : i32
        %add3A_162 = arith.addi %add3A_118, %add3A_161 : i32
        %dma_start3A_163 = arith.constant 0 : i32
        %dma_start3A_164 = tpu.memref_slice %arg6[%add3A_162, %dma_start3A_163] : memref<80x125xi32, #tpu.memory_space<vmem>> -> memref<1x125xi32, #tpu.memory_space<vmem>>
        %dma_start3A_165 = tpu.memref_squeeze %dma_start3A_164 : memref<1x125xi32, #tpu.memory_space<vmem>> -> memref<125xi32, #tpu.memory_space<vmem>>
        %dma_start3A_166 = arith.constant 0 : i32
        %dma_start3A_167 = arith.constant 0 : i32
        %dma_start3A_168 = tpu.memref_slice %arg2[%dma_start3A_166, %dma_start3A_167] : memref<10000x64xf32, #tpu.memory_space<hbm>> -> memref<10000x64xf32, #tpu.memory_space<hbm>>
        tpu.enqueue_indirect_dma source(%dma_start3A_168 : memref<10000x64xf32, #tpu.memory_space<hbm>>) target(%arg8 : memref<125x64xf32, #tpu.memory_space<vmem>>) offsets(%dma_start3A_165 : memref<125xi32, #tpu.memory_space<vmem>>) semaphore(%arg12 : memref<!tpu.dma_semaphore, #tpu.memory_space<semaphore_mem>>)
      } else {
      }
      %add3A_135 = arith.constant 3 : i32
      %add3A_136 = arith.addi %mul3A_63, %add3A_135 : i32
      %dma_wait3A_137 = arith.constant 0 : i32
      %dma_wait3A_138 = tpu.memref_slice %arg6[%add3A_136, %dma_wait3A_137] : memref<80x125xi32, #tpu.memory_space<vmem>> -> memref<1x125xi32, #tpu.memory_space<vmem>>
      %dma_wait3A_139 = tpu.memref_squeeze %dma_wait3A_138 : memref<1x125xi32, #tpu.memory_space<vmem>> -> memref<125xi32, #tpu.memory_space<vmem>>
      %dma_wait3A_140 = arith.constant 0 : i32
      %dma_wait3A_141 = arith.constant 0 : i32
      %dma_wait3A_142 = tpu.memref_slice %arg2[%dma_wait3A_140, %dma_wait3A_141] : memref<10000x64xf32, #tpu.memory_space<hbm>> -> memref<10000x64xf32, #tpu.memory_space<hbm>>
      tpu.wait_indirect_dma semaphore(%arg15 : memref<!tpu.dma_semaphore, #tpu.memory_space<semaphore_mem>>) src(%dma_wait3A_142 : memref<10000x64xf32, #tpu.memory_space<hbm>>) dst(%arg11 : memref<125x64xf32, #tpu.memory_space<vmem>>)
      %dma_start3A_143 = arith.constant 0 : i32
      %dma_start3A_144 = tpu.memref_slice %arg7[%add3A_136, %dma_start3A_143] : memref<80x125xi32, #tpu.memory_space<vmem>> -> memref<1x125xi32, #tpu.memory_space<vmem>>
      %dma_start3A_145 = tpu.memref_squeeze %dma_start3A_144 : memref<1x125xi32, #tpu.memory_space<vmem>> -> memref<125xi32, #tpu.memory_space<vmem>>
      %dma_start3A_146 = arith.constant 0 : i32
      %dma_start3A_147 = arith.constant 0 : i32
      %dma_start3A_148 = tpu.memref_slice %arg20[%dma_start3A_146, %dma_start3A_147] : memref<10000x64xf32, #tpu.memory_space<vmem_shared>> -> memref<10000x64xf32, #tpu.memory_space<vmem_shared>>
      tpu.enqueue_indirect_dma source(%arg11 : memref<125x64xf32, #tpu.memory_space<vmem>>) target(%dma_start3A_148 : memref<10000x64xf32, #tpu.memory_space<vmem_shared>>) offsets(%dma_start3A_145 : memref<125xi32, #tpu.memory_space<vmem>>) semaphore(%arg19 : memref<!tpu.dma_semaphore, #tpu.memory_space<semaphore_mem>>) {add = true}
      %lt3A_149 = arith.constant 19 : i32
      %lt3A_150 = arith.cmpi slt, %scan3A_61, %lt3A_149 : i32
      %convert_element_type3A_151 = arith.extui %lt3A_150 : i1 to i32
      %cond3A_152 = arith.constant 0 : i32
      %cond3A_153 = arith.cmpi ne, %convert_element_type3A_151, %cond3A_152 : i32
      scf.if %cond3A_153 {
        %sub3A = arith.constant 2 : i32
        %sub3A_154 = arith.subi %add3A_136, %sub3A : i32
        %dma_wait3A_155 = arith.constant 0 : i32
        %dma_wait3A_156 = tpu.memref_slice %arg7[%sub3A_154, %dma_wait3A_155] : memref<80x125xi32, #tpu.memory_space<vmem>> -> memref<1x125xi32, #tpu.memory_space<vmem>>
        %dma_wait3A_157 = tpu.memref_squeeze %dma_wait3A_156 : memref<1x125xi32, #tpu.memory_space<vmem>> -> memref<125xi32, #tpu.memory_space<vmem>>
        %dma_wait3A_158 = arith.constant 0 : i32
        %dma_wait3A_159 = arith.constant 0 : i32
        %dma_wait3A_160 = tpu.memref_slice %arg20[%dma_wait3A_158, %dma_wait3A_159] : memref<10000x64xf32, #tpu.memory_space<vmem_shared>> -> memref<10000x64xf32, #tpu.memory_space<vmem_shared>>
        tpu.wait_indirect_dma semaphore(%arg17 : memref<!tpu.dma_semaphore, #tpu.memory_space<semaphore_mem>>) src(%arg9 : memref<125x64xf32, #tpu.memory_space<vmem>>) dst(%dma_wait3A_160 : memref<10000x64xf32, #tpu.memory_space<vmem_shared>>)
        %add3A_161 = arith.constant 2 : i32
        %add3A_162 = arith.addi %add3A_136, %add3A_161 : i32
        %dma_start3A_163 = arith.constant 0 : i32
        %dma_start3A_164 = tpu.memref_slice %arg6[%add3A_162, %dma_start3A_163] : memref<80x125xi32, #tpu.memory_space<vmem>> -> memref<1x125xi32, #tpu.memory_space<vmem>>
        %dma_start3A_165 = tpu.memref_squeeze %dma_start3A_164 : memref<1x125xi32, #tpu.memory_space<vmem>> -> memref<125xi32, #tpu.memory_space<vmem>>
        %dma_start3A_166 = arith.constant 0 : i32
        %dma_start3A_167 = arith.constant 0 : i32
        %dma_start3A_168 = tpu.memref_slice %arg2[%dma_start3A_166, %dma_start3A_167] : memref<10000x64xf32, #tpu.memory_space<hbm>> -> memref<10000x64xf32, #tpu.memory_space<hbm>>
        tpu.enqueue_indirect_dma source(%dma_start3A_168 : memref<10000x64xf32, #tpu.memory_space<hbm>>) target(%arg9 : memref<125x64xf32, #tpu.memory_space<vmem>>) offsets(%dma_start3A_165 : memref<125xi32, #tpu.memory_space<vmem>>) semaphore(%arg13 : memref<!tpu.dma_semaphore, #tpu.memory_space<semaphore_mem>>)
      } else {
      }
    }
    %scan3A_27 = arith.constant 20 : i32
    %dma_wait3A = arith.constant 76 : i32
    %dma_wait3A_28 = arith.constant 0 : i32
    %dma_wait3A_29 = tpu.memref_slice %arg7[%dma_wait3A, %dma_wait3A_28] : memref<80x125xi32, #tpu.memory_space<vmem>> -> memref<1x125xi32, #tpu.memory_space<vmem>>
    %dma_wait3A_30 = tpu.memref_squeeze %dma_wait3A_29 : memref<1x125xi32, #tpu.memory_space<vmem>> -> memref<125xi32, #tpu.memory_space<vmem>>
    %dma_wait3A_31 = arith.constant 0 : i32
    %dma_wait3A_32 = arith.constant 0 : i32
    %dma_wait3A_33 = tpu.memref_slice %arg20[%dma_wait3A_31, %dma_wait3A_32] : memref<10000x64xf32, #tpu.memory_space<vmem_shared>> -> memref<10000x64xf32, #tpu.memory_space<vmem_shared>>
    tpu.wait_indirect_dma semaphore(%arg16 : memref<!tpu.dma_semaphore, #tpu.memory_space<semaphore_mem>>) src(%arg8 : memref<125x64xf32, #tpu.memory_space<vmem>>) dst(%dma_wait3A_33 : memref<10000x64xf32, #tpu.memory_space<vmem_shared>>)
    %dma_wait3A_34 = arith.constant 77 : i32
    %dma_wait3A_35 = arith.constant 0 : i32
    %dma_wait3A_36 = tpu.memref_slice %arg7[%dma_wait3A_34, %dma_wait3A_35] : memref<80x125xi32, #tpu.memory_space<vmem>> -> memref<1x125xi32, #tpu.memory_space<vmem>>
    %dma_wait3A_37 = tpu.memref_squeeze %dma_wait3A_36 : memref<1x125xi32, #tpu.memory_space<vmem>> -> memref<125xi32, #tpu.memory_space<vmem>>
    %dma_wait3A_38 = arith.constant 0 : i32
    %dma_wait3A_39 = arith.constant 0 : i32
    %dma_wait3A_40 = tpu.memref_slice %arg20[%dma_wait3A_38, %dma_wait3A_39] : memref<10000x64xf32, #tpu.memory_space<vmem_shared>> -> memref<10000x64xf32, #tpu.memory_space<vmem_shared>>
    tpu.wait_indirect_dma semaphore(%arg17 : memref<!tpu.dma_semaphore, #tpu.memory_space<semaphore_mem>>) src(%arg9 : memref<125x64xf32, #tpu.memory_space<vmem>>) dst(%dma_wait3A_40 : memref<10000x64xf32, #tpu.memory_space<vmem_shared>>)
    %dma_wait3A_41 = arith.constant 78 : i32
    %dma_wait3A_42 = arith.constant 0 : i32
    %dma_wait3A_43 = tpu.memref_slice %arg7[%dma_wait3A_41, %dma_wait3A_42] : memref<80x125xi32, #tpu.memory_space<vmem>> -> memref<1x125xi32, #tpu.memory_space<vmem>>
    %dma_wait3A_44 = tpu.memref_squeeze %dma_wait3A_43 : memref<1x125xi32, #tpu.memory_space<vmem>> -> memref<125xi32, #tpu.memory_space<vmem>>
    %dma_wait3A_45 = arith.constant 0 : i32
    %dma_wait3A_46 = arith.constant 0 : i32
    %dma_wait3A_47 = tpu.memref_slice %arg20[%dma_wait3A_45, %dma_wait3A_46] : memref<10000x64xf32, #tpu.memory_space<vmem_shared>> -> memref<10000x64xf32, #tpu.memory_space<vmem_shared>>
    tpu.wait_indirect_dma semaphore(%arg18 : memref<!tpu.dma_semaphore, #tpu.memory_space<semaphore_mem>>) src(%arg10 : memref<125x64xf32, #tpu.memory_space<vmem>>) dst(%dma_wait3A_47 : memref<10000x64xf32, #tpu.memory_space<vmem_shared>>)
    %dma_wait3A_48 = arith.constant 79 : i32
    %dma_wait3A_49 = arith.constant 0 : i32
    %dma_wait3A_50 = tpu.memref_slice %arg7[%dma_wait3A_48, %dma_wait3A_49] : memref<80x125xi32, #tpu.memory_space<vmem>> -> memref<1x125xi32, #tpu.memory_space<vmem>>
    %dma_wait3A_51 = tpu.memref_squeeze %dma_wait3A_50 : memref<1x125xi32, #tpu.memory_space<vmem>> -> memref<125xi32, #tpu.memory_space<vmem>>
    %dma_wait3A_52 = arith.constant 0 : i32
    %dma_wait3A_53 = arith.constant 0 : i32
    %dma_wait3A_54 = tpu.memref_slice %arg20[%dma_wait3A_52, %dma_wait3A_53] : memref<10000x64xf32, #tpu.memory_space<vmem_shared>> -> memref<10000x64xf32, #tpu.memory_space<vmem_shared>>
    tpu.wait_indirect_dma semaphore(%arg19 : memref<!tpu.dma_semaphore, #tpu.memory_space<semaphore_mem>>) src(%arg11 : memref<125x64xf32, #tpu.memory_space<vmem>>) dst(%dma_wait3A_54 : memref<10000x64xf32, #tpu.memory_space<vmem_shared>>)
    %barrier3A_55 = arith.constant 0 : index
    tpu.barrier barrier_id(%barrier3A_55)
    "tpu.region"() ({
      %run_scoped3A_61 = tpu.sem_alloc : memref<!tpu.dma_semaphore, #tpu.memory_space<semaphore_mem>>
      %dma_start3A_62 = arith.constant 0 : i32
      %dma_start3A_63 = tpu.memref_slice %arg5[%arg0, %mul3A_2, %dma_start3A_62] : memref<2x10000x64xf32, #tpu.memory_space<hbm>> -> memref<1x624x64xf32, #tpu.memory_space<hbm>>
      %dma_start3A_64 = tpu.memref_squeeze %dma_start3A_63 : memref<1x624x64xf32, #tpu.memory_space<hbm>> -> memref<624x64xf32, #tpu.memory_space<hbm>>
      %dma_start3A_65 = arith.constant 0 : i32
      %dma_start3A_66 = tpu.memref_slice %arg20[%mul3A_2, %dma_start3A_65] : memref<10000x64xf32, #tpu.memory_space<vmem_shared>> -> memref<624x64xf32, #tpu.memory_space<vmem_shared>>
      tpu.enqueue_dma source(%dma_start3A_66 : memref<624x64xf32, #tpu.memory_space<vmem_shared>>) target(%dma_start3A_64 : memref<624x64xf32, #tpu.memory_space<hbm>>) target_semaphore(%run_scoped3A_61 : memref<!tpu.dma_semaphore, #tpu.memory_space<semaphore_mem>>)
      %dma_wait3A_67 = arith.constant 0 : i32
      %dma_wait3A_68 = tpu.memref_slice %arg5[%arg0, %mul3A_2, %dma_wait3A_67] : memref<2x10000x64xf32, #tpu.memory_space<hbm>> -> memref<1x624x64xf32, #tpu.memory_space<hbm>>
      %dma_wait3A_69 = tpu.memref_squeeze %dma_wait3A_68 : memref<1x624x64xf32, #tpu.memory_space<hbm>> -> memref<624x64xf32, #tpu.memory_space<hbm>>
      %dma_wait3A_70 = arith.constant 0 : i32
      %dma_wait3A_71 = tpu.memref_slice %arg20[%mul3A_2, %dma_wait3A_70] : memref<10000x64xf32, #tpu.memory_space<vmem_shared>> -> memref<624x64xf32, #tpu.memory_space<vmem_shared>>
      tpu.wait_dma2 semaphore(%run_scoped3A_61 : memref<!tpu.dma_semaphore, #tpu.memory_space<semaphore_mem>>) src(%dma_wait3A_71 : memref<624x64xf32, #tpu.memory_space<vmem_shared>>) dst(%dma_wait3A_69 : memref<624x64xf32, #tpu.memory_space<hbm>>)
      tpu.yield
    }) : () -> ()
    %eq3A_56 = arith.constant 15 : i32
    %eq3A_57 = arith.cmpi eq, %arg1, %eq3A_56 : i32
    %convert_element_type3A_58 = arith.extui %eq3A_57 : i1 to i32
    %cond3A_59 = arith.constant 0 : i32
    %cond3A_60 = arith.cmpi ne, %convert_element_type3A_58, %cond3A_59 : i32
    scf.if %cond3A_60 {
      "tpu.region"() ({
        %run_scoped3A_61 = tpu.sem_alloc : memref<!tpu.dma_semaphore, #tpu.memory_space<semaphore_mem>>
        %dma_start3A_62 = arith.constant 9984 : i32
        %dma_start3A_63 = arith.constant 0 : i32
        %dma_start3A_64 = tpu.memref_slice %arg5[%arg0, %dma_start3A_62, %dma_start3A_63] : memref<2x10000x64xf32, #tpu.memory_space<hbm>> -> memref<1x16x64xf32, #tpu.memory_space<hbm>>
        %dma_start3A_65 = tpu.memref_squeeze %dma_start3A_64 : memref<1x16x64xf32, #tpu.memory_space<hbm>> -> memref<16x64xf32, #tpu.memory_space<hbm>>
        %dma_start3A_66 = arith.constant 9984 : i32
        %dma_start3A_67 = arith.constant 0 : i32
        %dma_start3A_68 = tpu.memref_slice %arg20[%dma_start3A_66, %dma_start3A_67] : memref<10000x64xf32, #tpu.memory_space<vmem_shared>> -> memref<16x64xf32, #tpu.memory_space<vmem_shared>>
        tpu.enqueue_dma source(%dma_start3A_68 : memref<16x64xf32, #tpu.memory_space<vmem_shared>>) target(%dma_start3A_65 : memref<16x64xf32, #tpu.memory_space<hbm>>) target_semaphore(%run_scoped3A_61 : memref<!tpu.dma_semaphore, #tpu.memory_space<semaphore_mem>>)
        %dma_wait3A_69 = arith.constant 9984 : i32
        %dma_wait3A_70 = arith.constant 0 : i32
        %dma_wait3A_71 = tpu.memref_slice %arg5[%arg0, %dma_wait3A_69, %dma_wait3A_70] : memref<2x10000x64xf32, #tpu.memory_space<hbm>> -> memref<1x16x64xf32, #tpu.memory_space<hbm>>
        %dma_wait3A_72 = tpu.memref_squeeze %dma_wait3A_71 : memref<1x16x64xf32, #tpu.memory_space<hbm>> -> memref<16x64xf32, #tpu.memory_space<hbm>>
        %dma_wait3A_73 = arith.constant 9984 : i32
        %dma_wait3A_74 = arith.constant 0 : i32
        %dma_wait3A_75 = tpu.memref_slice %arg20[%dma_wait3A_73, %dma_wait3A_74] : memref<10000x64xf32, #tpu.memory_space<vmem_shared>> -> memref<16x64xf32, #tpu.memory_space<vmem_shared>>
        tpu.wait_dma2 semaphore(%run_scoped3A_61 : memref<!tpu.dma_semaphore, #tpu.memory_space<semaphore_mem>>) src(%dma_wait3A_75 : memref<16x64xf32, #tpu.memory_space<vmem_shared>>) dst(%dma_wait3A_72 : memref<16x64xf32, #tpu.memory_space<hbm>>)
        tpu.yield
      }) : () -> ()
    } else {
    }
    return
  }
}

module attributes {stable_mosaic.version = 14 : i64} {
  func.func @body(%arg0: i32, %arg1: memref<2000x128xf32, #tpu.memory_space<vmem>>, %arg2: memref<128x64xf32, #tpu.memory_space<vmem>>, %arg3: memref<2000x64xf32, #tpu.memory_space<vmem>>) attributes {dimension_semantics = [#tpu.dimension_semantics<arbitrary>], iteration_bounds = array<i64: 5>, scalar_prefetch = 0 : i64, scratch_operands = 0 : i64, tpu.core_type = #tpu.core_type<tc>, window_params = [{transform_indices = @transform_0, window_bounds = array<i64: 2000, 128>}, {pipeline_mode = #tpu.pipeline_mode<synchronous>, transform_indices = @transform_1, window_bounds = array<i64: 128, 64>}, {transform_indices = @transform_2, window_bounds = array<i64: 2000, 64>}]} {
    %get3A = arith.constant 0 : index
    %get3A_0 = arith.constant 0 : index
    %get3A_1 = vector.load %arg1[%get3A, %get3A_0] : memref<2000x128xf32, #tpu.memory_space<vmem>>, vector<2000x128xf32>
    %get3A_2 = arith.constant 0 : index
    %get3A_3 = arith.constant 0 : index
    %get3A_4 = vector.load %arg2[%get3A_2, %get3A_3] : memref<128x64xf32, #tpu.memory_space<vmem>>, vector<128x64xf32>
    %dot_general3A = arith.constant dense<0.000000e+00> : vector<2000x64xf32>
    %dot_general3A_5 = tpu.matmul %get3A_1, %get3A_4, %dot_general3A {dimension_numbers = #tpu.dot_dimension_numbers<[1], [0], [0], [1], [0, 0, 1, 1], [], []>, transpose_lhs_hint = false} : vector<2000x128xf32>, vector<128x64xf32>, vector<2000x64xf32> -> vector<2000x64xf32>
    %swap3A = arith.constant 0 : index
    %swap3A_6 = arith.constant 0 : index
    %swap3A_7 = vector.load %arg3[%swap3A, %swap3A_6] : memref<2000x64xf32, #tpu.memory_space<vmem>>, vector<2000x64xf32>
    tpu.vector_store %arg3[%swap3A, %swap3A_6], %dot_general3A_5 {strides = array<i32>} : memref<2000x64xf32, #tpu.memory_space<vmem>>, vector<2000x64xf32>,
    return
  }
  func.func @transform_0(%arg0: i32) -> (i32, i32) {
    %c0_i32 = arith.constant 0 : i32
    %c0_i32_0 = arith.constant 0 : i32
    return %arg0, %c0_i32 : i32, i32
  }
  func.func @transform_1(%arg0: i32) -> (i32, i32) {
    %c0_i32 = arith.constant 0 : i32
    %c0_i32_0 = arith.constant 0 : i32
    %c0_i32_1 = arith.constant 0 : i32
    return %c0_i32, %c0_i32_0 : i32, i32
  }
  func.func @transform_2(%arg0: i32) -> (i32, i32) {
    %c0_i32 = arith.constant 0 : i32
    %c0_i32_0 = arith.constant 0 : i32
    return %arg0, %c0_i32 : i32, i32
  }
}

module attributes {stable_mosaic.version = 14 : i64} {
  func.func @body(%arg0: i32, %arg1: memref<2x2000x8xf32, #tpu.memory_space<vmem>>, %arg2: memref<2000x64xf32, #tpu.memory_space<vmem>>, %arg3: memref<2000x1xf32, #tpu.memory_space<vmem>>, %arg4: memref<2000x64xf32, #tpu.memory_space<vmem>>) attributes {dimension_semantics = [#tpu.dimension_semantics<arbitrary>], iteration_bounds = array<i64: 5>, scalar_prefetch = 0 : i64, scratch_operands = 0 : i64, tpu.core_type = #tpu.core_type<tc>, window_params = [{transform_indices = @transform_0, window_bounds = array<i64: 2, 2000, 8>}, {transform_indices = @transform_1, window_bounds = array<i64: 2000, 64>}, {transform_indices = @transform_2, window_bounds = array<i64: 2000, 1>}, {transform_indices = @transform_3, window_bounds = array<i64: 2000, 64>}]} {
    %get3A = arith.constant 0 : index
    %get3A_0 = arith.constant 0 : index
    %get3A_1 = arith.constant 0 : index
    %get3A_2 = vector.load %arg1[%get3A, %get3A_0, %get3A_1] : memref<2x2000x8xf32, #tpu.memory_space<vmem>>, vector<1x2000x1xf32>
    %get3A_3 = vector.shape_cast %get3A_2 : vector<1x2000x1xf32> to vector<2000x1xf32>
    %get3A_4 = arith.constant 1 : index
    %get3A_5 = arith.constant 0 : index
    %get3A_6 = arith.constant 0 : index
    %get3A_7 = vector.load %arg1[%get3A_4, %get3A_5, %get3A_6] : memref<2x2000x8xf32, #tpu.memory_space<vmem>>, vector<1x2000x1xf32>
    %get3A_8 = vector.shape_cast %get3A_7 : vector<1x2000x1xf32> to vector<2000x1xf32>
    %add3A = arith.addf %get3A_3, %get3A_8 : vector<2000x1xf32>
    %add3A_9 = arith.constant 1.000000e+00 : f32
    %add3A_10 = vector.broadcast %add3A_9 : f32 to vector<2000x1xf32>
    %add3A_11 = arith.addf %add3A, %add3A_10 : vector<2000x1xf32>
    %rsqrt3A = math.rsqrt %add3A_11 : vector<2000x1xf32>
    %swap3A = arith.constant 0 : index
    %swap3A_12 = arith.constant 0 : index
    %swap3A_13 = vector.load %arg3[%swap3A, %swap3A_12] : memref<2000x1xf32, #tpu.memory_space<vmem>>, vector<2000x1xf32>
    tpu.vector_store %arg3[%swap3A, %swap3A_12], %rsqrt3A {strides = array<i32>} : memref<2000x1xf32, #tpu.memory_space<vmem>>, vector<2000x1xf32>,
    %get3A_14 = arith.constant 0 : index
    %get3A_15 = arith.constant 0 : index
    %get3A_16 = vector.load %arg2[%get3A_14, %get3A_15] : memref<2000x64xf32, #tpu.memory_space<vmem>>, vector<2000x64xf32>
    %mul3A = vector.broadcast %rsqrt3A : vector<2000x1xf32> to vector<2000x64xf32>
    %mul3A_17 = arith.mulf %mul3A, %get3A_16 : vector<2000x64xf32>
    %swap3A_18 = arith.constant 0 : index
    %swap3A_19 = arith.constant 0 : index
    %swap3A_20 = vector.load %arg4[%swap3A_18, %swap3A_19] : memref<2000x64xf32, #tpu.memory_space<vmem>>, vector<2000x64xf32>
    tpu.vector_store %arg4[%swap3A_18, %swap3A_19], %mul3A_17 {strides = array<i32>} : memref<2000x64xf32, #tpu.memory_space<vmem>>, vector<2000x64xf32>,
    return
  }
  func.func @transform_0(%arg0: i32) -> (i32, i32, i32) {
    %c0_i32 = arith.constant 0 : i32
    %c0_i32_0 = arith.constant 0 : i32
    %c0_i32_1 = arith.constant 0 : i32
    return %c0_i32, %arg0, %c0_i32_0 : i32, i32, i32
  }
  func.func @transform_1(%arg0: i32) -> (i32, i32) {
    %c0_i32 = arith.constant 0 : i32
    %c0_i32_0 = arith.constant 0 : i32
    return %arg0, %c0_i32 : i32, i32
  }
  func.func @transform_2(%arg0: i32) -> (i32, i32) {
    %c0_i32 = arith.constant 0 : i32
    %c0_i32_0 = arith.constant 0 : i32
    return %arg0, %c0_i32 : i32, i32
  }
  func.func @transform_3(%arg0: i32) -> (i32, i32) {
    %c0_i32 = arith.constant 0 : i32
    %c0_i32_0 = arith.constant 0 : i32
    return %arg0, %c0_i32 : i32, i32
  }
}

module attributes {stable_mosaic.version = 14 : i64} {
  func.func @body(%arg0: i32, %arg1: memref<2x2000x64xf32, #tpu.memory_space<vmem>>, %arg2: memref<2000x64xf32, #tpu.memory_space<vmem>>, %arg3: memref<2000x1xf32, #tpu.memory_space<vmem>>, %arg4: memref<64xf32, #tpu.memory_space<vmem>>, %arg5: memref<64x32xf32, #tpu.memory_space<vmem>>, %arg6: memref<2000x32xf32, #tpu.memory_space<vmem>>, %arg7: memref<2000x32xf32, #tpu.memory_space<vmem>>) attributes {dimension_semantics = [#tpu.dimension_semantics<arbitrary>], iteration_bounds = array<i64: 5>, scalar_prefetch = 0 : i64, scratch_operands = 0 : i64, tpu.core_type = #tpu.core_type<tc>, window_params = [{transform_indices = @transform_0, window_bounds = array<i64: 2, 2000, 64>}, {transform_indices = @transform_1, window_bounds = array<i64: 2000, 64>}, {transform_indices = @transform_2, window_bounds = array<i64: 2000, 1>}, {pipeline_mode = #tpu.pipeline_mode<synchronous>, transform_indices = @transform_3, window_bounds = array<i64: 64>}, {pipeline_mode = #tpu.pipeline_mode<synchronous>, transform_indices = @transform_4, window_bounds = array<i64: 64, 32>}, {transform_indices = @transform_5, window_bounds = array<i64: 2000, 32>}, {transform_indices = @transform_6, window_bounds = array<i64: 2000, 32>}]} {
    %get3A = arith.constant 0 : index
    %get3A_0 = arith.constant 0 : index
    %get3A_1 = vector.load %arg3[%get3A, %get3A_0] : memref<2000x1xf32, #tpu.memory_space<vmem>>, vector<2000x1xf32>
    %get3A_2 = arith.constant 0 : index
    %get3A_3 = arith.constant 0 : index
    %get3A_4 = arith.constant 0 : index
    %get3A_5 = vector.load %arg1[%get3A_2, %get3A_3, %get3A_4] : memref<2x2000x64xf32, #tpu.memory_space<vmem>>, vector<1x2000x64xf32>
    %get3A_6 = vector.shape_cast %get3A_5 : vector<1x2000x64xf32> to vector<2000x64xf32>
    %get3A_7 = arith.constant 1 : index
    %get3A_8 = arith.constant 0 : index
    %get3A_9 = arith.constant 0 : index
    %get3A_10 = vector.load %arg1[%get3A_7, %get3A_8, %get3A_9] : memref<2x2000x64xf32, #tpu.memory_space<vmem>>, vector<1x2000x64xf32>
    %get3A_11 = vector.shape_cast %get3A_10 : vector<1x2000x64xf32> to vector<2000x64xf32>
    %add3A = arith.addf %get3A_6, %get3A_11 : vector<2000x64xf32>
    %mul3A = vector.broadcast %get3A_1 : vector<2000x1xf32> to vector<2000x64xf32>
    %mul3A_12 = arith.mulf %mul3A, %add3A : vector<2000x64xf32>
    %mul3A_13 = arith.mulf %get3A_1, %get3A_1 : vector<2000x1xf32>
    %get3A_14 = arith.constant 0 : index
    %get3A_15 = arith.constant 0 : index
    %get3A_16 = vector.load %arg2[%get3A_14, %get3A_15] : memref<2000x64xf32, #tpu.memory_space<vmem>>, vector<2000x64xf32>
    %mul3A_17 = vector.broadcast %mul3A_13 : vector<2000x1xf32> to vector<2000x64xf32>
    %mul3A_18 = arith.mulf %mul3A_17, %get3A_16 : vector<2000x64xf32>
    %add3A_19 = arith.addf %mul3A_12, %mul3A_18 : vector<2000x64xf32>
    %get3A_20 = arith.constant 0 : index
    %get3A_21 = vector.load %arg4[%get3A_20] : memref<64xf32, #tpu.memory_space<vmem>>, vector<64xf32>
    %broadcast_in_dim3A = vector.shape_cast %get3A_21 : vector<64xf32> to vector<1x64xf32>
    %add3A_22 = vector.broadcast %broadcast_in_dim3A : vector<1x64xf32> to vector<2000x64xf32>
    %add3A_23 = arith.addf %add3A_19, %add3A_22 : vector<2000x64xf32>
    %max3A = arith.constant 0.000000e+00 : f32
    %max3A_24 = vector.broadcast %max3A : f32 to vector<2000x64xf32>
    %max3A_25 = arith.maximumf %add3A_23, %max3A_24 : vector<2000x64xf32>
    %get3A_26 = arith.constant 0 : index
    %get3A_27 = arith.constant 0 : index
    %get3A_28 = vector.load %arg5[%get3A_26, %get3A_27] : memref<64x32xf32, #tpu.memory_space<vmem>>, vector<64x32xf32>
    %dot_general3A = arith.constant dense<0.000000e+00> : vector<2000x32xf32>
    %dot_general3A_29 = tpu.matmul %max3A_25, %get3A_28, %dot_general3A {dimension_numbers = #tpu.dot_dimension_numbers<[1], [0], [0], [1], [0, 0, 1, 1], [], []>, transpose_lhs_hint = false} : vector<2000x64xf32>, vector<64x32xf32>, vector<2000x32xf32> -> vector<2000x32xf32>
    %swap3A = arith.constant 0 : index
    %swap3A_30 = arith.constant 0 : index
    %swap3A_31 = vector.load %arg6[%swap3A, %swap3A_30] : memref<2000x32xf32, #tpu.memory_space<vmem>>, vector<2000x32xf32>
    tpu.vector_store %arg6[%swap3A, %swap3A_30], %dot_general3A_29 {strides = array<i32>} : memref<2000x32xf32, #tpu.memory_space<vmem>>, vector<2000x32xf32>,
    %mul3A_32 = vector.broadcast %get3A_1 : vector<2000x1xf32> to vector<2000x32xf32>
    %mul3A_33 = arith.mulf %mul3A_32, %dot_general3A_29 : vector<2000x32xf32>
    %swap3A_34 = arith.constant 0 : index
    %swap3A_35 = arith.constant 0 : index
    %swap3A_36 = vector.load %arg7[%swap3A_34, %swap3A_35] : memref<2000x32xf32, #tpu.memory_space<vmem>>, vector<2000x32xf32>
    tpu.vector_store %arg7[%swap3A_34, %swap3A_35], %mul3A_33 {strides = array<i32>} : memref<2000x32xf32, #tpu.memory_space<vmem>>, vector<2000x32xf32>,
    return
  }
  func.func @transform_0(%arg0: i32) -> (i32, i32, i32) {
    %c0_i32 = arith.constant 0 : i32
    %c0_i32_0 = arith.constant 0 : i32
    %c0_i32_1 = arith.constant 0 : i32
    return %c0_i32, %arg0, %c0_i32_0 : i32, i32, i32
  }
  func.func @transform_1(%arg0: i32) -> (i32, i32) {
    %c0_i32 = arith.constant 0 : i32
    %c0_i32_0 = arith.constant 0 : i32
    return %arg0, %c0_i32 : i32, i32
  }
  func.func @transform_2(%arg0: i32) -> (i32, i32) {
    %c0_i32 = arith.constant 0 : i32
    %c0_i32_0 = arith.constant 0 : i32
    return %arg0, %c0_i32 : i32, i32
  }
  func.func @transform_3(%arg0: i32) -> i32 {
    %c0_i32 = arith.constant 0 : i32
    %c0_i32_0 = arith.constant 0 : i32
    return %c0_i32 : i32
  }
  func.func @transform_4(%arg0: i32) -> (i32, i32) {
    %c0_i32 = arith.constant 0 : i32
    %c0_i32_0 = arith.constant 0 : i32
    %c0_i32_1 = arith.constant 0 : i32
    return %c0_i32, %c0_i32_0 : i32, i32
  }
  func.func @transform_5(%arg0: i32) -> (i32, i32) {
    %c0_i32 = arith.constant 0 : i32
    %c0_i32_0 = arith.constant 0 : i32
    return %arg0, %c0_i32 : i32, i32
  }
  func.func @transform_6(%arg0: i32) -> (i32, i32) {
    %c0_i32 = arith.constant 0 : i32
    %c0_i32_0 = arith.constant 0 : i32
    return %arg0, %c0_i32 : i32, i32
  }
}

module attributes {stable_mosaic.version = 14 : i64} {
  func.func @body(%arg0: i32, %arg1: memref<2x2000x32xf32, #tpu.memory_space<vmem>>, %arg2: memref<2000x32xf32, #tpu.memory_space<vmem>>, %arg3: memref<2000x1xf32, #tpu.memory_space<vmem>>, %arg4: memref<32xf32, #tpu.memory_space<vmem>>, %arg5: memref<2000x32xf32, #tpu.memory_space<vmem>>, %arg6: memref<2000x32xf32, #tpu.memory_space<vmem>>) attributes {dimension_semantics = [#tpu.dimension_semantics<arbitrary>], iteration_bounds = array<i64: 5>, scalar_prefetch = 0 : i64, scratch_operands = 0 : i64, tpu.core_type = #tpu.core_type<tc>, window_params = [{transform_indices = @transform_0, window_bounds = array<i64: 2, 2000, 32>}, {transform_indices = @transform_1, window_bounds = array<i64: 2000, 32>}, {transform_indices = @transform_2, window_bounds = array<i64: 2000, 1>}, {pipeline_mode = #tpu.pipeline_mode<synchronous>, transform_indices = @transform_3, window_bounds = array<i64: 32>}, {transform_indices = @transform_4, window_bounds = array<i64: 2000, 32>}, {transform_indices = @transform_5, window_bounds = array<i64: 2000, 32>}]} {
    %get3A = arith.constant 0 : index
    %get3A_0 = arith.constant 0 : index
    %get3A_1 = vector.load %arg3[%get3A, %get3A_0] : memref<2000x1xf32, #tpu.memory_space<vmem>>, vector<2000x1xf32>
    %get3A_2 = arith.constant 0 : index
    %get3A_3 = arith.constant 0 : index
    %get3A_4 = arith.constant 0 : index
    %get3A_5 = vector.load %arg1[%get3A_2, %get3A_3, %get3A_4] : memref<2x2000x32xf32, #tpu.memory_space<vmem>>, vector<1x2000x32xf32>
    %get3A_6 = vector.shape_cast %get3A_5 : vector<1x2000x32xf32> to vector<2000x32xf32>
    %get3A_7 = arith.constant 1 : index
    %get3A_8 = arith.constant 0 : index
    %get3A_9 = arith.constant 0 : index
    %get3A_10 = vector.load %arg1[%get3A_7, %get3A_8, %get3A_9] : memref<2x2000x32xf32, #tpu.memory_space<vmem>>, vector<1x2000x32xf32>
    %get3A_11 = vector.shape_cast %get3A_10 : vector<1x2000x32xf32> to vector<2000x32xf32>
    %add3A = arith.addf %get3A_6, %get3A_11 : vector<2000x32xf32>
    %mul3A = vector.broadcast %get3A_1 : vector<2000x1xf32> to vector<2000x32xf32>
    %mul3A_12 = arith.mulf %mul3A, %add3A : vector<2000x32xf32>
    %mul3A_13 = arith.mulf %get3A_1, %get3A_1 : vector<2000x1xf32>
    %get3A_14 = arith.constant 0 : index
    %get3A_15 = arith.constant 0 : index
    %get3A_16 = vector.load %arg2[%get3A_14, %get3A_15] : memref<2000x32xf32, #tpu.memory_space<vmem>>, vector<2000x32xf32>
    %mul3A_17 = vector.broadcast %mul3A_13 : vector<2000x1xf32> to vector<2000x32xf32>
    %mul3A_18 = arith.mulf %mul3A_17, %get3A_16 : vector<2000x32xf32>
    %add3A_19 = arith.addf %mul3A_12, %mul3A_18 : vector<2000x32xf32>
    %get3A_20 = arith.constant 0 : index
    %get3A_21 = vector.load %arg4[%get3A_20] : memref<32xf32, #tpu.memory_space<vmem>>, vector<32xf32>
    %broadcast_in_dim3A = vector.shape_cast %get3A_21 : vector<32xf32> to vector<1x32xf32>
    %add3A_22 = vector.broadcast %broadcast_in_dim3A : vector<1x32xf32> to vector<2000x32xf32>
    %add3A_23 = arith.addf %add3A_19, %add3A_22 : vector<2000x32xf32>
    %max3A = arith.constant 0.000000e+00 : f32
    %max3A_24 = vector.broadcast %max3A : f32 to vector<2000x32xf32>
    %max3A_25 = arith.maximumf %add3A_23, %max3A_24 : vector<2000x32xf32>
    %swap3A = arith.constant 0 : index
    %swap3A_26 = arith.constant 0 : index
    %swap3A_27 = vector.load %arg5[%swap3A, %swap3A_26] : memref<2000x32xf32, #tpu.memory_space<vmem>>, vector<2000x32xf32>
    tpu.vector_store %arg5[%swap3A, %swap3A_26], %max3A_25 {strides = array<i32>} : memref<2000x32xf32, #tpu.memory_space<vmem>>, vector<2000x32xf32>,
    %mul3A_28 = vector.broadcast %get3A_1 : vector<2000x1xf32> to vector<2000x32xf32>
    %mul3A_29 = arith.mulf %mul3A_28, %max3A_25 : vector<2000x32xf32>
    %swap3A_30 = arith.constant 0 : index
    %swap3A_31 = arith.constant 0 : index
    %swap3A_32 = vector.load %arg6[%swap3A_30, %swap3A_31] : memref<2000x32xf32, #tpu.memory_space<vmem>>, vector<2000x32xf32>
    tpu.vector_store %arg6[%swap3A_30, %swap3A_31], %mul3A_29 {strides = array<i32>} : memref<2000x32xf32, #tpu.memory_space<vmem>>, vector<2000x32xf32>,
    return
  }
  func.func @transform_0(%arg0: i32) -> (i32, i32, i32) {
    %c0_i32 = arith.constant 0 : i32
    %c0_i32_0 = arith.constant 0 : i32
    %c0_i32_1 = arith.constant 0 : i32
    return %c0_i32, %arg0, %c0_i32_0 : i32, i32, i32
  }
  func.func @transform_1(%arg0: i32) -> (i32, i32) {
    %c0_i32 = arith.constant 0 : i32
    %c0_i32_0 = arith.constant 0 : i32
    return %arg0, %c0_i32 : i32, i32
  }
  func.func @transform_2(%arg0: i32) -> (i32, i32) {
    %c0_i32 = arith.constant 0 : i32
    %c0_i32_0 = arith.constant 0 : i32
    return %arg0, %c0_i32 : i32, i32
  }
  func.func @transform_3(%arg0: i32) -> i32 {
    %c0_i32 = arith.constant 0 : i32
    %c0_i32_0 = arith.constant 0 : i32
    return %c0_i32 : i32
  }
  func.func @transform_4(%arg0: i32) -> (i32, i32) {
    %c0_i32 = arith.constant 0 : i32
    %c0_i32_0 = arith.constant 0 : i32
    return %arg0, %c0_i32 : i32, i32
  }
  func.func @transform_5(%arg0: i32) -> (i32, i32) {
    %c0_i32 = arith.constant 0 : i32
    %c0_i32_0 = arith.constant 0 : i32
    return %arg0, %c0_i32 : i32, i32
  }
}

module attributes {stable_mosaic.version = 14 : i64} {
  func.func @body(%arg0: i32, %arg1: memref<2x2000x32xf32, #tpu.memory_space<vmem>>, %arg2: memref<2000x32xf32, #tpu.memory_space<vmem>>, %arg3: memref<2000x1xf32, #tpu.memory_space<vmem>>, %arg4: memref<32x64xf32, #tpu.memory_space<vmem>>, %arg5: memref<64xf32, #tpu.memory_space<vmem>>, %arg6: memref<32x64xf32, #tpu.memory_space<vmem>>, %arg7: memref<64xf32, #tpu.memory_space<vmem>>, %arg8: memref<2000x64xf32, #tpu.memory_space<vmem>>, %arg9: memref<2000x64xf32, #tpu.memory_space<vmem>>, %arg10: memref<2000x64xf32, #tpu.memory_space<vmem>>) attributes {dimension_semantics = [#tpu.dimension_semantics<arbitrary>], iteration_bounds = array<i64: 5>, scalar_prefetch = 0 : i64, scratch_operands = 0 : i64, tpu.core_type = #tpu.core_type<tc>, window_params = [{transform_indices = @transform_0, window_bounds = array<i64: 2, 2000, 32>}, {transform_indices = @transform_1, window_bounds = array<i64: 2000, 32>}, {transform_indices = @transform_2, window_bounds = array<i64: 2000, 1>}, {pipeline_mode = #tpu.pipeline_mode<synchronous>, transform_indices = @transform_3, window_bounds = array<i64: 32, 64>}, {pipeline_mode = #tpu.pipeline_mode<synchronous>, transform_indices = @transform_4, window_bounds = array<i64: 64>}, {pipeline_mode = #tpu.pipeline_mode<synchronous>, transform_indices = @transform_5, window_bounds = array<i64: 32, 64>}, {pipeline_mode = #tpu.pipeline_mode<synchronous>, transform_indices = @transform_6, window_bounds = array<i64: 64>}, {transform_indices = @transform_7, window_bounds = array<i64: 2000, 64>}, {transform_indices = @transform_8, window_bounds = array<i64: 2000, 64>}, {transform_indices = @transform_9, window_bounds = array<i64: 2000, 64>}]} {
    %get3A = arith.constant 0 : index
    %get3A_0 = arith.constant 0 : index
    %get3A_1 = vector.load %arg3[%get3A, %get3A_0] : memref<2000x1xf32, #tpu.memory_space<vmem>>, vector<2000x1xf32>
    %get3A_2 = arith.constant 0 : index
    %get3A_3 = arith.constant 0 : index
    %get3A_4 = arith.constant 0 : index
    %get3A_5 = vector.load %arg1[%get3A_2, %get3A_3, %get3A_4] : memref<2x2000x32xf32, #tpu.memory_space<vmem>>, vector<1x2000x32xf32>
    %get3A_6 = vector.shape_cast %get3A_5 : vector<1x2000x32xf32> to vector<2000x32xf32>
    %get3A_7 = arith.constant 1 : index
    %get3A_8 = arith.constant 0 : index
    %get3A_9 = arith.constant 0 : index
    %get3A_10 = vector.load %arg1[%get3A_7, %get3A_8, %get3A_9] : memref<2x2000x32xf32, #tpu.memory_space<vmem>>, vector<1x2000x32xf32>
    %get3A_11 = vector.shape_cast %get3A_10 : vector<1x2000x32xf32> to vector<2000x32xf32>
    %add3A = arith.addf %get3A_6, %get3A_11 : vector<2000x32xf32>
    %mul3A = vector.broadcast %get3A_1 : vector<2000x1xf32> to vector<2000x32xf32>
    %mul3A_12 = arith.mulf %mul3A, %add3A : vector<2000x32xf32>
    %mul3A_13 = arith.mulf %get3A_1, %get3A_1 : vector<2000x1xf32>
    %get3A_14 = arith.constant 0 : index
    %get3A_15 = arith.constant 0 : index
    %get3A_16 = vector.load %arg2[%get3A_14, %get3A_15] : memref<2000x32xf32, #tpu.memory_space<vmem>>, vector<2000x32xf32>
    %mul3A_17 = vector.broadcast %mul3A_13 : vector<2000x1xf32> to vector<2000x32xf32>
    %mul3A_18 = arith.mulf %mul3A_17, %get3A_16 : vector<2000x32xf32>
    %add3A_19 = arith.addf %mul3A_12, %mul3A_18 : vector<2000x32xf32>
    %get3A_20 = arith.constant 0 : index
    %get3A_21 = arith.constant 0 : index
    %get3A_22 = vector.load %arg4[%get3A_20, %get3A_21] : memref<32x64xf32, #tpu.memory_space<vmem>>, vector<32x64xf32>
    %dot_general3A = arith.constant dense<0.000000e+00> : vector<2000x64xf32>
    %dot_general3A_23 = tpu.matmul %add3A_19, %get3A_22, %dot_general3A {dimension_numbers = #tpu.dot_dimension_numbers<[1], [0], [0], [1], [0, 0, 1, 1], [], []>, transpose_lhs_hint = false} : vector<2000x32xf32>, vector<32x64xf32>, vector<2000x64xf32> -> vector<2000x64xf32>
    %get3A_24 = arith.constant 0 : index
    %get3A_25 = vector.load %arg5[%get3A_24] : memref<64xf32, #tpu.memory_space<vmem>>, vector<64xf32>
    %broadcast_in_dim3A = vector.shape_cast %get3A_25 : vector<64xf32> to vector<1x64xf32>
    %add3A_26 = vector.broadcast %broadcast_in_dim3A : vector<1x64xf32> to vector<2000x64xf32>
    %add3A_27 = arith.addf %dot_general3A_23, %add3A_26 : vector<2000x64xf32>
    %max3A = arith.constant 0.000000e+00 : f32
    %max3A_28 = vector.broadcast %max3A : f32 to vector<2000x64xf32>
    %max3A_29 = arith.maximumf %add3A_27, %max3A_28 : vector<2000x64xf32>
    %swap3A = arith.constant 0 : index
    %swap3A_30 = arith.constant 0 : index
    %swap3A_31 = vector.load %arg8[%swap3A, %swap3A_30] : memref<2000x64xf32, #tpu.memory_space<vmem>>, vector<2000x64xf32>
    tpu.vector_store %arg8[%swap3A, %swap3A_30], %max3A_29 {strides = array<i32>} : memref<2000x64xf32, #tpu.memory_space<vmem>>, vector<2000x64xf32>,
    %mul3A_32 = vector.broadcast %get3A_1 : vector<2000x1xf32> to vector<2000x64xf32>
    %mul3A_33 = arith.mulf %mul3A_32, %max3A_29 : vector<2000x64xf32>
    %swap3A_34 = arith.constant 0 : index
    %swap3A_35 = arith.constant 0 : index
    %swap3A_36 = vector.load %arg9[%swap3A_34, %swap3A_35] : memref<2000x64xf32, #tpu.memory_space<vmem>>, vector<2000x64xf32>
    tpu.vector_store %arg9[%swap3A_34, %swap3A_35], %mul3A_33 {strides = array<i32>} : memref<2000x64xf32, #tpu.memory_space<vmem>>, vector<2000x64xf32>,
    %get3A_37 = arith.constant 0 : index
    %get3A_38 = arith.constant 0 : index
    %get3A_39 = vector.load %arg6[%get3A_37, %get3A_38] : memref<32x64xf32, #tpu.memory_space<vmem>>, vector<32x64xf32>
    %dot_general3A_40 = arith.constant dense<0.000000e+00> : vector<2000x64xf32>
    %dot_general3A_41 = tpu.matmul %add3A_19, %get3A_39, %dot_general3A_40 {dimension_numbers = #tpu.dot_dimension_numbers<[1], [0], [0], [1], [0, 0, 1, 1], [], []>, transpose_lhs_hint = false} : vector<2000x32xf32>, vector<32x64xf32>, vector<2000x64xf32> -> vector<2000x64xf32>
    %get3A_42 = arith.constant 0 : index
    %get3A_43 = vector.load %arg7[%get3A_42] : memref<64xf32, #tpu.memory_space<vmem>>, vector<64xf32>
    %broadcast_in_dim3A_44 = vector.shape_cast %get3A_43 : vector<64xf32> to vector<1x64xf32>
    %add3A_45 = vector.broadcast %broadcast_in_dim3A_44 : vector<1x64xf32> to vector<2000x64xf32>
    %add3A_46 = arith.addf %dot_general3A_41, %add3A_45 : vector<2000x64xf32>
    %max3A_47 = arith.constant 0.000000e+00 : f32
    %max3A_48 = vector.broadcast %max3A_47 : f32 to vector<2000x64xf32>
    %max3A_49 = arith.maximumf %add3A_46, %max3A_48 : vector<2000x64xf32>
    %swap3A_50 = arith.constant 0 : index
    %swap3A_51 = arith.constant 0 : index
    %swap3A_52 = vector.load %arg10[%swap3A_50, %swap3A_51] : memref<2000x64xf32, #tpu.memory_space<vmem>>, vector<2000x64xf32>
    tpu.vector_store %arg10[%swap3A_50, %swap3A_51], %max3A_49 {strides = array<i32>} : memref<2000x64xf32, #tpu.memory_space<vmem>>, vector<2000x64xf32>,
    return
  }
  func.func @transform_0(%arg0: i32) -> (i32, i32, i32) {
    %c0_i32 = arith.constant 0 : i32
    %c0_i32_0 = arith.constant 0 : i32
    %c0_i32_1 = arith.constant 0 : i32
    return %c0_i32, %arg0, %c0_i32_0 : i32, i32, i32
  }
  func.func @transform_1(%arg0: i32) -> (i32, i32) {
    %c0_i32 = arith.constant 0 : i32
    %c0_i32_0 = arith.constant 0 : i32
    return %arg0, %c0_i32 : i32, i32
  }
  func.func @transform_2(%arg0: i32) -> (i32, i32) {
    %c0_i32 = arith.constant 0 : i32
    %c0_i32_0 = arith.constant 0 : i32
    return %arg0, %c0_i32 : i32, i32
  }
  func.func @transform_3(%arg0: i32) -> (i32, i32) {
    %c0_i32 = arith.constant 0 : i32
    %c0_i32_0 = arith.constant 0 : i32
    %c0_i32_1 = arith.constant 0 : i32
    return %c0_i32, %c0_i32_0 : i32, i32
  }
  func.func @transform_4(%arg0: i32) -> i32 {
    %c0_i32 = arith.constant 0 : i32
    %c0_i32_0 = arith.constant 0 : i32
    return %c0_i32 : i32
  }
  func.func @transform_5(%arg0: i32) -> (i32, i32) {
    %c0_i32 = arith.constant 0 : i32
    %c0_i32_0 = arith.constant 0 : i32
    %c0_i32_1 = arith.constant 0 : i32
    return %c0_i32, %c0_i32_0 : i32, i32
  }
  func.func @transform_6(%arg0: i32) -> i32 {
    %c0_i32 = arith.constant 0 : i32
    %c0_i32_0 = arith.constant 0 : i32
    return %c0_i32 : i32
  }
  func.func @transform_7(%arg0: i32) -> (i32, i32) {
    %c0_i32 = arith.constant 0 : i32
    %c0_i32_0 = arith.constant 0 : i32
    return %arg0, %c0_i32 : i32, i32
  }
  func.func @transform_8(%arg0: i32) -> (i32, i32) {
    %c0_i32 = arith.constant 0 : i32
    %c0_i32_0 = arith.constant 0 : i32
    return %arg0, %c0_i32 : i32, i32
  }
  func.func @transform_9(%arg0: i32) -> (i32, i32) {
    %c0_i32 = arith.constant 0 : i32
    %c0_i32_0 = arith.constant 0 : i32
    return %arg0, %c0_i32 : i32, i32
  }
}

module attributes {stable_mosaic.version = 14 : i64} {
  func.func @body(%arg0: i32, %arg1: memref<400x64xf32, #tpu.memory_space<vmem>>, %arg2: memref<10000x64xf32, #tpu.memory_space<vmem>>, %arg3: memref<400x10000xf32, #tpu.memory_space<vmem>>) attributes {dimension_semantics = [#tpu.dimension_semantics<arbitrary>], iteration_bounds = array<i64: 25>, scalar_prefetch = 0 : i64, scratch_operands = 0 : i64, tpu.core_type = #tpu.core_type<tc>, window_params = [{transform_indices = @transform_0, window_bounds = array<i64: 400, 64>}, {pipeline_mode = #tpu.pipeline_mode<synchronous>, transform_indices = @transform_1, window_bounds = array<i64: 10000, 64>}, {transform_indices = @transform_2, window_bounds = array<i64: 400, 10000>}]} {
    %get3A = arith.constant 0 : index
    %get3A_0 = arith.constant 0 : index
    %get3A_1 = vector.load %arg1[%get3A, %get3A_0] : memref<400x64xf32, #tpu.memory_space<vmem>>, vector<400x64xf32>
    %get3A_2 = arith.constant 0 : index
    %get3A_3 = arith.constant 0 : index
    %get3A_4 = vector.load %arg2[%get3A_2, %get3A_3] : memref<10000x64xf32, #tpu.memory_space<vmem>>, vector<10000x64xf32>
    %dot_general3A = arith.constant dense<0.000000e+00> : vector<400x10000xf32>
    %dot_general3A_5 = tpu.matmul %get3A_1, %get3A_4, %dot_general3A {dimension_numbers = #tpu.dot_dimension_numbers<[1], [1], [0], [0], [0, 0, 1, 0], [], []>, transpose_lhs_hint = false} : vector<400x64xf32>, vector<10000x64xf32>, vector<400x10000xf32> -> vector<400x10000xf32>
    %logistic3A = arith.negf %dot_general3A_5 : vector<400x10000xf32>
    %logistic3A_6 = math.exp %logistic3A : vector<400x10000xf32>
    %logistic3A_7 = arith.constant 1.000000e+00 : f32
    %logistic3A_8 = vector.broadcast %logistic3A_7 : f32 to vector<400x10000xf32>
    %logistic3A_9 = arith.addf %logistic3A_8, %logistic3A_6 : vector<400x10000xf32>
    %logistic3A_10 = arith.divf %logistic3A_8, %logistic3A_9 : vector<400x10000xf32>
    %swap3A = arith.constant 0 : index
    %swap3A_11 = arith.constant 0 : index
    %swap3A_12 = vector.load %arg3[%swap3A, %swap3A_11] : memref<400x10000xf32, #tpu.memory_space<vmem>>, vector<400x10000xf32>
    tpu.vector_store %arg3[%swap3A, %swap3A_11], %logistic3A_10 {strides = array<i32>} : memref<400x10000xf32, #tpu.memory_space<vmem>>, vector<400x10000xf32>,
    return
  }
  func.func @transform_0(%arg0: i32) -> (i32, i32) {
    %c0_i32 = arith.constant 0 : i32
    %c0_i32_0 = arith.constant 0 : i32
    return %arg0, %c0_i32 : i32, i32
  }
  func.func @transform_1(%arg0: i32) -> (i32, i32) {
    %c0_i32 = arith.constant 0 : i32
    %c0_i32_0 = arith.constant 0 : i32
    %c0_i32_1 = arith.constant 0 : i32
    return %c0_i32, %c0_i32_0 : i32, i32
  }
  func.func @transform_2(%arg0: i32) -> (i32, i32) {
    %c0_i32 = arith.constant 0 : i32
    %c0_i32_0 = arith.constant 0 : i32
    return %arg0, %c0_i32 : i32, i32
  }
}

module attributes {stable_mosaic.version = 14 : i64} {
  func.func @body(%arg0: i32, %arg1: memref<2x2000x64xf32, #tpu.memory_space<vmem>>, %arg2: memref<2000x64xf32, #tpu.memory_space<vmem>>, %arg3: memref<2000x1xf32, #tpu.memory_space<vmem>>, %arg4: memref<64x128xf32, #tpu.memory_space<vmem>>, %arg5: memref<128xf32, #tpu.memory_space<vmem>>, %arg6: memref<2000x128xf32, #tpu.memory_space<vmem>>) attributes {dimension_semantics = [#tpu.dimension_semantics<arbitrary>], iteration_bounds = array<i64: 5>, scalar_prefetch = 0 : i64, scratch_operands = 0 : i64, tpu.core_type = #tpu.core_type<tc>, window_params = [{transform_indices = @transform_0, window_bounds = array<i64: 2, 2000, 64>}, {transform_indices = @transform_1, window_bounds = array<i64: 2000, 64>}, {transform_indices = @transform_2, window_bounds = array<i64: 2000, 1>}, {pipeline_mode = #tpu.pipeline_mode<synchronous>, transform_indices = @transform_3, window_bounds = array<i64: 64, 128>}, {pipeline_mode = #tpu.pipeline_mode<synchronous>, transform_indices = @transform_4, window_bounds = array<i64: 128>}, {transform_indices = @transform_5, window_bounds = array<i64: 2000, 128>}]} {
    %get3A = arith.constant 0 : index
    %get3A_0 = arith.constant 0 : index
    %get3A_1 = vector.load %arg3[%get3A, %get3A_0] : memref<2000x1xf32, #tpu.memory_space<vmem>>, vector<2000x1xf32>
    %get3A_2 = arith.constant 0 : index
    %get3A_3 = arith.constant 0 : index
    %get3A_4 = arith.constant 0 : index
    %get3A_5 = vector.load %arg1[%get3A_2, %get3A_3, %get3A_4] : memref<2x2000x64xf32, #tpu.memory_space<vmem>>, vector<1x2000x64xf32>
    %get3A_6 = vector.shape_cast %get3A_5 : vector<1x2000x64xf32> to vector<2000x64xf32>
    %get3A_7 = arith.constant 1 : index
    %get3A_8 = arith.constant 0 : index
    %get3A_9 = arith.constant 0 : index
    %get3A_10 = vector.load %arg1[%get3A_7, %get3A_8, %get3A_9] : memref<2x2000x64xf32, #tpu.memory_space<vmem>>, vector<1x2000x64xf32>
    %get3A_11 = vector.shape_cast %get3A_10 : vector<1x2000x64xf32> to vector<2000x64xf32>
    %add3A = arith.addf %get3A_6, %get3A_11 : vector<2000x64xf32>
    %mul3A = vector.broadcast %get3A_1 : vector<2000x1xf32> to vector<2000x64xf32>
    %mul3A_12 = arith.mulf %mul3A, %add3A : vector<2000x64xf32>
    %mul3A_13 = arith.mulf %get3A_1, %get3A_1 : vector<2000x1xf32>
    %get3A_14 = arith.constant 0 : index
    %get3A_15 = arith.constant 0 : index
    %get3A_16 = vector.load %arg2[%get3A_14, %get3A_15] : memref<2000x64xf32, #tpu.memory_space<vmem>>, vector<2000x64xf32>
    %mul3A_17 = vector.broadcast %mul3A_13 : vector<2000x1xf32> to vector<2000x64xf32>
    %mul3A_18 = arith.mulf %mul3A_17, %get3A_16 : vector<2000x64xf32>
    %add3A_19 = arith.addf %mul3A_12, %mul3A_18 : vector<2000x64xf32>
    %get3A_20 = arith.constant 0 : index
    %get3A_21 = arith.constant 0 : index
    %get3A_22 = vector.load %arg4[%get3A_20, %get3A_21] : memref<64x128xf32, #tpu.memory_space<vmem>>, vector<64x128xf32>
    %dot_general3A = arith.constant dense<0.000000e+00> : vector<2000x128xf32>
    %dot_general3A_23 = tpu.matmul %add3A_19, %get3A_22, %dot_general3A {dimension_numbers = #tpu.dot_dimension_numbers<[1], [0], [0], [1], [0, 0, 1, 1], [], []>, transpose_lhs_hint = false} : vector<2000x64xf32>, vector<64x128xf32>, vector<2000x128xf32> -> vector<2000x128xf32>
    %get3A_24 = arith.constant 0 : index
    %get3A_25 = vector.load %arg5[%get3A_24] : memref<128xf32, #tpu.memory_space<vmem>>, vector<128xf32>
    %broadcast_in_dim3A = vector.shape_cast %get3A_25 : vector<128xf32> to vector<1x128xf32>
    %add3A_26 = vector.broadcast %broadcast_in_dim3A : vector<1x128xf32> to vector<2000x128xf32>
    %add3A_27 = arith.addf %dot_general3A_23, %add3A_26 : vector<2000x128xf32>
    %max3A = arith.constant 0.000000e+00 : f32
    %max3A_28 = vector.broadcast %max3A : f32 to vector<2000x128xf32>
    %max3A_29 = arith.maximumf %add3A_27, %max3A_28 : vector<2000x128xf32>
    %swap3A = arith.constant 0 : index
    %swap3A_30 = arith.constant 0 : index
    %swap3A_31 = vector.load %arg6[%swap3A, %swap3A_30] : memref<2000x128xf32, #tpu.memory_space<vmem>>, vector<2000x128xf32>
    tpu.vector_store %arg6[%swap3A, %swap3A_30], %max3A_29 {strides = array<i32>} : memref<2000x128xf32, #tpu.memory_space<vmem>>, vector<2000x128xf32>,
    return
  }
  func.func @transform_0(%arg0: i32) -> (i32, i32, i32) {
    %c0_i32 = arith.constant 0 : i32
    %c0_i32_0 = arith.constant 0 : i32
    %c0_i32_1 = arith.constant 0 : i32
    return %c0_i32, %arg0, %c0_i32_0 : i32, i32, i32
  }
  func.func @transform_1(%arg0: i32) -> (i32, i32) {
    %c0_i32 = arith.constant 0 : i32
    %c0_i32_0 = arith.constant 0 : i32
    return %arg0, %c0_i32 : i32, i32
  }
  func.func @transform_2(%arg0: i32) -> (i32, i32) {
    %c0_i32 = arith.constant 0 : i32
    %c0_i32_0 = arith.constant 0 : i32
    return %arg0, %c0_i32 : i32, i32
  }
  func.func @transform_3(%arg0: i32) -> (i32, i32) {
    %c0_i32 = arith.constant 0 : i32
    %c0_i32_0 = arith.constant 0 : i32
    %c0_i32_1 = arith.constant 0 : i32
    return %c0_i32, %c0_i32_0 : i32, i32
  }
  func.func @transform_4(%arg0: i32) -> i32 {
    %c0_i32 = arith.constant 0 : i32
    %c0_i32_0 = arith.constant 0 : i32
    return %c0_i32 : i32
  }
  func.func @transform_5(%arg0: i32) -> (i32, i32) {
    %c0_i32 = arith.constant 0 : i32
    %c0_i32_0 = arith.constant 0 : i32
    return %arg0, %c0_i32 : i32, i32
  }
}

</mosaic_0001>

<sc_bundles>
// kernel: kernel.14.cloned.1.call-start
scs
__scs_entry_jumppad:
0x0: {  	(pc) =	sbr.rel $0x88, $3  }
0x1: {  	(tag) =	ssettag $0x0;
	lr =	simm.s32 $0x1  }
0x2: {  	[smem:$0x3F95] =	sst lr;
	_ =	strace $0xD0000000  }
0x3: {  	_ = 	snop  }
0x4: {  	_ = 	snop  }
0x5: {  	_ = 	snop  }
0x6: {  	_ = 	snop  }
0x7: {  	_ = 	snop  }
__scs_overlays_trampoline_lowered:
0x8: {  	[smem:$0x3FA4] =	sst s0  }
0x9: {  	[smem:$0x3FA5] =	sst s1  }
0xa: {  	[smem:$0x3FA6] =	sst s2  }
0xb: {  	[smem:$0x3FA7] =	sst s3  }
0xc: {  	[smem:$0x3FA8] =	sst s4  }
0xd: {  	[smem:$0x3FA9] =	sst s5  }
0xe: {  	[smem:$0x3FAA] =	sst s6  }
0xf: {  	[smem:$0x3FAB] =	sst s7  }
0x10: {  	[smem:$0x3FAC] =	sst s8  }
0x11: {  	[smem:$0x3FAD] =	sst s9;
	s0 =	simm.s32 @!p0 $0x0  }
0x12: {  	s1 =	sld [smem:$0x3F93];
	s0 =	simm.s32 @p0 $0x1  }
0x13: {  	[smem:$0x3FAE] =	sst s0;
	s0 =	simm.s32 @!p1 $0x0  }
0x14: {  	s2 =	sld [smem:$0x3F92];
	s0 =	simm.s32 @p1 $0x1  }
0x15: {  	[smem:$0x3FAF] =	sst s0;
	s0 =	simm.s32 @!p2 $0x0  }
0x16: {  	s3 =	sld [smem:$0x3FDB];
	s0 =	simm.s32 @p2 $0x1  }
0x17: {  	s4 =	simm.s32 $0x1BF5;
	[smem:$0x3FB1] =	sst s0  }
0x18: {  	s0 =	sld [smem:$0x3F94];
	_ =	swait.ge [sflag:s4], $0x0  }
0x19: {  	s7 =	sld [smem:$0x3F95]  }
0x1a: {  	s8 =	sadd.s32 $0xFFFFE003, lr  }
0x1b: {  	s9 =	sadd.s32 $0xFFFFFEF7, lr;
	s5 =	simm.s32 $0xFFFFFFFF;
	p2 =	slt.u32 s8, $0xFFFFF086  }
0x1c: {  	p1 =	slt.u32 s9, $0xF7A;
	s5 =	simm.s32 @!p2 $0x0  }
0x1d: {  	s5 =	simm.s32 @p1 $0x1;
	p0 =	seq.s32 s7, s2  }
0x1e: {  	s7 =	smul.u32 @!p0 $0xF7A, s2;
	p2 =	seq.s32 @!p0 s5, $0x0  }
0x1f: {  	s9 =	smul.u32 $0xF7A, s1;
	s8 =	simm.s32 @!p0 $0x1BF5;
	p2 =	por !p2, p0  }
0x20: {  	[sflag:s8] =	ssyncset.s32 @!p0 $0xFFFFF086;
	s6 =	sadd.s32 @!p0 s3, s7;
	s7 =	simm.s32 @!p0 $0x108  }
0x21: {  	s3 =	sadd.s32 s3, s9;
	s6 =	sadd.s32 @!p0 $0x88, s6;
	s7 =	simm.s32 @p2 $0x1082  }
0x22: {  	[simem:s7], [sflag:s8] =	dma.local @!p0 [hbm:s6], $0xF7A  }
0x23: {  	s9 =	sor.u32 $0xD0000000, s2;
	s6 =	simm.s32 $0x108;
	_ =	swait.ge @!p0 [sflag:s8], $0x0  }
0x24: {  	s3 =	sadd.s32 $0x88, s3;
	s6 =	simm.s32 @!p1 $0x1082;
	[sflag:s4] =	ssyncset.s32 $0xFFFFF086  }
0x25: {  	[simem:s6], [sflag:s4] =	dma.local [hbm:s3], $0xF7A  }
0x26: {  	[smem:$0x3F95] =	sst s1;
	(tag) =	ssettag s2;
	_ =	strace s9  }
0x27: {  	s1 =	sld [smem:$0x3FA5]  }
0x28: {  	s2 =	sld [smem:$0x3FA6]  }
0x29: {  	s4 =	sld [smem:$0x3FA8]  }
0x2a: {  	p0 =	seq.s32 s5, $0x0;
	s5 =	sld [smem:$0x3FA9]  }
0x2b: {  	s6 =	sld [smem:$0x3FAA]  }
0x2c: {  	s7 =	sld [smem:$0x3FAB]  }
0x2d: {  	s3 =	simm.s32 $0x108;
	s8 =	sld [smem:$0x3FAC]  }
0x2e: {  	s3 =	simm.s32 @!p0 $0x1082;
	s9 =	sld [smem:$0x3FAD]  }
0x2f: {  	lr =	sadd.s32 s0, s3;
	s0 =	sld [smem:$0x3FA4]  }
0x30: {  	s3 =	sld [smem:$0x3FA7]  }
0x31: {  	[smem:$0x3FB0] =	sst s10  }
0x32: {  	s10 =	sld [smem:$0x3FAE];
	_ =	sdelay $0x3  }
0x33: {  	p0 =	seq.s32 s10, $0x1;
	s10 =	sld [smem:$0x3FB0];
	_ =	sdelay $0x3  }
0x34: {  	[smem:$0x3FB0] =	sst s10  }
0x35: {  	s10 =	sld [smem:$0x3FAF];
	_ =	sdelay $0x3  }
0x36: {  	p1 =	seq.s32 s10, $0x1;
	s10 =	sld [smem:$0x3FB0];
	_ =	sdelay $0x3  }
0x37: {  	[smem:$0x3FB0] =	sst s10  }
0x38: {  	s10 =	sld [smem:$0x3FB1]  }
0x39: {  	_ = 	snop;
	(pc) =	sbr.ind lr, $3  }
0x3a: {  	_ = 	snop  }
0x3b: {  	_ = 	snop  }
0x3c: {  	p2 =	seq.s32 s10, $0x1;
	s10 =	sld [smem:$0x3FB0]  }
0x3d: {  	_ =	shalt  }
0x3e: {  	_ =	shalt  }
0x3f: {  	_ =	shalt  }
0x40: {  	_ =	shalt  }
0x41: {  	_ =	shalt  }
0x42: {  	_ =	shalt  }
0x43: {  	_ =	shalt  }
0x44: {  	_ =	shalt  }
0x45: {  	_ =	shalt  }
0x46: {  	_ =	shalt  }
0x47: {  	_ =	shalt  }
0x48: {  	_ =	shalt  }
0x49: {  	_ =	shalt  }
0x4a: {  	_ =	shalt  }
0x4b: {  	_ =	shalt  }
0x4c: {  	_ =	shalt  }
0x4d: {  	_ =	shalt  }
0x4e: {  	_ =	shalt  }
0x4f: {  	_ =	shalt  }
0x50: {  	_ =	shalt  }
0x51: {  	_ =	shalt  }
0x52: {  	_ =	shalt  }
0x53: {  	_ =	shalt  }
0x54: {  	_ =	shalt  }
0x55: {  	_ =	shalt  }
0x56: {  	_ =	shalt  }
0x57: {  	_ =	shalt  }
0x58: {  	_ =	shalt  }
0x59: {  	_ =	shalt  }
0x5a: {  	_ =	shalt  }
0x5b: {  	_ =	shalt  }
0x5c: {  	_ =	shalt  }
0x5d: {  	_ =	shalt  }
0x5e: {  	_ =	shalt  }
0x5f: {  	_ =	shalt  }
0x60: {  	_ =	shalt  }
0x61: {  	_ =	shalt  }
0x62: {  	_ =	shalt  }
0x63: {  	_ =	shalt  }
0x64: {  	_ =	shalt  }
0x65: {  	_ =	shalt  }
0x66: {  	_ =	shalt  }
0x67: {  	_ =	shalt  }
0x68: {  	_ =	shalt  }
0x69: {  	_ =	shalt  }
0x6a: {  	_ =	shalt  }
0x6b: {  	_ =	shalt  }
0x6c: {  	_ =	shalt  }
0x6d: {  	_ =	shalt  }
0x6e: {  	_ =	shalt  }
0x6f: {  	_ =	shalt  }
0x70: {  	_ =	shalt  }
0x71: {  	_ =	shalt  }
0x72: {  	_ =	shalt  }
0x73: {  	_ =	shalt  }
0x74: {  	_ =	shalt  }
0x75: {  	_ =	shalt  }
0x76: {  	_ =	shalt  }
0x77: {  	_ =	shalt  }
0x78: {  	_ =	shalt  }
0x79: {  	_ =	shalt  }
0x7a: {  	_ =	shalt  }
0x7b: {  	_ =	shalt  }
0x7c: {  	_ =	shalt  }
0x7d: {  	_ =	shalt  }
0x7e: {  	_ =	shalt  }
0x7f: {  	_ =	shalt  }
0x80: {  	_ =	shalt  }
0x81: {  	_ =	shalt  }
0x82: {  	_ =	shalt  }
0x83: {  	_ =	shalt  }
0x84: {  	_ =	shalt  }
0x85: {  	_ =	shalt  }
0x86: {  	_ =	shalt  }
0x87: {  	_ =	shalt  }
.Lfunc_end0:
.L_simem_size_0:
called_computation_lowered:
.L_overlay_start_0:
0x88: {  	s2 =	sld [smem:$0x3FD9]  }
0x89: {  	s3 =	sld [smem:$0x3FFE];
	_ =	sdelay $0x1  }
0x8a: {  	s1 =	srdreg.scid  }
0x8b: {  	s0 =	sand.u32 $0x1, s1  }
0x8c: {  	s14 =	sshll.u32 s0, $0xA;
	s2 =	sadd.s32 s3, s2  }
0x8d: {  	s2 =	sadd.s32 s2, s14  }
0x8e: {  	[smem:$0x3FBC] =	sst s2  }
0x8f: {  	_ = 	snop  }
0x90: {  	s2 =	sld [smem:$0x3FD0];
	_ =	sdelay $0x2  }
0x91: {  	s15 =	simm.s32 $0xA;
	s4 =	simm.s32 $0x10  }
0x92: {  	[smem:s4], [sflag:s15] =	dma.local [hbm:s2], $0x1  }
0x93: {  	_ =	swait.eq [sflag:s15], $0x1  }
0x94: {  	s16 =	sld [smem:$0x10];
	[sflag:s15] =	ssyncset.done $0x0  }
0x95: {  	s17 =	sld [smem:$0x11];
	[sflag:s15] =	ssyncadd.s32 $0xFFFFFFFF  }
0x96: {  	s18 =	sld [smem:$0x12];
	(tm) =	ssettm $0x1  }
0x97: {  	s5 =	sld [smem:$0x3FFB];
	_ =	sdelay $0x3  }
0x98: {  	_ =	strace s5  }
0x99: {  	s5 =	sld [smem:$0x3FFC];
	_ =	sdelay $0x3  }
0x9a: {  	_ =	strace s5  }
0x9b: {  	s5 =	sld [smem:$0x3FFD];
	_ =	sdelay $0x3  }
0x9c: {  	_ =	strace s5  }
0x9d: {  	_ =	strace $0x8FFFFFFF  }
0x9e: {  	s19 =	sld [smem:$0x3FDB];
	_ =	sdelay $0x1  }
0x9f: {  	s6 =	simm.s32 $_scs_section_size  }
0xa0: {  	s7 =	simm.s32 $_size__tile_overlayer_lowered;
	s8 =	simm.s32 $_tile_overlayer_lowered  }
0xa1: {  	s22 =	simm.s32 $0x1BFF;
	s21 =	sshll.u32 s8, $0x1;
	s5 =	sadd.s32 s6, s19  }
0xa2: {  	s9 =	simm.s32 $0x0;
	s20 =	sshll.u32 s7, $0x1;
	s7 =	sadd.s32 s21, s5  }
0xa3: {  	[timem:s9], [sflag:s22] =	dma.local [hbm:s7], s20  }
0xa4: {  	_ =	swait.ge [sflag:s22], s20  }
0xa5: {  	s6 =	ssub.s32 $0x0, s20;
	[sflag:s22] =	ssyncset.done $0x0  }
0xa6: {  	[sflag:s22] =	ssyncadd.s32 s6;
	_ =	sdelay $0x1  }
0xa7: {  	s23 =	simm.s32 $0x1B8B  }
0xa8: {  	_ =	swait.ge [sflag:s23], $0x1  }
0xa9: {  	[sflag:s23] =	ssyncset.done $0x0  }
0xaa: {  	s25 =	simm.s32 $0x1B8E;
	s24 =	sld [smem:$0x3FFE];
	[sflag:s23] =	ssyncadd.s32 $0xFFFFFFFF  }
0xab: {  	s26 =	simm.s32 $execute0_lowered;
	[smem:$0x3FD2] =	sst s25  }
0xac: {  	s7 =	sshll.u32 s26, $0x1;
	_ =	strace $0x80000046;
	[dreg:$0x1] =	wrdreg $0xFFFFFFFF  }
0xad: {  	s28 =	simm.s32 $_size_execute0_lowered;
	s5 =	sadd.s32 s5, s7;
	[dreg:$0x0] =	wrdreg $0x0  }
0xae: {  	s7 =	sshll.u32 s28, $0x1;
	[dreg:$0x2] =	wrdreg s5  }
0xaf: {  	[dreg:$0x3] =	wrdreg s7  }
0xb0: {  	[dreg:$0x4] =	wrdreg $0xC0  }
0xb1: {  	_ =	task [dreg:s9], $0x5FFFF  }
0xb2: {  	[dreg:$0x1] =	wrdreg $0xFFFFFFFF  }
0xb3: {  	[dreg:$0x0] =	wrdreg $0x60  }
0xb4: {  	[dreg:$0x2] =	wrdreg s24  }
0xb5: {  	[dreg:$0x3] =	wrdreg s17  }
0xb6: {  	[dreg:$0x4] =	wrdreg s16  }
0xb7: {  	[dreg:$0x5] =	wrdreg s18  }
0xb8: {  	[dreg:$0x6] =	wrdreg $0x2BE80  }
0xb9: {  	[dreg:$0x7] =	wrdreg $0x9  }
0xba: {  	_ =	task.clear_ibuf [dreg:s9], $0x8FFFF;
	_ =	strace $0x90000046  }
0xbb: {  	s29 =	simm.s32 $0x9;
	_ =	strace $0x80000048  }
0xbc: {  	_ =	swait.ge [sflag:s29], $0x1  }
0xbd: {  	[sflag:s29] =	ssyncadd.s32 $0xFFFFFFFF  }
0xbe: {  	_ =	strace $0x90000048  }
0xbf: {  	_ =	sfence  }
0xc0: {  	s30 =	sld [smem:$0x0];
	_ =	sdelay $0x2  }
0xc1: {  	s31 =	sshll.u32 s1, $0xD;
	s1 =	sshrl.u32 s1, $0x2  }
0xc2: {  	s3 =	sand.u32 $0x4000, s31;
	s1 =	sadd.s32 s1, s30  }
0xc3: {  	s0 =	sor.u32 s3, s0;
	s1 =	sshll.u32 s1, $0x11  }
0xc4: {  	s0 =	sor.u32 s1, s0  }
0xc5: {  	s0 =	sadd.s32 $0x8F2B, s0  }
0xc6: {  	[sflag:s0] =	ssyncadd.remote.s32 $0x1  }
0xc7: {  	_ =	sfence.sel $0xFFFF  }
0xc8: {  	[dreg:$0x0] =	wrdreg $0xFFFFFFFF;
	(pc) =	sbr.abs _section_cstart, $3  }
0xc9: {  	[dreg:$0x1] =	wrdreg $0xFFFFFFFF  }
0xca: {  	_ =	task.clear_ibuf [dreg:s9], $0x2FFFF;
	_ =	strace $0x9FFFFFFF  }
0xcb: {  	(tm) =	ssettm $0x7FFFFFFF  }
tec
execute0_lowered:
.L_overlay_start_1:
0x0: {  	(tag) =	ssettag $0x1  }
0x1: {  	s8 =	rddreg [dreg:$0x0]  }
0x2: {  	s1 =	rddreg [dreg:$0x1]  }
0x3: {  	s7 =	rddreg [dreg:$0x2]  }
0x4: {  	s9 =	rddreg [dreg:$0x3]  }
0x5: {  	s2 =	rddreg [dreg:$0x4];
	s3 =	srdreg.scid  }
0x6: {  	s0 =	rddreg [dreg:$0x5];
	s4 =	simm.s32 $0x0;
	s17 =	simm.s32 $0x1  }
0x7: {  	s18 =	simm.s32 $0x0;
	s6 =	sand.u32 $0x1, s3;
	[smem:$0x7FF] =	sst s4  }
0x8: {  	s3 =	stileid.u32;
	s16 =	sadd.s32 $0x13800, s2;
	s5 =	ssub.s32 $0x2, s6  }
0x9: {  	s11 =	sshll.u32 s3, $0x1;
	s12 =	smul.u32 $0x1380, s3;
	_ =	strace $0x80000047  }
0xa: {  	s25 =	sshll.u32 s3, $0x6;
	s15 =	smul.u32 $0x13880, s6;
	p0 =	sne.s32 s3, $0xF  }
0xb: {  	s10 =	sshrl.u32 s5, $0x1;
	s23 =	sor.u32 s6, s11;
	s6 =	sor.u32 $0x1C02, s25  }
0xc: {  	s13 =	ssub.s32 s5, s10;
	s14 =	sadd.s32 s12, s2;
	s24 =	sshrl.u32 s12, $0x3  }
0xd: {  	s11 =	smul.u32 $0x2800, s23;
	s28 =	sadd.s32 s12, s15;
	s29 =	sshrl.u32 s15, $0x3  }
0xe: {  	s15 =	simm.s32 $0x2800;
	s5 =	sadd.s32 s7, s24;
	s7 =	sadd.s32 $0x2700, s7  }
0xf: {  	s30 =	sshrl.u32 s28, $0x3;
	s31 =	sadd.s32 s9, s29;
	s12 =	sshrl.u32 s14, $0x3  }
0x10: {  	s14 =	sshrl.u32 @!p0 s16, $0x3;
	s16 =	simm.s32 $0x7D;
	s26 =	sshrl.u32 s11, $0x3  }
0x11: {  	s9 =	sadd.s32 s9, s30;
	s10 =	sadd.s32 $0x2700, s31;
	s8 =	sadd.s32 s8, s26  }
0x12: {  	s11 =	smax.u32 s13, $0x1;
	s13 =	simm.s32 $0x2;
	s8 =	sadd.s32 $0xEC00, s8  }
.LBB2_1:
0x13: {  	[spmem:s12], [sflag:s6] =	dma.local [hbm:s5], $0x270  }
0x14: {  	_ =	swait.ge [sflag:s13], $0x270  }
0x15: {  	[sflag:s13] =	ssyncset.done $0x0  }
0x16: {  	s19 =	simm.s32 @!p0 $0x2;
	[sflag:s13] =	ssyncadd.s32 $0xFFFFFD90  }
0x17: {  	[spmem:s14], [sflag:s6] =	dma.local @!p0 [hbm:s7], $0x10  }
0x18: {  	_ =	swait.ge @!p0 [sflag:s19], $0x10  }
0x19: {  	[sflag:s19] =	ssyncset.done @!p0 $0x0  }
0x1a: {  	[sflag:s19] =	ssyncadd.s32 @!p0 $0xFFFFFFF0  }
0x1b: {  	[tilespmem:s15], [sflag:$0x2] =	stream.linear.gather [hbm4b:s1+s4], $0x3E8, $0x38;
	[tilespmem:$0x3F70] =	vst v63  }
0x1c: {  	_ =	swait.ge [sflag:s13], $0x3E8  }
0x1d: {  	[sflag:s13] =	ssyncset.done $0x0  }
0x1e: {  	[sflag:s13] =	ssyncadd.s32 $0xFFFFFC18  }
0x1f: {  	[tilespmem:s4], [sflag:$0x2] =	stream.linear.gather [hbm4b:s8+s4], $0x2800, $0x38;
	[tilespmem:$0x3F70] =	vst v63  }
0x20: {  	_ =	swait.ge [sflag:s13], $0x2800  }
0x21: {  	[sflag:s13] =	ssyncset.done $0x0  }
0x22: {  	[sflag:s13] =	ssyncadd.s32 $0xFFFFD800  }
0x23: {  	s19 =	simm.s32 $0x0;
	[bflag:$0x0] =	sbarrier.arrive $0xFFFF  }
.LBB2_2:
0x24: {  	p1 =	sne.s32 s19, $0x9E00  }
.Ltmp0:
0x25: {  	_ = 	snop;
	(pc) =	sbr.rel @p1 .LBB2_2-.Ltmp0, $3  }
0x26: {  	_ =	sdelay $0x1  }
0x27: {  	s20 =	sshra.s32 s19, $0x2;
	s19 =	sadd.s32 $0x200, s19  }
0x28: {  	[spmem:s2] =	stream.indirect.scatter.add.f32 [tilespmem:s15], [sflag:$0x1], $0x8, s20, s16, $0xb8;
	[tilespmem:$0x3F70] =	vst v63  }
0x29: {  	_ =	swait.ge [sflag:s17], $0x3E8  }
0x2a: {  	s19 =	simm.s32 $0x4F;
	[sflag:s17] =	ssyncset.done $0x0  }
.LBB2_4:
0x2b: {  	p1 =	sne.s32 s19, $0x1;
	s19 =	sadd.s32 $0xFFFFFFFF, s19;
	[sflag:s17] =	ssyncadd.s32 $0xFFFFFC18  }
.Ltmp1:
0x2c: {  	(pc) =	sbr.rel @p1 .LBB2_4-.Ltmp1, $3  }
0x2d: {  	_ =	sdelay $0x1  }
0x2e: {  	_ =	swait.ge [sflag:s17], $0x3E8  }
0x2f: {  	[sflag:s17] =	ssyncset.done $0x0  }
0x30: {  	[sflag:s17] =	ssyncadd.s32 $0xFFFFFC18  }
0x31: {  	[bflag:$0x0] =	sbarrier.arrive $0xFFFF  }
0x32: {  	[hbm:s9], [sflag:s6] =	dma.local [spmem:s12], $0x270  }
0x33: {  	s18 =	sadd.s32 $0x1, s18;
	_ =	swait.ge [sflag:s13], $0x270  }
0x34: {  	p1 =	sne.s32 s18, s11;
	[sflag:s13] =	ssyncset.done $0x0  }
.Ltmp2:
0x35: {  	s19 =	simm.s32 @!p0 $0x2;
	[sflag:s13] =	ssyncadd.s32 $0xFFFFFD90;
	(pc) =	sbr.rel @p1 .LBB2_1-.Ltmp2, $4  }
0x36: {  	[hbm:s10], [sflag:s6] =	dma.local @!p0 [spmem:s14], $0x10  }
0x37: {  	_ =	swait.ge @!p0 [sflag:s19], $0x10  }
0x38: {  	[sflag:s19] =	ssyncset.done @!p0 $0x0  }
0x39: {  	[sflag:s19] =	ssyncadd.s32 @!p0 $0xFFFFFFF0  }
0x3a: {  	_ =	sfence.sel $0x180000  }
0x3b: {  	[bflag:$0x0] =	sbarrier.arrive $0xFFFF  }
0x3c: {  	p0 =	sne.s32 s3, $0x0;
	_ =	strace $0x90000047  }
0x3d: {  	s0 =	sadd.s32 @!p0 $0x100000, s0;
	[bflag:$0x2] =	sbarrier.arrive $0xFFFF  }
0x3e: {  	[sflag:s0] =	ssyncadd.tile.s32 @!p0 $0x1;
	_ =	shalt  }
.Lfunc_end2:
_tile_overlayer_lowered:
.L_overlay_start_2:
0x3f: {  	(tag) =	ssettag $0x2  }
0x40: {  	s0 =	rddreg [dreg:$0x0];
	s2 =	stileid.u32  }
0x41: {  	s1 =	rddreg [dreg:$0x1];
	p0 =	sne.s32 s2, $0x0  }
0x42: {  	s3 =	rddreg [dreg:$0x2];
	[bflag:$0x3] =	sbarrier.arrive $0xFFFF;
	s2 =	simm.s32 @!p0 $0x1C02  }
0x43: {  	[timem:s3], [sflag:s2] =	dma.local @!p0 [hbm:s0], s1  }
0x44: {  	s0 =	simm.s32 @!p0 $0x2  }
0x45: {  	_ =	swait.ge @!p0 [sflag:s0], s1  }
0x46: {  	s1 =	ssub.s32 @!p0 $0x0, s1;
	[sflag:s0] =	ssyncset.done @!p0 $0x0  }
0x47: {  	[sflag:s0] =	ssyncadd.s32 @!p0 s1  }
0x48: {  	[bflag:$0x3] =	sbarrier.arrive $0xFFFF  }
0x49: {  	_ =	shalt  }

// kernel: kernel.17.cloned.1.call-start
scs
__scs_entry_jumppad:
0x0: {  	(pc) =	sbr.rel $0x88, $3  }
0x1: {  	(tag) =	ssettag $0x0;
	lr =	simm.s32 $0x1  }
0x2: {  	[smem:$0x3F95] =	sst lr;
	_ =	strace $0xD0000000  }
0x3: {  	_ = 	snop  }
0x4: {  	_ = 	snop  }
0x5: {  	_ = 	snop  }
0x6: {  	_ = 	snop  }
0x7: {  	_ = 	snop  }
__scs_overlays_trampoline_lowered:
0x8: {  	[smem:$0x3FA4] =	sst s0  }
0x9: {  	[smem:$0x3FA5] =	sst s1  }
0xa: {  	[smem:$0x3FA6] =	sst s2  }
0xb: {  	[smem:$0x3FA7] =	sst s3  }
0xc: {  	[smem:$0x3FA8] =	sst s4  }
0xd: {  	[smem:$0x3FA9] =	sst s5  }
0xe: {  	[smem:$0x3FAA] =	sst s6  }
0xf: {  	[smem:$0x3FAB] =	sst s7  }
0x10: {  	[smem:$0x3FAC] =	sst s8  }
0x11: {  	[smem:$0x3FAD] =	sst s9;
	s0 =	simm.s32 @!p0 $0x0  }
0x12: {  	s1 =	sld [smem:$0x3F93];
	s0 =	simm.s32 @p0 $0x1  }
0x13: {  	[smem:$0x3FAE] =	sst s0;
	s0 =	simm.s32 @!p1 $0x0  }
0x14: {  	s2 =	sld [smem:$0x3F92];
	s0 =	simm.s32 @p1 $0x1  }
0x15: {  	[smem:$0x3FAF] =	sst s0;
	s0 =	simm.s32 @!p2 $0x0  }
0x16: {  	s3 =	sld [smem:$0x3FDB];
	s0 =	simm.s32 @p2 $0x1  }
0x17: {  	s4 =	simm.s32 $0x1BF5;
	[smem:$0x3FB1] =	sst s0  }
0x18: {  	s0 =	sld [smem:$0x3F94];
	_ =	swait.ge [sflag:s4], $0x0  }
0x19: {  	s7 =	sld [smem:$0x3F95]  }
0x1a: {  	s8 =	sadd.s32 $0xFFFFE003, lr  }
0x1b: {  	s9 =	sadd.s32 $0xFFFFFEF7, lr;
	s5 =	simm.s32 $0xFFFFFFFF;
	p2 =	slt.u32 s8, $0xFFFFF086  }
0x1c: {  	p1 =	slt.u32 s9, $0xF7A;
	s5 =	simm.s32 @!p2 $0x0  }
0x1d: {  	s5 =	simm.s32 @p1 $0x1;
	p0 =	seq.s32 s7, s2  }
0x1e: {  	s7 =	smul.u32 @!p0 $0xF7A, s2;
	p2 =	seq.s32 @!p0 s5, $0x0  }
0x1f: {  	s9 =	smul.u32 $0xF7A, s1;
	s8 =	simm.s32 @!p0 $0x1BF5;
	p2 =	por !p2, p0  }
0x20: {  	[sflag:s8] =	ssyncset.s32 @!p0 $0xFFFFF086;
	s6 =	sadd.s32 @!p0 s3, s7;
	s7 =	simm.s32 @!p0 $0x108  }
0x21: {  	s3 =	sadd.s32 s3, s9;
	s6 =	sadd.s32 @!p0 $0x88, s6;
	s7 =	simm.s32 @p2 $0x1082  }
0x22: {  	[simem:s7], [sflag:s8] =	dma.local @!p0 [hbm:s6], $0xF7A  }
0x23: {  	s9 =	sor.u32 $0xD0000000, s2;
	s6 =	simm.s32 $0x108;
	_ =	swait.ge @!p0 [sflag:s8], $0x0  }
0x24: {  	s3 =	sadd.s32 $0x88, s3;
	s6 =	simm.s32 @!p1 $0x1082;
	[sflag:s4] =	ssyncset.s32 $0xFFFFF086  }
0x25: {  	[simem:s6], [sflag:s4] =	dma.local [hbm:s3], $0xF7A  }
0x26: {  	[smem:$0x3F95] =	sst s1;
	(tag) =	ssettag s2;
	_ =	strace s9  }
0x27: {  	s1 =	sld [smem:$0x3FA5]  }
0x28: {  	s2 =	sld [smem:$0x3FA6]  }
0x29: {  	s4 =	sld [smem:$0x3FA8]  }
0x2a: {  	p0 =	seq.s32 s5, $0x0;
	s5 =	sld [smem:$0x3FA9]  }
0x2b: {  	s6 =	sld [smem:$0x3FAA]  }
0x2c: {  	s7 =	sld [smem:$0x3FAB]  }
0x2d: {  	s3 =	simm.s32 $0x108;
	s8 =	sld [smem:$0x3FAC]  }
0x2e: {  	s3 =	simm.s32 @!p0 $0x1082;
	s9 =	sld [smem:$0x3FAD]  }
0x2f: {  	lr =	sadd.s32 s0, s3;
	s0 =	sld [smem:$0x3FA4]  }
0x30: {  	s3 =	sld [smem:$0x3FA7]  }
0x31: {  	[smem:$0x3FB0] =	sst s10  }
0x32: {  	s10 =	sld [smem:$0x3FAE];
	_ =	sdelay $0x3  }
0x33: {  	p0 =	seq.s32 s10, $0x1;
	s10 =	sld [smem:$0x3FB0];
	_ =	sdelay $0x3  }
0x34: {  	[smem:$0x3FB0] =	sst s10  }
0x35: {  	s10 =	sld [smem:$0x3FAF];
	_ =	sdelay $0x3  }
0x36: {  	p1 =	seq.s32 s10, $0x1;
	s10 =	sld [smem:$0x3FB0];
	_ =	sdelay $0x3  }
0x37: {  	[smem:$0x3FB0] =	sst s10  }
0x38: {  	s10 =	sld [smem:$0x3FB1]  }
0x39: {  	_ = 	snop;
	(pc) =	sbr.ind lr, $3  }
0x3a: {  	_ = 	snop  }
0x3b: {  	_ = 	snop  }
0x3c: {  	p2 =	seq.s32 s10, $0x1;
	s10 =	sld [smem:$0x3FB0]  }
0x3d: {  	_ =	shalt  }
0x3e: {  	_ =	shalt  }
0x3f: {  	_ =	shalt  }
0x40: {  	_ =	shalt  }
0x41: {  	_ =	shalt  }
0x42: {  	_ =	shalt  }
0x43: {  	_ =	shalt  }
0x44: {  	_ =	shalt  }
0x45: {  	_ =	shalt  }
0x46: {  	_ =	shalt  }
0x47: {  	_ =	shalt  }
0x48: {  	_ =	shalt  }
0x49: {  	_ =	shalt  }
0x4a: {  	_ =	shalt  }
0x4b: {  	_ =	shalt  }
0x4c: {  	_ =	shalt  }
0x4d: {  	_ =	shalt  }
0x4e: {  	_ =	shalt  }
0x4f: {  	_ =	shalt  }
0x50: {  	_ =	shalt  }
0x51: {  	_ =	shalt  }
0x52: {  	_ =	shalt  }
0x53: {  	_ =	shalt  }
0x54: {  	_ =	shalt  }
0x55: {  	_ =	shalt  }
0x56: {  	_ =	shalt  }
0x57: {  	_ =	shalt  }
0x58: {  	_ =	shalt  }
0x59: {  	_ =	shalt  }
0x5a: {  	_ =	shalt  }
0x5b: {  	_ =	shalt  }
0x5c: {  	_ =	shalt  }
0x5d: {  	_ =	shalt  }
0x5e: {  	_ =	shalt  }
0x5f: {  	_ =	shalt  }
0x60: {  	_ =	shalt  }
0x61: {  	_ =	shalt  }
0x62: {  	_ =	shalt  }
0x63: {  	_ =	shalt  }
0x64: {  	_ =	shalt  }
0x65: {  	_ =	shalt  }
0x66: {  	_ =	shalt  }
0x67: {  	_ =	shalt  }
0x68: {  	_ =	shalt  }
0x69: {  	_ =	shalt  }
0x6a: {  	_ =	shalt  }
0x6b: {  	_ =	shalt  }
0x6c: {  	_ =	shalt  }
0x6d: {  	_ =	shalt  }
0x6e: {  	_ =	shalt  }
0x6f: {  	_ =	shalt  }
0x70: {  	_ =	shalt  }
0x71: {  	_ =	shalt  }
0x72: {  	_ =	shalt  }
0x73: {  	_ =	shalt  }
0x74: {  	_ =	shalt  }
0x75: {  	_ =	shalt  }
0x76: {  	_ =	shalt  }
0x77: {  	_ =	shalt  }
0x78: {  	_ =	shalt  }
0x79: {  	_ =	shalt  }
0x7a: {  	_ =	shalt  }
0x7b: {  	_ =	shalt  }
0x7c: {  	_ =	shalt  }
0x7d: {  	_ =	shalt  }
0x7e: {  	_ =	shalt  }
0x7f: {  	_ =	shalt  }
0x80: {  	_ =	shalt  }
0x81: {  	_ =	shalt  }
0x82: {  	_ =	shalt  }
0x83: {  	_ =	shalt  }
0x84: {  	_ =	shalt  }
0x85: {  	_ =	shalt  }
0x86: {  	_ =	shalt  }
0x87: {  	_ =	shalt  }
.Lfunc_end0:
.L_simem_size_0:
called_computation.1_lowered:
.L_overlay_start_0:
0x88: {  	s2 =	sld [smem:$0x3FD9]  }
0x89: {  	s3 =	sld [smem:$0x3FFE];
	_ =	sdelay $0x1  }
0x8a: {  	s1 =	srdreg.scid  }
0x8b: {  	s0 =	sand.u32 $0x1, s1  }
0x8c: {  	s14 =	sshll.u32 s0, $0xA;
	s2 =	sadd.s32 s3, s2  }
0x8d: {  	s2 =	sadd.s32 s2, s14  }
0x8e: {  	[smem:$0x3FBC] =	sst s2  }
0x8f: {  	_ = 	snop  }
0x90: {  	s2 =	sld [smem:$0x3FD0];
	_ =	sdelay $0x2  }
0x91: {  	s15 =	simm.s32 $0xA;
	s4 =	simm.s32 $0x10  }
0x92: {  	[smem:s4], [sflag:s15] =	dma.local [hbm:s2], $0x1  }
0x93: {  	_ =	swait.eq [sflag:s15], $0x1  }
0x94: {  	[sflag:s15] =	ssyncset.done $0x0  }
0x95: {  	[sflag:s15] =	ssyncadd.s32 $0xFFFFFFFF  }
0x96: {  	s16 =	sld [smem:$0x11];
	(tm) =	ssettm $0x1  }
0x97: {  	s17 =	sld [smem:$0x3FFB];
	_ =	sdelay $0x3  }
0x98: {  	_ =	strace s17  }
0x99: {  	s3 =	sld [smem:$0x3FFC];
	_ =	sdelay $0x3  }
0x9a: {  	_ =	strace s3  }
0x9b: {  	s3 =	sld [smem:$0x3FFD];
	_ =	sdelay $0x3  }
0x9c: {  	_ =	strace s3  }
0x9d: {  	_ =	strace $0x8FFFFFFF  }
0x9e: {  	s18 =	sld [smem:$0x3FDB];
	_ =	sdelay $0x1  }
0x9f: {  	s19 =	simm.s32 $_scs_section_size  }
0xa0: {  	s5 =	simm.s32 $_size__tile_overlayer_lowered;
	s6 =	simm.s32 $_tile_overlayer_lowered  }
0xa1: {  	s22 =	simm.s32 $0x1BFF;
	s21 =	sshll.u32 s6, $0x1;
	s3 =	sadd.s32 s19, s18  }
0xa2: {  	s7 =	simm.s32 $0x0;
	s20 =	sshll.u32 s5, $0x1;
	s5 =	sadd.s32 s21, s3  }
0xa3: {  	[timem:s7], [sflag:s22] =	dma.local [hbm:s5], s20  }
0xa4: {  	_ =	swait.ge [sflag:s22], s20  }
0xa5: {  	s4 =	ssub.s32 $0x0, s20;
	[sflag:s22] =	ssyncset.done $0x0  }
0xa6: {  	[sflag:s22] =	ssyncadd.s32 s4;
	_ =	sdelay $0x1  }
0xa7: {  	s23 =	simm.s32 $0x1B8B  }
0xa8: {  	_ =	swait.ge [sflag:s23], $0x1  }
0xa9: {  	[sflag:s23] =	ssyncset.done $0x0  }
0xaa: {  	s25 =	simm.s32 $0x1B8E;
	s24 =	sld [smem:$0x3FFE];
	[sflag:s23] =	ssyncadd.s32 $0xFFFFFFFF  }
0xab: {  	s26 =	simm.s32 $execute0_lowered;
	[smem:$0x3FD2] =	sst s25  }
0xac: {  	s5 =	sshll.u32 s26, $0x1;
	_ =	strace $0x80000049;
	[dreg:$0x1] =	wrdreg $0xFFFFFFFF  }
0xad: {  	s28 =	simm.s32 $_size_execute0_lowered;
	s3 =	sadd.s32 s3, s5;
	[dreg:$0x0] =	wrdreg $0x0  }
0xae: {  	s5 =	sshll.u32 s28, $0x1;
	[dreg:$0x2] =	wrdreg s3  }
0xaf: {  	[dreg:$0x3] =	wrdreg s5  }
0xb0: {  	[dreg:$0x4] =	wrdreg $0xC0  }
0xb1: {  	_ =	task [dreg:s7], $0x5FFFF  }
0xb2: {  	[dreg:$0x1] =	wrdreg $0xFFFFFFFF  }
0xb3: {  	[dreg:$0x0] =	wrdreg $0x60  }
0xb4: {  	[dreg:$0x2] =	wrdreg s16  }
0xb5: {  	[dreg:$0x3] =	wrdreg s24  }
0xb6: {  	[dreg:$0x4] =	wrdreg $0xCD000  }
0xb7: {  	[dreg:$0x5] =	wrdreg $0x9  }
0xb8: {  	_ =	task.clear_ibuf [dreg:s7], $0x6FFFF;
	_ =	strace $0x90000049  }
0xb9: {  	s29 =	simm.s32 $0x9;
	_ =	strace $0x8000004B  }
0xba: {  	_ =	swait.ge [sflag:s29], $0x1  }
0xbb: {  	[sflag:s29] =	ssyncadd.s32 $0xFFFFFFFF  }
0xbc: {  	_ =	strace $0x9000004B  }
0xbd: {  	_ =	sfence  }
0xbe: {  	s30 =	sld [smem:$0x0];
	_ =	sdelay $0x2  }
0xbf: {  	s31 =	sshll.u32 s1, $0xD;
	s1 =	sshrl.u32 s1, $0x2  }
0xc0: {  	s3 =	sand.u32 $0x4000, s31;
	s1 =	sadd.s32 s1, s30  }
0xc1: {  	s0 =	sor.u32 s3, s0;
	s1 =	sshll.u32 s1, $0x11  }
0xc2: {  	s0 =	sor.u32 s1, s0  }
0xc3: {  	s0 =	sadd.s32 $0x8F2B, s0  }
0xc4: {  	[sflag:s0] =	ssyncadd.remote.s32 $0x1  }
0xc5: {  	_ =	sfence.sel $0xFFFF  }
0xc6: {  	[dreg:$0x0] =	wrdreg $0xFFFFFFFF;
	(pc) =	sbr.abs _section_cstart, $3  }
0xc7: {  	[dreg:$0x1] =	wrdreg $0xFFFFFFFF  }
0xc8: {  	_ =	task.clear_ibuf [dreg:s7], $0x2FFFF;
	_ =	strace $0x9FFFFFFF  }
0xc9: {  	(tm) =	ssettm $0x7FFFFFFF  }
tec
execute0_lowered:
.L_overlay_start_1:
0x0: {  	(tag) =	ssettag $0x1  }
0x1: {  	s1 =	rddreg [dreg:$0x0]  }
0x2: {  	s0 =	srdreg.scid;
	s2 =	rddreg [dreg:$0x1]  }
0x3: {  	s14 =	stileid.u32;
	s3 =	rddreg [dreg:$0x2]  }
0x4: {  	s16 =	simm.s32 $0x2800;
	s17 =	simm.s32 $0x7D;
	s18 =	simm.s32 $0x5000  }
0x5: {  	s20 =	simm.s32 $0x6F40;
	s21 =	simm.s32 $0x1;
	s23 =	simm.s32 $0x8E80  }
0x6: {  	s24 =	simm.s32 $0x2;
	s28 =	simm.s32 $0xADC0;
	s29 =	simm.s32 $0x3  }
0x7: {  	s31 =	simm.s32 $0x5;
	s22 =	simm.s32 $0x6;
	s30 =	simm.s32 $0x8  }
0x8: {  	s0 =	sand.u32 $0x1, s0;
	s4 =	sshll.u32 s14, $0x1;
	s9 =	smul.u32 $0x9C00, s14  }
0x9: {  	s10 =	sadd.s32 $0x2C600, s2;
	s25 =	sshll.u32 s14, $0x6;
	s15 =	sadd.s32 $0x9C000, s3  }
0xa: {  	p0 =	sne.s32 s14, $0xF;
	s14 =	simm.s32 $0x9;
	s5 =	sor.u32 s0, s4  }
0xb: {  	s4 =	simm.s32 $0x0;
	s7 =	ssub.s32 $0x2, s0;
	s0 =	smul.u32 $0x9C400, s0  }
0xc: {  	s15 =	sshrl.u32 @!p0 s15, $0x3;
	s5 =	smul.u32 $0x2800, s5;
	[smem:$0x7FF] =	sst s4  }
0xd: {  	s6 =	sshrl.u32 s9, $0x3;
	s8 =	sshrl.u32 s7, $0x1;
	s13 =	sadd.s32 s9, s3  }
0xe: {  	_ =	strace $0x8000004A;
	s6 =	sadd.s32 s6, s2;
	s12 =	ssub.s32 s7, s8  }
0xf: {  	s26 =	sadd.s32 s9, s0;
	s0 =	sshrl.u32 s0, $0x3;
	s13 =	sshrl.u32 s13, $0x3  }
0x10: {  	s5 =	sshrl.u32 s5, $0x3;
	s6 =	sadd.s32 $0x18C00, s6;
	s0 =	sadd.s32 s10, s0  }
.Ltmp0:
0x11: {  	s12 =	smax.u32 s12, $0x1;
	s5 =	sadd.s32 s5, s2;
	(pc) =	sbr.rel .LBB2_1-.Ltmp0, $4  }
0x12: {  	[dreg:$0x4] =	wrdreg s6;
	s6 =	sor.u32 $0x1C09, s25;
	s2 =	sadd.s32 $0x2C400, s2  }
0x13: {  	s11 =	sadd.s32 $0x13800, s0;
	s0 =	simm.s32 $0x4;
	[dreg:$0x5] =	wrdreg s2  }
0x14: {  	s8 =	sadd.s32 $0x4C00, s5;
	s9 =	sadd.s32 $0xEC00, s5;
	s2 =	sshrl.u32 s26, $0x3  }
0x15: {  	s26 =	simm.s32 $0x7;
	s10 =	sadd.s32 s10, s2;
	s2 =	simm.s32 $0x0  }
.LBB2_4:
0x16: {  	_ =	swait.ge [sflag:s0], $0x1F40  }
0x17: {  	[sflag:s0] =	ssyncset.done $0x0  }
0x18: {  	[sflag:s0] =	ssyncadd.s32 $0xFFFFE0C0  }
0x19: {  	[spmem:s3] =	stream.indirect.scatter.add.f32 [tilespmem:s28], [sflag:$0x8], $0x40, s5, s17, $0xb8;
	[tilespmem:$0x16940] =	vst v63  }
0x1a: {  	_ =	swait.ge [sflag:s31], $0x1F40  }
0x1b: {  	[sflag:s31] =	ssyncset.done $0x0  }
0x1c: {  	[sflag:s31] =	ssyncadd.s32 $0xFFFFE0C0  }
0x1d: {  	_ =	swait.ge [sflag:s22], $0x1F40  }
0x1e: {  	[sflag:s22] =	ssyncset.done $0x0  }
0x1f: {  	[sflag:s22] =	ssyncadd.s32 $0xFFFFE0C0  }
0x20: {  	_ =	swait.ge [sflag:s26], $0x1F40  }
0x21: {  	[sflag:s26] =	ssyncset.done $0x0  }
0x22: {  	[sflag:s26] =	ssyncadd.s32 $0xFFFFE0C0  }
0x23: {  	_ =	swait.ge [sflag:s30], $0x1F40  }
0x24: {  	[sflag:s30] =	ssyncset.done $0x0  }
0x25: {  	[sflag:s30] =	ssyncadd.s32 $0xFFFFE0C0  }
0x26: {  	[bflag:$0x0] =	sbarrier.arrive $0xFFFF  }
0x27: {  	[hbm:s10], [sflag:s6] =	dma.local [spmem:s13], $0x1380  }
0x28: {  	s2 =	sadd.s32 $0x1, s2;
	_ =	swait.ge [sflag:s14], $0x1380  }
0x29: {  	p1 =	sne.s32 s2, s12;
	[sflag:s14] =	ssyncset.done $0x0  }
.Ltmp1:
0x2a: {  	s5 =	simm.s32 @!p0 $0x9;
	[sflag:s14] =	ssyncadd.s32 $0xFFFFEC80;
	(pc) =	sbr.rel @!p1 .LBB2_5-.Ltmp1, $4  }
0x2b: {  	[hbm:s11], [sflag:s6] =	dma.local @!p0 [spmem:s15], $0x80  }
0x2c: {  	_ =	swait.ge @!p0 [sflag:s5], $0x80  }
0x2d: {  	[sflag:s5] =	ssyncset.done @!p0 $0x0  }
0x2e: {  	[sflag:s5] =	ssyncadd.s32 @!p0 $0xFFFFFF80  }
.LBB2_1:
0x2f: {  	s5 =	rddreg [dreg:$0x4]  }
0x30: {  	[spmem:s13], [sflag:s6] =	dma.local [hbm:s5], $0x1380  }
0x31: {  	_ =	swait.ge [sflag:s14], $0x1380  }
0x32: {  	[sflag:s14] =	ssyncset.done $0x0  }
0x33: {  	s5 =	rddreg [dreg:$0x5];
	[sflag:s14] =	ssyncadd.s32 $0xFFFFEC80  }
0x34: {  	[spmem:s15], [sflag:s6] =	dma.local @!p0 [hbm:s5], $0x80  }
0x35: {  	s5 =	simm.s32 @!p0 $0x9  }
0x36: {  	_ =	swait.ge @!p0 [sflag:s5], $0x80  }
0x37: {  	[sflag:s5] =	ssyncset.done @!p0 $0x0  }
0x38: {  	[sflag:s5] =	ssyncadd.s32 @!p0 $0xFFFFFF80  }
0x39: {  	[tilespmem:s4], [sflag:$0x9] =	stream.linear.gather [hbm4b:s8+s4], $0x2800, $0x38;
	[tilespmem:$0x16940] =	vst v63  }
0x3a: {  	_ =	swait.ge [sflag:s14], $0x2800  }
0x3b: {  	[sflag:s14] =	ssyncset.done $0x0  }
0x3c: {  	[sflag:s14] =	ssyncadd.s32 $0xFFFFD800  }
0x3d: {  	[tilespmem:s16], [sflag:$0x9] =	stream.linear.gather [hbm4b:s9+s4], $0x2800, $0x38;
	[tilespmem:$0x16940] =	vst v63  }
0x3e: {  	_ =	swait.ge [sflag:s14], $0x2800  }
0x3f: {  	[sflag:s14] =	ssyncset.done $0x0  }
0x40: {  	[sflag:s14] =	ssyncadd.s32 $0xFFFFD800  }
0x41: {  	[bflag:$0x0] =	sbarrier.arrive $0xFFFF  }
0x42: {  	[tilespmem:s18], [sflag:$0x1] =	stream.indirect.gather [hbm4b:s1+s17], $0x40, s4, s17, $0xb8;
	[tilespmem:$0x16940] =	vst v63  }
0x43: {  	s19 =	simm.s32 $0x80  }
0x44: {  	[tilespmem:s20], [sflag:$0x2] =	stream.indirect.gather [hbm4b:s1+s17], $0x40, s19, s17, $0xb8;
	[tilespmem:$0x16940] =	vst v63  }
0x45: {  	_ =	swait.ge [sflag:s21], $0x1F40  }
0x46: {  	[sflag:s21] =	ssyncset.done $0x0  }
0x47: {  	[sflag:s21] =	ssyncadd.s32 $0xFFFFE0C0  }
0x48: {  	[spmem:s3] =	stream.indirect.scatter.add.f32 [tilespmem:s18], [sflag:$0x5], $0x40, s16, s17, $0xb8;
	[tilespmem:$0x16940] =	vst v63  }
0x49: {  	s25 =	simm.s32 $0x100  }
0x4a: {  	[tilespmem:s23], [sflag:$0x3] =	stream.indirect.gather [hbm4b:s1+s17], $0x40, s25, s17, $0xb8;
	[tilespmem:$0x16940] =	vst v63  }
0x4b: {  	_ =	swait.ge [sflag:s24], $0x1F40  }
0x4c: {  	[sflag:s24] =	ssyncset.done $0x0  }
0x4d: {  	s7 =	simm.s32 $0x2880;
	[sflag:s24] =	ssyncadd.s32 $0xFFFFE0C0  }
0x4e: {  	[spmem:s3] =	stream.indirect.scatter.add.f32 [tilespmem:s20], [sflag:$0x6], $0x40, s7, s17, $0xb8;
	[tilespmem:$0x16940] =	vst v63  }
0x4f: {  	s19 =	simm.s32 $0x180  }
0x50: {  	[tilespmem:s28], [sflag:$0x4] =	stream.indirect.gather [hbm4b:s1+s17], $0x40, s19, s17, $0xb8;
	[tilespmem:$0x16940] =	vst v63  }
0x51: {  	_ =	swait.ge [sflag:s29], $0x1F40  }
0x52: {  	[sflag:s29] =	ssyncset.done $0x0  }
0x53: {  	s25 =	simm.s32 $0x2900;
	[sflag:s29] =	ssyncadd.s32 $0xFFFFE0C0  }
0x54: {  	[spmem:s3] =	stream.indirect.scatter.add.f32 [tilespmem:s23], [sflag:$0x7], $0x40, s25, s17, $0xb8;
	[tilespmem:$0x16940] =	vst v63  }
0x55: {  	_ =	swait.ge [sflag:s31], $0x1F40  }
0x56: {  	[sflag:s31] =	ssyncset.done $0x0  }
0x57: {  	s7 =	simm.s32 $0x200;
	[sflag:s31] =	ssyncadd.s32 $0xFFFFE0C0  }
0x58: {  	[tilespmem:s18], [sflag:$0x1] =	stream.indirect.gather [hbm4b:s1+s17], $0x40, s7, s17, $0xb8;
	[tilespmem:$0x16940] =	vst v63  }
0x59: {  	_ =	swait.ge [sflag:s0], $0x1F40  }
0x5a: {  	[sflag:s0] =	ssyncset.done $0x0  }
0x5b: {  	s19 =	simm.s32 $0x2980;
	[sflag:s0] =	ssyncadd.s32 $0xFFFFE0C0  }
0x5c: {  	[spmem:s3] =	stream.indirect.scatter.add.f32 [tilespmem:s28], [sflag:$0x8], $0x40, s19, s17, $0xb8;
	[tilespmem:$0x16940] =	vst v63  }
0x5d: {  	_ =	swait.ge [sflag:s22], $0x1F40  }
0x5e: {  	[sflag:s22] =	ssyncset.done $0x0  }
0x5f: {  	s25 =	simm.s32 $0x280;
	s19 =	simm.s32 $0x0;
	[sflag:s22] =	ssyncadd.s32 $0xFFFFE0C0  }
0x60: {  	[tilespmem:s20], [sflag:$0x2] =	stream.indirect.gather [hbm4b:s1+s17], $0x40, s25, s17, $0xb8;
	[tilespmem:$0x16940] =	vst v63  }
.LBB2_2:
0x61: {  	_ =	swait.ge [sflag:s21], $0x1F40  }
0x62: {  	s25 =	sshra.s32 s19, $0x2;
	[sflag:s21] =	ssyncset.done $0x0  }
0x63: {  	s5 =	sadd.s32 $0x2A00, s25;
	[sflag:s21] =	ssyncadd.s32 $0xFFFFE0C0  }
0x64: {  	[spmem:s3] =	stream.indirect.scatter.add.f32 [tilespmem:s18], [sflag:$0x5], $0x40, s5, s17, $0xb8;
	[tilespmem:$0x16940] =	vst v63  }
0x65: {  	_ =	swait.ge [sflag:s26], $0x1F40  }
0x66: {  	[sflag:s26] =	ssyncset.done $0x0  }
0x67: {  	s7 =	sadd.s32 $0x300, s25;
	[sflag:s26] =	ssyncadd.s32 $0xFFFFE0C0  }
0x68: {  	[tilespmem:s23], [sflag:$0x3] =	stream.indirect.gather [hbm4b:s1+s17], $0x40, s7, s17, $0xb8;
	[tilespmem:$0x16940] =	vst v63  }
0x69: {  	_ =	swait.ge [sflag:s24], $0x1F40  }
0x6a: {  	[sflag:s24] =	ssyncset.done $0x0  }
0x6b: {  	s7 =	sadd.s32 $0x2A80, s25;
	[sflag:s24] =	ssyncadd.s32 $0xFFFFE0C0  }
0x6c: {  	[spmem:s3] =	stream.indirect.scatter.add.f32 [tilespmem:s20], [sflag:$0x6], $0x40, s7, s17, $0xb8;
	[tilespmem:$0x16940] =	vst v63  }
0x6d: {  	_ =	swait.ge [sflag:s30], $0x1F40  }
0x6e: {  	[sflag:s30] =	ssyncset.done $0x0  }
0x6f: {  	p1 =	seq.s32 s19, $0x9000;
	s7 =	sadd.s32 $0x380, s25;
	[sflag:s30] =	ssyncadd.s32 $0xFFFFE0C0  }
0x70: {  	[tilespmem:s28], [sflag:$0x4] =	stream.indirect.gather [hbm4b:s1+s17], $0x40, s7, s17, $0xb8;
	[tilespmem:$0x16940] =	vst v63  }
.Ltmp2:
0x71: {  	_ = 	snop;
	(pc) =	sbr.rel @p1 .LBB2_4-.Ltmp2, $4  }
0x72: {  	_ =	swait.ge [sflag:s29], $0x1F40  }
0x73: {  	[sflag:s29] =	ssyncset.done $0x0  }
0x74: {  	s5 =	sadd.s32 $0x2B80, s25;
	s7 =	sadd.s32 $0x2B00, s25;
	[sflag:s29] =	ssyncadd.s32 $0xFFFFE0C0  }
0x75: {  	[spmem:s3] =	stream.indirect.scatter.add.f32 [tilespmem:s23], [sflag:$0x7], $0x40, s7, s17, $0xb8;
	[tilespmem:$0x16940] =	vst v63  }
0x76: {  	_ =	swait.ge [sflag:s31], $0x1F40  }
0x77: {  	[sflag:s31] =	ssyncset.done $0x0  }
0x78: {  	s7 =	sadd.s32 $0x400, s25;
	[sflag:s31] =	ssyncadd.s32 $0xFFFFE0C0  }
0x79: {  	[tilespmem:s18], [sflag:$0x1] =	stream.indirect.gather [hbm4b:s1+s17], $0x40, s7, s17, $0xb8;
	[tilespmem:$0x16940] =	vst v63  }
0x7a: {  	_ =	swait.ge [sflag:s0], $0x1F40  }
0x7b: {  	[sflag:s0] =	ssyncset.done $0x0  }
0x7c: {  	[sflag:s0] =	ssyncadd.s32 $0xFFFFE0C0  }
0x7d: {  	[spmem:s3] =	stream.indirect.scatter.add.f32 [tilespmem:s28], [sflag:$0x8], $0x40, s5, s17, $0xb8;
	[tilespmem:$0x16940] =	vst v63  }
.Ltmp3:
0x7e: {  	_ = 	snop;
	(pc) =	sbr.rel .LBB2_2-.Ltmp3, $4  }
0x7f: {  	_ =	swait.ge [sflag:s22], $0x1F40  }
0x80: {  	[sflag:s22] =	ssyncset.done $0x0  }
0x81: {  	s25 =	sadd.s32 $0x480, s25;
	s19 =	sadd.s32 $0x800, s19;
	[sflag:s22] =	ssyncadd.s32 $0xFFFFE0C0  }
0x82: {  	[tilespmem:s20], [sflag:$0x2] =	stream.indirect.gather [hbm4b:s1+s17], $0x40, s25, s17, $0xb8;
	[tilespmem:$0x16940] =	vst v63  }
.LBB2_5:
0x83: {  	_ =	sfence.sel $0x180000  }
0x84: {  	[bflag:$0x0] =	sbarrier.arrive $0xFFFF  }
0x85: {  	_ =	strace $0x9000004A  }
0x86: {  	s0 =	stileid.u32;
	[bflag:$0x2] =	sbarrier.arrive $0xFFFF  }
0x87: {  	p0 =	sne.s32 s0, $0x0;
	s0 =	rddreg [dreg:$0x3]  }
0x88: {  	s0 =	sadd.s32 @!p0 $0x100000, s0  }
0x89: {  	[sflag:s0] =	ssyncadd.tile.s32 @!p0 $0x1;
	_ =	shalt  }
.Lfunc_end2:
_tile_overlayer_lowered:
.L_overlay_start_2:
0x8a: {  	(tag) =	ssettag $0x2  }
0x8b: {  	s0 =	rddreg [dreg:$0x0];
	s2 =	stileid.u32  }
0x8c: {  	s1 =	rddreg [dreg:$0x1];
	p0 =	sne.s32 s2, $0x0  }
0x8d: {  	s3 =	rddreg [dreg:$0x2];
	[bflag:$0x3] =	sbarrier.arrive $0xFFFF;
	s2 =	simm.s32 @!p0 $0x1C09  }
0x8e: {  	[timem:s3], [sflag:s2] =	dma.local @!p0 [hbm:s0], s1  }
0x8f: {  	s0 =	simm.s32 @!p0 $0x9  }
0x90: {  	_ =	swait.ge @!p0 [sflag:s0], s1  }
0x91: {  	s1 =	ssub.s32 @!p0 $0x0, s1;
	[sflag:s0] =	ssyncset.done @!p0 $0x0  }
0x92: {  	[sflag:s0] =	ssyncadd.s32 @!p0 s1  }
0x93: {  	[bflag:$0x3] =	sbarrier.arrive $0xFFFF  }
0x94: {  	_ =	shalt  }

// kernel: kernel.20.cloned.1.call-start
scs
__scs_entry_jumppad:
0x0: {  	(pc) =	sbr.rel $0x88, $3  }
0x1: {  	(tag) =	ssettag $0x0;
	lr =	simm.s32 $0x1  }
0x2: {  	[smem:$0x3F95] =	sst lr;
	_ =	strace $0xD0000000  }
0x3: {  	_ = 	snop  }
0x4: {  	_ = 	snop  }
0x5: {  	_ = 	snop  }
0x6: {  	_ = 	snop  }
0x7: {  	_ = 	snop  }
__scs_overlays_trampoline_lowered:
0x8: {  	[smem:$0x3FA4] =	sst s0  }
0x9: {  	[smem:$0x3FA5] =	sst s1  }
0xa: {  	[smem:$0x3FA6] =	sst s2  }
0xb: {  	[smem:$0x3FA7] =	sst s3  }
0xc: {  	[smem:$0x3FA8] =	sst s4  }
0xd: {  	[smem:$0x3FA9] =	sst s5  }
0xe: {  	[smem:$0x3FAA] =	sst s6  }
0xf: {  	[smem:$0x3FAB] =	sst s7  }
0x10: {  	[smem:$0x3FAC] =	sst s8  }
0x11: {  	[smem:$0x3FAD] =	sst s9;
	s0 =	simm.s32 @!p0 $0x0  }
0x12: {  	s1 =	sld [smem:$0x3F93];
	s0 =	simm.s32 @p0 $0x1  }
0x13: {  	[smem:$0x3FAE] =	sst s0;
	s0 =	simm.s32 @!p1 $0x0  }
0x14: {  	s2 =	sld [smem:$0x3F92];
	s0 =	simm.s32 @p1 $0x1  }
0x15: {  	[smem:$0x3FAF] =	sst s0;
	s0 =	simm.s32 @!p2 $0x0  }
0x16: {  	s3 =	sld [smem:$0x3FDB];
	s0 =	simm.s32 @p2 $0x1  }
0x17: {  	s4 =	simm.s32 $0x1BF5;
	[smem:$0x3FB1] =	sst s0  }
0x18: {  	s0 =	sld [smem:$0x3F94];
	_ =	swait.ge [sflag:s4], $0x0  }
0x19: {  	s7 =	sld [smem:$0x3F95]  }
0x1a: {  	s8 =	sadd.s32 $0xFFFFE003, lr  }
0x1b: {  	s9 =	sadd.s32 $0xFFFFFEF7, lr;
	s5 =	simm.s32 $0xFFFFFFFF;
	p2 =	slt.u32 s8, $0xFFFFF086  }
0x1c: {  	p1 =	slt.u32 s9, $0xF7A;
	s5 =	simm.s32 @!p2 $0x0  }
0x1d: {  	s5 =	simm.s32 @p1 $0x1;
	p0 =	seq.s32 s7, s2  }
0x1e: {  	s7 =	smul.u32 @!p0 $0xF7A, s2;
	p2 =	seq.s32 @!p0 s5, $0x0  }
0x1f: {  	s9 =	smul.u32 $0xF7A, s1;
	s8 =	simm.s32 @!p0 $0x1BF5;
	p2 =	por !p2, p0  }
0x20: {  	[sflag:s8] =	ssyncset.s32 @!p0 $0xFFFFF086;
	s6 =	sadd.s32 @!p0 s3, s7;
	s7 =	simm.s32 @!p0 $0x108  }
0x21: {  	s3 =	sadd.s32 s3, s9;
	s6 =	sadd.s32 @!p0 $0x88, s6;
	s7 =	simm.s32 @p2 $0x1082  }
0x22: {  	[simem:s7], [sflag:s8] =	dma.local @!p0 [hbm:s6], $0xF7A  }
0x23: {  	s9 =	sor.u32 $0xD0000000, s2;
	s6 =	simm.s32 $0x108;
	_ =	swait.ge @!p0 [sflag:s8], $0x0  }
0x24: {  	s3 =	sadd.s32 $0x88, s3;
	s6 =	simm.s32 @!p1 $0x1082;
	[sflag:s4] =	ssyncset.s32 $0xFFFFF086  }
0x25: {  	[simem:s6], [sflag:s4] =	dma.local [hbm:s3], $0xF7A  }
0x26: {  	[smem:$0x3F95] =	sst s1;
	(tag) =	ssettag s2;
	_ =	strace s9  }
0x27: {  	s1 =	sld [smem:$0x3FA5]  }
0x28: {  	s2 =	sld [smem:$0x3FA6]  }
0x29: {  	s4 =	sld [smem:$0x3FA8]  }
0x2a: {  	p0 =	seq.s32 s5, $0x0;
	s5 =	sld [smem:$0x3FA9]  }
0x2b: {  	s6 =	sld [smem:$0x3FAA]  }
0x2c: {  	s7 =	sld [smem:$0x3FAB]  }
0x2d: {  	s3 =	simm.s32 $0x108;
	s8 =	sld [smem:$0x3FAC]  }
0x2e: {  	s3 =	simm.s32 @!p0 $0x1082;
	s9 =	sld [smem:$0x3FAD]  }
0x2f: {  	lr =	sadd.s32 s0, s3;
	s0 =	sld [smem:$0x3FA4]  }
0x30: {  	s3 =	sld [smem:$0x3FA7]  }
0x31: {  	[smem:$0x3FB0] =	sst s10  }
0x32: {  	s10 =	sld [smem:$0x3FAE];
	_ =	sdelay $0x3  }
0x33: {  	p0 =	seq.s32 s10, $0x1;
	s10 =	sld [smem:$0x3FB0];
	_ =	sdelay $0x3  }
0x34: {  	[smem:$0x3FB0] =	sst s10  }
0x35: {  	s10 =	sld [smem:$0x3FAF];
	_ =	sdelay $0x3  }
0x36: {  	p1 =	seq.s32 s10, $0x1;
	s10 =	sld [smem:$0x3FB0];
	_ =	sdelay $0x3  }
0x37: {  	[smem:$0x3FB0] =	sst s10  }
0x38: {  	s10 =	sld [smem:$0x3FB1]  }
0x39: {  	_ = 	snop;
	(pc) =	sbr.ind lr, $3  }
0x3a: {  	_ = 	snop  }
0x3b: {  	_ = 	snop  }
0x3c: {  	p2 =	seq.s32 s10, $0x1;
	s10 =	sld [smem:$0x3FB0]  }
0x3d: {  	_ =	shalt  }
0x3e: {  	_ =	shalt  }
0x3f: {  	_ =	shalt  }
0x40: {  	_ =	shalt  }
0x41: {  	_ =	shalt  }
0x42: {  	_ =	shalt  }
0x43: {  	_ =	shalt  }
0x44: {  	_ =	shalt  }
0x45: {  	_ =	shalt  }
0x46: {  	_ =	shalt  }
0x47: {  	_ =	shalt  }
0x48: {  	_ =	shalt  }
0x49: {  	_ =	shalt  }
0x4a: {  	_ =	shalt  }
0x4b: {  	_ =	shalt  }
0x4c: {  	_ =	shalt  }
0x4d: {  	_ =	shalt  }
0x4e: {  	_ =	shalt  }
0x4f: {  	_ =	shalt  }
0x50: {  	_ =	shalt  }
0x51: {  	_ =	shalt  }
0x52: {  	_ =	shalt  }
0x53: {  	_ =	shalt  }
0x54: {  	_ =	shalt  }
0x55: {  	_ =	shalt  }
0x56: {  	_ =	shalt  }
0x57: {  	_ =	shalt  }
0x58: {  	_ =	shalt  }
0x59: {  	_ =	shalt  }
0x5a: {  	_ =	shalt  }
0x5b: {  	_ =	shalt  }
0x5c: {  	_ =	shalt  }
0x5d: {  	_ =	shalt  }
0x5e: {  	_ =	shalt  }
0x5f: {  	_ =	shalt  }
0x60: {  	_ =	shalt  }
0x61: {  	_ =	shalt  }
0x62: {  	_ =	shalt  }
0x63: {  	_ =	shalt  }
0x64: {  	_ =	shalt  }
0x65: {  	_ =	shalt  }
0x66: {  	_ =	shalt  }
0x67: {  	_ =	shalt  }
0x68: {  	_ =	shalt  }
0x69: {  	_ =	shalt  }
0x6a: {  	_ =	shalt  }
0x6b: {  	_ =	shalt  }
0x6c: {  	_ =	shalt  }
0x6d: {  	_ =	shalt  }
0x6e: {  	_ =	shalt  }
0x6f: {  	_ =	shalt  }
0x70: {  	_ =	shalt  }
0x71: {  	_ =	shalt  }
0x72: {  	_ =	shalt  }
0x73: {  	_ =	shalt  }
0x74: {  	_ =	shalt  }
0x75: {  	_ =	shalt  }
0x76: {  	_ =	shalt  }
0x77: {  	_ =	shalt  }
0x78: {  	_ =	shalt  }
0x79: {  	_ =	shalt  }
0x7a: {  	_ =	shalt  }
0x7b: {  	_ =	shalt  }
0x7c: {  	_ =	shalt  }
0x7d: {  	_ =	shalt  }
0x7e: {  	_ =	shalt  }
0x7f: {  	_ =	shalt  }
0x80: {  	_ =	shalt  }
0x81: {  	_ =	shalt  }
0x82: {  	_ =	shalt  }
0x83: {  	_ =	shalt  }
0x84: {  	_ =	shalt  }
0x85: {  	_ =	shalt  }
0x86: {  	_ =	shalt  }
0x87: {  	_ =	shalt  }
.Lfunc_end0:
.L_simem_size_0:
called_computation.2_lowered:
.L_overlay_start_0:
0x88: {  	s2 =	sld [smem:$0x3FD9]  }
0x89: {  	s3 =	sld [smem:$0x3FFE];
	_ =	sdelay $0x1  }
0x8a: {  	s1 =	srdreg.scid  }
0x8b: {  	s0 =	sand.u32 $0x1, s1  }
0x8c: {  	s14 =	sshll.u32 s0, $0xA;
	s2 =	sadd.s32 s3, s2  }
0x8d: {  	s2 =	sadd.s32 s2, s14  }
0x8e: {  	[smem:$0x3FBC] =	sst s2  }
0x8f: {  	_ = 	snop  }
0x90: {  	s2 =	sld [smem:$0x3FD0];
	_ =	sdelay $0x2  }
0x91: {  	s15 =	simm.s32 $0xA;
	s4 =	simm.s32 $0x10  }
0x92: {  	[smem:s4], [sflag:s15] =	dma.local [hbm:s2], $0x1  }
0x93: {  	_ =	swait.eq [sflag:s15], $0x1  }
0x94: {  	[sflag:s15] =	ssyncset.done $0x0  }
0x95: {  	[sflag:s15] =	ssyncadd.s32 $0xFFFFFFFF  }
0x96: {  	s16 =	sld [smem:$0x12];
	(tm) =	ssettm $0x1  }
0x97: {  	s17 =	sld [smem:$0x3FFB];
	_ =	sdelay $0x3  }
0x98: {  	_ =	strace s17  }
0x99: {  	s3 =	sld [smem:$0x3FFC];
	_ =	sdelay $0x3  }
0x9a: {  	_ =	strace s3  }
0x9b: {  	s3 =	sld [smem:$0x3FFD];
	_ =	sdelay $0x3  }
0x9c: {  	_ =	strace s3  }
0x9d: {  	_ =	strace $0x8FFFFFFF  }
0x9e: {  	s18 =	sld [smem:$0x3FDB];
	_ =	sdelay $0x1  }
0x9f: {  	s19 =	simm.s32 $_scs_section_size  }
0xa0: {  	s5 =	simm.s32 $_size__tile_overlayer_lowered;
	s6 =	simm.s32 $_tile_overlayer_lowered  }
0xa1: {  	s22 =	simm.s32 $0x1BFF;
	s21 =	sshll.u32 s6, $0x1;
	s3 =	sadd.s32 s19, s18  }
0xa2: {  	s7 =	simm.s32 $0x0;
	s20 =	sshll.u32 s5, $0x1;
	s5 =	sadd.s32 s21, s3  }
0xa3: {  	[timem:s7], [sflag:s22] =	dma.local [hbm:s5], s20  }
0xa4: {  	_ =	swait.ge [sflag:s22], s20  }
0xa5: {  	s4 =	ssub.s32 $0x0, s20;
	[sflag:s22] =	ssyncset.done $0x0  }
0xa6: {  	[sflag:s22] =	ssyncadd.s32 s4;
	_ =	sdelay $0x1  }
0xa7: {  	s23 =	simm.s32 $0x1B8B  }
0xa8: {  	_ =	swait.ge [sflag:s23], $0x1  }
0xa9: {  	[sflag:s23] =	ssyncset.done $0x0  }
0xaa: {  	s25 =	simm.s32 $0x1B8E;
	s24 =	sld [smem:$0x3FFE];
	[sflag:s23] =	ssyncadd.s32 $0xFFFFFFFF  }
0xab: {  	s26 =	simm.s32 $execute0_lowered;
	[smem:$0x3FD2] =	sst s25  }
0xac: {  	s5 =	sshll.u32 s26, $0x1;
	_ =	strace $0x8000004C;
	[dreg:$0x1] =	wrdreg $0xFFFFFFFF  }
0xad: {  	s28 =	simm.s32 $_size_execute0_lowered;
	s3 =	sadd.s32 s3, s5;
	[dreg:$0x0] =	wrdreg $0x0  }
0xae: {  	s5 =	sshll.u32 s28, $0x1;
	[dreg:$0x2] =	wrdreg s3  }
0xaf: {  	[dreg:$0x3] =	wrdreg s5  }
0xb0: {  	[dreg:$0x4] =	wrdreg $0xC0  }
0xb1: {  	_ =	task [dreg:s7], $0x5FFFF  }
0xb2: {  	[dreg:$0x1] =	wrdreg $0xFFFFFFFF  }
0xb3: {  	[dreg:$0x0] =	wrdreg $0x60  }
0xb4: {  	[dreg:$0x2] =	wrdreg s16  }
0xb5: {  	[dreg:$0x3] =	wrdreg s24  }
0xb6: {  	[dreg:$0x4] =	wrdreg $0x8E800  }
0xb7: {  	[dreg:$0x5] =	wrdreg $0x9  }
0xb8: {  	_ =	task.clear_ibuf [dreg:s7], $0x6FFFF;
	_ =	strace $0x9000004C  }
0xb9: {  	s29 =	simm.s32 $0x9;
	_ =	strace $0x8000004E  }
0xba: {  	_ =	swait.ge [sflag:s29], $0x1  }
0xbb: {  	[sflag:s29] =	ssyncadd.s32 $0xFFFFFFFF  }
0xbc: {  	_ =	strace $0x9000004E  }
0xbd: {  	_ =	sfence  }
0xbe: {  	s30 =	sld [smem:$0x0];
	_ =	sdelay $0x2  }
0xbf: {  	s31 =	sshll.u32 s1, $0xD;
	s1 =	sshrl.u32 s1, $0x2  }
0xc0: {  	s3 =	sand.u32 $0x4000, s31;
	s1 =	sadd.s32 s1, s30  }
0xc1: {  	s0 =	sor.u32 s3, s0;
	s1 =	sshll.u32 s1, $0x11  }
0xc2: {  	s0 =	sor.u32 s1, s0  }
0xc3: {  	s0 =	sadd.s32 $0x8F2B, s0  }
0xc4: {  	[sflag:s0] =	ssyncadd.remote.s32 $0x1  }
0xc5: {  	_ =	sfence.sel $0xFFFF  }
0xc6: {  	[dreg:$0x0] =	wrdreg $0xFFFFFFFF;
	(pc) =	sbr.abs _section_cstart, $3  }
0xc7: {  	[dreg:$0x1] =	wrdreg $0xFFFFFFFF  }
0xc8: {  	_ =	task.clear_ibuf [dreg:s7], $0x2FFFF;
	_ =	strace $0x9FFFFFFF  }
0xc9: {  	(tm) =	ssettm $0x7FFFFFFF  }
tec
execute0_lowered:
.L_overlay_start_1:
0x0: {  	(tag) =	ssettag $0x1  }
0x1: {  	s1 =	rddreg [dreg:$0x0]  }
0x2: {  	s0 =	srdreg.scid;
	s2 =	rddreg [dreg:$0x1]  }
0x3: {  	s14 =	stileid.u32;
	s3 =	rddreg [dreg:$0x2]  }
0x4: {  	s16 =	simm.s32 $0x2800;
	s17 =	simm.s32 $0x7D;
	s18 =	simm.s32 $0x5000  }
0x5: {  	s20 =	simm.s32 $0x5FA0;
	s21 =	simm.s32 $0x1;
	s23 =	simm.s32 $0x6F40  }
0x6: {  	s24 =	simm.s32 $0x2;
	s28 =	simm.s32 $0x7EE0;
	s29 =	simm.s32 $0x3  }
0x7: {  	s31 =	simm.s32 $0x5;
	s22 =	simm.s32 $0x6;
	s30 =	simm.s32 $0x8  }
0x8: {  	s0 =	sand.u32 $0x1, s0;
	s4 =	sshll.u32 s14, $0x1;
	s9 =	smul.u32 $0x4E00, s14  }
0x9: {  	s10 =	sadd.s32 $0x36400, s2;
	s25 =	sshll.u32 s14, $0x6;
	s15 =	sadd.s32 $0x4E000, s3  }
0xa: {  	p0 =	sne.s32 s14, $0xF;
	s14 =	simm.s32 $0x9;
	s5 =	sor.u32 s0, s4  }
0xb: {  	s4 =	simm.s32 $0x0;
	s7 =	ssub.s32 $0x2, s0;
	s0 =	smul.u32 $0x4E200, s0  }
0xc: {  	s15 =	sshrl.u32 @!p0 s15, $0x3;
	s5 =	smul.u32 $0x2800, s5;
	[smem:$0x7FF] =	sst s4  }
0xd: {  	s6 =	sshrl.u32 s9, $0x3;
	s8 =	sshrl.u32 s7, $0x1;
	s13 =	sadd.s32 s9, s3  }
0xe: {  	_ =	strace $0x8000004D;
	s6 =	sadd.s32 s6, s2;
	s12 =	ssub.s32 s7, s8  }
0xf: {  	s26 =	sadd.s32 s9, s0;
	s0 =	sshrl.u32 s0, $0x3;
	s13 =	sshrl.u32 s13, $0x3  }
0x10: {  	s5 =	sshrl.u32 s5, $0x3;
	s6 =	sadd.s32 $0x2C600, s6;
	s0 =	sadd.s32 s10, s0  }
.Ltmp0:
0x11: {  	s12 =	smax.u32 s12, $0x1;
	s5 =	sadd.s32 s5, s2;
	(pc) =	sbr.rel .LBB2_1-.Ltmp0, $4  }
0x12: {  	[dreg:$0x4] =	wrdreg s6;
	s6 =	sor.u32 $0x1C09, s25;
	s2 =	sadd.s32 $0x36200, s2  }
0x13: {  	s11 =	sadd.s32 $0x9C00, s0;
	s0 =	simm.s32 $0x4;
	[dreg:$0x5] =	wrdreg s2  }
0x14: {  	s8 =	sadd.s32 $0x4C00, s5;
	s9 =	sadd.s32 $0xEC00, s5;
	s2 =	sshrl.u32 s26, $0x3  }
0x15: {  	s26 =	simm.s32 $0x7;
	s10 =	sadd.s32 s10, s2;
	s2 =	simm.s32 $0x0  }
.LBB2_4:
0x16: {  	_ =	swait.ge [sflag:s0], $0xFA0  }
0x17: {  	[sflag:s0] =	ssyncset.done $0x0  }
0x18: {  	[sflag:s0] =	ssyncadd.s32 $0xFFFFF060  }
0x19: {  	[spmem:s3] =	stream.indirect.scatter.add.f32 [tilespmem:s28], [sflag:$0x8], $0x20, s5, s17, $0xb8;
	[tilespmem:$0xDCA0] =	vst v63  }
0x1a: {  	_ =	swait.ge [sflag:s31], $0xFA0  }
0x1b: {  	[sflag:s31] =	ssyncset.done $0x0  }
0x1c: {  	[sflag:s31] =	ssyncadd.s32 $0xFFFFF060  }
0x1d: {  	_ =	swait.ge [sflag:s22], $0xFA0  }
0x1e: {  	[sflag:s22] =	ssyncset.done $0x0  }
0x1f: {  	[sflag:s22] =	ssyncadd.s32 $0xFFFFF060  }
0x20: {  	_ =	swait.ge [sflag:s26], $0xFA0  }
0x21: {  	[sflag:s26] =	ssyncset.done $0x0  }
0x22: {  	[sflag:s26] =	ssyncadd.s32 $0xFFFFF060  }
0x23: {  	_ =	swait.ge [sflag:s30], $0xFA0  }
0x24: {  	[sflag:s30] =	ssyncset.done $0x0  }
0x25: {  	[sflag:s30] =	ssyncadd.s32 $0xFFFFF060  }
0x26: {  	[bflag:$0x0] =	sbarrier.arrive $0xFFFF  }
0x27: {  	[hbm:s10], [sflag:s6] =	dma.local [spmem:s13], $0x9C0  }
0x28: {  	s2 =	sadd.s32 $0x1, s2;
	_ =	swait.ge [sflag:s14], $0x9C0  }
0x29: {  	p1 =	sne.s32 s2, s12;
	[sflag:s14] =	ssyncset.done $0x0  }
.Ltmp1:
0x2a: {  	s5 =	simm.s32 @!p0 $0x9;
	[sflag:s14] =	ssyncadd.s32 $0xFFFFF640;
	(pc) =	sbr.rel @!p1 .LBB2_5-.Ltmp1, $4  }
0x2b: {  	[hbm:s11], [sflag:s6] =	dma.local @!p0 [spmem:s15], $0x40  }
0x2c: {  	_ =	swait.ge @!p0 [sflag:s5], $0x40  }
0x2d: {  	[sflag:s5] =	ssyncset.done @!p0 $0x0  }
0x2e: {  	[sflag:s5] =	ssyncadd.s32 @!p0 $0xFFFFFFC0  }
.LBB2_1:
0x2f: {  	s5 =	rddreg [dreg:$0x4]  }
0x30: {  	[spmem:s13], [sflag:s6] =	dma.local [hbm:s5], $0x9C0  }
0x31: {  	_ =	swait.ge [sflag:s14], $0x9C0  }
0x32: {  	[sflag:s14] =	ssyncset.done $0x0  }
0x33: {  	s5 =	rddreg [dreg:$0x5];
	[sflag:s14] =	ssyncadd.s32 $0xFFFFF640  }
0x34: {  	[spmem:s15], [sflag:s6] =	dma.local @!p0 [hbm:s5], $0x40  }
0x35: {  	s5 =	simm.s32 @!p0 $0x9  }
0x36: {  	_ =	swait.ge @!p0 [sflag:s5], $0x40  }
0x37: {  	[sflag:s5] =	ssyncset.done @!p0 $0x0  }
0x38: {  	[sflag:s5] =	ssyncadd.s32 @!p0 $0xFFFFFFC0  }
0x39: {  	[tilespmem:s4], [sflag:$0x9] =	stream.linear.gather [hbm4b:s8+s4], $0x2800, $0x38;
	[tilespmem:$0xDCA0] =	vst v63  }
0x3a: {  	_ =	swait.ge [sflag:s14], $0x2800  }
0x3b: {  	[sflag:s14] =	ssyncset.done $0x0  }
0x3c: {  	[sflag:s14] =	ssyncadd.s32 $0xFFFFD800  }
0x3d: {  	[tilespmem:s16], [sflag:$0x9] =	stream.linear.gather [hbm4b:s9+s4], $0x2800, $0x38;
	[tilespmem:$0xDCA0] =	vst v63  }
0x3e: {  	_ =	swait.ge [sflag:s14], $0x2800  }
0x3f: {  	[sflag:s14] =	ssyncset.done $0x0  }
0x40: {  	[sflag:s14] =	ssyncadd.s32 $0xFFFFD800  }
0x41: {  	[bflag:$0x0] =	sbarrier.arrive $0xFFFF  }
0x42: {  	[tilespmem:s18], [sflag:$0x1] =	stream.indirect.gather [hbm4b:s1+s17], $0x20, s4, s17, $0xb8;
	[tilespmem:$0xDCA0] =	vst v63  }
0x43: {  	s19 =	simm.s32 $0x80  }
0x44: {  	[tilespmem:s20], [sflag:$0x2] =	stream.indirect.gather [hbm4b:s1+s17], $0x20, s19, s17, $0xb8;
	[tilespmem:$0xDCA0] =	vst v63  }
0x45: {  	_ =	swait.ge [sflag:s21], $0xFA0  }
0x46: {  	[sflag:s21] =	ssyncset.done $0x0  }
0x47: {  	[sflag:s21] =	ssyncadd.s32 $0xFFFFF060  }
0x48: {  	[spmem:s3] =	stream.indirect.scatter.add.f32 [tilespmem:s18], [sflag:$0x5], $0x20, s16, s17, $0xb8;
	[tilespmem:$0xDCA0] =	vst v63  }
0x49: {  	s25 =	simm.s32 $0x100  }
0x4a: {  	[tilespmem:s23], [sflag:$0x3] =	stream.indirect.gather [hbm4b:s1+s17], $0x20, s25, s17, $0xb8;
	[tilespmem:$0xDCA0] =	vst v63  }
0x4b: {  	_ =	swait.ge [sflag:s24], $0xFA0  }
0x4c: {  	[sflag:s24] =	ssyncset.done $0x0  }
0x4d: {  	s7 =	simm.s32 $0x2880;
	[sflag:s24] =	ssyncadd.s32 $0xFFFFF060  }
0x4e: {  	[spmem:s3] =	stream.indirect.scatter.add.f32 [tilespmem:s20], [sflag:$0x6], $0x20, s7, s17, $0xb8;
	[tilespmem:$0xDCA0] =	vst v63  }
0x4f: {  	s19 =	simm.s32 $0x180  }
0x50: {  	[tilespmem:s28], [sflag:$0x4] =	stream.indirect.gather [hbm4b:s1+s17], $0x20, s19, s17, $0xb8;
	[tilespmem:$0xDCA0] =	vst v63  }
0x51: {  	_ =	swait.ge [sflag:s29], $0xFA0  }
0x52: {  	[sflag:s29] =	ssyncset.done $0x0  }
0x53: {  	s25 =	simm.s32 $0x2900;
	[sflag:s29] =	ssyncadd.s32 $0xFFFFF060  }
0x54: {  	[spmem:s3] =	stream.indirect.scatter.add.f32 [tilespmem:s23], [sflag:$0x7], $0x20, s25, s17, $0xb8;
	[tilespmem:$0xDCA0] =	vst v63  }
0x55: {  	_ =	swait.ge [sflag:s31], $0xFA0  }
0x56: {  	[sflag:s31] =	ssyncset.done $0x0  }
0x57: {  	s7 =	simm.s32 $0x200;
	[sflag:s31] =	ssyncadd.s32 $0xFFFFF060  }
0x58: {  	[tilespmem:s18], [sflag:$0x1] =	stream.indirect.gather [hbm4b:s1+s17], $0x20, s7, s17, $0xb8;
	[tilespmem:$0xDCA0] =	vst v63  }
0x59: {  	_ =	swait.ge [sflag:s0], $0xFA0  }
0x5a: {  	[sflag:s0] =	ssyncset.done $0x0  }
0x5b: {  	s19 =	simm.s32 $0x2980;
	[sflag:s0] =	ssyncadd.s32 $0xFFFFF060  }
0x5c: {  	[spmem:s3] =	stream.indirect.scatter.add.f32 [tilespmem:s28], [sflag:$0x8], $0x20, s19, s17, $0xb8;
	[tilespmem:$0xDCA0] =	vst v63  }
0x5d: {  	_ =	swait.ge [sflag:s22], $0xFA0  }
0x5e: {  	[sflag:s22] =	ssyncset.done $0x0  }
0x5f: {  	s25 =	simm.s32 $0x280;
	s19 =	simm.s32 $0x0;
	[sflag:s22] =	ssyncadd.s32 $0xFFFFF060  }
0x60: {  	[tilespmem:s20], [sflag:$0x2] =	stream.indirect.gather [hbm4b:s1+s17], $0x20, s25, s17, $0xb8;
	[tilespmem:$0xDCA0] =	vst v63  }
.LBB2_2:
0x61: {  	_ =	swait.ge [sflag:s21], $0xFA0  }
0x62: {  	s25 =	sshra.s32 s19, $0x2;
	[sflag:s21] =	ssyncset.done $0x0  }
0x63: {  	s5 =	sadd.s32 $0x2A00, s25;
	[sflag:s21] =	ssyncadd.s32 $0xFFFFF060  }
0x64: {  	[spmem:s3] =	stream.indirect.scatter.add.f32 [tilespmem:s18], [sflag:$0x5], $0x20, s5, s17, $0xb8;
	[tilespmem:$0xDCA0] =	vst v63  }
0x65: {  	_ =	swait.ge [sflag:s26], $0xFA0  }
0x66: {  	[sflag:s26] =	ssyncset.done $0x0  }
0x67: {  	s7 =	sadd.s32 $0x300, s25;
	[sflag:s26] =	ssyncadd.s32 $0xFFFFF060  }
0x68: {  	[tilespmem:s23], [sflag:$0x3] =	stream.indirect.gather [hbm4b:s1+s17], $0x20, s7, s17, $0xb8;
	[tilespmem:$0xDCA0] =	vst v63  }
0x69: {  	_ =	swait.ge [sflag:s24], $0xFA0  }
0x6a: {  	[sflag:s24] =	ssyncset.done $0x0  }
0x6b: {  	s7 =	sadd.s32 $0x2A80, s25;
	[sflag:s24] =	ssyncadd.s32 $0xFFFFF060  }
0x6c: {  	[spmem:s3] =	stream.indirect.scatter.add.f32 [tilespmem:s20], [sflag:$0x6], $0x20, s7, s17, $0xb8;
	[tilespmem:$0xDCA0] =	vst v63  }
0x6d: {  	_ =	swait.ge [sflag:s30], $0xFA0  }
0x6e: {  	[sflag:s30] =	ssyncset.done $0x0  }
0x6f: {  	p1 =	seq.s32 s19, $0x9000;
	s7 =	sadd.s32 $0x380, s25;
	[sflag:s30] =	ssyncadd.s32 $0xFFFFF060  }
0x70: {  	[tilespmem:s28], [sflag:$0x4] =	stream.indirect.gather [hbm4b:s1+s17], $0x20, s7, s17, $0xb8;
	[tilespmem:$0xDCA0] =	vst v63  }
.Ltmp2:
0x71: {  	_ = 	snop;
	(pc) =	sbr.rel @p1 .LBB2_4-.Ltmp2, $4  }
0x72: {  	_ =	swait.ge [sflag:s29], $0xFA0  }
0x73: {  	[sflag:s29] =	ssyncset.done $0x0  }
0x74: {  	s5 =	sadd.s32 $0x2B80, s25;
	s7 =	sadd.s32 $0x2B00, s25;
	[sflag:s29] =	ssyncadd.s32 $0xFFFFF060  }
0x75: {  	[spmem:s3] =	stream.indirect.scatter.add.f32 [tilespmem:s23], [sflag:$0x7], $0x20, s7, s17, $0xb8;
	[tilespmem:$0xDCA0] =	vst v63  }
0x76: {  	_ =	swait.ge [sflag:s31], $0xFA0  }
0x77: {  	[sflag:s31] =	ssyncset.done $0x0  }
0x78: {  	s7 =	sadd.s32 $0x400, s25;
	[sflag:s31] =	ssyncadd.s32 $0xFFFFF060  }
0x79: {  	[tilespmem:s18], [sflag:$0x1] =	stream.indirect.gather [hbm4b:s1+s17], $0x20, s7, s17, $0xb8;
	[tilespmem:$0xDCA0] =	vst v63  }
0x7a: {  	_ =	swait.ge [sflag:s0], $0xFA0  }
0x7b: {  	[sflag:s0] =	ssyncset.done $0x0  }
0x7c: {  	[sflag:s0] =	ssyncadd.s32 $0xFFFFF060  }
0x7d: {  	[spmem:s3] =	stream.indirect.scatter.add.f32 [tilespmem:s28], [sflag:$0x8], $0x20, s5, s17, $0xb8;
	[tilespmem:$0xDCA0] =	vst v63  }
.Ltmp3:
0x7e: {  	_ = 	snop;
	(pc) =	sbr.rel .LBB2_2-.Ltmp3, $4  }
0x7f: {  	_ =	swait.ge [sflag:s22], $0xFA0  }
0x80: {  	[sflag:s22] =	ssyncset.done $0x0  }
0x81: {  	s25 =	sadd.s32 $0x480, s25;
	s19 =	sadd.s32 $0x800, s19;
	[sflag:s22] =	ssyncadd.s32 $0xFFFFF060  }
0x82: {  	[tilespmem:s20], [sflag:$0x2] =	stream.indirect.gather [hbm4b:s1+s17], $0x20, s25, s17, $0xb8;
	[tilespmem:$0xDCA0] =	vst v63  }
.LBB2_5:
0x83: {  	_ =	sfence.sel $0x180000  }
0x84: {  	[bflag:$0x0] =	sbarrier.arrive $0xFFFF  }
0x85: {  	_ =	strace $0x9000004D  }
0x86: {  	s0 =	stileid.u32;
	[bflag:$0x2] =	sbarrier.arrive $0xFFFF  }
0x87: {  	p0 =	sne.s32 s0, $0x0;
	s0 =	rddreg [dreg:$0x3]  }
0x88: {  	s0 =	sadd.s32 @!p0 $0x100000, s0  }
0x89: {  	[sflag:s0] =	ssyncadd.tile.s32 @!p0 $0x1;
	_ =	shalt  }
.Lfunc_end2:
_tile_overlayer_lowered:
.L_overlay_start_2:
0x8a: {  	(tag) =	ssettag $0x2  }
0x8b: {  	s0 =	rddreg [dreg:$0x0];
	s2 =	stileid.u32  }
0x8c: {  	s1 =	rddreg [dreg:$0x1];
	p0 =	sne.s32 s2, $0x0  }
0x8d: {  	s3 =	rddreg [dreg:$0x2];
	[bflag:$0x3] =	sbarrier.arrive $0xFFFF;
	s2 =	simm.s32 @!p0 $0x1C09  }
0x8e: {  	[timem:s3], [sflag:s2] =	dma.local @!p0 [hbm:s0], s1  }
0x8f: {  	s0 =	simm.s32 @!p0 $0x9  }
0x90: {  	_ =	swait.ge @!p0 [sflag:s0], s1  }
0x91: {  	s1 =	ssub.s32 @!p0 $0x0, s1;
	[sflag:s0] =	ssyncset.done @!p0 $0x0  }
0x92: {  	[sflag:s0] =	ssyncadd.s32 @!p0 s1  }
0x93: {  	[bflag:$0x3] =	sbarrier.arrive $0xFFFF  }
0x94: {  	_ =	shalt  }

// kernel: kernel.23.cloned.1.call-start
scs
__scs_entry_jumppad:
0x0: {  	(pc) =	sbr.rel $0x88, $3  }
0x1: {  	(tag) =	ssettag $0x0;
	lr =	simm.s32 $0x1  }
0x2: {  	[smem:$0x3F95] =	sst lr;
	_ =	strace $0xD0000000  }
0x3: {  	_ = 	snop  }
0x4: {  	_ = 	snop  }
0x5: {  	_ = 	snop  }
0x6: {  	_ = 	snop  }
0x7: {  	_ = 	snop  }
__scs_overlays_trampoline_lowered:
0x8: {  	[smem:$0x3FA4] =	sst s0  }
0x9: {  	[smem:$0x3FA5] =	sst s1  }
0xa: {  	[smem:$0x3FA6] =	sst s2  }
0xb: {  	[smem:$0x3FA7] =	sst s3  }
0xc: {  	[smem:$0x3FA8] =	sst s4  }
0xd: {  	[smem:$0x3FA9] =	sst s5  }
0xe: {  	[smem:$0x3FAA] =	sst s6  }
0xf: {  	[smem:$0x3FAB] =	sst s7  }
0x10: {  	[smem:$0x3FAC] =	sst s8  }
0x11: {  	[smem:$0x3FAD] =	sst s9;
	s0 =	simm.s32 @!p0 $0x0  }
0x12: {  	s1 =	sld [smem:$0x3F93];
	s0 =	simm.s32 @p0 $0x1  }
0x13: {  	[smem:$0x3FAE] =	sst s0;
	s0 =	simm.s32 @!p1 $0x0  }
0x14: {  	s2 =	sld [smem:$0x3F92];
	s0 =	simm.s32 @p1 $0x1  }
0x15: {  	[smem:$0x3FAF] =	sst s0;
	s0 =	simm.s32 @!p2 $0x0  }
0x16: {  	s3 =	sld [smem:$0x3FDB];
	s0 =	simm.s32 @p2 $0x1  }
0x17: {  	s4 =	simm.s32 $0x1BF5;
	[smem:$0x3FB1] =	sst s0  }
0x18: {  	s0 =	sld [smem:$0x3F94];
	_ =	swait.ge [sflag:s4], $0x0  }
0x19: {  	s7 =	sld [smem:$0x3F95]  }
0x1a: {  	s8 =	sadd.s32 $0xFFFFE003, lr  }
0x1b: {  	s9 =	sadd.s32 $0xFFFFFEF7, lr;
	s5 =	simm.s32 $0xFFFFFFFF;
	p2 =	slt.u32 s8, $0xFFFFF086  }
0x1c: {  	p1 =	slt.u32 s9, $0xF7A;
	s5 =	simm.s32 @!p2 $0x0  }
0x1d: {  	s5 =	simm.s32 @p1 $0x1;
	p0 =	seq.s32 s7, s2  }
0x1e: {  	s7 =	smul.u32 @!p0 $0xF7A, s2;
	p2 =	seq.s32 @!p0 s5, $0x0  }
0x1f: {  	s9 =	smul.u32 $0xF7A, s1;
	s8 =	simm.s32 @!p0 $0x1BF5;
	p2 =	por !p2, p0  }
0x20: {  	[sflag:s8] =	ssyncset.s32 @!p0 $0xFFFFF086;
	s6 =	sadd.s32 @!p0 s3, s7;
	s7 =	simm.s32 @!p0 $0x108  }
0x21: {  	s3 =	sadd.s32 s3, s9;
	s6 =	sadd.s32 @!p0 $0x88, s6;
	s7 =	simm.s32 @p2 $0x1082  }
0x22: {  	[simem:s7], [sflag:s8] =	dma.local @!p0 [hbm:s6], $0xF7A  }
0x23: {  	s9 =	sor.u32 $0xD0000000, s2;
	s6 =	simm.s32 $0x108;
	_ =	swait.ge @!p0 [sflag:s8], $0x0  }
0x24: {  	s3 =	sadd.s32 $0x88, s3;
	s6 =	simm.s32 @!p1 $0x1082;
	[sflag:s4] =	ssyncset.s32 $0xFFFFF086  }
0x25: {  	[simem:s6], [sflag:s4] =	dma.local [hbm:s3], $0xF7A  }
0x26: {  	[smem:$0x3F95] =	sst s1;
	(tag) =	ssettag s2;
	_ =	strace s9  }
0x27: {  	s1 =	sld [smem:$0x3FA5]  }
0x28: {  	s2 =	sld [smem:$0x3FA6]  }
0x29: {  	s4 =	sld [smem:$0x3FA8]  }
0x2a: {  	p0 =	seq.s32 s5, $0x0;
	s5 =	sld [smem:$0x3FA9]  }
0x2b: {  	s6 =	sld [smem:$0x3FAA]  }
0x2c: {  	s7 =	sld [smem:$0x3FAB]  }
0x2d: {  	s3 =	simm.s32 $0x108;
	s8 =	sld [smem:$0x3FAC]  }
0x2e: {  	s3 =	simm.s32 @!p0 $0x1082;
	s9 =	sld [smem:$0x3FAD]  }
0x2f: {  	lr =	sadd.s32 s0, s3;
	s0 =	sld [smem:$0x3FA4]  }
0x30: {  	s3 =	sld [smem:$0x3FA7]  }
0x31: {  	[smem:$0x3FB0] =	sst s10  }
0x32: {  	s10 =	sld [smem:$0x3FAE];
	_ =	sdelay $0x3  }
0x33: {  	p0 =	seq.s32 s10, $0x1;
	s10 =	sld [smem:$0x3FB0];
	_ =	sdelay $0x3  }
0x34: {  	[smem:$0x3FB0] =	sst s10  }
0x35: {  	s10 =	sld [smem:$0x3FAF];
	_ =	sdelay $0x3  }
0x36: {  	p1 =	seq.s32 s10, $0x1;
	s10 =	sld [smem:$0x3FB0];
	_ =	sdelay $0x3  }
0x37: {  	[smem:$0x3FB0] =	sst s10  }
0x38: {  	s10 =	sld [smem:$0x3FB1]  }
0x39: {  	_ = 	snop;
	(pc) =	sbr.ind lr, $3  }
0x3a: {  	_ = 	snop  }
0x3b: {  	_ = 	snop  }
0x3c: {  	p2 =	seq.s32 s10, $0x1;
	s10 =	sld [smem:$0x3FB0]  }
0x3d: {  	_ =	shalt  }
0x3e: {  	_ =	shalt  }
0x3f: {  	_ =	shalt  }
0x40: {  	_ =	shalt  }
0x41: {  	_ =	shalt  }
0x42: {  	_ =	shalt  }
0x43: {  	_ =	shalt  }
0x44: {  	_ =	shalt  }
0x45: {  	_ =	shalt  }
0x46: {  	_ =	shalt  }
0x47: {  	_ =	shalt  }
0x48: {  	_ =	shalt  }
0x49: {  	_ =	shalt  }
0x4a: {  	_ =	shalt  }
0x4b: {  	_ =	shalt  }
0x4c: {  	_ =	shalt  }
0x4d: {  	_ =	shalt  }
0x4e: {  	_ =	shalt  }
0x4f: {  	_ =	shalt  }
0x50: {  	_ =	shalt  }
0x51: {  	_ =	shalt  }
0x52: {  	_ =	shalt  }
0x53: {  	_ =	shalt  }
0x54: {  	_ =	shalt  }
0x55: {  	_ =	shalt  }
0x56: {  	_ =	shalt  }
0x57: {  	_ =	shalt  }
0x58: {  	_ =	shalt  }
0x59: {  	_ =	shalt  }
0x5a: {  	_ =	shalt  }
0x5b: {  	_ =	shalt  }
0x5c: {  	_ =	shalt  }
0x5d: {  	_ =	shalt  }
0x5e: {  	_ =	shalt  }
0x5f: {  	_ =	shalt  }
0x60: {  	_ =	shalt  }
0x61: {  	_ =	shalt  }
0x62: {  	_ =	shalt  }
0x63: {  	_ =	shalt  }
0x64: {  	_ =	shalt  }
0x65: {  	_ =	shalt  }
0x66: {  	_ =	shalt  }
0x67: {  	_ =	shalt  }
0x68: {  	_ =	shalt  }
0x69: {  	_ =	shalt  }
0x6a: {  	_ =	shalt  }
0x6b: {  	_ =	shalt  }
0x6c: {  	_ =	shalt  }
0x6d: {  	_ =	shalt  }
0x6e: {  	_ =	shalt  }
0x6f: {  	_ =	shalt  }
0x70: {  	_ =	shalt  }
0x71: {  	_ =	shalt  }
0x72: {  	_ =	shalt  }
0x73: {  	_ =	shalt  }
0x74: {  	_ =	shalt  }
0x75: {  	_ =	shalt  }
0x76: {  	_ =	shalt  }
0x77: {  	_ =	shalt  }
0x78: {  	_ =	shalt  }
0x79: {  	_ =	shalt  }
0x7a: {  	_ =	shalt  }
0x7b: {  	_ =	shalt  }
0x7c: {  	_ =	shalt  }
0x7d: {  	_ =	shalt  }
0x7e: {  	_ =	shalt  }
0x7f: {  	_ =	shalt  }
0x80: {  	_ =	shalt  }
0x81: {  	_ =	shalt  }
0x82: {  	_ =	shalt  }
0x83: {  	_ =	shalt  }
0x84: {  	_ =	shalt  }
0x85: {  	_ =	shalt  }
0x86: {  	_ =	shalt  }
0x87: {  	_ =	shalt  }
.Lfunc_end0:
.L_simem_size_0:
called_computation.3_lowered:
.L_overlay_start_0:
0x88: {  	s2 =	sld [smem:$0x3FD9]  }
0x89: {  	s3 =	sld [smem:$0x3FFE];
	_ =	sdelay $0x1  }
0x8a: {  	s1 =	srdreg.scid  }
0x8b: {  	s0 =	sand.u32 $0x1, s1  }
0x8c: {  	s14 =	sshll.u32 s0, $0xA;
	s2 =	sadd.s32 s3, s2  }
0x8d: {  	s2 =	sadd.s32 s2, s14  }
0x8e: {  	[smem:$0x3FBC] =	sst s2  }
0x8f: {  	_ = 	snop  }
0x90: {  	s2 =	sld [smem:$0x3FD0];
	_ =	sdelay $0x2  }
0x91: {  	s15 =	simm.s32 $0xA;
	s4 =	simm.s32 $0x10  }
0x92: {  	[smem:s4], [sflag:s15] =	dma.local [hbm:s2], $0x1  }
0x93: {  	_ =	swait.eq [sflag:s15], $0x1  }
0x94: {  	[sflag:s15] =	ssyncset.done $0x0  }
0x95: {  	[sflag:s15] =	ssyncadd.s32 $0xFFFFFFFF  }
0x96: {  	s16 =	sld [smem:$0x12];
	(tm) =	ssettm $0x1  }
0x97: {  	s17 =	sld [smem:$0x3FFB];
	_ =	sdelay $0x3  }
0x98: {  	_ =	strace s17  }
0x99: {  	s3 =	sld [smem:$0x3FFC];
	_ =	sdelay $0x3  }
0x9a: {  	_ =	strace s3  }
0x9b: {  	s3 =	sld [smem:$0x3FFD];
	_ =	sdelay $0x3  }
0x9c: {  	_ =	strace s3  }
0x9d: {  	_ =	strace $0x8FFFFFFF  }
0x9e: {  	s18 =	sld [smem:$0x3FDB];
	_ =	sdelay $0x1  }
0x9f: {  	s19 =	simm.s32 $_scs_section_size  }
0xa0: {  	s5 =	simm.s32 $_size__tile_overlayer_lowered;
	s6 =	simm.s32 $_tile_overlayer_lowered  }
0xa1: {  	s22 =	simm.s32 $0x1BFF;
	s21 =	sshll.u32 s6, $0x1;
	s3 =	sadd.s32 s19, s18  }
0xa2: {  	s7 =	simm.s32 $0x0;
	s20 =	sshll.u32 s5, $0x1;
	s5 =	sadd.s32 s21, s3  }
0xa3: {  	[timem:s7], [sflag:s22] =	dma.local [hbm:s5], s20  }
0xa4: {  	_ =	swait.ge [sflag:s22], s20  }
0xa5: {  	s4 =	ssub.s32 $0x0, s20;
	[sflag:s22] =	ssyncset.done $0x0  }
0xa6: {  	[sflag:s22] =	ssyncadd.s32 s4;
	_ =	sdelay $0x1  }
0xa7: {  	s23 =	simm.s32 $0x1B8B  }
0xa8: {  	_ =	swait.ge [sflag:s23], $0x1  }
0xa9: {  	[sflag:s23] =	ssyncset.done $0x0  }
0xaa: {  	s25 =	simm.s32 $0x1B8E;
	s24 =	sld [smem:$0x3FFE];
	[sflag:s23] =	ssyncadd.s32 $0xFFFFFFFF  }
0xab: {  	s26 =	simm.s32 $execute0_lowered;
	[smem:$0x3FD2] =	sst s25  }
0xac: {  	s5 =	sshll.u32 s26, $0x1;
	_ =	strace $0x8000004F;
	[dreg:$0x1] =	wrdreg $0xFFFFFFFF  }
0xad: {  	s28 =	simm.s32 $_size_execute0_lowered;
	s3 =	sadd.s32 s3, s5;
	[dreg:$0x0] =	wrdreg $0x0  }
0xae: {  	s5 =	sshll.u32 s28, $0x1;
	[dreg:$0x2] =	wrdreg s3  }
0xaf: {  	[dreg:$0x3] =	wrdreg s5  }
0xb0: {  	[dreg:$0x4] =	wrdreg $0xC0  }
0xb1: {  	_ =	task [dreg:s7], $0x5FFFF  }
0xb2: {  	[dreg:$0x1] =	wrdreg $0xFFFFFFFF  }
0xb3: {  	[dreg:$0x0] =	wrdreg $0x60  }
0xb4: {  	[dreg:$0x2] =	wrdreg s16  }
0xb5: {  	[dreg:$0x3] =	wrdreg s24  }
0xb6: {  	[dreg:$0x4] =	wrdreg $0x8E800  }
0xb7: {  	[dreg:$0x5] =	wrdreg $0x9  }
0xb8: {  	_ =	task.clear_ibuf [dreg:s7], $0x6FFFF;
	_ =	strace $0x9000004F  }
0xb9: {  	s29 =	simm.s32 $0x9;
	_ =	strace $0x80000051  }
0xba: {  	_ =	swait.ge [sflag:s29], $0x1  }
0xbb: {  	[sflag:s29] =	ssyncadd.s32 $0xFFFFFFFF  }
0xbc: {  	_ =	strace $0x90000051  }
0xbd: {  	_ =	sfence  }
0xbe: {  	s30 =	sld [smem:$0x0];
	_ =	sdelay $0x2  }
0xbf: {  	s31 =	sshll.u32 s1, $0xD;
	s1 =	sshrl.u32 s1, $0x2  }
0xc0: {  	s3 =	sand.u32 $0x4000, s31;
	s1 =	sadd.s32 s1, s30  }
0xc1: {  	s0 =	sor.u32 s3, s0;
	s1 =	sshll.u32 s1, $0x11  }
0xc2: {  	s0 =	sor.u32 s1, s0  }
0xc3: {  	s0 =	sadd.s32 $0x8F2B, s0  }
0xc4: {  	[sflag:s0] =	ssyncadd.remote.s32 $0x1  }
0xc5: {  	_ =	sfence.sel $0xFFFF  }
0xc6: {  	[dreg:$0x0] =	wrdreg $0xFFFFFFFF;
	(pc) =	sbr.abs _section_cstart, $3  }
0xc7: {  	[dreg:$0x1] =	wrdreg $0xFFFFFFFF  }
0xc8: {  	_ =	task.clear_ibuf [dreg:s7], $0x2FFFF;
	_ =	strace $0x9FFFFFFF  }
0xc9: {  	(tm) =	ssettm $0x7FFFFFFF  }
tec
execute0_lowered:
.L_overlay_start_1:
0x0: {  	(tag) =	ssettag $0x1  }
0x1: {  	s1 =	rddreg [dreg:$0x0]  }
0x2: {  	s0 =	srdreg.scid;
	s2 =	rddreg [dreg:$0x1]  }
0x3: {  	s14 =	stileid.u32;
	s3 =	rddreg [dreg:$0x2]  }
0x4: {  	s16 =	simm.s32 $0x2800;
	s17 =	simm.s32 $0x7D;
	s18 =	simm.s32 $0x5000  }
0x5: {  	s20 =	simm.s32 $0x5FA0;
	s21 =	simm.s32 $0x1;
	s23 =	simm.s32 $0x6F40  }
0x6: {  	s24 =	simm.s32 $0x2;
	s28 =	simm.s32 $0x7EE0;
	s29 =	simm.s32 $0x3  }
0x7: {  	s31 =	simm.s32 $0x5;
	s22 =	simm.s32 $0x6;
	s30 =	simm.s32 $0x8  }
0x8: {  	s0 =	sand.u32 $0x1, s0;
	s4 =	sshll.u32 s14, $0x1;
	s9 =	smul.u32 $0x4E00, s14  }
0x9: {  	s10 =	sadd.s32 $0x36400, s2;
	s25 =	sshll.u32 s14, $0x6;
	s15 =	sadd.s32 $0x4E000, s3  }
0xa: {  	p0 =	sne.s32 s14, $0xF;
	s14 =	simm.s32 $0x9;
	s5 =	sor.u32 s0, s4  }
0xb: {  	s4 =	simm.s32 $0x0;
	s7 =	ssub.s32 $0x2, s0;
	s0 =	smul.u32 $0x4E200, s0  }
0xc: {  	s15 =	sshrl.u32 @!p0 s15, $0x3;
	s5 =	smul.u32 $0x2800, s5;
	[smem:$0x7FF] =	sst s4  }
0xd: {  	s6 =	sshrl.u32 s9, $0x3;
	s8 =	sshrl.u32 s7, $0x1;
	s13 =	sadd.s32 s9, s3  }
0xe: {  	_ =	strace $0x80000050;
	s6 =	sadd.s32 s6, s2;
	s12 =	ssub.s32 s7, s8  }
0xf: {  	s26 =	sadd.s32 s9, s0;
	s0 =	sshrl.u32 s0, $0x3;
	s13 =	sshrl.u32 s13, $0x3  }
0x10: {  	s5 =	sshrl.u32 s5, $0x3;
	s6 =	sadd.s32 $0x2C600, s6;
	s0 =	sadd.s32 s10, s0  }
.Ltmp0:
0x11: {  	s12 =	smax.u32 s12, $0x1;
	s5 =	sadd.s32 s5, s2;
	(pc) =	sbr.rel .LBB2_1-.Ltmp0, $4  }
0x12: {  	[dreg:$0x4] =	wrdreg s6;
	s6 =	sor.u32 $0x1C09, s25;
	s2 =	sadd.s32 $0x36200, s2  }
0x13: {  	s11 =	sadd.s32 $0x9C00, s0;
	s0 =	simm.s32 $0x4;
	[dreg:$0x5] =	wrdreg s2  }
0x14: {  	s8 =	sadd.s32 $0x4C00, s5;
	s9 =	sadd.s32 $0xEC00, s5;
	s2 =	sshrl.u32 s26, $0x3  }
0x15: {  	s26 =	simm.s32 $0x7;
	s10 =	sadd.s32 s10, s2;
	s2 =	simm.s32 $0x0  }
.LBB2_4:
0x16: {  	_ =	swait.ge [sflag:s0], $0xFA0  }
0x17: {  	[sflag:s0] =	ssyncset.done $0x0  }
0x18: {  	[sflag:s0] =	ssyncadd.s32 $0xFFFFF060  }
0x19: {  	[spmem:s3] =	stream.indirect.scatter.add.f32 [tilespmem:s28], [sflag:$0x8], $0x20, s5, s17, $0xb8;
	[tilespmem:$0xDCA0] =	vst v63  }
0x1a: {  	_ =	swait.ge [sflag:s31], $0xFA0  }
0x1b: {  	[sflag:s31] =	ssyncset.done $0x0  }
0x1c: {  	[sflag:s31] =	ssyncadd.s32 $0xFFFFF060  }
0x1d: {  	_ =	swait.ge [sflag:s22], $0xFA0  }
0x1e: {  	[sflag:s22] =	ssyncset.done $0x0  }
0x1f: {  	[sflag:s22] =	ssyncadd.s32 $0xFFFFF060  }
0x20: {  	_ =	swait.ge [sflag:s26], $0xFA0  }
0x21: {  	[sflag:s26] =	ssyncset.done $0x0  }
0x22: {  	[sflag:s26] =	ssyncadd.s32 $0xFFFFF060  }
0x23: {  	_ =	swait.ge [sflag:s30], $0xFA0  }
0x24: {  	[sflag:s30] =	ssyncset.done $0x0  }
0x25: {  	[sflag:s30] =	ssyncadd.s32 $0xFFFFF060  }
0x26: {  	[bflag:$0x0] =	sbarrier.arrive $0xFFFF  }
0x27: {  	[hbm:s10], [sflag:s6] =	dma.local [spmem:s13], $0x9C0  }
0x28: {  	s2 =	sadd.s32 $0x1, s2;
	_ =	swait.ge [sflag:s14], $0x9C0  }
0x29: {  	p1 =	sne.s32 s2, s12;
	[sflag:s14] =	ssyncset.done $0x0  }
.Ltmp1:
0x2a: {  	s5 =	simm.s32 @!p0 $0x9;
	[sflag:s14] =	ssyncadd.s32 $0xFFFFF640;
	(pc) =	sbr.rel @!p1 .LBB2_5-.Ltmp1, $4  }
0x2b: {  	[hbm:s11], [sflag:s6] =	dma.local @!p0 [spmem:s15], $0x40  }
0x2c: {  	_ =	swait.ge @!p0 [sflag:s5], $0x40  }
0x2d: {  	[sflag:s5] =	ssyncset.done @!p0 $0x0  }
0x2e: {  	[sflag:s5] =	ssyncadd.s32 @!p0 $0xFFFFFFC0  }
.LBB2_1:
0x2f: {  	s5 =	rddreg [dreg:$0x4]  }
0x30: {  	[spmem:s13], [sflag:s6] =	dma.local [hbm:s5], $0x9C0  }
0x31: {  	_ =	swait.ge [sflag:s14], $0x9C0  }
0x32: {  	[sflag:s14] =	ssyncset.done $0x0  }
0x33: {  	s5 =	rddreg [dreg:$0x5];
	[sflag:s14] =	ssyncadd.s32 $0xFFFFF640  }
0x34: {  	[spmem:s15], [sflag:s6] =	dma.local @!p0 [hbm:s5], $0x40  }
0x35: {  	s5 =	simm.s32 @!p0 $0x9  }
0x36: {  	_ =	swait.ge @!p0 [sflag:s5], $0x40  }
0x37: {  	[sflag:s5] =	ssyncset.done @!p0 $0x0  }
0x38: {  	[sflag:s5] =	ssyncadd.s32 @!p0 $0xFFFFFFC0  }
0x39: {  	[tilespmem:s4], [sflag:$0x9] =	stream.linear.gather [hbm4b:s8+s4], $0x2800, $0x38;
	[tilespmem:$0xDCA0] =	vst v63  }
0x3a: {  	_ =	swait.ge [sflag:s14], $0x2800  }
0x3b: {  	[sflag:s14] =	ssyncset.done $0x0  }
0x3c: {  	[sflag:s14] =	ssyncadd.s32 $0xFFFFD800  }
0x3d: {  	[tilespmem:s16], [sflag:$0x9] =	stream.linear.gather [hbm4b:s9+s4], $0x2800, $0x38;
	[tilespmem:$0xDCA0] =	vst v63  }
0x3e: {  	_ =	swait.ge [sflag:s14], $0x2800  }
0x3f: {  	[sflag:s14] =	ssyncset.done $0x0  }
0x40: {  	[sflag:s14] =	ssyncadd.s32 $0xFFFFD800  }
0x41: {  	[bflag:$0x0] =	sbarrier.arrive $0xFFFF  }
0x42: {  	[tilespmem:s18], [sflag:$0x1] =	stream.indirect.gather [hbm4b:s1+s17], $0x20, s4, s17, $0xb8;
	[tilespmem:$0xDCA0] =	vst v63  }
0x43: {  	s19 =	simm.s32 $0x80  }
0x44: {  	[tilespmem:s20], [sflag:$0x2] =	stream.indirect.gather [hbm4b:s1+s17], $0x20, s19, s17, $0xb8;
	[tilespmem:$0xDCA0] =	vst v63  }
0x45: {  	_ =	swait.ge [sflag:s21], $0xFA0  }
0x46: {  	[sflag:s21] =	ssyncset.done $0x0  }
0x47: {  	[sflag:s21] =	ssyncadd.s32 $0xFFFFF060  }
0x48: {  	[spmem:s3] =	stream.indirect.scatter.add.f32 [tilespmem:s18], [sflag:$0x5], $0x20, s16, s17, $0xb8;
	[tilespmem:$0xDCA0] =	vst v63  }
0x49: {  	s25 =	simm.s32 $0x100  }
0x4a: {  	[tilespmem:s23], [sflag:$0x3] =	stream.indirect.gather [hbm4b:s1+s17], $0x20, s25, s17, $0xb8;
	[tilespmem:$0xDCA0] =	vst v63  }
0x4b: {  	_ =	swait.ge [sflag:s24], $0xFA0  }
0x4c: {  	[sflag:s24] =	ssyncset.done $0x0  }
0x4d: {  	s7 =	simm.s32 $0x2880;
	[sflag:s24] =	ssyncadd.s32 $0xFFFFF060  }
0x4e: {  	[spmem:s3] =	stream.indirect.scatter.add.f32 [tilespmem:s20], [sflag:$0x6], $0x20, s7, s17, $0xb8;
	[tilespmem:$0xDCA0] =	vst v63  }
0x4f: {  	s19 =	simm.s32 $0x180  }
0x50: {  	[tilespmem:s28], [sflag:$0x4] =	stream.indirect.gather [hbm4b:s1+s17], $0x20, s19, s17, $0xb8;
	[tilespmem:$0xDCA0] =	vst v63  }
0x51: {  	_ =	swait.ge [sflag:s29], $0xFA0  }
0x52: {  	[sflag:s29] =	ssyncset.done $0x0  }
0x53: {  	s25 =	simm.s32 $0x2900;
	[sflag:s29] =	ssyncadd.s32 $0xFFFFF060  }
0x54: {  	[spmem:s3] =	stream.indirect.scatter.add.f32 [tilespmem:s23], [sflag:$0x7], $0x20, s25, s17, $0xb8;
	[tilespmem:$0xDCA0] =	vst v63  }
0x55: {  	_ =	swait.ge [sflag:s31], $0xFA0  }
0x56: {  	[sflag:s31] =	ssyncset.done $0x0  }
0x57: {  	s7 =	simm.s32 $0x200;
	[sflag:s31] =	ssyncadd.s32 $0xFFFFF060  }
0x58: {  	[tilespmem:s18], [sflag:$0x1] =	stream.indirect.gather [hbm4b:s1+s17], $0x20, s7, s17, $0xb8;
	[tilespmem:$0xDCA0] =	vst v63  }
0x59: {  	_ =	swait.ge [sflag:s0], $0xFA0  }
0x5a: {  	[sflag:s0] =	ssyncset.done $0x0  }
0x5b: {  	s19 =	simm.s32 $0x2980;
	[sflag:s0] =	ssyncadd.s32 $0xFFFFF060  }
0x5c: {  	[spmem:s3] =	stream.indirect.scatter.add.f32 [tilespmem:s28], [sflag:$0x8], $0x20, s19, s17, $0xb8;
	[tilespmem:$0xDCA0] =	vst v63  }
0x5d: {  	_ =	swait.ge [sflag:s22], $0xFA0  }
0x5e: {  	[sflag:s22] =	ssyncset.done $0x0  }
0x5f: {  	s25 =	simm.s32 $0x280;
	s19 =	simm.s32 $0x0;
	[sflag:s22] =	ssyncadd.s32 $0xFFFFF060  }
0x60: {  	[tilespmem:s20], [sflag:$0x2] =	stream.indirect.gather [hbm4b:s1+s17], $0x20, s25, s17, $0xb8;
	[tilespmem:$0xDCA0] =	vst v63  }
.LBB2_2:
0x61: {  	_ =	swait.ge [sflag:s21], $0xFA0  }
0x62: {  	s25 =	sshra.s32 s19, $0x2;
	[sflag:s21] =	ssyncset.done $0x0  }
0x63: {  	s5 =	sadd.s32 $0x2A00, s25;
	[sflag:s21] =	ssyncadd.s32 $0xFFFFF060  }
0x64: {  	[spmem:s3] =	stream.indirect.scatter.add.f32 [tilespmem:s18], [sflag:$0x5], $0x20, s5, s17, $0xb8;
	[tilespmem:$0xDCA0] =	vst v63  }
0x65: {  	_ =	swait.ge [sflag:s26], $0xFA0  }
0x66: {  	[sflag:s26] =	ssyncset.done $0x0  }
0x67: {  	s7 =	sadd.s32 $0x300, s25;
	[sflag:s26] =	ssyncadd.s32 $0xFFFFF060  }
0x68: {  	[tilespmem:s23], [sflag:$0x3] =	stream.indirect.gather [hbm4b:s1+s17], $0x20, s7, s17, $0xb8;
	[tilespmem:$0xDCA0] =	vst v63  }
0x69: {  	_ =	swait.ge [sflag:s24], $0xFA0  }
0x6a: {  	[sflag:s24] =	ssyncset.done $0x0  }
0x6b: {  	s7 =	sadd.s32 $0x2A80, s25;
	[sflag:s24] =	ssyncadd.s32 $0xFFFFF060  }
0x6c: {  	[spmem:s3] =	stream.indirect.scatter.add.f32 [tilespmem:s20], [sflag:$0x6], $0x20, s7, s17, $0xb8;
	[tilespmem:$0xDCA0] =	vst v63  }
0x6d: {  	_ =	swait.ge [sflag:s30], $0xFA0  }
0x6e: {  	[sflag:s30] =	ssyncset.done $0x0  }
0x6f: {  	p1 =	seq.s32 s19, $0x9000;
	s7 =	sadd.s32 $0x380, s25;
	[sflag:s30] =	ssyncadd.s32 $0xFFFFF060  }
0x70: {  	[tilespmem:s28], [sflag:$0x4] =	stream.indirect.gather [hbm4b:s1+s17], $0x20, s7, s17, $0xb8;
	[tilespmem:$0xDCA0] =	vst v63  }
.Ltmp2:
0x71: {  	_ = 	snop;
	(pc) =	sbr.rel @p1 .LBB2_4-.Ltmp2, $4  }
0x72: {  	_ =	swait.ge [sflag:s29], $0xFA0  }
0x73: {  	[sflag:s29] =	ssyncset.done $0x0  }
0x74: {  	s5 =	sadd.s32 $0x2B80, s25;
	s7 =	sadd.s32 $0x2B00, s25;
	[sflag:s29] =	ssyncadd.s32 $0xFFFFF060  }
0x75: {  	[spmem:s3] =	stream.indirect.scatter.add.f32 [tilespmem:s23], [sflag:$0x7], $0x20, s7, s17, $0xb8;
	[tilespmem:$0xDCA0] =	vst v63  }
0x76: {  	_ =	swait.ge [sflag:s31], $0xFA0  }
0x77: {  	[sflag:s31] =	ssyncset.done $0x0  }
0x78: {  	s7 =	sadd.s32 $0x400, s25;
	[sflag:s31] =	ssyncadd.s32 $0xFFFFF060  }
0x79: {  	[tilespmem:s18], [sflag:$0x1] =	stream.indirect.gather [hbm4b:s1+s17], $0x20, s7, s17, $0xb8;
	[tilespmem:$0xDCA0] =	vst v63  }
0x7a: {  	_ =	swait.ge [sflag:s0], $0xFA0  }
0x7b: {  	[sflag:s0] =	ssyncset.done $0x0  }
0x7c: {  	[sflag:s0] =	ssyncadd.s32 $0xFFFFF060  }
0x7d: {  	[spmem:s3] =	stream.indirect.scatter.add.f32 [tilespmem:s28], [sflag:$0x8], $0x20, s5, s17, $0xb8;
	[tilespmem:$0xDCA0] =	vst v63  }
.Ltmp3:
0x7e: {  	_ = 	snop;
	(pc) =	sbr.rel .LBB2_2-.Ltmp3, $4  }
0x7f: {  	_ =	swait.ge [sflag:s22], $0xFA0  }
0x80: {  	[sflag:s22] =	ssyncset.done $0x0  }
0x81: {  	s25 =	sadd.s32 $0x480, s25;
	s19 =	sadd.s32 $0x800, s19;
	[sflag:s22] =	ssyncadd.s32 $0xFFFFF060  }
0x82: {  	[tilespmem:s20], [sflag:$0x2] =	stream.indirect.gather [hbm4b:s1+s17], $0x20, s25, s17, $0xb8;
	[tilespmem:$0xDCA0] =	vst v63  }
.LBB2_5:
0x83: {  	_ =	sfence.sel $0x180000  }
0x84: {  	[bflag:$0x0] =	sbarrier.arrive $0xFFFF  }
0x85: {  	_ =	strace $0x90000050  }
0x86: {  	s0 =	stileid.u32;
	[bflag:$0x2] =	sbarrier.arrive $0xFFFF  }
0x87: {  	p0 =	sne.s32 s0, $0x0;
	s0 =	rddreg [dreg:$0x3]  }
0x88: {  	s0 =	sadd.s32 @!p0 $0x100000, s0  }
0x89: {  	[sflag:s0] =	ssyncadd.tile.s32 @!p0 $0x1;
	_ =	shalt  }
.Lfunc_end2:
_tile_overlayer_lowered:
.L_overlay_start_2:
0x8a: {  	(tag) =	ssettag $0x2  }
0x8b: {  	s0 =	rddreg [dreg:$0x0];
	s2 =	stileid.u32  }
0x8c: {  	s1 =	rddreg [dreg:$0x1];
	p0 =	sne.s32 s2, $0x0  }
0x8d: {  	s3 =	rddreg [dreg:$0x2];
	[bflag:$0x3] =	sbarrier.arrive $0xFFFF;
	s2 =	simm.s32 @!p0 $0x1C09  }
0x8e: {  	[timem:s3], [sflag:s2] =	dma.local @!p0 [hbm:s0], s1  }
0x8f: {  	s0 =	simm.s32 @!p0 $0x9  }
0x90: {  	_ =	swait.ge @!p0 [sflag:s0], s1  }
0x91: {  	s1 =	ssub.s32 @!p0 $0x0, s1;
	[sflag:s0] =	ssyncset.done @!p0 $0x0  }
0x92: {  	[sflag:s0] =	ssyncadd.s32 @!p0 s1  }
0x93: {  	[bflag:$0x3] =	sbarrier.arrive $0xFFFF  }
0x94: {  	_ =	shalt  }

// kernel: kernel.26.cloned.1.call-start
scs
__scs_entry_jumppad:
0x0: {  	(pc) =	sbr.rel $0x88, $3  }
0x1: {  	(tag) =	ssettag $0x0;
	lr =	simm.s32 $0x1  }
0x2: {  	[smem:$0x3F95] =	sst lr;
	_ =	strace $0xD0000000  }
0x3: {  	_ = 	snop  }
0x4: {  	_ = 	snop  }
0x5: {  	_ = 	snop  }
0x6: {  	_ = 	snop  }
0x7: {  	_ = 	snop  }
__scs_overlays_trampoline_lowered:
0x8: {  	[smem:$0x3FA4] =	sst s0  }
0x9: {  	[smem:$0x3FA5] =	sst s1  }
0xa: {  	[smem:$0x3FA6] =	sst s2  }
0xb: {  	[smem:$0x3FA7] =	sst s3  }
0xc: {  	[smem:$0x3FA8] =	sst s4  }
0xd: {  	[smem:$0x3FA9] =	sst s5  }
0xe: {  	[smem:$0x3FAA] =	sst s6  }
0xf: {  	[smem:$0x3FAB] =	sst s7  }
0x10: {  	[smem:$0x3FAC] =	sst s8  }
0x11: {  	[smem:$0x3FAD] =	sst s9;
	s0 =	simm.s32 @!p0 $0x0  }
0x12: {  	s1 =	sld [smem:$0x3F93];
	s0 =	simm.s32 @p0 $0x1  }
0x13: {  	[smem:$0x3FAE] =	sst s0;
	s0 =	simm.s32 @!p1 $0x0  }
0x14: {  	s2 =	sld [smem:$0x3F92];
	s0 =	simm.s32 @p1 $0x1  }
0x15: {  	[smem:$0x3FAF] =	sst s0;
	s0 =	simm.s32 @!p2 $0x0  }
0x16: {  	s3 =	sld [smem:$0x3FDB];
	s0 =	simm.s32 @p2 $0x1  }
0x17: {  	s4 =	simm.s32 $0x1BF5;
	[smem:$0x3FB1] =	sst s0  }
0x18: {  	s0 =	sld [smem:$0x3F94];
	_ =	swait.ge [sflag:s4], $0x0  }
0x19: {  	s7 =	sld [smem:$0x3F95]  }
0x1a: {  	s8 =	sadd.s32 $0xFFFFE003, lr  }
0x1b: {  	s9 =	sadd.s32 $0xFFFFFEF7, lr;
	s5 =	simm.s32 $0xFFFFFFFF;
	p2 =	slt.u32 s8, $0xFFFFF086  }
0x1c: {  	p1 =	slt.u32 s9, $0xF7A;
	s5 =	simm.s32 @!p2 $0x0  }
0x1d: {  	s5 =	simm.s32 @p1 $0x1;
	p0 =	seq.s32 s7, s2  }
0x1e: {  	s7 =	smul.u32 @!p0 $0xF7A, s2;
	p2 =	seq.s32 @!p0 s5, $0x0  }
0x1f: {  	s9 =	smul.u32 $0xF7A, s1;
	s8 =	simm.s32 @!p0 $0x1BF5;
	p2 =	por !p2, p0  }
0x20: {  	[sflag:s8] =	ssyncset.s32 @!p0 $0xFFFFF086;
	s6 =	sadd.s32 @!p0 s3, s7;
	s7 =	simm.s32 @!p0 $0x108  }
0x21: {  	s3 =	sadd.s32 s3, s9;
	s6 =	sadd.s32 @!p0 $0x88, s6;
	s7 =	simm.s32 @p2 $0x1082  }
0x22: {  	[simem:s7], [sflag:s8] =	dma.local @!p0 [hbm:s6], $0xF7A  }
0x23: {  	s9 =	sor.u32 $0xD0000000, s2;
	s6 =	simm.s32 $0x108;
	_ =	swait.ge @!p0 [sflag:s8], $0x0  }
0x24: {  	s3 =	sadd.s32 $0x88, s3;
	s6 =	simm.s32 @!p1 $0x1082;
	[sflag:s4] =	ssyncset.s32 $0xFFFFF086  }
0x25: {  	[simem:s6], [sflag:s4] =	dma.local [hbm:s3], $0xF7A  }
0x26: {  	[smem:$0x3F95] =	sst s1;
	(tag) =	ssettag s2;
	_ =	strace s9  }
0x27: {  	s1 =	sld [smem:$0x3FA5]  }
0x28: {  	s2 =	sld [smem:$0x3FA6]  }
0x29: {  	s4 =	sld [smem:$0x3FA8]  }
0x2a: {  	p0 =	seq.s32 s5, $0x0;
	s5 =	sld [smem:$0x3FA9]  }
0x2b: {  	s6 =	sld [smem:$0x3FAA]  }
0x2c: {  	s7 =	sld [smem:$0x3FAB]  }
0x2d: {  	s3 =	simm.s32 $0x108;
	s8 =	sld [smem:$0x3FAC]  }
0x2e: {  	s3 =	simm.s32 @!p0 $0x1082;
	s9 =	sld [smem:$0x3FAD]  }
0x2f: {  	lr =	sadd.s32 s0, s3;
	s0 =	sld [smem:$0x3FA4]  }
0x30: {  	s3 =	sld [smem:$0x3FA7]  }
0x31: {  	[smem:$0x3FB0] =	sst s10  }
0x32: {  	s10 =	sld [smem:$0x3FAE];
	_ =	sdelay $0x3  }
0x33: {  	p0 =	seq.s32 s10, $0x1;
	s10 =	sld [smem:$0x3FB0];
	_ =	sdelay $0x3  }
0x34: {  	[smem:$0x3FB0] =	sst s10  }
0x35: {  	s10 =	sld [smem:$0x3FAF];
	_ =	sdelay $0x3  }
0x36: {  	p1 =	seq.s32 s10, $0x1;
	s10 =	sld [smem:$0x3FB0];
	_ =	sdelay $0x3  }
0x37: {  	[smem:$0x3FB0] =	sst s10  }
0x38: {  	s10 =	sld [smem:$0x3FB1]  }
0x39: {  	_ = 	snop;
	(pc) =	sbr.ind lr, $3  }
0x3a: {  	_ = 	snop  }
0x3b: {  	_ = 	snop  }
0x3c: {  	p2 =	seq.s32 s10, $0x1;
	s10 =	sld [smem:$0x3FB0]  }
0x3d: {  	_ =	shalt  }
0x3e: {  	_ =	shalt  }
0x3f: {  	_ =	shalt  }
0x40: {  	_ =	shalt  }
0x41: {  	_ =	shalt  }
0x42: {  	_ =	shalt  }
0x43: {  	_ =	shalt  }
0x44: {  	_ =	shalt  }
0x45: {  	_ =	shalt  }
0x46: {  	_ =	shalt  }
0x47: {  	_ =	shalt  }
0x48: {  	_ =	shalt  }
0x49: {  	_ =	shalt  }
0x4a: {  	_ =	shalt  }
0x4b: {  	_ =	shalt  }
0x4c: {  	_ =	shalt  }
0x4d: {  	_ =	shalt  }
0x4e: {  	_ =	shalt  }
0x4f: {  	_ =	shalt  }
0x50: {  	_ =	shalt  }
0x51: {  	_ =	shalt  }
0x52: {  	_ =	shalt  }
0x53: {  	_ =	shalt  }
0x54: {  	_ =	shalt  }
0x55: {  	_ =	shalt  }
0x56: {  	_ =	shalt  }
0x57: {  	_ =	shalt  }
0x58: {  	_ =	shalt  }
0x59: {  	_ =	shalt  }
0x5a: {  	_ =	shalt  }
0x5b: {  	_ =	shalt  }
0x5c: {  	_ =	shalt  }
0x5d: {  	_ =	shalt  }
0x5e: {  	_ =	shalt  }
0x5f: {  	_ =	shalt  }
0x60: {  	_ =	shalt  }
0x61: {  	_ =	shalt  }
0x62: {  	_ =	shalt  }
0x63: {  	_ =	shalt  }
0x64: {  	_ =	shalt  }
0x65: {  	_ =	shalt  }
0x66: {  	_ =	shalt  }
0x67: {  	_ =	shalt  }
0x68: {  	_ =	shalt  }
0x69: {  	_ =	shalt  }
0x6a: {  	_ =	shalt  }
0x6b: {  	_ =	shalt  }
0x6c: {  	_ =	shalt  }
0x6d: {  	_ =	shalt  }
0x6e: {  	_ =	shalt  }
0x6f: {  	_ =	shalt  }
0x70: {  	_ =	shalt  }
0x71: {  	_ =	shalt  }
0x72: {  	_ =	shalt  }
0x73: {  	_ =	shalt  }
0x74: {  	_ =	shalt  }
0x75: {  	_ =	shalt  }
0x76: {  	_ =	shalt  }
0x77: {  	_ =	shalt  }
0x78: {  	_ =	shalt  }
0x79: {  	_ =	shalt  }
0x7a: {  	_ =	shalt  }
0x7b: {  	_ =	shalt  }
0x7c: {  	_ =	shalt  }
0x7d: {  	_ =	shalt  }
0x7e: {  	_ =	shalt  }
0x7f: {  	_ =	shalt  }
0x80: {  	_ =	shalt  }
0x81: {  	_ =	shalt  }
0x82: {  	_ =	shalt  }
0x83: {  	_ =	shalt  }
0x84: {  	_ =	shalt  }
0x85: {  	_ =	shalt  }
0x86: {  	_ =	shalt  }
0x87: {  	_ =	shalt  }
.Lfunc_end0:
.L_simem_size_0:
called_computation.4_lowered:
.L_overlay_start_0:
0x88: {  	s2 =	sld [smem:$0x3FD9]  }
0x89: {  	s3 =	sld [smem:$0x3FFE];
	_ =	sdelay $0x1  }
0x8a: {  	s1 =	srdreg.scid  }
0x8b: {  	s0 =	sand.u32 $0x1, s1  }
0x8c: {  	s16 =	sshll.u32 s0, $0xA;
	s2 =	sadd.s32 s3, s2  }
0x8d: {  	s2 =	sadd.s32 s2, s16  }
0x8e: {  	[smem:$0x3FBC] =	sst s2  }
0x8f: {  	_ = 	snop  }
0x90: {  	(tm) =	ssettm $0x1  }
0x91: {  	s17 =	sld [smem:$0x3FFB];
	_ =	sdelay $0x3  }
0x92: {  	_ =	strace s17  }
0x93: {  	s2 =	sld [smem:$0x3FFC];
	_ =	sdelay $0x3  }
0x94: {  	_ =	strace s2  }
0x95: {  	s2 =	sld [smem:$0x3FFD];
	_ =	sdelay $0x3  }
0x96: {  	_ =	strace s2  }
0x97: {  	_ =	strace $0x8FFFFFFF  }
0x98: {  	s18 =	sld [smem:$0x3FDB];
	_ =	sdelay $0x1  }
0x99: {  	s19 =	simm.s32 $_scs_section_size  }
0x9a: {  	s4 =	simm.s32 $_size__tile_overlayer_lowered;
	s5 =	simm.s32 $_tile_overlayer_lowered  }
0x9b: {  	s22 =	simm.s32 $0x1BFF;
	s21 =	sshll.u32 s5, $0x1;
	s2 =	sadd.s32 s19, s18  }
0x9c: {  	s6 =	simm.s32 $0x0;
	s20 =	sshll.u32 s4, $0x1;
	s4 =	sadd.s32 s21, s2  }
0x9d: {  	[timem:s6], [sflag:s22] =	dma.local [hbm:s4], s20  }
0x9e: {  	_ =	swait.ge [sflag:s22], s20  }
0x9f: {  	s3 =	ssub.s32 $0x0, s20;
	[sflag:s22] =	ssyncset.done $0x0  }
0xa0: {  	[sflag:s22] =	ssyncadd.s32 s3;
	_ =	sdelay $0x1  }
0xa1: {  	s23 =	simm.s32 $0x1B8B  }
0xa2: {  	_ =	swait.ge [sflag:s23], $0x1  }
0xa3: {  	[sflag:s23] =	ssyncset.done $0x0  }
0xa4: {  	s25 =	simm.s32 $0x1B8E;
	s24 =	sld [smem:$0x3FFE];
	[sflag:s23] =	ssyncadd.s32 $0xFFFFFFFF  }
0xa5: {  	s26 =	simm.s32 $execute0_lowered;
	[smem:$0x3FD2] =	sst s25  }
0xa6: {  	s4 =	sshll.u32 s26, $0x1;
	_ =	strace $0x80000052;
	[dreg:$0x1] =	wrdreg $0xFFFFFFFF  }
0xa7: {  	s28 =	simm.s32 $_size_execute0_lowered;
	s2 =	sadd.s32 s2, s4;
	[dreg:$0x0] =	wrdreg $0x0  }
0xa8: {  	s4 =	sshll.u32 s28, $0x1;
	[dreg:$0x2] =	wrdreg s2  }
0xa9: {  	[dreg:$0x3] =	wrdreg s4  }
0xaa: {  	[dreg:$0x4] =	wrdreg $0xC0  }
0xab: {  	_ =	task [dreg:s6], $0x5FFFF  }
0xac: {  	[dreg:$0x1] =	wrdreg $0xFFFFFFFF  }
0xad: {  	[dreg:$0x0] =	wrdreg $0x60  }
0xae: {  	[dreg:$0x2] =	wrdreg s24  }
0xaf: {  	[dreg:$0x3] =	wrdreg $0xCD000  }
0xb0: {  	[dreg:$0x4] =	wrdreg $0x9  }
0xb1: {  	_ =	task.clear_ibuf [dreg:s6], $0x5FFFF;
	_ =	strace $0x90000052  }
0xb2: {  	s29 =	simm.s32 $0x9;
	_ =	strace $0x80000054  }
0xb3: {  	_ =	swait.ge [sflag:s29], $0x1  }
0xb4: {  	[sflag:s29] =	ssyncadd.s32 $0xFFFFFFFF  }
0xb5: {  	_ =	strace $0x90000054  }
0xb6: {  	_ =	sfence  }
0xb7: {  	s30 =	sld [smem:$0x0];
	_ =	sdelay $0x2  }
0xb8: {  	s31 =	sshll.u32 s1, $0xD;
	s1 =	sshrl.u32 s1, $0x2  }
0xb9: {  	s3 =	sand.u32 $0x4000, s31;
	s1 =	sadd.s32 s1, s30  }
0xba: {  	s0 =	sor.u32 s3, s0;
	s1 =	sshll.u32 s1, $0x11  }
0xbb: {  	s0 =	sor.u32 s1, s0  }
0xbc: {  	s0 =	sadd.s32 $0x8F2B, s0  }
0xbd: {  	[sflag:s0] =	ssyncadd.remote.s32 $0x1  }
0xbe: {  	_ =	sfence.sel $0xFFFF  }
0xbf: {  	[dreg:$0x0] =	wrdreg $0xFFFFFFFF;
	(pc) =	sbr.abs _section_cstart, $3  }
0xc0: {  	[dreg:$0x1] =	wrdreg $0xFFFFFFFF  }
0xc1: {  	_ =	task.clear_ibuf [dreg:s6], $0x2FFFF;
	_ =	strace $0x9FFFFFFF  }
0xc2: {  	(tm) =	ssettm $0x7FFFFFFF  }
0xc3: {  	_ =	shalt  }
tec
execute0_lowered:
.L_overlay_start_1:
0x0: {  	(tag) =	ssettag $0x1  }
0x1: {  	s0 =	srdreg.scid;
	s1 =	rddreg [dreg:$0x0]  }
0x2: {  	s14 =	stileid.u32;
	s2 =	rddreg [dreg:$0x1];
	s16 =	simm.s32 $0x2800  }
0x3: {  	s17 =	simm.s32 $0x7D;
	s18 =	simm.s32 $0x5000;
	s20 =	simm.s32 $0x6F40  }
0x4: {  	s21 =	simm.s32 $0x1;
	s23 =	simm.s32 $0x8E80;
	s24 =	simm.s32 $0x2  }
0x5: {  	s28 =	simm.s32 $0xADC0;
	s29 =	simm.s32 $0x3;
	s31 =	simm.s32 $0x5  }
0x6: {  	s22 =	simm.s32 $0x6;
	s30 =	simm.s32 $0x8;
	s0 =	sand.u32 $0x1, s0  }
0x7: {  	s3 =	sshll.u32 s14, $0x1;
	s9 =	smul.u32 $0x9C00, s14;
	s10 =	sadd.s32 $0x67200, s1  }
0x8: {  	s25 =	sshll.u32 s14, $0x6;
	s15 =	sadd.s32 $0x9C000, s2;
	p0 =	sne.s32 s14, $0xF  }
0x9: {  	s14 =	simm.s32 $0x9;
	s4 =	sor.u32 s0, s3;
	s3 =	simm.s32 $0x0  }
0xa: {  	s7 =	ssub.s32 $0x2, s0;
	s0 =	smul.u32 $0x9C400, s0;
	s15 =	sshrl.u32 @!p0 s15, $0x3  }
0xb: {  	s5 =	smul.u32 $0x2800, s4;
	[smem:$0x7FF] =	sst s3;
	s4 =	sadd.s32 $0x53800, s1  }
0xc: {  	s6 =	sshrl.u32 s9, $0x3;
	s8 =	sshrl.u32 s7, $0x1;
	s13 =	sadd.s32 s9, s2  }
0xd: {  	_ =	strace $0x80000053;
	s6 =	sadd.s32 s6, s1;
	s12 =	ssub.s32 s7, s8  }
0xe: {  	s26 =	sadd.s32 s9, s0;
	s0 =	sshrl.u32 s0, $0x3;
	s13 =	sshrl.u32 s13, $0x3  }
0xf: {  	s5 =	sshrl.u32 s5, $0x3;
	s6 =	sadd.s32 $0x18C00, s6;
	s0 =	sadd.s32 s10, s0  }
.Ltmp0:
0x10: {  	s12 =	smax.u32 s12, $0x1;
	s5 =	sadd.s32 s5, s1;
	(pc) =	sbr.rel .LBB2_1-.Ltmp0, $4  }
0x11: {  	[dreg:$0x3] =	wrdreg s6;
	s6 =	sor.u32 $0x1C09, s25;
	s1 =	sadd.s32 $0x2C400, s1  }
0x12: {  	s11 =	sadd.s32 $0x13800, s0;
	s0 =	simm.s32 $0x4;
	[dreg:$0x4] =	wrdreg s1  }
0x13: {  	s8 =	sadd.s32 $0x4C00, s5;
	s9 =	sadd.s32 $0xEC00, s5;
	s1 =	sshrl.u32 s26, $0x3  }
0x14: {  	s26 =	simm.s32 $0x7;
	s10 =	sadd.s32 s10, s1;
	s1 =	simm.s32 $0x0  }
.LBB2_4:
0x15: {  	_ =	swait.ge [sflag:s0], $0x1F40  }
0x16: {  	[sflag:s0] =	ssyncset.done $0x0  }
0x17: {  	[sflag:s0] =	ssyncadd.s32 $0xFFFFE0C0  }
0x18: {  	[spmem:s2] =	stream.indirect.scatter.add.f32 [tilespmem:s28], [sflag:$0x8], $0x40, s5, s17, $0xb8;
	[tilespmem:$0x16940] =	vst v63  }
0x19: {  	_ =	swait.ge [sflag:s31], $0x1F40  }
0x1a: {  	[sflag:s31] =	ssyncset.done $0x0  }
0x1b: {  	[sflag:s31] =	ssyncadd.s32 $0xFFFFE0C0  }
0x1c: {  	_ =	swait.ge [sflag:s22], $0x1F40  }
0x1d: {  	[sflag:s22] =	ssyncset.done $0x0  }
0x1e: {  	[sflag:s22] =	ssyncadd.s32 $0xFFFFE0C0  }
0x1f: {  	_ =	swait.ge [sflag:s26], $0x1F40  }
0x20: {  	[sflag:s26] =	ssyncset.done $0x0  }
0x21: {  	[sflag:s26] =	ssyncadd.s32 $0xFFFFE0C0  }
0x22: {  	_ =	swait.ge [sflag:s30], $0x1F40  }
0x23: {  	[sflag:s30] =	ssyncset.done $0x0  }
0x24: {  	[sflag:s30] =	ssyncadd.s32 $0xFFFFE0C0  }
0x25: {  	[bflag:$0x0] =	sbarrier.arrive $0xFFFF  }
0x26: {  	[hbm:s10], [sflag:s6] =	dma.local [spmem:s13], $0x1380  }
0x27: {  	s1 =	sadd.s32 $0x1, s1;
	_ =	swait.ge [sflag:s14], $0x1380  }
0x28: {  	p1 =	sne.s32 s1, s12;
	[sflag:s14] =	ssyncset.done $0x0  }
.Ltmp1:
0x29: {  	s5 =	simm.s32 @!p0 $0x9;
	[sflag:s14] =	ssyncadd.s32 $0xFFFFEC80;
	(pc) =	sbr.rel @!p1 .LBB2_5-.Ltmp1, $4  }
0x2a: {  	[hbm:s11], [sflag:s6] =	dma.local @!p0 [spmem:s15], $0x80  }
0x2b: {  	_ =	swait.ge @!p0 [sflag:s5], $0x80  }
0x2c: {  	[sflag:s5] =	ssyncset.done @!p0 $0x0  }
0x2d: {  	[sflag:s5] =	ssyncadd.s32 @!p0 $0xFFFFFF80  }
.LBB2_1:
0x2e: {  	s5 =	rddreg [dreg:$0x3]  }
0x2f: {  	[spmem:s13], [sflag:s6] =	dma.local [hbm:s5], $0x1380  }
0x30: {  	_ =	swait.ge [sflag:s14], $0x1380  }
0x31: {  	[sflag:s14] =	ssyncset.done $0x0  }
0x32: {  	s5 =	rddreg [dreg:$0x4];
	[sflag:s14] =	ssyncadd.s32 $0xFFFFEC80  }
0x33: {  	[spmem:s15], [sflag:s6] =	dma.local @!p0 [hbm:s5], $0x80  }
0x34: {  	s5 =	simm.s32 @!p0 $0x9  }
0x35: {  	_ =	swait.ge @!p0 [sflag:s5], $0x80  }
0x36: {  	[sflag:s5] =	ssyncset.done @!p0 $0x0  }
0x37: {  	[sflag:s5] =	ssyncadd.s32 @!p0 $0xFFFFFF80  }
0x38: {  	[tilespmem:s3], [sflag:$0x9] =	stream.linear.gather [hbm4b:s8+s3], $0x2800, $0x38;
	[tilespmem:$0x16940] =	vst v63  }
0x39: {  	_ =	swait.ge [sflag:s14], $0x2800  }
0x3a: {  	[sflag:s14] =	ssyncset.done $0x0  }
0x3b: {  	[sflag:s14] =	ssyncadd.s32 $0xFFFFD800  }
0x3c: {  	[tilespmem:s16], [sflag:$0x9] =	stream.linear.gather [hbm4b:s9+s3], $0x2800, $0x38;
	[tilespmem:$0x16940] =	vst v63  }
0x3d: {  	_ =	swait.ge [sflag:s14], $0x2800  }
0x3e: {  	[sflag:s14] =	ssyncset.done $0x0  }
0x3f: {  	[sflag:s14] =	ssyncadd.s32 $0xFFFFD800  }
0x40: {  	[bflag:$0x0] =	sbarrier.arrive $0xFFFF  }
0x41: {  	[tilespmem:s18], [sflag:$0x1] =	stream.indirect.gather [hbm4b:s4+s17], $0x40, s3, s17, $0xb8;
	[tilespmem:$0x16940] =	vst v63  }
0x42: {  	s19 =	simm.s32 $0x80  }
0x43: {  	[tilespmem:s20], [sflag:$0x2] =	stream.indirect.gather [hbm4b:s4+s17], $0x40, s19, s17, $0xb8;
	[tilespmem:$0x16940] =	vst v63  }
0x44: {  	_ =	swait.ge [sflag:s21], $0x1F40  }
0x45: {  	[sflag:s21] =	ssyncset.done $0x0  }
0x46: {  	[sflag:s21] =	ssyncadd.s32 $0xFFFFE0C0  }
0x47: {  	[spmem:s2] =	stream.indirect.scatter.add.f32 [tilespmem:s18], [sflag:$0x5], $0x40, s16, s17, $0xb8;
	[tilespmem:$0x16940] =	vst v63  }
0x48: {  	s25 =	simm.s32 $0x100  }
0x49: {  	[tilespmem:s23], [sflag:$0x3] =	stream.indirect.gather [hbm4b:s4+s17], $0x40, s25, s17, $0xb8;
	[tilespmem:$0x16940] =	vst v63  }
0x4a: {  	_ =	swait.ge [sflag:s24], $0x1F40  }
0x4b: {  	[sflag:s24] =	ssyncset.done $0x0  }
0x4c: {  	s7 =	simm.s32 $0x2880;
	[sflag:s24] =	ssyncadd.s32 $0xFFFFE0C0  }
0x4d: {  	[spmem:s2] =	stream.indirect.scatter.add.f32 [tilespmem:s20], [sflag:$0x6], $0x40, s7, s17, $0xb8;
	[tilespmem:$0x16940] =	vst v63  }
0x4e: {  	s19 =	simm.s32 $0x180  }
0x4f: {  	[tilespmem:s28], [sflag:$0x4] =	stream.indirect.gather [hbm4b:s4+s17], $0x40, s19, s17, $0xb8;
	[tilespmem:$0x16940] =	vst v63  }
0x50: {  	_ =	swait.ge [sflag:s29], $0x1F40  }
0x51: {  	[sflag:s29] =	ssyncset.done $0x0  }
0x52: {  	s25 =	simm.s32 $0x2900;
	[sflag:s29] =	ssyncadd.s32 $0xFFFFE0C0  }
0x53: {  	[spmem:s2] =	stream.indirect.scatter.add.f32 [tilespmem:s23], [sflag:$0x7], $0x40, s25, s17, $0xb8;
	[tilespmem:$0x16940] =	vst v63  }
0x54: {  	_ =	swait.ge [sflag:s31], $0x1F40  }
0x55: {  	[sflag:s31] =	ssyncset.done $0x0  }
0x56: {  	s7 =	simm.s32 $0x200;
	[sflag:s31] =	ssyncadd.s32 $0xFFFFE0C0  }
0x57: {  	[tilespmem:s18], [sflag:$0x1] =	stream.indirect.gather [hbm4b:s4+s17], $0x40, s7, s17, $0xb8;
	[tilespmem:$0x16940] =	vst v63  }
0x58: {  	_ =	swait.ge [sflag:s0], $0x1F40  }
0x59: {  	[sflag:s0] =	ssyncset.done $0x0  }
0x5a: {  	s19 =	simm.s32 $0x2980;
	[sflag:s0] =	ssyncadd.s32 $0xFFFFE0C0  }
0x5b: {  	[spmem:s2] =	stream.indirect.scatter.add.f32 [tilespmem:s28], [sflag:$0x8], $0x40, s19, s17, $0xb8;
	[tilespmem:$0x16940] =	vst v63  }
0x5c: {  	_ =	swait.ge [sflag:s22], $0x1F40  }
0x5d: {  	[sflag:s22] =	ssyncset.done $0x0  }
0x5e: {  	s25 =	simm.s32 $0x280;
	s19 =	simm.s32 $0x0;
	[sflag:s22] =	ssyncadd.s32 $0xFFFFE0C0  }
0x5f: {  	[tilespmem:s20], [sflag:$0x2] =	stream.indirect.gather [hbm4b:s4+s17], $0x40, s25, s17, $0xb8;
	[tilespmem:$0x16940] =	vst v63  }
.LBB2_2:
0x60: {  	_ =	swait.ge [sflag:s21], $0x1F40  }
0x61: {  	s25 =	sshra.s32 s19, $0x2;
	[sflag:s21] =	ssyncset.done $0x0  }
0x62: {  	s5 =	sadd.s32 $0x2A00, s25;
	[sflag:s21] =	ssyncadd.s32 $0xFFFFE0C0  }
0x63: {  	[spmem:s2] =	stream.indirect.scatter.add.f32 [tilespmem:s18], [sflag:$0x5], $0x40, s5, s17, $0xb8;
	[tilespmem:$0x16940] =	vst v63  }
0x64: {  	_ =	swait.ge [sflag:s26], $0x1F40  }
0x65: {  	[sflag:s26] =	ssyncset.done $0x0  }
0x66: {  	s7 =	sadd.s32 $0x300, s25;
	[sflag:s26] =	ssyncadd.s32 $0xFFFFE0C0  }
0x67: {  	[tilespmem:s23], [sflag:$0x3] =	stream.indirect.gather [hbm4b:s4+s17], $0x40, s7, s17, $0xb8;
	[tilespmem:$0x16940] =	vst v63  }
0x68: {  	_ =	swait.ge [sflag:s24], $0x1F40  }
0x69: {  	[sflag:s24] =	ssyncset.done $0x0  }
0x6a: {  	s7 =	sadd.s32 $0x2A80, s25;
	[sflag:s24] =	ssyncadd.s32 $0xFFFFE0C0  }
0x6b: {  	[spmem:s2] =	stream.indirect.scatter.add.f32 [tilespmem:s20], [sflag:$0x6], $0x40, s7, s17, $0xb8;
	[tilespmem:$0x16940] =	vst v63  }
0x6c: {  	_ =	swait.ge [sflag:s30], $0x1F40  }
0x6d: {  	[sflag:s30] =	ssyncset.done $0x0  }
0x6e: {  	p1 =	seq.s32 s19, $0x9000;
	s7 =	sadd.s32 $0x380, s25;
	[sflag:s30] =	ssyncadd.s32 $0xFFFFE0C0  }
0x6f: {  	[tilespmem:s28], [sflag:$0x4] =	stream.indirect.gather [hbm4b:s4+s17], $0x40, s7, s17, $0xb8;
	[tilespmem:$0x16940] =	vst v63  }
.Ltmp2:
0x70: {  	_ = 	snop;
	(pc) =	sbr.rel @p1 .LBB2_4-.Ltmp2, $4  }
0x71: {  	_ =	swait.ge [sflag:s29], $0x1F40  }
0x72: {  	[sflag:s29] =	ssyncset.done $0x0  }
0x73: {  	s5 =	sadd.s32 $0x2B80, s25;
	s7 =	sadd.s32 $0x2B00, s25;
	[sflag:s29] =	ssyncadd.s32 $0xFFFFE0C0  }
0x74: {  	[spmem:s2] =	stream.indirect.scatter.add.f32 [tilespmem:s23], [sflag:$0x7], $0x40, s7, s17, $0xb8;
	[tilespmem:$0x16940] =	vst v63  }
0x75: {  	_ =	swait.ge [sflag:s31], $0x1F40  }
0x76: {  	[sflag:s31] =	ssyncset.done $0x0  }
0x77: {  	s7 =	sadd.s32 $0x400, s25;
	[sflag:s31] =	ssyncadd.s32 $0xFFFFE0C0  }
0x78: {  	[tilespmem:s18], [sflag:$0x1] =	stream.indirect.gather [hbm4b:s4+s17], $0x40, s7, s17, $0xb8;
	[tilespmem:$0x16940] =	vst v63  }
0x79: {  	_ =	swait.ge [sflag:s0], $0x1F40  }
0x7a: {  	[sflag:s0] =	ssyncset.done $0x0  }
0x7b: {  	[sflag:s0] =	ssyncadd.s32 $0xFFFFE0C0  }
0x7c: {  	[spmem:s2] =	stream.indirect.scatter.add.f32 [tilespmem:s28], [sflag:$0x8], $0x40, s5, s17, $0xb8;
	[tilespmem:$0x16940] =	vst v63  }
.Ltmp3:
0x7d: {  	_ = 	snop;
	(pc) =	sbr.rel .LBB2_2-.Ltmp3, $4  }
0x7e: {  	_ =	swait.ge [sflag:s22], $0x1F40  }
0x7f: {  	[sflag:s22] =	ssyncset.done $0x0  }
0x80: {  	s25 =	sadd.s32 $0x480, s25;
	s19 =	sadd.s32 $0x800, s19;
	[sflag:s22] =	ssyncadd.s32 $0xFFFFE0C0  }
0x81: {  	[tilespmem:s20], [sflag:$0x2] =	stream.indirect.gather [hbm4b:s4+s17], $0x40, s25, s17, $0xb8;
	[tilespmem:$0x16940] =	vst v63  }
.LBB2_5:
0x82: {  	_ =	sfence.sel $0x180000  }
0x83: {  	[bflag:$0x0] =	sbarrier.arrive $0xFFFF  }
0x84: {  	_ =	strace $0x90000053  }
0x85: {  	s0 =	stileid.u32;
	[bflag:$0x2] =	sbarrier.arrive $0xFFFF  }
0x86: {  	p0 =	sne.s32 s0, $0x0;
	s0 =	rddreg [dreg:$0x2]  }
0x87: {  	s0 =	sadd.s32 @!p0 $0x100000, s0  }
0x88: {  	[sflag:s0] =	ssyncadd.tile.s32 @!p0 $0x1;
	_ =	shalt  }
.Lfunc_end2:
_tile_overlayer_lowered:
.L_overlay_start_2:
0x89: {  	(tag) =	ssettag $0x2  }
0x8a: {  	s0 =	rddreg [dreg:$0x0];
	s2 =	stileid.u32  }
0x8b: {  	s1 =	rddreg [dreg:$0x1];
	p0 =	sne.s32 s2, $0x0  }
0x8c: {  	s3 =	rddreg [dreg:$0x2];
	[bflag:$0x3] =	sbarrier.arrive $0xFFFF;
	s2 =	simm.s32 @!p0 $0x1C09  }
0x8d: {  	[timem:s3], [sflag:s2] =	dma.local @!p0 [hbm:s0], s1  }
0x8e: {  	s0 =	simm.s32 @!p0 $0x9  }
0x8f: {  	_ =	swait.ge @!p0 [sflag:s0], s1  }
0x90: {  	s1 =	ssub.s32 @!p0 $0x0, s1;
	[sflag:s0] =	ssyncset.done @!p0 $0x0  }
0x91: {  	[sflag:s0] =	ssyncadd.s32 @!p0 s1  }
0x92: {  	[bflag:$0x3] =	sbarrier.arrive $0xFFFF  }
0x93: {  	_ =	shalt  }

</sc_bundles>
